<compile_context>
chip_gen: v7x
topology: tpu7x:2x2x1
jax: 0.10.2.dev20260603
libtpu: 0.0.44.dev20260713+nightly
codegen_flags: <defaults>
</compile_context>

<pallas_src>
import jax
import jax.numpy as jnp
from jax import lax
from jax.experimental import pallas as pl
from jax.experimental.pallas import tpu as pltpu
from jax.experimental.pallas import tpu_sc as plsc

B = 16384
D = 64
NE = 1000000
NR = 1000
L = 16
NC = 2
NS = 16
NW = NC * NS
TPT = B // NS
PPC = D // NC
RND = 128


def _plane_body(e12_hbm, rl_hbm,
                entT_hbm, relT_hbm,
                part_hbm,
                e12_v, rl_v,
                rel_v, htv, acc_v, spm0, spm1,
                ssem, gsem1, gsem2, rsem):
    cid = lax.axis_index("c")
    sid = lax.axis_index("s")
    tbase = sid * TPT
    c0 = cid * PPC

    pltpu.sync_copy(e12_hbm.at[pl.ds(2 * tbase, 2 * TPT)], e12_v)
    pltpu.sync_copy(rl_hbm.at[pl.ds(tbase, TPT)], rl_v)

    for g in range(TPT // L):
        acc_v[pl.ds(g * L, L)] = jnp.zeros((L,), jnp.float32)

    @pl.when(sid == 0)
    def _():
        pltpu.async_copy(entT_hbm.at[c0], spm0, ssem)
        pltpu.async_copy(entT_hbm.at[c0 + 1], spm1, ssem)

    def plane_iter(k, carry):
        for par in range(2):
            c = c0 + 2 * k + par
            spm = spm0 if par == 0 else spm1
            pltpu.sync_copy(relT_hbm.at[c], rel_v)
            @pl.when(sid == 0)
            def _():
                pltpu.make_async_copy(
                    entT_hbm.at[c], spm, ssem).wait()
            plsc.subcore_barrier()

            nr = TPT // RND
            pltpu.async_copy(
                spm.at[e12_v.at[pl.ds(0, 2 * RND)]], htv[0], gsem1)
            for rnd in range(nr):
                cur = rnd % 2
                if rnd + 1 < nr:
                    roff = (rnd + 1) * 2 * RND
                    pltpu.async_copy(
                        spm.at[e12_v.at[pl.ds(roff, 2 * RND)]],
                        htv[1 - cur], gsem1)
                pltpu.make_async_copy(
                    spm.at[e12_v.at[pl.ds(rnd * 2 * RND, 2 * RND)]],
                    htv[cur], gsem1).wait()
                if rnd == nr - 1:
                    plsc.subcore_barrier()
                    @pl.when(jnp.logical_and(sid == 0, k < PPC // 2 - 1))
                    def _():
                        pltpu.async_copy(entT_hbm.at[c + 2], spm, ssem)
                for g in range(RND // L):
                    hsl = pl.ds(g * L, L)
                    tsl = pl.ds(RND + g * L, L)
                    sl = pl.ds(rnd * RND + g * L, L)
                    h = htv[cur][hsl]
                    t = htv[cur][tsl]
                    r = plsc.load_gather(rel_v, [rl_v[sl]])
                    acc_v[sl] = acc_v[sl] + jnp.abs(h + r - t)
        return carry

    lax.fori_loop(0, PPC // 2, plane_iter, 0)

    pltpu.sync_copy(acc_v, part_hbm.at[pl.ds(cid * B + tbase, TPT)])


def _sig_body(part_hbm, gam_hbm, out_hbm, p0_v, p1_v, out_v, gam_v):
    wid = lax.axis_index("s") * NC + lax.axis_index("c")
    base = wid * (B // NW)
    n = B // NW
    pltpu.sync_copy(part_hbm.at[pl.ds(base, n)], p0_v)
    pltpu.sync_copy(part_hbm.at[pl.ds(B + base, n)], p1_v)
    pltpu.sync_copy(gam_hbm, gam_v)
    gam = gam_v[...]
    for g in range(n // L):
        sl = pl.ds(g * L, L)
        score = gam - p0_v[sl] - p1_v[sl]
        out_v[sl] = 1.0 / (1.0 + jnp.exp(-score))
    pltpu.sync_copy(out_v, out_hbm.at[pl.ds(base, n)])


@jax.jit
def _transe_call(e12, rl, entT, relT, gam_vec):
    mesh = plsc.VectorSubcoreMesh(core_axis_name="c", subcore_axis_name="s")
    fa = pl.kernel(
        _plane_body,
        mesh=mesh,
        compiler_params=pltpu.CompilerParams(
            needs_layout_passes=False, internal_scratch_in_bytes=0),
        out_type=jax.ShapeDtypeStruct((2 * B,), jnp.float32),
        scratch_types=[
            pltpu.VMEM((2 * TPT,), jnp.int32),
            pltpu.VMEM((TPT,), jnp.int32),
            pltpu.VMEM((NR,), jnp.float32),
            [pltpu.VMEM((2 * RND,), jnp.float32),
             pltpu.VMEM((2 * RND,), jnp.float32)],
            pltpu.VMEM((TPT,), jnp.float32),
            pltpu.VMEM_SHARED((NE,), jnp.float32),
            pltpu.VMEM_SHARED((NE,), jnp.float32),
            pltpu.SemaphoreType.DMA,
            pltpu.SemaphoreType.DMA,
            pltpu.SemaphoreType.DMA,
            pltpu.SemaphoreType.DMA,
        ],
    )
    part = fa(e12, rl, entT, relT)
    fb = pl.kernel(
        _sig_body,
        mesh=mesh,
        compiler_params=pltpu.CompilerParams(needs_layout_passes=False),
        out_type=jax.ShapeDtypeStruct((B,), jnp.float32),
        scratch_types=[
            pltpu.VMEM((B // NW,), jnp.float32),
            pltpu.VMEM((B // NW,), jnp.float32),
            pltpu.VMEM((B // NW,), jnp.float32),
            pltpu.VMEM((L,), jnp.float32),
        ],
    )
    return fb(part, gam_vec)


def kernel(e1_idx, rel_idx, e2_idx, emb_ent_real, emb_rel_real, gamma):
    e1 = e1_idx.astype(jnp.int32)
    e2 = e2_idx.astype(jnp.int32)
    rl = rel_idx.astype(jnp.int32)
    e1r = e1.reshape(NS, TPT // RND, 1, RND)
    e2r = e2.reshape(NS, TPT // RND, 1, RND)
    e12 = jnp.concatenate([e1r, e2r], axis=2).reshape(2 * B)
    gam_vec = jnp.full((L,), gamma, jnp.float32)
    return _transe_call(e12, rl, emb_ent_real.T, emb_rel_real.T, gam_vec)

# --- scband reference (transcript-rebuilt; emitter-appended) ---
"""Pipeline reference for scband-trans-e-57080115364200 (READ-ONLY COPY).

The authoritative reference and input builder live on the scoring server;
editing this copy changes nothing except your own understanding.
"""

import jax, jax.numpy as jnp
import numpy as np

B = 16384
NE = 1000000
NR = 1000
D = 64


def setup_inputs(seed: int = 0) -> dict:
    key = jax.random.key(seed)
    k1, k2, k3, k4, k5 = jax.random.split(key, 5)
    return {
        "e1_idx": jax.random.randint(k1, (B,), 0, NE, dtype=jnp.int64) if jax.config.jax_enable_x64 else jax.random.randint(k1, (B,), 0, NE).astype(jnp.int32),
        "rel_idx": jax.random.randint(k2, (B,), 0, NR).astype(jnp.int32),
        "e2_idx": jax.random.randint(k3, (B,), 0, NE).astype(jnp.int32),
        "emb_ent_real": (jax.random.normal(k4, (NE, D), dtype=jnp.float32) * (2.0 / (NE + D)) ** 0.5).astype(jnp.float32),
        "emb_rel_real": (jax.random.normal(k5, (NR, D), dtype=jnp.float32) * (2.0 / (NR + D)) ** 0.5).astype(jnp.float32),
        "gamma": jnp.float32(12.0),
    }


def reference(e1_idx, rel_idx, e2_idx, emb_ent_real, emb_rel_real, gamma):
    # TransE.forward_triples
    emb_head = jnp.take(emb_ent_real, e1_idx, axis=0)   # embedding lookup
    emb_rel = jnp.take(emb_rel_real, rel_idx, axis=0)    # embedding lookup
    emb_tail = jnp.take(emb_ent_real, e2_idx, axis=0)    # embedding lookup
    distance = jnp.sum(jnp.abs(emb_head + emb_rel - emb_tail), axis=1)  # L1 norm, p=1, dim=1
    score = gamma - distance
    return jax.nn.sigmoid(score)

if __name__ == "__main__":
    import jax
    _d = setup_inputs()
    print(jax.jit(kernel)(*tuple(_d.values())))

</pallas_src>

<mosaic_0001>
#map = affine_map<(d0, d1) -> (0)>
#map1 = affine_map<(d0, d1) -> (0, 0)>
module attributes {stable_mosaic.version = 14 : i64} {
  func.func @_plane_body(%arg0: i32, %arg1: i32, %arg2: memref<32768xi32, #tpu.memory_space<hbm>>, %arg3: memref<16384xi32, #tpu.memory_space<hbm>>, %arg4: memref<64x1000000xf32, #tpu.memory_space<hbm>>, %arg5: memref<64x1000xf32, #tpu.memory_space<hbm>>, %arg6: memref<32768xf32, #tpu.memory_space<hbm>>, %arg7: memref<2048xi32, #tpu.memory_space<vmem>>, %arg8: memref<1024xi32, #tpu.memory_space<vmem>>, %arg9: memref<1000xf32, #tpu.memory_space<vmem>>, %arg10: memref<256xf32, #tpu.memory_space<vmem>>, %arg11: memref<256xf32, #tpu.memory_space<vmem>>, %arg12: memref<1024xf32, #tpu.memory_space<vmem>>, %arg13: memref<1000000xf32, #tpu.memory_space<vmem_shared>>, %arg14: memref<1000000xf32, #tpu.memory_space<vmem_shared>>, %arg15: memref<!tpu.dma_semaphore, #tpu.memory_space<semaphore_mem>>, %arg16: memref<!tpu.dma_semaphore, #tpu.memory_space<semaphore_mem>>, %arg17: memref<!tpu.dma_semaphore, #tpu.memory_space<semaphore_mem>>, %arg18: memref<!tpu.dma_semaphore, #tpu.memory_space<semaphore_mem>>) attributes {dimension_semantics = [#tpu.dimension_semantics<core_parallel>, #tpu.dimension_semantics<subcore_parallel>], iteration_bounds = array<i64: 2, 16>, scalar_prefetch = 0 : i64, scratch_operands = 12 : i64, tpu.core_type = #tpu.core_type<sc_vector_subcore>, window_params = [{transform_indices = #map}, {transform_indices = #map}, {transform_indices = #map1}, {transform_indices = #map1}, {transform_indices = #map}]} {
    %mul3A = arith.constant 1024 : i32
    %mul3A_0 = arith.muli %arg1, %mul3A : i32
    %mul3A_1 = arith.constant 32 : i32
    %mul3A_2 = arith.muli %arg0, %mul3A_1 : i32
    %mul3A_3 = arith.constant 2 : i32
    %mul3A_4 = arith.muli %mul3A_3, %mul3A_0 : i32
    "tpu.region"() ({
      %run_scoped3A = tpu.sem_alloc : memref<!tpu.dma_semaphore, #tpu.memory_space<semaphore_mem>>
      %dma_start3A = tpu.memref_slice %arg2[%mul3A_4] : memref<32768xi32, #tpu.memory_space<hbm>> -> memref<2048xi32, #tpu.memory_space<hbm>>
      %dma_start3A_268 = tpu.memref_slice %arg2[%mul3A_4] : memref<32768xi32, #tpu.memory_space<hbm>> -> memref<2048xi32, #tpu.memory_space<hbm>>
      tpu.enqueue_dma source(%dma_start3A_268 : memref<2048xi32, #tpu.memory_space<hbm>>) target(%arg7 : memref<2048xi32, #tpu.memory_space<vmem>>) target_semaphore(%run_scoped3A : memref<!tpu.dma_semaphore, #tpu.memory_space<semaphore_mem>>)
      %dma_wait3A = tpu.memref_slice %arg2[%mul3A_4] : memref<32768xi32, #tpu.memory_space<hbm>> -> memref<2048xi32, #tpu.memory_space<hbm>>
      %dma_wait3A_269 = tpu.memref_slice %arg2[%mul3A_4] : memref<32768xi32, #tpu.memory_space<hbm>> -> memref<2048xi32, #tpu.memory_space<hbm>>
      tpu.wait_dma2 semaphore(%run_scoped3A : memref<!tpu.dma_semaphore, #tpu.memory_space<semaphore_mem>>) src(%dma_wait3A_269 : memref<2048xi32, #tpu.memory_space<hbm>>) dst(%arg7 : memref<2048xi32, #tpu.memory_space<vmem>>)
      tpu.yield
    }) : () -> ()
    "tpu.region"() ({
      %run_scoped3A = tpu.sem_alloc : memref<!tpu.dma_semaphore, #tpu.memory_space<semaphore_mem>>
      %dma_start3A = tpu.memref_slice %arg3[%mul3A_0] : memref<16384xi32, #tpu.memory_space<hbm>> -> memref<1024xi32, #tpu.memory_space<hbm>>
      %dma_start3A_268 = tpu.memref_slice %arg3[%mul3A_0] : memref<16384xi32, #tpu.memory_space<hbm>> -> memref<1024xi32, #tpu.memory_space<hbm>>
      tpu.enqueue_dma source(%dma_start3A_268 : memref<1024xi32, #tpu.memory_space<hbm>>) target(%arg8 : memref<1024xi32, #tpu.memory_space<vmem>>) target_semaphore(%run_scoped3A : memref<!tpu.dma_semaphore, #tpu.memory_space<semaphore_mem>>)
      %dma_wait3A = tpu.memref_slice %arg3[%mul3A_0] : memref<16384xi32, #tpu.memory_space<hbm>> -> memref<1024xi32, #tpu.memory_space<hbm>>
      %dma_wait3A_269 = tpu.memref_slice %arg3[%mul3A_0] : memref<16384xi32, #tpu.memory_space<hbm>> -> memref<1024xi32, #tpu.memory_space<hbm>>
      tpu.wait_dma2 semaphore(%run_scoped3A : memref<!tpu.dma_semaphore, #tpu.memory_space<semaphore_mem>>) src(%dma_wait3A_269 : memref<1024xi32, #tpu.memory_space<hbm>>) dst(%arg8 : memref<1024xi32, #tpu.memory_space<vmem>>)
      tpu.yield
    }) : () -> ()
    %broadcast_in_dim3A = arith.constant 0.000000e+00 : f32
    %broadcast_in_dim3A_5 = vector.broadcast %broadcast_in_dim3A : f32 to vector<16xf32>
    %swap3A = arith.constant 0 : index
    %swap3A_6 = tpu.vector_load %arg12[%swap3A] {strides = array<i32>} : memref<1024xf32, #tpu.memory_space<vmem>>, vector<16xf32>,
    tpu.vector_store %arg12[%swap3A], %broadcast_in_dim3A_5 {strides = array<i32>} : memref<1024xf32, #tpu.memory_space<vmem>>, vector<16xf32>,
    %broadcast_in_dim3A_7 = arith.constant 0.000000e+00 : f32
    %broadcast_in_dim3A_8 = vector.broadcast %broadcast_in_dim3A_7 : f32 to vector<16xf32>
    %swap3A_9 = arith.constant 16 : index
    %swap3A_10 = tpu.vector_load %arg12[%swap3A_9] {strides = array<i32>} : memref<1024xf32, #tpu.memory_space<vmem>>, vector<16xf32>,
    tpu.vector_store %arg12[%swap3A_9], %broadcast_in_dim3A_8 {strides = array<i32>} : memref<1024xf32, #tpu.memory_space<vmem>>, vector<16xf32>,
    %broadcast_in_dim3A_11 = arith.constant 0.000000e+00 : f32
    %broadcast_in_dim3A_12 = vector.broadcast %broadcast_in_dim3A_11 : f32 to vector<16xf32>
    %swap3A_13 = arith.constant 32 : index
    %swap3A_14 = tpu.vector_load %arg12[%swap3A_13] {strides = array<i32>} : memref<1024xf32, #tpu.memory_space<vmem>>, vector<16xf32>,
    tpu.vector_store %arg12[%swap3A_13], %broadcast_in_dim3A_12 {strides = array<i32>} : memref<1024xf32, #tpu.memory_space<vmem>>, vector<16xf32>,
    %broadcast_in_dim3A_15 = arith.constant 0.000000e+00 : f32
    %broadcast_in_dim3A_16 = vector.broadcast %broadcast_in_dim3A_15 : f32 to vector<16xf32>
    %swap3A_17 = arith.constant 48 : index
    %swap3A_18 = tpu.vector_load %arg12[%swap3A_17] {strides = array<i32>} : memref<1024xf32, #tpu.memory_space<vmem>>, vector<16xf32>,
    tpu.vector_store %arg12[%swap3A_17], %broadcast_in_dim3A_16 {strides = array<i32>} : memref<1024xf32, #tpu.memory_space<vmem>>, vector<16xf32>,
    %broadcast_in_dim3A_19 = arith.constant 0.000000e+00 : f32
    %broadcast_in_dim3A_20 = vector.broadcast %broadcast_in_dim3A_19 : f32 to vector<16xf32>
    %swap3A_21 = arith.constant 64 : index
    %swap3A_22 = tpu.vector_load %arg12[%swap3A_21] {strides = array<i32>} : memref<1024xf32, #tpu.memory_space<vmem>>, vector<16xf32>,
    tpu.vector_store %arg12[%swap3A_21], %broadcast_in_dim3A_20 {strides = array<i32>} : memref<1024xf32, #tpu.memory_space<vmem>>, vector<16xf32>,
    %broadcast_in_dim3A_23 = arith.constant 0.000000e+00 : f32
    %broadcast_in_dim3A_24 = vector.broadcast %broadcast_in_dim3A_23 : f32 to vector<16xf32>
    %swap3A_25 = arith.constant 80 : index
    %swap3A_26 = tpu.vector_load %arg12[%swap3A_25] {strides = array<i32>} : memref<1024xf32, #tpu.memory_space<vmem>>, vector<16xf32>,
    tpu.vector_store %arg12[%swap3A_25], %broadcast_in_dim3A_24 {strides = array<i32>} : memref<1024xf32, #tpu.memory_space<vmem>>, vector<16xf32>,
    %broadcast_in_dim3A_27 = arith.constant 0.000000e+00 : f32
    %broadcast_in_dim3A_28 = vector.broadcast %broadcast_in_dim3A_27 : f32 to vector<16xf32>
    %swap3A_29 = arith.constant 96 : index
    %swap3A_30 = tpu.vector_load %arg12[%swap3A_29] {strides = array<i32>} : memref<1024xf32, #tpu.memory_space<vmem>>, vector<16xf32>,
    tpu.vector_store %arg12[%swap3A_29], %broadcast_in_dim3A_28 {strides = array<i32>} : memref<1024xf32, #tpu.memory_space<vmem>>, vector<16xf32>,
    %broadcast_in_dim3A_31 = arith.constant 0.000000e+00 : f32
    %broadcast_in_dim3A_32 = vector.broadcast %broadcast_in_dim3A_31 : f32 to vector<16xf32>
    %swap3A_33 = arith.constant 112 : index
    %swap3A_34 = tpu.vector_load %arg12[%swap3A_33] {strides = array<i32>} : memref<1024xf32, #tpu.memory_space<vmem>>, vector<16xf32>,
    tpu.vector_store %arg12[%swap3A_33], %broadcast_in_dim3A_32 {strides = array<i32>} : memref<1024xf32, #tpu.memory_space<vmem>>, vector<16xf32>,
    %broadcast_in_dim3A_35 = arith.constant 0.000000e+00 : f32
    %broadcast_in_dim3A_36 = vector.broadcast %broadcast_in_dim3A_35 : f32 to vector<16xf32>
    %swap3A_37 = arith.constant 128 : index
    %swap3A_38 = tpu.vector_load %arg12[%swap3A_37] {strides = array<i32>} : memref<1024xf32, #tpu.memory_space<vmem>>, vector<16xf32>,
    tpu.vector_store %arg12[%swap3A_37], %broadcast_in_dim3A_36 {strides = array<i32>} : memref<1024xf32, #tpu.memory_space<vmem>>, vector<16xf32>,
    %broadcast_in_dim3A_39 = arith.constant 0.000000e+00 : f32
    %broadcast_in_dim3A_40 = vector.broadcast %broadcast_in_dim3A_39 : f32 to vector<16xf32>
    %swap3A_41 = arith.constant 144 : index
    %swap3A_42 = tpu.vector_load %arg12[%swap3A_41] {strides = array<i32>} : memref<1024xf32, #tpu.memory_space<vmem>>, vector<16xf32>,
    tpu.vector_store %arg12[%swap3A_41], %broadcast_in_dim3A_40 {strides = array<i32>} : memref<1024xf32, #tpu.memory_space<vmem>>, vector<16xf32>,
    %broadcast_in_dim3A_43 = arith.constant 0.000000e+00 : f32
    %broadcast_in_dim3A_44 = vector.broadcast %broadcast_in_dim3A_43 : f32 to vector<16xf32>
    %swap3A_45 = arith.constant 160 : index
    %swap3A_46 = tpu.vector_load %arg12[%swap3A_45] {strides = array<i32>} : memref<1024xf32, #tpu.memory_space<vmem>>, vector<16xf32>,
    tpu.vector_store %arg12[%swap3A_45], %broadcast_in_dim3A_44 {strides = array<i32>} : memref<1024xf32, #tpu.memory_space<vmem>>, vector<16xf32>,
    %broadcast_in_dim3A_47 = arith.constant 0.000000e+00 : f32
    %broadcast_in_dim3A_48 = vector.broadcast %broadcast_in_dim3A_47 : f32 to vector<16xf32>
    %swap3A_49 = arith.constant 176 : index
    %swap3A_50 = tpu.vector_load %arg12[%swap3A_49] {strides = array<i32>} : memref<1024xf32, #tpu.memory_space<vmem>>, vector<16xf32>,
    tpu.vector_store %arg12[%swap3A_49], %broadcast_in_dim3A_48 {strides = array<i32>} : memref<1024xf32, #tpu.memory_space<vmem>>, vector<16xf32>,
    %broadcast_in_dim3A_51 = arith.constant 0.000000e+00 : f32
    %broadcast_in_dim3A_52 = vector.broadcast %broadcast_in_dim3A_51 : f32 to vector<16xf32>
    %swap3A_53 = arith.constant 192 : index
    %swap3A_54 = tpu.vector_load %arg12[%swap3A_53] {strides = array<i32>} : memref<1024xf32, #tpu.memory_space<vmem>>, vector<16xf32>,
    tpu.vector_store %arg12[%swap3A_53], %broadcast_in_dim3A_52 {strides = array<i32>} : memref<1024xf32, #tpu.memory_space<vmem>>, vector<16xf32>,
    %broadcast_in_dim3A_55 = arith.constant 0.000000e+00 : f32
    %broadcast_in_dim3A_56 = vector.broadcast %broadcast_in_dim3A_55 : f32 to vector<16xf32>
    %swap3A_57 = arith.constant 208 : index
    %swap3A_58 = tpu.vector_load %arg12[%swap3A_57] {strides = array<i32>} : memref<1024xf32, #tpu.memory_space<vmem>>, vector<16xf32>,
    tpu.vector_store %arg12[%swap3A_57], %broadcast_in_dim3A_56 {strides = array<i32>} : memref<1024xf32, #tpu.memory_space<vmem>>, vector<16xf32>,
    %broadcast_in_dim3A_59 = arith.constant 0.000000e+00 : f32
    %broadcast_in_dim3A_60 = vector.broadcast %broadcast_in_dim3A_59 : f32 to vector<16xf32>
    %swap3A_61 = arith.constant 224 : index
    %swap3A_62 = tpu.vector_load %arg12[%swap3A_61] {strides = array<i32>} : memref<1024xf32, #tpu.memory_space<vmem>>, vector<16xf32>,
    tpu.vector_store %arg12[%swap3A_61], %broadcast_in_dim3A_60 {strides = array<i32>} : memref<1024xf32, #tpu.memory_space<vmem>>, vector<16xf32>,
    %broadcast_in_dim3A_63 = arith.constant 0.000000e+00 : f32
    %broadcast_in_dim3A_64 = vector.broadcast %broadcast_in_dim3A_63 : f32 to vector<16xf32>
    %swap3A_65 = arith.constant 240 : index
    %swap3A_66 = tpu.vector_load %arg12[%swap3A_65] {strides = array<i32>} : memref<1024xf32, #tpu.memory_space<vmem>>, vector<16xf32>,
    tpu.vector_store %arg12[%swap3A_65], %broadcast_in_dim3A_64 {strides = array<i32>} : memref<1024xf32, #tpu.memory_space<vmem>>, vector<16xf32>,
    %broadcast_in_dim3A_67 = arith.constant 0.000000e+00 : f32
    %broadcast_in_dim3A_68 = vector.broadcast %broadcast_in_dim3A_67 : f32 to vector<16xf32>
    %swap3A_69 = arith.constant 256 : index
    %swap3A_70 = tpu.vector_load %arg12[%swap3A_69] {strides = array<i32>} : memref<1024xf32, #tpu.memory_space<vmem>>, vector<16xf32>,
    tpu.vector_store %arg12[%swap3A_69], %broadcast_in_dim3A_68 {strides = array<i32>} : memref<1024xf32, #tpu.memory_space<vmem>>, vector<16xf32>,
    %broadcast_in_dim3A_71 = arith.constant 0.000000e+00 : f32
    %broadcast_in_dim3A_72 = vector.broadcast %broadcast_in_dim3A_71 : f32 to vector<16xf32>
    %swap3A_73 = arith.constant 272 : index
    %swap3A_74 = tpu.vector_load %arg12[%swap3A_73] {strides = array<i32>} : memref<1024xf32, #tpu.memory_space<vmem>>, vector<16xf32>,
    tpu.vector_store %arg12[%swap3A_73], %broadcast_in_dim3A_72 {strides = array<i32>} : memref<1024xf32, #tpu.memory_space<vmem>>, vector<16xf32>,
    %broadcast_in_dim3A_75 = arith.constant 0.000000e+00 : f32
    %broadcast_in_dim3A_76 = vector.broadcast %broadcast_in_dim3A_75 : f32 to vector<16xf32>
    %swap3A_77 = arith.constant 288 : index
    %swap3A_78 = tpu.vector_load %arg12[%swap3A_77] {strides = array<i32>} : memref<1024xf32, #tpu.memory_space<vmem>>, vector<16xf32>,
    tpu.vector_store %arg12[%swap3A_77], %broadcast_in_dim3A_76 {strides = array<i32>} : memref<1024xf32, #tpu.memory_space<vmem>>, vector<16xf32>,
    %broadcast_in_dim3A_79 = arith.constant 0.000000e+00 : f32
    %broadcast_in_dim3A_80 = vector.broadcast %broadcast_in_dim3A_79 : f32 to vector<16xf32>
    %swap3A_81 = arith.constant 304 : index
    %swap3A_82 = tpu.vector_load %arg12[%swap3A_81] {strides = array<i32>} : memref<1024xf32, #tpu.memory_space<vmem>>, vector<16xf32>,
    tpu.vector_store %arg12[%swap3A_81], %broadcast_in_dim3A_80 {strides = array<i32>} : memref<1024xf32, #tpu.memory_space<vmem>>, vector<16xf32>,
    %broadcast_in_dim3A_83 = arith.constant 0.000000e+00 : f32
    %broadcast_in_dim3A_84 = vector.broadcast %broadcast_in_dim3A_83 : f32 to vector<16xf32>
    %swap3A_85 = arith.constant 320 : index
    %swap3A_86 = tpu.vector_load %arg12[%swap3A_85] {strides = array<i32>} : memref<1024xf32, #tpu.memory_space<vmem>>, vector<16xf32>,
    tpu.vector_store %arg12[%swap3A_85], %broadcast_in_dim3A_84 {strides = array<i32>} : memref<1024xf32, #tpu.memory_space<vmem>>, vector<16xf32>,
    %broadcast_in_dim3A_87 = arith.constant 0.000000e+00 : f32
    %broadcast_in_dim3A_88 = vector.broadcast %broadcast_in_dim3A_87 : f32 to vector<16xf32>
    %swap3A_89 = arith.constant 336 : index
    %swap3A_90 = tpu.vector_load %arg12[%swap3A_89] {strides = array<i32>} : memref<1024xf32, #tpu.memory_space<vmem>>, vector<16xf32>,
    tpu.vector_store %arg12[%swap3A_89], %broadcast_in_dim3A_88 {strides = array<i32>} : memref<1024xf32, #tpu.memory_space<vmem>>, vector<16xf32>,
    %broadcast_in_dim3A_91 = arith.constant 0.000000e+00 : f32
    %broadcast_in_dim3A_92 = vector.broadcast %broadcast_in_dim3A_91 : f32 to vector<16xf32>
    %swap3A_93 = arith.constant 352 : index
    %swap3A_94 = tpu.vector_load %arg12[%swap3A_93] {strides = array<i32>} : memref<1024xf32, #tpu.memory_space<vmem>>, vector<16xf32>,
    tpu.vector_store %arg12[%swap3A_93], %broadcast_in_dim3A_92 {strides = array<i32>} : memref<1024xf32, #tpu.memory_space<vmem>>, vector<16xf32>,
    %broadcast_in_dim3A_95 = arith.constant 0.000000e+00 : f32
    %broadcast_in_dim3A_96 = vector.broadcast %broadcast_in_dim3A_95 : f32 to vector<16xf32>
    %swap3A_97 = arith.constant 368 : index
    %swap3A_98 = tpu.vector_load %arg12[%swap3A_97] {strides = array<i32>} : memref<1024xf32, #tpu.memory_space<vmem>>, vector<16xf32>,
    tpu.vector_store %arg12[%swap3A_97], %broadcast_in_dim3A_96 {strides = array<i32>} : memref<1024xf32, #tpu.memory_space<vmem>>, vector<16xf32>,
    %broadcast_in_dim3A_99 = arith.constant 0.000000e+00 : f32
    %broadcast_in_dim3A_100 = vector.broadcast %broadcast_in_dim3A_99 : f32 to vector<16xf32>
    %swap3A_101 = arith.constant 384 : index
    %swap3A_102 = tpu.vector_load %arg12[%swap3A_101] {strides = array<i32>} : memref<1024xf32, #tpu.memory_space<vmem>>, vector<16xf32>,
    tpu.vector_store %arg12[%swap3A_101], %broadcast_in_dim3A_100 {strides = array<i32>} : memref<1024xf32, #tpu.memory_space<vmem>>, vector<16xf32>,
    %broadcast_in_dim3A_103 = arith.constant 0.000000e+00 : f32
    %broadcast_in_dim3A_104 = vector.broadcast %broadcast_in_dim3A_103 : f32 to vector<16xf32>
    %swap3A_105 = arith.constant 400 : index
    %swap3A_106 = tpu.vector_load %arg12[%swap3A_105] {strides = array<i32>} : memref<1024xf32, #tpu.memory_space<vmem>>, vector<16xf32>,
    tpu.vector_store %arg12[%swap3A_105], %broadcast_in_dim3A_104 {strides = array<i32>} : memref<1024xf32, #tpu.memory_space<vmem>>, vector<16xf32>,
    %broadcast_in_dim3A_107 = arith.constant 0.000000e+00 : f32
    %broadcast_in_dim3A_108 = vector.broadcast %broadcast_in_dim3A_107 : f32 to vector<16xf32>
    %swap3A_109 = arith.constant 416 : index
    %swap3A_110 = tpu.vector_load %arg12[%swap3A_109] {strides = array<i32>} : memref<1024xf32, #tpu.memory_space<vmem>>, vector<16xf32>,
    tpu.vector_store %arg12[%swap3A_109], %broadcast_in_dim3A_108 {strides = array<i32>} : memref<1024xf32, #tpu.memory_space<vmem>>, vector<16xf32>,
    %broadcast_in_dim3A_111 = arith.constant 0.000000e+00 : f32
    %broadcast_in_dim3A_112 = vector.broadcast %broadcast_in_dim3A_111 : f32 to vector<16xf32>
    %swap3A_113 = arith.constant 432 : index
    %swap3A_114 = tpu.vector_load %arg12[%swap3A_113] {strides = array<i32>} : memref<1024xf32, #tpu.memory_space<vmem>>, vector<16xf32>,
    tpu.vector_store %arg12[%swap3A_113], %broadcast_in_dim3A_112 {strides = array<i32>} : memref<1024xf32, #tpu.memory_space<vmem>>, vector<16xf32>,
    %broadcast_in_dim3A_115 = arith.constant 0.000000e+00 : f32
    %broadcast_in_dim3A_116 = vector.broadcast %broadcast_in_dim3A_115 : f32 to vector<16xf32>
    %swap3A_117 = arith.constant 448 : index
    %swap3A_118 = tpu.vector_load %arg12[%swap3A_117] {strides = array<i32>} : memref<1024xf32, #tpu.memory_space<vmem>>, vector<16xf32>,
    tpu.vector_store %arg12[%swap3A_117], %broadcast_in_dim3A_116 {strides = array<i32>} : memref<1024xf32, #tpu.memory_space<vmem>>, vector<16xf32>,
    %broadcast_in_dim3A_119 = arith.constant 0.000000e+00 : f32
    %broadcast_in_dim3A_120 = vector.broadcast %broadcast_in_dim3A_119 : f32 to vector<16xf32>
    %swap3A_121 = arith.constant 464 : index
    %swap3A_122 = tpu.vector_load %arg12[%swap3A_121] {strides = array<i32>} : memref<1024xf32, #tpu.memory_space<vmem>>, vector<16xf32>,
    tpu.vector_store %arg12[%swap3A_121], %broadcast_in_dim3A_120 {strides = array<i32>} : memref<1024xf32, #tpu.memory_space<vmem>>, vector<16xf32>,
    %broadcast_in_dim3A_123 = arith.constant 0.000000e+00 : f32
    %broadcast_in_dim3A_124 = vector.broadcast %broadcast_in_dim3A_123 : f32 to vector<16xf32>
    %swap3A_125 = arith.constant 480 : index
    %swap3A_126 = tpu.vector_load %arg12[%swap3A_125] {strides = array<i32>} : memref<1024xf32, #tpu.memory_space<vmem>>, vector<16xf32>,
    tpu.vector_store %arg12[%swap3A_125], %broadcast_in_dim3A_124 {strides = array<i32>} : memref<1024xf32, #tpu.memory_space<vmem>>, vector<16xf32>,
    %broadcast_in_dim3A_127 = arith.constant 0.000000e+00 : f32
    %broadcast_in_dim3A_128 = vector.broadcast %broadcast_in_dim3A_127 : f32 to vector<16xf32>
    %swap3A_129 = arith.constant 496 : index
    %swap3A_130 = tpu.vector_load %arg12[%swap3A_129] {strides = array<i32>} : memref<1024xf32, #tpu.memory_space<vmem>>, vector<16xf32>,
    tpu.vector_store %arg12[%swap3A_129], %broadcast_in_dim3A_128 {strides = array<i32>} : memref<1024xf32, #tpu.memory_space<vmem>>, vector<16xf32>,
    %broadcast_in_dim3A_131 = arith.constant 0.000000e+00 : f32
    %broadcast_in_dim3A_132 = vector.broadcast %broadcast_in_dim3A_131 : f32 to vector<16xf32>
    %swap3A_133 = arith.constant 512 : index
    %swap3A_134 = tpu.vector_load %arg12[%swap3A_133] {strides = array<i32>} : memref<1024xf32, #tpu.memory_space<vmem>>, vector<16xf32>,
    tpu.vector_store %arg12[%swap3A_133], %broadcast_in_dim3A_132 {strides = array<i32>} : memref<1024xf32, #tpu.memory_space<vmem>>, vector<16xf32>,
    %broadcast_in_dim3A_135 = arith.constant 0.000000e+00 : f32
    %broadcast_in_dim3A_136 = vector.broadcast %broadcast_in_dim3A_135 : f32 to vector<16xf32>
    %swap3A_137 = arith.constant 528 : index
    %swap3A_138 = tpu.vector_load %arg12[%swap3A_137] {strides = array<i32>} : memref<1024xf32, #tpu.memory_space<vmem>>, vector<16xf32>,
    tpu.vector_store %arg12[%swap3A_137], %broadcast_in_dim3A_136 {strides = array<i32>} : memref<1024xf32, #tpu.memory_space<vmem>>, vector<16xf32>,
    %broadcast_in_dim3A_139 = arith.constant 0.000000e+00 : f32
    %broadcast_in_dim3A_140 = vector.broadcast %broadcast_in_dim3A_139 : f32 to vector<16xf32>
    %swap3A_141 = arith.constant 544 : index
    %swap3A_142 = tpu.vector_load %arg12[%swap3A_141] {strides = array<i32>} : memref<1024xf32, #tpu.memory_space<vmem>>, vector<16xf32>,
    tpu.vector_store %arg12[%swap3A_141], %broadcast_in_dim3A_140 {strides = array<i32>} : memref<1024xf32, #tpu.memory_space<vmem>>, vector<16xf32>,
    %broadcast_in_dim3A_143 = arith.constant 0.000000e+00 : f32
    %broadcast_in_dim3A_144 = vector.broadcast %broadcast_in_dim3A_143 : f32 to vector<16xf32>
    %swap3A_145 = arith.constant 560 : index
    %swap3A_146 = tpu.vector_load %arg12[%swap3A_145] {strides = array<i32>} : memref<1024xf32, #tpu.memory_space<vmem>>, vector<16xf32>,
    tpu.vector_store %arg12[%swap3A_145], %broadcast_in_dim3A_144 {strides = array<i32>} : memref<1024xf32, #tpu.memory_space<vmem>>, vector<16xf32>,
    %broadcast_in_dim3A_147 = arith.constant 0.000000e+00 : f32
    %broadcast_in_dim3A_148 = vector.broadcast %broadcast_in_dim3A_147 : f32 to vector<16xf32>
    %swap3A_149 = arith.constant 576 : index
    %swap3A_150 = tpu.vector_load %arg12[%swap3A_149] {strides = array<i32>} : memref<1024xf32, #tpu.memory_space<vmem>>, vector<16xf32>,
    tpu.vector_store %arg12[%swap3A_149], %broadcast_in_dim3A_148 {strides = array<i32>} : memref<1024xf32, #tpu.memory_space<vmem>>, vector<16xf32>,
    %broadcast_in_dim3A_151 = arith.constant 0.000000e+00 : f32
    %broadcast_in_dim3A_152 = vector.broadcast %broadcast_in_dim3A_151 : f32 to vector<16xf32>
    %swap3A_153 = arith.constant 592 : index
    %swap3A_154 = tpu.vector_load %arg12[%swap3A_153] {strides = array<i32>} : memref<1024xf32, #tpu.memory_space<vmem>>, vector<16xf32>,
    tpu.vector_store %arg12[%swap3A_153], %broadcast_in_dim3A_152 {strides = array<i32>} : memref<1024xf32, #tpu.memory_space<vmem>>, vector<16xf32>,
    %broadcast_in_dim3A_155 = arith.constant 0.000000e+00 : f32
    %broadcast_in_dim3A_156 = vector.broadcast %broadcast_in_dim3A_155 : f32 to vector<16xf32>
    %swap3A_157 = arith.constant 608 : index
    %swap3A_158 = tpu.vector_load %arg12[%swap3A_157] {strides = array<i32>} : memref<1024xf32, #tpu.memory_space<vmem>>, vector<16xf32>,
    tpu.vector_store %arg12[%swap3A_157], %broadcast_in_dim3A_156 {strides = array<i32>} : memref<1024xf32, #tpu.memory_space<vmem>>, vector<16xf32>,
    %broadcast_in_dim3A_159 = arith.constant 0.000000e+00 : f32
    %broadcast_in_dim3A_160 = vector.broadcast %broadcast_in_dim3A_159 : f32 to vector<16xf32>
    %swap3A_161 = arith.constant 624 : index
    %swap3A_162 = tpu.vector_load %arg12[%swap3A_161] {strides = array<i32>} : memref<1024xf32, #tpu.memory_space<vmem>>, vector<16xf32>,
    tpu.vector_store %arg12[%swap3A_161], %broadcast_in_dim3A_160 {strides = array<i32>} : memref<1024xf32, #tpu.memory_space<vmem>>, vector<16xf32>,
    %broadcast_in_dim3A_163 = arith.constant 0.000000e+00 : f32
    %broadcast_in_dim3A_164 = vector.broadcast %broadcast_in_dim3A_163 : f32 to vector<16xf32>
    %swap3A_165 = arith.constant 640 : index
    %swap3A_166 = tpu.vector_load %arg12[%swap3A_165] {strides = array<i32>} : memref<1024xf32, #tpu.memory_space<vmem>>, vector<16xf32>,
    tpu.vector_store %arg12[%swap3A_165], %broadcast_in_dim3A_164 {strides = array<i32>} : memref<1024xf32, #tpu.memory_space<vmem>>, vector<16xf32>,
    %broadcast_in_dim3A_167 = arith.constant 0.000000e+00 : f32
    %broadcast_in_dim3A_168 = vector.broadcast %broadcast_in_dim3A_167 : f32 to vector<16xf32>
    %swap3A_169 = arith.constant 656 : index
    %swap3A_170 = tpu.vector_load %arg12[%swap3A_169] {strides = array<i32>} : memref<1024xf32, #tpu.memory_space<vmem>>, vector<16xf32>,
    tpu.vector_store %arg12[%swap3A_169], %broadcast_in_dim3A_168 {strides = array<i32>} : memref<1024xf32, #tpu.memory_space<vmem>>, vector<16xf32>,
    %broadcast_in_dim3A_171 = arith.constant 0.000000e+00 : f32
    %broadcast_in_dim3A_172 = vector.broadcast %broadcast_in_dim3A_171 : f32 to vector<16xf32>
    %swap3A_173 = arith.constant 672 : index
    %swap3A_174 = tpu.vector_load %arg12[%swap3A_173] {strides = array<i32>} : memref<1024xf32, #tpu.memory_space<vmem>>, vector<16xf32>,
    tpu.vector_store %arg12[%swap3A_173], %broadcast_in_dim3A_172 {strides = array<i32>} : memref<1024xf32, #tpu.memory_space<vmem>>, vector<16xf32>,
    %broadcast_in_dim3A_175 = arith.constant 0.000000e+00 : f32
    %broadcast_in_dim3A_176 = vector.broadcast %broadcast_in_dim3A_175 : f32 to vector<16xf32>
    %swap3A_177 = arith.constant 688 : index
    %swap3A_178 = tpu.vector_load %arg12[%swap3A_177] {strides = array<i32>} : memref<1024xf32, #tpu.memory_space<vmem>>, vector<16xf32>,
    tpu.vector_store %arg12[%swap3A_177], %broadcast_in_dim3A_176 {strides = array<i32>} : memref<1024xf32, #tpu.memory_space<vmem>>, vector<16xf32>,
    %broadcast_in_dim3A_179 = arith.constant 0.000000e+00 : f32
    %broadcast_in_dim3A_180 = vector.broadcast %broadcast_in_dim3A_179 : f32 to vector<16xf32>
    %swap3A_181 = arith.constant 704 : index
    %swap3A_182 = tpu.vector_load %arg12[%swap3A_181] {strides = array<i32>} : memref<1024xf32, #tpu.memory_space<vmem>>, vector<16xf32>,
    tpu.vector_store %arg12[%swap3A_181], %broadcast_in_dim3A_180 {strides = array<i32>} : memref<1024xf32, #tpu.memory_space<vmem>>, vector<16xf32>,
    %broadcast_in_dim3A_183 = arith.constant 0.000000e+00 : f32
    %broadcast_in_dim3A_184 = vector.broadcast %broadcast_in_dim3A_183 : f32 to vector<16xf32>
    %swap3A_185 = arith.constant 720 : index
    %swap3A_186 = tpu.vector_load %arg12[%swap3A_185] {strides = array<i32>} : memref<1024xf32, #tpu.memory_space<vmem>>, vector<16xf32>,
    tpu.vector_store %arg12[%swap3A_185], %broadcast_in_dim3A_184 {strides = array<i32>} : memref<1024xf32, #tpu.memory_space<vmem>>, vector<16xf32>,
    %broadcast_in_dim3A_187 = arith.constant 0.000000e+00 : f32
    %broadcast_in_dim3A_188 = vector.broadcast %broadcast_in_dim3A_187 : f32 to vector<16xf32>
    %swap3A_189 = arith.constant 736 : index
    %swap3A_190 = tpu.vector_load %arg12[%swap3A_189] {strides = array<i32>} : memref<1024xf32, #tpu.memory_space<vmem>>, vector<16xf32>,
    tpu.vector_store %arg12[%swap3A_189], %broadcast_in_dim3A_188 {strides = array<i32>} : memref<1024xf32, #tpu.memory_space<vmem>>, vector<16xf32>,
    %broadcast_in_dim3A_191 = arith.constant 0.000000e+00 : f32
    %broadcast_in_dim3A_192 = vector.broadcast %broadcast_in_dim3A_191 : f32 to vector<16xf32>
    %swap3A_193 = arith.constant 752 : index
    %swap3A_194 = tpu.vector_load %arg12[%swap3A_193] {strides = array<i32>} : memref<1024xf32, #tpu.memory_space<vmem>>, vector<16xf32>,
    tpu.vector_store %arg12[%swap3A_193], %broadcast_in_dim3A_192 {strides = array<i32>} : memref<1024xf32, #tpu.memory_space<vmem>>, vector<16xf32>,
    %broadcast_in_dim3A_195 = arith.constant 0.000000e+00 : f32
    %broadcast_in_dim3A_196 = vector.broadcast %broadcast_in_dim3A_195 : f32 to vector<16xf32>
    %swap3A_197 = arith.constant 768 : index
    %swap3A_198 = tpu.vector_load %arg12[%swap3A_197] {strides = array<i32>} : memref<1024xf32, #tpu.memory_space<vmem>>, vector<16xf32>,
    tpu.vector_store %arg12[%swap3A_197], %broadcast_in_dim3A_196 {strides = array<i32>} : memref<1024xf32, #tpu.memory_space<vmem>>, vector<16xf32>,
    %broadcast_in_dim3A_199 = arith.constant 0.000000e+00 : f32
    %broadcast_in_dim3A_200 = vector.broadcast %broadcast_in_dim3A_199 : f32 to vector<16xf32>
    %swap3A_201 = arith.constant 784 : index
    %swap3A_202 = tpu.vector_load %arg12[%swap3A_201] {strides = array<i32>} : memref<1024xf32, #tpu.memory_space<vmem>>, vector<16xf32>,
    tpu.vector_store %arg12[%swap3A_201], %broadcast_in_dim3A_200 {strides = array<i32>} : memref<1024xf32, #tpu.memory_space<vmem>>, vector<16xf32>,
    %broadcast_in_dim3A_203 = arith.constant 0.000000e+00 : f32
    %broadcast_in_dim3A_204 = vector.broadcast %broadcast_in_dim3A_203 : f32 to vector<16xf32>
    %swap3A_205 = arith.constant 800 : index
    %swap3A_206 = tpu.vector_load %arg12[%swap3A_205] {strides = array<i32>} : memref<1024xf32, #tpu.memory_space<vmem>>, vector<16xf32>,
    tpu.vector_store %arg12[%swap3A_205], %broadcast_in_dim3A_204 {strides = array<i32>} : memref<1024xf32, #tpu.memory_space<vmem>>, vector<16xf32>,
    %broadcast_in_dim3A_207 = arith.constant 0.000000e+00 : f32
    %broadcast_in_dim3A_208 = vector.broadcast %broadcast_in_dim3A_207 : f32 to vector<16xf32>
    %swap3A_209 = arith.constant 816 : index
    %swap3A_210 = tpu.vector_load %arg12[%swap3A_209] {strides = array<i32>} : memref<1024xf32, #tpu.memory_space<vmem>>, vector<16xf32>,
    tpu.vector_store %arg12[%swap3A_209], %broadcast_in_dim3A_208 {strides = array<i32>} : memref<1024xf32, #tpu.memory_space<vmem>>, vector<16xf32>,
    %broadcast_in_dim3A_211 = arith.constant 0.000000e+00 : f32
    %broadcast_in_dim3A_212 = vector.broadcast %broadcast_in_dim3A_211 : f32 to vector<16xf32>
    %swap3A_213 = arith.constant 832 : index
    %swap3A_214 = tpu.vector_load %arg12[%swap3A_213] {strides = array<i32>} : memref<1024xf32, #tpu.memory_space<vmem>>, vector<16xf32>,
    tpu.vector_store %arg12[%swap3A_213], %broadcast_in_dim3A_212 {strides = array<i32>} : memref<1024xf32, #tpu.memory_space<vmem>>, vector<16xf32>,
    %broadcast_in_dim3A_215 = arith.constant 0.000000e+00 : f32
    %broadcast_in_dim3A_216 = vector.broadcast %broadcast_in_dim3A_215 : f32 to vector<16xf32>
    %swap3A_217 = arith.constant 848 : index
    %swap3A_218 = tpu.vector_load %arg12[%swap3A_217] {strides = array<i32>} : memref<1024xf32, #tpu.memory_space<vmem>>, vector<16xf32>,
    tpu.vector_store %arg12[%swap3A_217], %broadcast_in_dim3A_216 {strides = array<i32>} : memref<1024xf32, #tpu.memory_space<vmem>>, vector<16xf32>,
    %broadcast_in_dim3A_219 = arith.constant 0.000000e+00 : f32
    %broadcast_in_dim3A_220 = vector.broadcast %broadcast_in_dim3A_219 : f32 to vector<16xf32>
    %swap3A_221 = arith.constant 864 : index
    %swap3A_222 = tpu.vector_load %arg12[%swap3A_221] {strides = array<i32>} : memref<1024xf32, #tpu.memory_space<vmem>>, vector<16xf32>,
    tpu.vector_store %arg12[%swap3A_221], %broadcast_in_dim3A_220 {strides = array<i32>} : memref<1024xf32, #tpu.memory_space<vmem>>, vector<16xf32>,
    %broadcast_in_dim3A_223 = arith.constant 0.000000e+00 : f32
    %broadcast_in_dim3A_224 = vector.broadcast %broadcast_in_dim3A_223 : f32 to vector<16xf32>
    %swap3A_225 = arith.constant 880 : index
    %swap3A_226 = tpu.vector_load %arg12[%swap3A_225] {strides = array<i32>} : memref<1024xf32, #tpu.memory_space<vmem>>, vector<16xf32>,
    tpu.vector_store %arg12[%swap3A_225], %broadcast_in_dim3A_224 {strides = array<i32>} : memref<1024xf32, #tpu.memory_space<vmem>>, vector<16xf32>,
    %broadcast_in_dim3A_227 = arith.constant 0.000000e+00 : f32
    %broadcast_in_dim3A_228 = vector.broadcast %broadcast_in_dim3A_227 : f32 to vector<16xf32>
    %swap3A_229 = arith.constant 896 : index
    %swap3A_230 = tpu.vector_load %arg12[%swap3A_229] {strides = array<i32>} : memref<1024xf32, #tpu.memory_space<vmem>>, vector<16xf32>,
    tpu.vector_store %arg12[%swap3A_229], %broadcast_in_dim3A_228 {strides = array<i32>} : memref<1024xf32, #tpu.memory_space<vmem>>, vector<16xf32>,
    %broadcast_in_dim3A_231 = arith.constant 0.000000e+00 : f32
    %broadcast_in_dim3A_232 = vector.broadcast %broadcast_in_dim3A_231 : f32 to vector<16xf32>
    %swap3A_233 = arith.constant 912 : index
    %swap3A_234 = tpu.vector_load %arg12[%swap3A_233] {strides = array<i32>} : memref<1024xf32, #tpu.memory_space<vmem>>, vector<16xf32>,
    tpu.vector_store %arg12[%swap3A_233], %broadcast_in_dim3A_232 {strides = array<i32>} : memref<1024xf32, #tpu.memory_space<vmem>>, vector<16xf32>,
    %broadcast_in_dim3A_235 = arith.constant 0.000000e+00 : f32
    %broadcast_in_dim3A_236 = vector.broadcast %broadcast_in_dim3A_235 : f32 to vector<16xf32>
    %swap3A_237 = arith.constant 928 : index
    %swap3A_238 = tpu.vector_load %arg12[%swap3A_237] {strides = array<i32>} : memref<1024xf32, #tpu.memory_space<vmem>>, vector<16xf32>,
    tpu.vector_store %arg12[%swap3A_237], %broadcast_in_dim3A_236 {strides = array<i32>} : memref<1024xf32, #tpu.memory_space<vmem>>, vector<16xf32>,
    %broadcast_in_dim3A_239 = arith.constant 0.000000e+00 : f32
    %broadcast_in_dim3A_240 = vector.broadcast %broadcast_in_dim3A_239 : f32 to vector<16xf32>
    %swap3A_241 = arith.constant 944 : index
    %swap3A_242 = tpu.vector_load %arg12[%swap3A_241] {strides = array<i32>} : memref<1024xf32, #tpu.memory_space<vmem>>, vector<16xf32>,
    tpu.vector_store %arg12[%swap3A_241], %broadcast_in_dim3A_240 {strides = array<i32>} : memref<1024xf32, #tpu.memory_space<vmem>>, vector<16xf32>,
    %broadcast_in_dim3A_243 = arith.constant 0.000000e+00 : f32
    %broadcast_in_dim3A_244 = vector.broadcast %broadcast_in_dim3A_243 : f32 to vector<16xf32>
    %swap3A_245 = arith.constant 960 : index
    %swap3A_246 = tpu.vector_load %arg12[%swap3A_245] {strides = array<i32>} : memref<1024xf32, #tpu.memory_space<vmem>>, vector<16xf32>,
    tpu.vector_store %arg12[%swap3A_245], %broadcast_in_dim3A_244 {strides = array<i32>} : memref<1024xf32, #tpu.memory_space<vmem>>, vector<16xf32>,
    %broadcast_in_dim3A_247 = arith.constant 0.000000e+00 : f32
    %broadcast_in_dim3A_248 = vector.broadcast %broadcast_in_dim3A_247 : f32 to vector<16xf32>
    %swap3A_249 = arith.constant 976 : index
    %swap3A_250 = tpu.vector_load %arg12[%swap3A_249] {strides = array<i32>} : memref<1024xf32, #tpu.memory_space<vmem>>, vector<16xf32>,
    tpu.vector_store %arg12[%swap3A_249], %broadcast_in_dim3A_248 {strides = array<i32>} : memref<1024xf32, #tpu.memory_space<vmem>>, vector<16xf32>,
    %broadcast_in_dim3A_251 = arith.constant 0.000000e+00 : f32
    %broadcast_in_dim3A_252 = vector.broadcast %broadcast_in_dim3A_251 : f32 to vector<16xf32>
    %swap3A_253 = arith.constant 992 : index
    %swap3A_254 = tpu.vector_load %arg12[%swap3A_253] {strides = array<i32>} : memref<1024xf32, #tpu.memory_space<vmem>>, vector<16xf32>,
    tpu.vector_store %arg12[%swap3A_253], %broadcast_in_dim3A_252 {strides = array<i32>} : memref<1024xf32, #tpu.memory_space<vmem>>, vector<16xf32>,
    %broadcast_in_dim3A_255 = arith.constant 0.000000e+00 : f32
    %broadcast_in_dim3A_256 = vector.broadcast %broadcast_in_dim3A_255 : f32 to vector<16xf32>
    %swap3A_257 = arith.constant 1008 : index
    %swap3A_258 = tpu.vector_load %arg12[%swap3A_257] {strides = array<i32>} : memref<1024xf32, #tpu.memory_space<vmem>>, vector<16xf32>,
    tpu.vector_store %arg12[%swap3A_257], %broadcast_in_dim3A_256 {strides = array<i32>} : memref<1024xf32, #tpu.memory_space<vmem>>, vector<16xf32>,
    %eq3A = arith.constant 0 : i32
    %eq3A_259 = arith.cmpi eq, %arg1, %eq3A : i32
    %convert_element_type3A = arith.extui %eq3A_259 : i1 to i32
    %cond3A = arith.constant 0 : i32
    %cond3A_260 = arith.cmpi ne, %convert_element_type3A, %cond3A : i32
    scf.if %cond3A_260 {
      %dma_start3A = arith.constant 0 : i32
      %dma_start3A_268 = tpu.memref_slice %arg4[%mul3A_2, %dma_start3A] : memref<64x1000000xf32, #tpu.memory_space<hbm>> -> memref<1x1000000xf32, #tpu.memory_space<hbm>>
      %dma_start3A_269 = tpu.memref_squeeze %dma_start3A_268 : memref<1x1000000xf32, #tpu.memory_space<hbm>> -> memref<1000000xf32, #tpu.memory_space<hbm>>
      tpu.enqueue_dma source(%dma_start3A_269 : memref<1000000xf32, #tpu.memory_space<hbm>>) target(%arg13 : memref<1000000xf32, #tpu.memory_space<vmem_shared>>) target_semaphore(%arg15 : memref<!tpu.dma_semaphore, #tpu.memory_space<semaphore_mem>>)
      %add3A_270 = arith.constant 1 : i32
      %add3A_271 = arith.addi %mul3A_2, %add3A_270 : i32
      %dma_start3A_272 = arith.constant 0 : i32
      %dma_start3A_273 = tpu.memref_slice %arg4[%add3A_271, %dma_start3A_272] : memref<64x1000000xf32, #tpu.memory_space<hbm>> -> memref<1x1000000xf32, #tpu.memory_space<hbm>>
      %dma_start3A_274 = tpu.memref_squeeze %dma_start3A_273 : memref<1x1000000xf32, #tpu.memory_space<hbm>> -> memref<1000000xf32, #tpu.memory_space<hbm>>
      tpu.enqueue_dma source(%dma_start3A_274 : memref<1000000xf32, #tpu.memory_space<hbm>>) target(%arg14 : memref<1000000xf32, #tpu.memory_space<vmem_shared>>) target_semaphore(%arg15 : memref<!tpu.dma_semaphore, #tpu.memory_space<semaphore_mem>>)
    } else {
    }
    %scan3A = arith.constant 0 : i32
    %scan3A_261 = arith.constant 0 : i32
    %scan3A_262 = arith.constant 16 : i32
    %scan3A_263 = arith.addi %scan3A_261, %scan3A_262 : i32
    %scan3A_264 = arith.constant 1 : i32
    scf.for %scan3A_268 = %scan3A_261 to %scan3A_263 step %scan3A_264  : i32 {
      %mul3A_269 = arith.constant 2 : i32
      %mul3A_270 = arith.muli %mul3A_269, %scan3A_268 : i32
      %add3A_271 = arith.addi %mul3A_2, %mul3A_270 : i32
      %add3A_272 = arith.constant 0 : i32
      %add3A_273 = arith.addi %add3A_271, %add3A_272 : i32
      "tpu.region"() ({
        %run_scoped3A = tpu.sem_alloc : memref<!tpu.dma_semaphore, #tpu.memory_space<semaphore_mem>>
        %dma_start3A_2348 = arith.constant 0 : i32
        %dma_start3A_2349 = tpu.memref_slice %arg5[%add3A_273, %dma_start3A_2348] : memref<64x1000xf32, #tpu.memory_space<hbm>> -> memref<1x1000xf32, #tpu.memory_space<hbm>>
        %dma_start3A_2350 = tpu.memref_squeeze %dma_start3A_2349 : memref<1x1000xf32, #tpu.memory_space<hbm>> -> memref<1000xf32, #tpu.memory_space<hbm>>
        %dma_start3A_2351 = arith.constant 0 : i32
        %dma_start3A_2352 = tpu.memref_slice %arg5[%add3A_273, %dma_start3A_2351] : memref<64x1000xf32, #tpu.memory_space<hbm>> -> memref<1x1000xf32, #tpu.memory_space<hbm>>
        %dma_start3A_2353 = tpu.memref_squeeze %dma_start3A_2352 : memref<1x1000xf32, #tpu.memory_space<hbm>> -> memref<1000xf32, #tpu.memory_space<hbm>>
        tpu.enqueue_dma source(%dma_start3A_2353 : memref<1000xf32, #tpu.memory_space<hbm>>) target(%arg9 : memref<1000xf32, #tpu.memory_space<vmem>>) target_semaphore(%run_scoped3A : memref<!tpu.dma_semaphore, #tpu.memory_space<semaphore_mem>>)
        %dma_wait3A_2354 = arith.constant 0 : i32
        %dma_wait3A_2355 = tpu.memref_slice %arg5[%add3A_273, %dma_wait3A_2354] : memref<64x1000xf32, #tpu.memory_space<hbm>> -> memref<1x1000xf32, #tpu.memory_space<hbm>>
        %dma_wait3A_2356 = tpu.memref_squeeze %dma_wait3A_2355 : memref<1x1000xf32, #tpu.memory_space<hbm>> -> memref<1000xf32, #tpu.memory_space<hbm>>
        %dma_wait3A_2357 = arith.constant 0 : i32
        %dma_wait3A_2358 = tpu.memref_slice %arg5[%add3A_273, %dma_wait3A_2357] : memref<64x1000xf32, #tpu.memory_space<hbm>> -> memref<1x1000xf32, #tpu.memory_space<hbm>>
        %dma_wait3A_2359 = tpu.memref_squeeze %dma_wait3A_2358 : memref<1x1000xf32, #tpu.memory_space<hbm>> -> memref<1000xf32, #tpu.memory_space<hbm>>
        tpu.wait_dma2 semaphore(%run_scoped3A : memref<!tpu.dma_semaphore, #tpu.memory_space<semaphore_mem>>) src(%dma_wait3A_2359 : memref<1000xf32, #tpu.memory_space<hbm>>) dst(%arg9 : memref<1000xf32, #tpu.memory_space<vmem>>)
        tpu.yield
      }) : () -> ()
      %eq3A_274 = arith.constant 0 : i32
      %eq3A_275 = arith.cmpi eq, %arg1, %eq3A_274 : i32
      %convert_element_type3A_276 = arith.extui %eq3A_275 : i1 to i32
      %cond3A_277 = arith.constant 0 : i32
      %cond3A_278 = arith.cmpi ne, %convert_element_type3A_276, %cond3A_277 : i32
      scf.if %cond3A_278 {
        %dma_wait3A_2348 = arith.constant 0 : i32
        %dma_wait3A_2349 = tpu.memref_slice %arg4[%add3A_273, %dma_wait3A_2348] : memref<64x1000000xf32, #tpu.memory_space<hbm>> -> memref<1x1000000xf32, #tpu.memory_space<hbm>>
        %dma_wait3A_2350 = tpu.memref_squeeze %dma_wait3A_2349 : memref<1x1000000xf32, #tpu.memory_space<hbm>> -> memref<1000000xf32, #tpu.memory_space<hbm>>
        tpu.wait_dma2 semaphore(%arg15 : memref<!tpu.dma_semaphore, #tpu.memory_space<semaphore_mem>>) src(%dma_wait3A_2350 : memref<1000000xf32, #tpu.memory_space<hbm>>) dst(%arg13 : memref<1000000xf32, #tpu.memory_space<vmem_shared>>)
      } else {
      }
      %barrier3A = arith.constant 0 : index
      tpu.barrier barrier_id(%barrier3A)
      %dma_start3A = arith.constant 0 : i32
      %dma_start3A_279 = tpu.memref_slice %arg7[%dma_start3A] : memref<2048xi32, #tpu.memory_space<vmem>> -> memref<256xi32, #tpu.memory_space<vmem>>
      %dma_start3A_280 = arith.constant 0 : i32
      %dma_start3A_281 = tpu.memref_slice %arg13[%dma_start3A_280] : memref<1000000xf32, #tpu.memory_space<vmem_shared>> -> memref<1000000xf32, #tpu.memory_space<vmem_shared>>
      tpu.enqueue_indirect_dma source(%dma_start3A_281 : memref<1000000xf32, #tpu.memory_space<vmem_shared>>) target(%arg10 : memref<256xf32, #tpu.memory_space<vmem>>) offsets(%dma_start3A_279 : memref<256xi32, #tpu.memory_space<vmem>>) semaphore(%arg16 : memref<!tpu.dma_semaphore, #tpu.memory_space<semaphore_mem>>)
      %dma_start3A_282 = arith.constant 256 : i32
      %dma_start3A_283 = tpu.memref_slice %arg7[%dma_start3A_282] : memref<2048xi32, #tpu.memory_space<vmem>> -> memref<256xi32, #tpu.memory_space<vmem>>
      %dma_start3A_284 = arith.constant 0 : i32
      %dma_start3A_285 = tpu.memref_slice %arg13[%dma_start3A_284] : memref<1000000xf32, #tpu.memory_space<vmem_shared>> -> memref<1000000xf32, #tpu.memory_space<vmem_shared>>
      tpu.enqueue_indirect_dma source(%dma_start3A_285 : memref<1000000xf32, #tpu.memory_space<vmem_shared>>) target(%arg11 : memref<256xf32, #tpu.memory_space<vmem>>) offsets(%dma_start3A_283 : memref<256xi32, #tpu.memory_space<vmem>>) semaphore(%arg16 : memref<!tpu.dma_semaphore, #tpu.memory_space<semaphore_mem>>)
      %dma_wait3A = arith.constant 0 : i32
      %dma_wait3A_286 = tpu.memref_slice %arg7[%dma_wait3A] : memref<2048xi32, #tpu.memory_space<vmem>> -> memref<256xi32, #tpu.memory_space<vmem>>
      %dma_wait3A_287 = arith.constant 0 : i32
      %dma_wait3A_288 = tpu.memref_slice %arg13[%dma_wait3A_287] : memref<1000000xf32, #tpu.memory_space<vmem_shared>> -> memref<1000000xf32, #tpu.memory_space<vmem_shared>>
      tpu.wait_indirect_dma semaphore(%arg16 : memref<!tpu.dma_semaphore, #tpu.memory_space<semaphore_mem>>) src(%dma_wait3A_288 : memref<1000000xf32, #tpu.memory_space<vmem_shared>>) dst(%arg10 : memref<256xf32, #tpu.memory_space<vmem>>)
      %get3A = arith.constant 0 : index
      %get3A_289 = tpu.vector_load %arg10[%get3A] {strides = array<i32>} : memref<256xf32, #tpu.memory_space<vmem>>, vector<16xf32>,
      %get3A_290 = arith.constant 128 : index
      %get3A_291 = tpu.vector_load %arg10[%get3A_290] {strides = array<i32>} : memref<256xf32, #tpu.memory_space<vmem>>, vector<16xf32>,
      %get3A_292 = arith.constant 0 : index
      %get3A_293 = tpu.vector_load %arg8[%get3A_292] {strides = array<i32>} : memref<1024xi32, #tpu.memory_space<vmem>>, vector<16xi32>,
      %gather3A = tpu.vector_load_idx %arg9[%get3A_293] : memref<1000xf32, #tpu.memory_space<vmem>>[vector<16xi32>], vector<16xf32>,
      %get3A_294 = arith.constant 0 : index
      %get3A_295 = tpu.vector_load %arg12[%get3A_294] {strides = array<i32>} : memref<1024xf32, #tpu.memory_space<vmem>>, vector<16xf32>,
      %add3A_296 = arith.addf %get3A_289, %gather3A : vector<16xf32>
      %sub3A = arith.subf %add3A_296, %get3A_291 : vector<16xf32>
      %abs3A = math.absf %sub3A : vector<16xf32>
      %add3A_297 = arith.addf %get3A_295, %abs3A : vector<16xf32>
      %swap3A_298 = arith.constant 0 : index
      %swap3A_299 = tpu.vector_load %arg12[%swap3A_298] {strides = array<i32>} : memref<1024xf32, #tpu.memory_space<vmem>>, vector<16xf32>,
      tpu.vector_store %arg12[%swap3A_298], %add3A_297 {strides = array<i32>} : memref<1024xf32, #tpu.memory_space<vmem>>, vector<16xf32>,
      %get3A_300 = arith.constant 16 : index
      %get3A_301 = tpu.vector_load %arg10[%get3A_300] {strides = array<i32>} : memref<256xf32, #tpu.memory_space<vmem>>, vector<16xf32>,
      %get3A_302 = arith.constant 144 : index
      %get3A_303 = tpu.vector_load %arg10[%get3A_302] {strides = array<i32>} : memref<256xf32, #tpu.memory_space<vmem>>, vector<16xf32>,
      %get3A_304 = arith.constant 16 : index
      %get3A_305 = tpu.vector_load %arg8[%get3A_304] {strides = array<i32>} : memref<1024xi32, #tpu.memory_space<vmem>>, vector<16xi32>,
      %gather3A_306 = tpu.vector_load_idx %arg9[%get3A_305] : memref<1000xf32, #tpu.memory_space<vmem>>[vector<16xi32>], vector<16xf32>,
      %get3A_307 = arith.constant 16 : index
      %get3A_308 = tpu.vector_load %arg12[%get3A_307] {strides = array<i32>} : memref<1024xf32, #tpu.memory_space<vmem>>, vector<16xf32>,
      %add3A_309 = arith.addf %get3A_301, %gather3A_306 : vector<16xf32>
      %sub3A_310 = arith.subf %add3A_309, %get3A_303 : vector<16xf32>
      %abs3A_311 = math.absf %sub3A_310 : vector<16xf32>
      %add3A_312 = arith.addf %get3A_308, %abs3A_311 : vector<16xf32>
      %swap3A_313 = arith.constant 16 : index
      %swap3A_314 = tpu.vector_load %arg12[%swap3A_313] {strides = array<i32>} : memref<1024xf32, #tpu.memory_space<vmem>>, vector<16xf32>,
      tpu.vector_store %arg12[%swap3A_313], %add3A_312 {strides = array<i32>} : memref<1024xf32, #tpu.memory_space<vmem>>, vector<16xf32>,
      %get3A_315 = arith.constant 32 : index
      %get3A_316 = tpu.vector_load %arg10[%get3A_315] {strides = array<i32>} : memref<256xf32, #tpu.memory_space<vmem>>, vector<16xf32>,
      %get3A_317 = arith.constant 160 : index
      %get3A_318 = tpu.vector_load %arg10[%get3A_317] {strides = array<i32>} : memref<256xf32, #tpu.memory_space<vmem>>, vector<16xf32>,
      %get3A_319 = arith.constant 32 : index
      %get3A_320 = tpu.vector_load %arg8[%get3A_319] {strides = array<i32>} : memref<1024xi32, #tpu.memory_space<vmem>>, vector<16xi32>,
      %gather3A_321 = tpu.vector_load_idx %arg9[%get3A_320] : memref<1000xf32, #tpu.memory_space<vmem>>[vector<16xi32>], vector<16xf32>,
      %get3A_322 = arith.constant 32 : index
      %get3A_323 = tpu.vector_load %arg12[%get3A_322] {strides = array<i32>} : memref<1024xf32, #tpu.memory_space<vmem>>, vector<16xf32>,
      %add3A_324 = arith.addf %get3A_316, %gather3A_321 : vector<16xf32>
      %sub3A_325 = arith.subf %add3A_324, %get3A_318 : vector<16xf32>
      %abs3A_326 = math.absf %sub3A_325 : vector<16xf32>
      %add3A_327 = arith.addf %get3A_323, %abs3A_326 : vector<16xf32>
      %swap3A_328 = arith.constant 32 : index
      %swap3A_329 = tpu.vector_load %arg12[%swap3A_328] {strides = array<i32>} : memref<1024xf32, #tpu.memory_space<vmem>>, vector<16xf32>,
      tpu.vector_store %arg12[%swap3A_328], %add3A_327 {strides = array<i32>} : memref<1024xf32, #tpu.memory_space<vmem>>, vector<16xf32>,
      %get3A_330 = arith.constant 48 : index
      %get3A_331 = tpu.vector_load %arg10[%get3A_330] {strides = array<i32>} : memref<256xf32, #tpu.memory_space<vmem>>, vector<16xf32>,
      %get3A_332 = arith.constant 176 : index
      %get3A_333 = tpu.vector_load %arg10[%get3A_332] {strides = array<i32>} : memref<256xf32, #tpu.memory_space<vmem>>, vector<16xf32>,
      %get3A_334 = arith.constant 48 : index
      %get3A_335 = tpu.vector_load %arg8[%get3A_334] {strides = array<i32>} : memref<1024xi32, #tpu.memory_space<vmem>>, vector<16xi32>,
      %gather3A_336 = tpu.vector_load_idx %arg9[%get3A_335] : memref<1000xf32, #tpu.memory_space<vmem>>[vector<16xi32>], vector<16xf32>,
      %get3A_337 = arith.constant 48 : index
      %get3A_338 = tpu.vector_load %arg12[%get3A_337] {strides = array<i32>} : memref<1024xf32, #tpu.memory_space<vmem>>, vector<16xf32>,
      %add3A_339 = arith.addf %get3A_331, %gather3A_336 : vector<16xf32>
      %sub3A_340 = arith.subf %add3A_339, %get3A_333 : vector<16xf32>
      %abs3A_341 = math.absf %sub3A_340 : vector<16xf32>
      %add3A_342 = arith.addf %get3A_338, %abs3A_341 : vector<16xf32>
      %swap3A_343 = arith.constant 48 : index
      %swap3A_344 = tpu.vector_load %arg12[%swap3A_343] {strides = array<i32>} : memref<1024xf32, #tpu.memory_space<vmem>>, vector<16xf32>,
      tpu.vector_store %arg12[%swap3A_343], %add3A_342 {strides = array<i32>} : memref<1024xf32, #tpu.memory_space<vmem>>, vector<16xf32>,
      %get3A_345 = arith.constant 64 : index
      %get3A_346 = tpu.vector_load %arg10[%get3A_345] {strides = array<i32>} : memref<256xf32, #tpu.memory_space<vmem>>, vector<16xf32>,
      %get3A_347 = arith.constant 192 : index
      %get3A_348 = tpu.vector_load %arg10[%get3A_347] {strides = array<i32>} : memref<256xf32, #tpu.memory_space<vmem>>, vector<16xf32>,
      %get3A_349 = arith.constant 64 : index
      %get3A_350 = tpu.vector_load %arg8[%get3A_349] {strides = array<i32>} : memref<1024xi32, #tpu.memory_space<vmem>>, vector<16xi32>,
      %gather3A_351 = tpu.vector_load_idx %arg9[%get3A_350] : memref<1000xf32, #tpu.memory_space<vmem>>[vector<16xi32>], vector<16xf32>,
      %get3A_352 = arith.constant 64 : index
      %get3A_353 = tpu.vector_load %arg12[%get3A_352] {strides = array<i32>} : memref<1024xf32, #tpu.memory_space<vmem>>, vector<16xf32>,
      %add3A_354 = arith.addf %get3A_346, %gather3A_351 : vector<16xf32>
      %sub3A_355 = arith.subf %add3A_354, %get3A_348 : vector<16xf32>
      %abs3A_356 = math.absf %sub3A_355 : vector<16xf32>
      %add3A_357 = arith.addf %get3A_353, %abs3A_356 : vector<16xf32>
      %swap3A_358 = arith.constant 64 : index
      %swap3A_359 = tpu.vector_load %arg12[%swap3A_358] {strides = array<i32>} : memref<1024xf32, #tpu.memory_space<vmem>>, vector<16xf32>,
      tpu.vector_store %arg12[%swap3A_358], %add3A_357 {strides = array<i32>} : memref<1024xf32, #tpu.memory_space<vmem>>, vector<16xf32>,
      %get3A_360 = arith.constant 80 : index
      %get3A_361 = tpu.vector_load %arg10[%get3A_360] {strides = array<i32>} : memref<256xf32, #tpu.memory_space<vmem>>, vector<16xf32>,
      %get3A_362 = arith.constant 208 : index
      %get3A_363 = tpu.vector_load %arg10[%get3A_362] {strides = array<i32>} : memref<256xf32, #tpu.memory_space<vmem>>, vector<16xf32>,
      %get3A_364 = arith.constant 80 : index
      %get3A_365 = tpu.vector_load %arg8[%get3A_364] {strides = array<i32>} : memref<1024xi32, #tpu.memory_space<vmem>>, vector<16xi32>,
      %gather3A_366 = tpu.vector_load_idx %arg9[%get3A_365] : memref<1000xf32, #tpu.memory_space<vmem>>[vector<16xi32>], vector<16xf32>,
      %get3A_367 = arith.constant 80 : index
      %get3A_368 = tpu.vector_load %arg12[%get3A_367] {strides = array<i32>} : memref<1024xf32, #tpu.memory_space<vmem>>, vector<16xf32>,
      %add3A_369 = arith.addf %get3A_361, %gather3A_366 : vector<16xf32>
      %sub3A_370 = arith.subf %add3A_369, %get3A_363 : vector<16xf32>
      %abs3A_371 = math.absf %sub3A_370 : vector<16xf32>
      %add3A_372 = arith.addf %get3A_368, %abs3A_371 : vector<16xf32>
      %swap3A_373 = arith.constant 80 : index
      %swap3A_374 = tpu.vector_load %arg12[%swap3A_373] {strides = array<i32>} : memref<1024xf32, #tpu.memory_space<vmem>>, vector<16xf32>,
      tpu.vector_store %arg12[%swap3A_373], %add3A_372 {strides = array<i32>} : memref<1024xf32, #tpu.memory_space<vmem>>, vector<16xf32>,
      %get3A_375 = arith.constant 96 : index
      %get3A_376 = tpu.vector_load %arg10[%get3A_375] {strides = array<i32>} : memref<256xf32, #tpu.memory_space<vmem>>, vector<16xf32>,
      %get3A_377 = arith.constant 224 : index
      %get3A_378 = tpu.vector_load %arg10[%get3A_377] {strides = array<i32>} : memref<256xf32, #tpu.memory_space<vmem>>, vector<16xf32>,
      %get3A_379 = arith.constant 96 : index
      %get3A_380 = tpu.vector_load %arg8[%get3A_379] {strides = array<i32>} : memref<1024xi32, #tpu.memory_space<vmem>>, vector<16xi32>,
      %gather3A_381 = tpu.vector_load_idx %arg9[%get3A_380] : memref<1000xf32, #tpu.memory_space<vmem>>[vector<16xi32>], vector<16xf32>,
      %get3A_382 = arith.constant 96 : index
      %get3A_383 = tpu.vector_load %arg12[%get3A_382] {strides = array<i32>} : memref<1024xf32, #tpu.memory_space<vmem>>, vector<16xf32>,
      %add3A_384 = arith.addf %get3A_376, %gather3A_381 : vector<16xf32>
      %sub3A_385 = arith.subf %add3A_384, %get3A_378 : vector<16xf32>
      %abs3A_386 = math.absf %sub3A_385 : vector<16xf32>
      %add3A_387 = arith.addf %get3A_383, %abs3A_386 : vector<16xf32>
      %swap3A_388 = arith.constant 96 : index
      %swap3A_389 = tpu.vector_load %arg12[%swap3A_388] {strides = array<i32>} : memref<1024xf32, #tpu.memory_space<vmem>>, vector<16xf32>,
      tpu.vector_store %arg12[%swap3A_388], %add3A_387 {strides = array<i32>} : memref<1024xf32, #tpu.memory_space<vmem>>, vector<16xf32>,
      %get3A_390 = arith.constant 112 : index
      %get3A_391 = tpu.vector_load %arg10[%get3A_390] {strides = array<i32>} : memref<256xf32, #tpu.memory_space<vmem>>, vector<16xf32>,
      %get3A_392 = arith.constant 240 : index
      %get3A_393 = tpu.vector_load %arg10[%get3A_392] {strides = array<i32>} : memref<256xf32, #tpu.memory_space<vmem>>, vector<16xf32>,
      %get3A_394 = arith.constant 112 : index
      %get3A_395 = tpu.vector_load %arg8[%get3A_394] {strides = array<i32>} : memref<1024xi32, #tpu.memory_space<vmem>>, vector<16xi32>,
      %gather3A_396 = tpu.vector_load_idx %arg9[%get3A_395] : memref<1000xf32, #tpu.memory_space<vmem>>[vector<16xi32>], vector<16xf32>,
      %get3A_397 = arith.constant 112 : index
      %get3A_398 = tpu.vector_load %arg12[%get3A_397] {strides = array<i32>} : memref<1024xf32, #tpu.memory_space<vmem>>, vector<16xf32>,
      %add3A_399 = arith.addf %get3A_391, %gather3A_396 : vector<16xf32>
      %sub3A_400 = arith.subf %add3A_399, %get3A_393 : vector<16xf32>
      %abs3A_401 = math.absf %sub3A_400 : vector<16xf32>
      %add3A_402 = arith.addf %get3A_398, %abs3A_401 : vector<16xf32>
      %swap3A_403 = arith.constant 112 : index
      %swap3A_404 = tpu.vector_load %arg12[%swap3A_403] {strides = array<i32>} : memref<1024xf32, #tpu.memory_space<vmem>>, vector<16xf32>,
      tpu.vector_store %arg12[%swap3A_403], %add3A_402 {strides = array<i32>} : memref<1024xf32, #tpu.memory_space<vmem>>, vector<16xf32>,
      %dma_start3A_405 = arith.constant 512 : i32
      %dma_start3A_406 = tpu.memref_slice %arg7[%dma_start3A_405] : memref<2048xi32, #tpu.memory_space<vmem>> -> memref<256xi32, #tpu.memory_space<vmem>>
      %dma_start3A_407 = arith.constant 0 : i32
      %dma_start3A_408 = tpu.memref_slice %arg13[%dma_start3A_407] : memref<1000000xf32, #tpu.memory_space<vmem_shared>> -> memref<1000000xf32, #tpu.memory_space<vmem_shared>>
      tpu.enqueue_indirect_dma source(%dma_start3A_408 : memref<1000000xf32, #tpu.memory_space<vmem_shared>>) target(%arg10 : memref<256xf32, #tpu.memory_space<vmem>>) offsets(%dma_start3A_406 : memref<256xi32, #tpu.memory_space<vmem>>) semaphore(%arg16 : memref<!tpu.dma_semaphore, #tpu.memory_space<semaphore_mem>>)
      %dma_wait3A_409 = arith.constant 256 : i32
      %dma_wait3A_410 = tpu.memref_slice %arg7[%dma_wait3A_409] : memref<2048xi32, #tpu.memory_space<vmem>> -> memref<256xi32, #tpu.memory_space<vmem>>
      %dma_wait3A_411 = arith.constant 0 : i32
      %dma_wait3A_412 = tpu.memref_slice %arg13[%dma_wait3A_411] : memref<1000000xf32, #tpu.memory_space<vmem_shared>> -> memref<1000000xf32, #tpu.memory_space<vmem_shared>>
      tpu.wait_indirect_dma semaphore(%arg16 : memref<!tpu.dma_semaphore, #tpu.memory_space<semaphore_mem>>) src(%dma_wait3A_412 : memref<1000000xf32, #tpu.memory_space<vmem_shared>>) dst(%arg11 : memref<256xf32, #tpu.memory_space<vmem>>)
      %get3A_413 = arith.constant 0 : index
      %get3A_414 = tpu.vector_load %arg11[%get3A_413] {strides = array<i32>} : memref<256xf32, #tpu.memory_space<vmem>>, vector<16xf32>,
      %get3A_415 = arith.constant 128 : index
      %get3A_416 = tpu.vector_load %arg11[%get3A_415] {strides = array<i32>} : memref<256xf32, #tpu.memory_space<vmem>>, vector<16xf32>,
      %get3A_417 = arith.constant 128 : index
      %get3A_418 = tpu.vector_load %arg8[%get3A_417] {strides = array<i32>} : memref<1024xi32, #tpu.memory_space<vmem>>, vector<16xi32>,
      %gather3A_419 = tpu.vector_load_idx %arg9[%get3A_418] : memref<1000xf32, #tpu.memory_space<vmem>>[vector<16xi32>], vector<16xf32>,
      %get3A_420 = arith.constant 128 : index
      %get3A_421 = tpu.vector_load %arg12[%get3A_420] {strides = array<i32>} : memref<1024xf32, #tpu.memory_space<vmem>>, vector<16xf32>,
      %add3A_422 = arith.addf %get3A_414, %gather3A_419 : vector<16xf32>
      %sub3A_423 = arith.subf %add3A_422, %get3A_416 : vector<16xf32>
      %abs3A_424 = math.absf %sub3A_423 : vector<16xf32>
      %add3A_425 = arith.addf %get3A_421, %abs3A_424 : vector<16xf32>
      %swap3A_426 = arith.constant 128 : index
      %swap3A_427 = tpu.vector_load %arg12[%swap3A_426] {strides = array<i32>} : memref<1024xf32, #tpu.memory_space<vmem>>, vector<16xf32>,
      tpu.vector_store %arg12[%swap3A_426], %add3A_425 {strides = array<i32>} : memref<1024xf32, #tpu.memory_space<vmem>>, vector<16xf32>,
      %get3A_428 = arith.constant 16 : index
      %get3A_429 = tpu.vector_load %arg11[%get3A_428] {strides = array<i32>} : memref<256xf32, #tpu.memory_space<vmem>>, vector<16xf32>,
      %get3A_430 = arith.constant 144 : index
      %get3A_431 = tpu.vector_load %arg11[%get3A_430] {strides = array<i32>} : memref<256xf32, #tpu.memory_space<vmem>>, vector<16xf32>,
      %get3A_432 = arith.constant 144 : index
      %get3A_433 = tpu.vector_load %arg8[%get3A_432] {strides = array<i32>} : memref<1024xi32, #tpu.memory_space<vmem>>, vector<16xi32>,
      %gather3A_434 = tpu.vector_load_idx %arg9[%get3A_433] : memref<1000xf32, #tpu.memory_space<vmem>>[vector<16xi32>], vector<16xf32>,
      %get3A_435 = arith.constant 144 : index
      %get3A_436 = tpu.vector_load %arg12[%get3A_435] {strides = array<i32>} : memref<1024xf32, #tpu.memory_space<vmem>>, vector<16xf32>,
      %add3A_437 = arith.addf %get3A_429, %gather3A_434 : vector<16xf32>
      %sub3A_438 = arith.subf %add3A_437, %get3A_431 : vector<16xf32>
      %abs3A_439 = math.absf %sub3A_438 : vector<16xf32>
      %add3A_440 = arith.addf %get3A_436, %abs3A_439 : vector<16xf32>
      %swap3A_441 = arith.constant 144 : index
      %swap3A_442 = tpu.vector_load %arg12[%swap3A_441] {strides = array<i32>} : memref<1024xf32, #tpu.memory_space<vmem>>, vector<16xf32>,
      tpu.vector_store %arg12[%swap3A_441], %add3A_440 {strides = array<i32>} : memref<1024xf32, #tpu.memory_space<vmem>>, vector<16xf32>,
      %get3A_443 = arith.constant 32 : index
      %get3A_444 = tpu.vector_load %arg11[%get3A_443] {strides = array<i32>} : memref<256xf32, #tpu.memory_space<vmem>>, vector<16xf32>,
      %get3A_445 = arith.constant 160 : index
      %get3A_446 = tpu.vector_load %arg11[%get3A_445] {strides = array<i32>} : memref<256xf32, #tpu.memory_space<vmem>>, vector<16xf32>,
      %get3A_447 = arith.constant 160 : index
      %get3A_448 = tpu.vector_load %arg8[%get3A_447] {strides = array<i32>} : memref<1024xi32, #tpu.memory_space<vmem>>, vector<16xi32>,
      %gather3A_449 = tpu.vector_load_idx %arg9[%get3A_448] : memref<1000xf32, #tpu.memory_space<vmem>>[vector<16xi32>], vector<16xf32>,
      %get3A_450 = arith.constant 160 : index
      %get3A_451 = tpu.vector_load %arg12[%get3A_450] {strides = array<i32>} : memref<1024xf32, #tpu.memory_space<vmem>>, vector<16xf32>,
      %add3A_452 = arith.addf %get3A_444, %gather3A_449 : vector<16xf32>
      %sub3A_453 = arith.subf %add3A_452, %get3A_446 : vector<16xf32>
      %abs3A_454 = math.absf %sub3A_453 : vector<16xf32>
      %add3A_455 = arith.addf %get3A_451, %abs3A_454 : vector<16xf32>
      %swap3A_456 = arith.constant 160 : index
      %swap3A_457 = tpu.vector_load %arg12[%swap3A_456] {strides = array<i32>} : memref<1024xf32, #tpu.memory_space<vmem>>, vector<16xf32>,
      tpu.vector_store %arg12[%swap3A_456], %add3A_455 {strides = array<i32>} : memref<1024xf32, #tpu.memory_space<vmem>>, vector<16xf32>,
      %get3A_458 = arith.constant 48 : index
      %get3A_459 = tpu.vector_load %arg11[%get3A_458] {strides = array<i32>} : memref<256xf32, #tpu.memory_space<vmem>>, vector<16xf32>,
      %get3A_460 = arith.constant 176 : index
      %get3A_461 = tpu.vector_load %arg11[%get3A_460] {strides = array<i32>} : memref<256xf32, #tpu.memory_space<vmem>>, vector<16xf32>,
      %get3A_462 = arith.constant 176 : index
      %get3A_463 = tpu.vector_load %arg8[%get3A_462] {strides = array<i32>} : memref<1024xi32, #tpu.memory_space<vmem>>, vector<16xi32>,
      %gather3A_464 = tpu.vector_load_idx %arg9[%get3A_463] : memref<1000xf32, #tpu.memory_space<vmem>>[vector<16xi32>], vector<16xf32>,
      %get3A_465 = arith.constant 176 : index
      %get3A_466 = tpu.vector_load %arg12[%get3A_465] {strides = array<i32>} : memref<1024xf32, #tpu.memory_space<vmem>>, vector<16xf32>,
      %add3A_467 = arith.addf %get3A_459, %gather3A_464 : vector<16xf32>
      %sub3A_468 = arith.subf %add3A_467, %get3A_461 : vector<16xf32>
      %abs3A_469 = math.absf %sub3A_468 : vector<16xf32>
      %add3A_470 = arith.addf %get3A_466, %abs3A_469 : vector<16xf32>
      %swap3A_471 = arith.constant 176 : index
      %swap3A_472 = tpu.vector_load %arg12[%swap3A_471] {strides = array<i32>} : memref<1024xf32, #tpu.memory_space<vmem>>, vector<16xf32>,
      tpu.vector_store %arg12[%swap3A_471], %add3A_470 {strides = array<i32>} : memref<1024xf32, #tpu.memory_space<vmem>>, vector<16xf32>,
      %get3A_473 = arith.constant 64 : index
      %get3A_474 = tpu.vector_load %arg11[%get3A_473] {strides = array<i32>} : memref<256xf32, #tpu.memory_space<vmem>>, vector<16xf32>,
      %get3A_475 = arith.constant 192 : index
      %get3A_476 = tpu.vector_load %arg11[%get3A_475] {strides = array<i32>} : memref<256xf32, #tpu.memory_space<vmem>>, vector<16xf32>,
      %get3A_477 = arith.constant 192 : index
      %get3A_478 = tpu.vector_load %arg8[%get3A_477] {strides = array<i32>} : memref<1024xi32, #tpu.memory_space<vmem>>, vector<16xi32>,
      %gather3A_479 = tpu.vector_load_idx %arg9[%get3A_478] : memref<1000xf32, #tpu.memory_space<vmem>>[vector<16xi32>], vector<16xf32>,
      %get3A_480 = arith.constant 192 : index
      %get3A_481 = tpu.vector_load %arg12[%get3A_480] {strides = array<i32>} : memref<1024xf32, #tpu.memory_space<vmem>>, vector<16xf32>,
      %add3A_482 = arith.addf %get3A_474, %gather3A_479 : vector<16xf32>
      %sub3A_483 = arith.subf %add3A_482, %get3A_476 : vector<16xf32>
      %abs3A_484 = math.absf %sub3A_483 : vector<16xf32>
      %add3A_485 = arith.addf %get3A_481, %abs3A_484 : vector<16xf32>
      %swap3A_486 = arith.constant 192 : index
      %swap3A_487 = tpu.vector_load %arg12[%swap3A_486] {strides = array<i32>} : memref<1024xf32, #tpu.memory_space<vmem>>, vector<16xf32>,
      tpu.vector_store %arg12[%swap3A_486], %add3A_485 {strides = array<i32>} : memref<1024xf32, #tpu.memory_space<vmem>>, vector<16xf32>,
      %get3A_488 = arith.constant 80 : index
      %get3A_489 = tpu.vector_load %arg11[%get3A_488] {strides = array<i32>} : memref<256xf32, #tpu.memory_space<vmem>>, vector<16xf32>,
      %get3A_490 = arith.constant 208 : index
      %get3A_491 = tpu.vector_load %arg11[%get3A_490] {strides = array<i32>} : memref<256xf32, #tpu.memory_space<vmem>>, vector<16xf32>,
      %get3A_492 = arith.constant 208 : index
      %get3A_493 = tpu.vector_load %arg8[%get3A_492] {strides = array<i32>} : memref<1024xi32, #tpu.memory_space<vmem>>, vector<16xi32>,
      %gather3A_494 = tpu.vector_load_idx %arg9[%get3A_493] : memref<1000xf32, #tpu.memory_space<vmem>>[vector<16xi32>], vector<16xf32>,
      %get3A_495 = arith.constant 208 : index
      %get3A_496 = tpu.vector_load %arg12[%get3A_495] {strides = array<i32>} : memref<1024xf32, #tpu.memory_space<vmem>>, vector<16xf32>,
      %add3A_497 = arith.addf %get3A_489, %gather3A_494 : vector<16xf32>
      %sub3A_498 = arith.subf %add3A_497, %get3A_491 : vector<16xf32>
      %abs3A_499 = math.absf %sub3A_498 : vector<16xf32>
      %add3A_500 = arith.addf %get3A_496, %abs3A_499 : vector<16xf32>
      %swap3A_501 = arith.constant 208 : index
      %swap3A_502 = tpu.vector_load %arg12[%swap3A_501] {strides = array<i32>} : memref<1024xf32, #tpu.memory_space<vmem>>, vector<16xf32>,
      tpu.vector_store %arg12[%swap3A_501], %add3A_500 {strides = array<i32>} : memref<1024xf32, #tpu.memory_space<vmem>>, vector<16xf32>,
      %get3A_503 = arith.constant 96 : index
      %get3A_504 = tpu.vector_load %arg11[%get3A_503] {strides = array<i32>} : memref<256xf32, #tpu.memory_space<vmem>>, vector<16xf32>,
      %get3A_505 = arith.constant 224 : index
      %get3A_506 = tpu.vector_load %arg11[%get3A_505] {strides = array<i32>} : memref<256xf32, #tpu.memory_space<vmem>>, vector<16xf32>,
      %get3A_507 = arith.constant 224 : index
      %get3A_508 = tpu.vector_load %arg8[%get3A_507] {strides = array<i32>} : memref<1024xi32, #tpu.memory_space<vmem>>, vector<16xi32>,
      %gather3A_509 = tpu.vector_load_idx %arg9[%get3A_508] : memref<1000xf32, #tpu.memory_space<vmem>>[vector<16xi32>], vector<16xf32>,
      %get3A_510 = arith.constant 224 : index
      %get3A_511 = tpu.vector_load %arg12[%get3A_510] {strides = array<i32>} : memref<1024xf32, #tpu.memory_space<vmem>>, vector<16xf32>,
      %add3A_512 = arith.addf %get3A_504, %gather3A_509 : vector<16xf32>
      %sub3A_513 = arith.subf %add3A_512, %get3A_506 : vector<16xf32>
      %abs3A_514 = math.absf %sub3A_513 : vector<16xf32>
      %add3A_515 = arith.addf %get3A_511, %abs3A_514 : vector<16xf32>
      %swap3A_516 = arith.constant 224 : index
      %swap3A_517 = tpu.vector_load %arg12[%swap3A_516] {strides = array<i32>} : memref<1024xf32, #tpu.memory_space<vmem>>, vector<16xf32>,
      tpu.vector_store %arg12[%swap3A_516], %add3A_515 {strides = array<i32>} : memref<1024xf32, #tpu.memory_space<vmem>>, vector<16xf32>,
      %get3A_518 = arith.constant 112 : index
      %get3A_519 = tpu.vector_load %arg11[%get3A_518] {strides = array<i32>} : memref<256xf32, #tpu.memory_space<vmem>>, vector<16xf32>,
      %get3A_520 = arith.constant 240 : index
      %get3A_521 = tpu.vector_load %arg11[%get3A_520] {strides = array<i32>} : memref<256xf32, #tpu.memory_space<vmem>>, vector<16xf32>,
      %get3A_522 = arith.constant 240 : index
      %get3A_523 = tpu.vector_load %arg8[%get3A_522] {strides = array<i32>} : memref<1024xi32, #tpu.memory_space<vmem>>, vector<16xi32>,
      %gather3A_524 = tpu.vector_load_idx %arg9[%get3A_523] : memref<1000xf32, #tpu.memory_space<vmem>>[vector<16xi32>], vector<16xf32>,
      %get3A_525 = arith.constant 240 : index
      %get3A_526 = tpu.vector_load %arg12[%get3A_525] {strides = array<i32>} : memref<1024xf32, #tpu.memory_space<vmem>>, vector<16xf32>,
      %add3A_527 = arith.addf %get3A_519, %gather3A_524 : vector<16xf32>
      %sub3A_528 = arith.subf %add3A_527, %get3A_521 : vector<16xf32>
      %abs3A_529 = math.absf %sub3A_528 : vector<16xf32>
      %add3A_530 = arith.addf %get3A_526, %abs3A_529 : vector<16xf32>
      %swap3A_531 = arith.constant 240 : index
      %swap3A_532 = tpu.vector_load %arg12[%swap3A_531] {strides = array<i32>} : memref<1024xf32, #tpu.memory_space<vmem>>, vector<16xf32>,
      tpu.vector_store %arg12[%swap3A_531], %add3A_530 {strides = array<i32>} : memref<1024xf32, #tpu.memory_space<vmem>>, vector<16xf32>,
      %dma_start3A_533 = arith.constant 768 : i32
      %dma_start3A_534 = tpu.memref_slice %arg7[%dma_start3A_533] : memref<2048xi32, #tpu.memory_space<vmem>> -> memref<256xi32, #tpu.memory_space<vmem>>
      %dma_start3A_535 = arith.constant 0 : i32
      %dma_start3A_536 = tpu.memref_slice %arg13[%dma_start3A_535] : memref<1000000xf32, #tpu.memory_space<vmem_shared>> -> memref<1000000xf32, #tpu.memory_space<vmem_shared>>
      tpu.enqueue_indirect_dma source(%dma_start3A_536 : memref<1000000xf32, #tpu.memory_space<vmem_shared>>) target(%arg11 : memref<256xf32, #tpu.memory_space<vmem>>) offsets(%dma_start3A_534 : memref<256xi32, #tpu.memory_space<vmem>>) semaphore(%arg16 : memref<!tpu.dma_semaphore, #tpu.memory_space<semaphore_mem>>)
      %dma_wait3A_537 = arith.constant 512 : i32
      %dma_wait3A_538 = tpu.memref_slice %arg7[%dma_wait3A_537] : memref<2048xi32, #tpu.memory_space<vmem>> -> memref<256xi32, #tpu.memory_space<vmem>>
      %dma_wait3A_539 = arith.constant 0 : i32
      %dma_wait3A_540 = tpu.memref_slice %arg13[%dma_wait3A_539] : memref<1000000xf32, #tpu.memory_space<vmem_shared>> -> memref<1000000xf32, #tpu.memory_space<vmem_shared>>
      tpu.wait_indirect_dma semaphore(%arg16 : memref<!tpu.dma_semaphore, #tpu.memory_space<semaphore_mem>>) src(%dma_wait3A_540 : memref<1000000xf32, #tpu.memory_space<vmem_shared>>) dst(%arg10 : memref<256xf32, #tpu.memory_space<vmem>>)
      %get3A_541 = arith.constant 0 : index
      %get3A_542 = tpu.vector_load %arg10[%get3A_541] {strides = array<i32>} : memref<256xf32, #tpu.memory_space<vmem>>, vector<16xf32>,
      %get3A_543 = arith.constant 128 : index
      %get3A_544 = tpu.vector_load %arg10[%get3A_543] {strides = array<i32>} : memref<256xf32, #tpu.memory_space<vmem>>, vector<16xf32>,
      %get3A_545 = arith.constant 256 : index
      %get3A_546 = tpu.vector_load %arg8[%get3A_545] {strides = array<i32>} : memref<1024xi32, #tpu.memory_space<vmem>>, vector<16xi32>,
      %gather3A_547 = tpu.vector_load_idx %arg9[%get3A_546] : memref<1000xf32, #tpu.memory_space<vmem>>[vector<16xi32>], vector<16xf32>,
      %get3A_548 = arith.constant 256 : index
      %get3A_549 = tpu.vector_load %arg12[%get3A_548] {strides = array<i32>} : memref<1024xf32, #tpu.memory_space<vmem>>, vector<16xf32>,
      %add3A_550 = arith.addf %get3A_542, %gather3A_547 : vector<16xf32>
      %sub3A_551 = arith.subf %add3A_550, %get3A_544 : vector<16xf32>
      %abs3A_552 = math.absf %sub3A_551 : vector<16xf32>
      %add3A_553 = arith.addf %get3A_549, %abs3A_552 : vector<16xf32>
      %swap3A_554 = arith.constant 256 : index
      %swap3A_555 = tpu.vector_load %arg12[%swap3A_554] {strides = array<i32>} : memref<1024xf32, #tpu.memory_space<vmem>>, vector<16xf32>,
      tpu.vector_store %arg12[%swap3A_554], %add3A_553 {strides = array<i32>} : memref<1024xf32, #tpu.memory_space<vmem>>, vector<16xf32>,
      %get3A_556 = arith.constant 16 : index
      %get3A_557 = tpu.vector_load %arg10[%get3A_556] {strides = array<i32>} : memref<256xf32, #tpu.memory_space<vmem>>, vector<16xf32>,
      %get3A_558 = arith.constant 144 : index
      %get3A_559 = tpu.vector_load %arg10[%get3A_558] {strides = array<i32>} : memref<256xf32, #tpu.memory_space<vmem>>, vector<16xf32>,
      %get3A_560 = arith.constant 272 : index
      %get3A_561 = tpu.vector_load %arg8[%get3A_560] {strides = array<i32>} : memref<1024xi32, #tpu.memory_space<vmem>>, vector<16xi32>,
      %gather3A_562 = tpu.vector_load_idx %arg9[%get3A_561] : memref<1000xf32, #tpu.memory_space<vmem>>[vector<16xi32>], vector<16xf32>,
      %get3A_563 = arith.constant 272 : index
      %get3A_564 = tpu.vector_load %arg12[%get3A_563] {strides = array<i32>} : memref<1024xf32, #tpu.memory_space<vmem>>, vector<16xf32>,
      %add3A_565 = arith.addf %get3A_557, %gather3A_562 : vector<16xf32>
      %sub3A_566 = arith.subf %add3A_565, %get3A_559 : vector<16xf32>
      %abs3A_567 = math.absf %sub3A_566 : vector<16xf32>
      %add3A_568 = arith.addf %get3A_564, %abs3A_567 : vector<16xf32>
      %swap3A_569 = arith.constant 272 : index
      %swap3A_570 = tpu.vector_load %arg12[%swap3A_569] {strides = array<i32>} : memref<1024xf32, #tpu.memory_space<vmem>>, vector<16xf32>,
      tpu.vector_store %arg12[%swap3A_569], %add3A_568 {strides = array<i32>} : memref<1024xf32, #tpu.memory_space<vmem>>, vector<16xf32>,
      %get3A_571 = arith.constant 32 : index
      %get3A_572 = tpu.vector_load %arg10[%get3A_571] {strides = array<i32>} : memref<256xf32, #tpu.memory_space<vmem>>, vector<16xf32>,
      %get3A_573 = arith.constant 160 : index
      %get3A_574 = tpu.vector_load %arg10[%get3A_573] {strides = array<i32>} : memref<256xf32, #tpu.memory_space<vmem>>, vector<16xf32>,
      %get3A_575 = arith.constant 288 : index
      %get3A_576 = tpu.vector_load %arg8[%get3A_575] {strides = array<i32>} : memref<1024xi32, #tpu.memory_space<vmem>>, vector<16xi32>,
      %gather3A_577 = tpu.vector_load_idx %arg9[%get3A_576] : memref<1000xf32, #tpu.memory_space<vmem>>[vector<16xi32>], vector<16xf32>,
      %get3A_578 = arith.constant 288 : index
      %get3A_579 = tpu.vector_load %arg12[%get3A_578] {strides = array<i32>} : memref<1024xf32, #tpu.memory_space<vmem>>, vector<16xf32>,
      %add3A_580 = arith.addf %get3A_572, %gather3A_577 : vector<16xf32>
      %sub3A_581 = arith.subf %add3A_580, %get3A_574 : vector<16xf32>
      %abs3A_582 = math.absf %sub3A_581 : vector<16xf32>
      %add3A_583 = arith.addf %get3A_579, %abs3A_582 : vector<16xf32>
      %swap3A_584 = arith.constant 288 : index
      %swap3A_585 = tpu.vector_load %arg12[%swap3A_584] {strides = array<i32>} : memref<1024xf32, #tpu.memory_space<vmem>>, vector<16xf32>,
      tpu.vector_store %arg12[%swap3A_584], %add3A_583 {strides = array<i32>} : memref<1024xf32, #tpu.memory_space<vmem>>, vector<16xf32>,
      %get3A_586 = arith.constant 48 : index
      %get3A_587 = tpu.vector_load %arg10[%get3A_586] {strides = array<i32>} : memref<256xf32, #tpu.memory_space<vmem>>, vector<16xf32>,
      %get3A_588 = arith.constant 176 : index
      %get3A_589 = tpu.vector_load %arg10[%get3A_588] {strides = array<i32>} : memref<256xf32, #tpu.memory_space<vmem>>, vector<16xf32>,
      %get3A_590 = arith.constant 304 : index
      %get3A_591 = tpu.vector_load %arg8[%get3A_590] {strides = array<i32>} : memref<1024xi32, #tpu.memory_space<vmem>>, vector<16xi32>,
      %gather3A_592 = tpu.vector_load_idx %arg9[%get3A_591] : memref<1000xf32, #tpu.memory_space<vmem>>[vector<16xi32>], vector<16xf32>,
      %get3A_593 = arith.constant 304 : index
      %get3A_594 = tpu.vector_load %arg12[%get3A_593] {strides = array<i32>} : memref<1024xf32, #tpu.memory_space<vmem>>, vector<16xf32>,
      %add3A_595 = arith.addf %get3A_587, %gather3A_592 : vector<16xf32>
      %sub3A_596 = arith.subf %add3A_595, %get3A_589 : vector<16xf32>
      %abs3A_597 = math.absf %sub3A_596 : vector<16xf32>
      %add3A_598 = arith.addf %get3A_594, %abs3A_597 : vector<16xf32>
      %swap3A_599 = arith.constant 304 : index
      %swap3A_600 = tpu.vector_load %arg12[%swap3A_599] {strides = array<i32>} : memref<1024xf32, #tpu.memory_space<vmem>>, vector<16xf32>,
      tpu.vector_store %arg12[%swap3A_599], %add3A_598 {strides = array<i32>} : memref<1024xf32, #tpu.memory_space<vmem>>, vector<16xf32>,
      %get3A_601 = arith.constant 64 : index
      %get3A_602 = tpu.vector_load %arg10[%get3A_601] {strides = array<i32>} : memref<256xf32, #tpu.memory_space<vmem>>, vector<16xf32>,
      %get3A_603 = arith.constant 192 : index
      %get3A_604 = tpu.vector_load %arg10[%get3A_603] {strides = array<i32>} : memref<256xf32, #tpu.memory_space<vmem>>, vector<16xf32>,
      %get3A_605 = arith.constant 320 : index
      %get3A_606 = tpu.vector_load %arg8[%get3A_605] {strides = array<i32>} : memref<1024xi32, #tpu.memory_space<vmem>>, vector<16xi32>,
      %gather3A_607 = tpu.vector_load_idx %arg9[%get3A_606] : memref<1000xf32, #tpu.memory_space<vmem>>[vector<16xi32>], vector<16xf32>,
      %get3A_608 = arith.constant 320 : index
      %get3A_609 = tpu.vector_load %arg12[%get3A_608] {strides = array<i32>} : memref<1024xf32, #tpu.memory_space<vmem>>, vector<16xf32>,
      %add3A_610 = arith.addf %get3A_602, %gather3A_607 : vector<16xf32>
      %sub3A_611 = arith.subf %add3A_610, %get3A_604 : vector<16xf32>
      %abs3A_612 = math.absf %sub3A_611 : vector<16xf32>
      %add3A_613 = arith.addf %get3A_609, %abs3A_612 : vector<16xf32>
      %swap3A_614 = arith.constant 320 : index
      %swap3A_615 = tpu.vector_load %arg12[%swap3A_614] {strides = array<i32>} : memref<1024xf32, #tpu.memory_space<vmem>>, vector<16xf32>,
      tpu.vector_store %arg12[%swap3A_614], %add3A_613 {strides = array<i32>} : memref<1024xf32, #tpu.memory_space<vmem>>, vector<16xf32>,
      %get3A_616 = arith.constant 80 : index
      %get3A_617 = tpu.vector_load %arg10[%get3A_616] {strides = array<i32>} : memref<256xf32, #tpu.memory_space<vmem>>, vector<16xf32>,
      %get3A_618 = arith.constant 208 : index
      %get3A_619 = tpu.vector_load %arg10[%get3A_618] {strides = array<i32>} : memref<256xf32, #tpu.memory_space<vmem>>, vector<16xf32>,
      %get3A_620 = arith.constant 336 : index
      %get3A_621 = tpu.vector_load %arg8[%get3A_620] {strides = array<i32>} : memref<1024xi32, #tpu.memory_space<vmem>>, vector<16xi32>,
      %gather3A_622 = tpu.vector_load_idx %arg9[%get3A_621] : memref<1000xf32, #tpu.memory_space<vmem>>[vector<16xi32>], vector<16xf32>,
      %get3A_623 = arith.constant 336 : index
      %get3A_624 = tpu.vector_load %arg12[%get3A_623] {strides = array<i32>} : memref<1024xf32, #tpu.memory_space<vmem>>, vector<16xf32>,
      %add3A_625 = arith.addf %get3A_617, %gather3A_622 : vector<16xf32>
      %sub3A_626 = arith.subf %add3A_625, %get3A_619 : vector<16xf32>
      %abs3A_627 = math.absf %sub3A_626 : vector<16xf32>
      %add3A_628 = arith.addf %get3A_624, %abs3A_627 : vector<16xf32>
      %swap3A_629 = arith.constant 336 : index
      %swap3A_630 = tpu.vector_load %arg12[%swap3A_629] {strides = array<i32>} : memref<1024xf32, #tpu.memory_space<vmem>>, vector<16xf32>,
      tpu.vector_store %arg12[%swap3A_629], %add3A_628 {strides = array<i32>} : memref<1024xf32, #tpu.memory_space<vmem>>, vector<16xf32>,
      %get3A_631 = arith.constant 96 : index
      %get3A_632 = tpu.vector_load %arg10[%get3A_631] {strides = array<i32>} : memref<256xf32, #tpu.memory_space<vmem>>, vector<16xf32>,
      %get3A_633 = arith.constant 224 : index
      %get3A_634 = tpu.vector_load %arg10[%get3A_633] {strides = array<i32>} : memref<256xf32, #tpu.memory_space<vmem>>, vector<16xf32>,
      %get3A_635 = arith.constant 352 : index
      %get3A_636 = tpu.vector_load %arg8[%get3A_635] {strides = array<i32>} : memref<1024xi32, #tpu.memory_space<vmem>>, vector<16xi32>,
      %gather3A_637 = tpu.vector_load_idx %arg9[%get3A_636] : memref<1000xf32, #tpu.memory_space<vmem>>[vector<16xi32>], vector<16xf32>,
      %get3A_638 = arith.constant 352 : index
      %get3A_639 = tpu.vector_load %arg12[%get3A_638] {strides = array<i32>} : memref<1024xf32, #tpu.memory_space<vmem>>, vector<16xf32>,
      %add3A_640 = arith.addf %get3A_632, %gather3A_637 : vector<16xf32>
      %sub3A_641 = arith.subf %add3A_640, %get3A_634 : vector<16xf32>
      %abs3A_642 = math.absf %sub3A_641 : vector<16xf32>
      %add3A_643 = arith.addf %get3A_639, %abs3A_642 : vector<16xf32>
      %swap3A_644 = arith.constant 352 : index
      %swap3A_645 = tpu.vector_load %arg12[%swap3A_644] {strides = array<i32>} : memref<1024xf32, #tpu.memory_space<vmem>>, vector<16xf32>,
      tpu.vector_store %arg12[%swap3A_644], %add3A_643 {strides = array<i32>} : memref<1024xf32, #tpu.memory_space<vmem>>, vector<16xf32>,
      %get3A_646 = arith.constant 112 : index
      %get3A_647 = tpu.vector_load %arg10[%get3A_646] {strides = array<i32>} : memref<256xf32, #tpu.memory_space<vmem>>, vector<16xf32>,
      %get3A_648 = arith.constant 240 : index
      %get3A_649 = tpu.vector_load %arg10[%get3A_648] {strides = array<i32>} : memref<256xf32, #tpu.memory_space<vmem>>, vector<16xf32>,
      %get3A_650 = arith.constant 368 : index
      %get3A_651 = tpu.vector_load %arg8[%get3A_650] {strides = array<i32>} : memref<1024xi32, #tpu.memory_space<vmem>>, vector<16xi32>,
      %gather3A_652 = tpu.vector_load_idx %arg9[%get3A_651] : memref<1000xf32, #tpu.memory_space<vmem>>[vector<16xi32>], vector<16xf32>,
      %get3A_653 = arith.constant 368 : index
      %get3A_654 = tpu.vector_load %arg12[%get3A_653] {strides = array<i32>} : memref<1024xf32, #tpu.memory_space<vmem>>, vector<16xf32>,
      %add3A_655 = arith.addf %get3A_647, %gather3A_652 : vector<16xf32>
      %sub3A_656 = arith.subf %add3A_655, %get3A_649 : vector<16xf32>
      %abs3A_657 = math.absf %sub3A_656 : vector<16xf32>
      %add3A_658 = arith.addf %get3A_654, %abs3A_657 : vector<16xf32>
      %swap3A_659 = arith.constant 368 : index
      %swap3A_660 = tpu.vector_load %arg12[%swap3A_659] {strides = array<i32>} : memref<1024xf32, #tpu.memory_space<vmem>>, vector<16xf32>,
      tpu.vector_store %arg12[%swap3A_659], %add3A_658 {strides = array<i32>} : memref<1024xf32, #tpu.memory_space<vmem>>, vector<16xf32>,
      %dma_start3A_661 = arith.constant 1024 : i32
      %dma_start3A_662 = tpu.memref_slice %arg7[%dma_start3A_661] : memref<2048xi32, #tpu.memory_space<vmem>> -> memref<256xi32, #tpu.memory_space<vmem>>
      %dma_start3A_663 = arith.constant 0 : i32
      %dma_start3A_664 = tpu.memref_slice %arg13[%dma_start3A_663] : memref<1000000xf32, #tpu.memory_space<vmem_shared>> -> memref<1000000xf32, #tpu.memory_space<vmem_shared>>
      tpu.enqueue_indirect_dma source(%dma_start3A_664 : memref<1000000xf32, #tpu.memory_space<vmem_shared>>) target(%arg10 : memref<256xf32, #tpu.memory_space<vmem>>) offsets(%dma_start3A_662 : memref<256xi32, #tpu.memory_space<vmem>>) semaphore(%arg16 : memref<!tpu.dma_semaphore, #tpu.memory_space<semaphore_mem>>)
      %dma_wait3A_665 = arith.constant 768 : i32
      %dma_wait3A_666 = tpu.memref_slice %arg7[%dma_wait3A_665] : memref<2048xi32, #tpu.memory_space<vmem>> -> memref<256xi32, #tpu.memory_space<vmem>>
      %dma_wait3A_667 = arith.constant 0 : i32
      %dma_wait3A_668 = tpu.memref_slice %arg13[%dma_wait3A_667] : memref<1000000xf32, #tpu.memory_space<vmem_shared>> -> memref<1000000xf32, #tpu.memory_space<vmem_shared>>
      tpu.wait_indirect_dma semaphore(%arg16 : memref<!tpu.dma_semaphore, #tpu.memory_space<semaphore_mem>>) src(%dma_wait3A_668 : memref<1000000xf32, #tpu.memory_space<vmem_shared>>) dst(%arg11 : memref<256xf32, #tpu.memory_space<vmem>>)
      %get3A_669 = arith.constant 0 : index
      %get3A_670 = tpu.vector_load %arg11[%get3A_669] {strides = array<i32>} : memref<256xf32, #tpu.memory_space<vmem>>, vector<16xf32>,
      %get3A_671 = arith.constant 128 : index
      %get3A_672 = tpu.vector_load %arg11[%get3A_671] {strides = array<i32>} : memref<256xf32, #tpu.memory_space<vmem>>, vector<16xf32>,
      %get3A_673 = arith.constant 384 : index
      %get3A_674 = tpu.vector_load %arg8[%get3A_673] {strides = array<i32>} : memref<1024xi32, #tpu.memory_space<vmem>>, vector<16xi32>,
      %gather3A_675 = tpu.vector_load_idx %arg9[%get3A_674] : memref<1000xf32, #tpu.memory_space<vmem>>[vector<16xi32>], vector<16xf32>,
      %get3A_676 = arith.constant 384 : index
      %get3A_677 = tpu.vector_load %arg12[%get3A_676] {strides = array<i32>} : memref<1024xf32, #tpu.memory_space<vmem>>, vector<16xf32>,
      %add3A_678 = arith.addf %get3A_670, %gather3A_675 : vector<16xf32>
      %sub3A_679 = arith.subf %add3A_678, %get3A_672 : vector<16xf32>
      %abs3A_680 = math.absf %sub3A_679 : vector<16xf32>
      %add3A_681 = arith.addf %get3A_677, %abs3A_680 : vector<16xf32>
      %swap3A_682 = arith.constant 384 : index
      %swap3A_683 = tpu.vector_load %arg12[%swap3A_682] {strides = array<i32>} : memref<1024xf32, #tpu.memory_space<vmem>>, vector<16xf32>,
      tpu.vector_store %arg12[%swap3A_682], %add3A_681 {strides = array<i32>} : memref<1024xf32, #tpu.memory_space<vmem>>, vector<16xf32>,
      %get3A_684 = arith.constant 16 : index
      %get3A_685 = tpu.vector_load %arg11[%get3A_684] {strides = array<i32>} : memref<256xf32, #tpu.memory_space<vmem>>, vector<16xf32>,
      %get3A_686 = arith.constant 144 : index
      %get3A_687 = tpu.vector_load %arg11[%get3A_686] {strides = array<i32>} : memref<256xf32, #tpu.memory_space<vmem>>, vector<16xf32>,
      %get3A_688 = arith.constant 400 : index
      %get3A_689 = tpu.vector_load %arg8[%get3A_688] {strides = array<i32>} : memref<1024xi32, #tpu.memory_space<vmem>>, vector<16xi32>,
      %gather3A_690 = tpu.vector_load_idx %arg9[%get3A_689] : memref<1000xf32, #tpu.memory_space<vmem>>[vector<16xi32>], vector<16xf32>,
      %get3A_691 = arith.constant 400 : index
      %get3A_692 = tpu.vector_load %arg12[%get3A_691] {strides = array<i32>} : memref<1024xf32, #tpu.memory_space<vmem>>, vector<16xf32>,
      %add3A_693 = arith.addf %get3A_685, %gather3A_690 : vector<16xf32>
      %sub3A_694 = arith.subf %add3A_693, %get3A_687 : vector<16xf32>
      %abs3A_695 = math.absf %sub3A_694 : vector<16xf32>
      %add3A_696 = arith.addf %get3A_692, %abs3A_695 : vector<16xf32>
      %swap3A_697 = arith.constant 400 : index
      %swap3A_698 = tpu.vector_load %arg12[%swap3A_697] {strides = array<i32>} : memref<1024xf32, #tpu.memory_space<vmem>>, vector<16xf32>,
      tpu.vector_store %arg12[%swap3A_697], %add3A_696 {strides = array<i32>} : memref<1024xf32, #tpu.memory_space<vmem>>, vector<16xf32>,
      %get3A_699 = arith.constant 32 : index
      %get3A_700 = tpu.vector_load %arg11[%get3A_699] {strides = array<i32>} : memref<256xf32, #tpu.memory_space<vmem>>, vector<16xf32>,
      %get3A_701 = arith.constant 160 : index
      %get3A_702 = tpu.vector_load %arg11[%get3A_701] {strides = array<i32>} : memref<256xf32, #tpu.memory_space<vmem>>, vector<16xf32>,
      %get3A_703 = arith.constant 416 : index
      %get3A_704 = tpu.vector_load %arg8[%get3A_703] {strides = array<i32>} : memref<1024xi32, #tpu.memory_space<vmem>>, vector<16xi32>,
      %gather3A_705 = tpu.vector_load_idx %arg9[%get3A_704] : memref<1000xf32, #tpu.memory_space<vmem>>[vector<16xi32>], vector<16xf32>,
      %get3A_706 = arith.constant 416 : index
      %get3A_707 = tpu.vector_load %arg12[%get3A_706] {strides = array<i32>} : memref<1024xf32, #tpu.memory_space<vmem>>, vector<16xf32>,
      %add3A_708 = arith.addf %get3A_700, %gather3A_705 : vector<16xf32>
      %sub3A_709 = arith.subf %add3A_708, %get3A_702 : vector<16xf32>
      %abs3A_710 = math.absf %sub3A_709 : vector<16xf32>
      %add3A_711 = arith.addf %get3A_707, %abs3A_710 : vector<16xf32>
      %swap3A_712 = arith.constant 416 : index
      %swap3A_713 = tpu.vector_load %arg12[%swap3A_712] {strides = array<i32>} : memref<1024xf32, #tpu.memory_space<vmem>>, vector<16xf32>,
      tpu.vector_store %arg12[%swap3A_712], %add3A_711 {strides = array<i32>} : memref<1024xf32, #tpu.memory_space<vmem>>, vector<16xf32>,
      %get3A_714 = arith.constant 48 : index
      %get3A_715 = tpu.vector_load %arg11[%get3A_714] {strides = array<i32>} : memref<256xf32, #tpu.memory_space<vmem>>, vector<16xf32>,
      %get3A_716 = arith.constant 176 : index
      %get3A_717 = tpu.vector_load %arg11[%get3A_716] {strides = array<i32>} : memref<256xf32, #tpu.memory_space<vmem>>, vector<16xf32>,
      %get3A_718 = arith.constant 432 : index
      %get3A_719 = tpu.vector_load %arg8[%get3A_718] {strides = array<i32>} : memref<1024xi32, #tpu.memory_space<vmem>>, vector<16xi32>,
      %gather3A_720 = tpu.vector_load_idx %arg9[%get3A_719] : memref<1000xf32, #tpu.memory_space<vmem>>[vector<16xi32>], vector<16xf32>,
      %get3A_721 = arith.constant 432 : index
      %get3A_722 = tpu.vector_load %arg12[%get3A_721] {strides = array<i32>} : memref<1024xf32, #tpu.memory_space<vmem>>, vector<16xf32>,
      %add3A_723 = arith.addf %get3A_715, %gather3A_720 : vector<16xf32>
      %sub3A_724 = arith.subf %add3A_723, %get3A_717 : vector<16xf32>
      %abs3A_725 = math.absf %sub3A_724 : vector<16xf32>
      %add3A_726 = arith.addf %get3A_722, %abs3A_725 : vector<16xf32>
      %swap3A_727 = arith.constant 432 : index
      %swap3A_728 = tpu.vector_load %arg12[%swap3A_727] {strides = array<i32>} : memref<1024xf32, #tpu.memory_space<vmem>>, vector<16xf32>,
      tpu.vector_store %arg12[%swap3A_727], %add3A_726 {strides = array<i32>} : memref<1024xf32, #tpu.memory_space<vmem>>, vector<16xf32>,
      %get3A_729 = arith.constant 64 : index
      %get3A_730 = tpu.vector_load %arg11[%get3A_729] {strides = array<i32>} : memref<256xf32, #tpu.memory_space<vmem>>, vector<16xf32>,
      %get3A_731 = arith.constant 192 : index
      %get3A_732 = tpu.vector_load %arg11[%get3A_731] {strides = array<i32>} : memref<256xf32, #tpu.memory_space<vmem>>, vector<16xf32>,
      %get3A_733 = arith.constant 448 : index
      %get3A_734 = tpu.vector_load %arg8[%get3A_733] {strides = array<i32>} : memref<1024xi32, #tpu.memory_space<vmem>>, vector<16xi32>,
      %gather3A_735 = tpu.vector_load_idx %arg9[%get3A_734] : memref<1000xf32, #tpu.memory_space<vmem>>[vector<16xi32>], vector<16xf32>,
      %get3A_736 = arith.constant 448 : index
      %get3A_737 = tpu.vector_load %arg12[%get3A_736] {strides = array<i32>} : memref<1024xf32, #tpu.memory_space<vmem>>, vector<16xf32>,
      %add3A_738 = arith.addf %get3A_730, %gather3A_735 : vector<16xf32>
      %sub3A_739 = arith.subf %add3A_738, %get3A_732 : vector<16xf32>
      %abs3A_740 = math.absf %sub3A_739 : vector<16xf32>
      %add3A_741 = arith.addf %get3A_737, %abs3A_740 : vector<16xf32>
      %swap3A_742 = arith.constant 448 : index
      %swap3A_743 = tpu.vector_load %arg12[%swap3A_742] {strides = array<i32>} : memref<1024xf32, #tpu.memory_space<vmem>>, vector<16xf32>,
      tpu.vector_store %arg12[%swap3A_742], %add3A_741 {strides = array<i32>} : memref<1024xf32, #tpu.memory_space<vmem>>, vector<16xf32>,
      %get3A_744 = arith.constant 80 : index
      %get3A_745 = tpu.vector_load %arg11[%get3A_744] {strides = array<i32>} : memref<256xf32, #tpu.memory_space<vmem>>, vector<16xf32>,
      %get3A_746 = arith.constant 208 : index
      %get3A_747 = tpu.vector_load %arg11[%get3A_746] {strides = array<i32>} : memref<256xf32, #tpu.memory_space<vmem>>, vector<16xf32>,
      %get3A_748 = arith.constant 464 : index
      %get3A_749 = tpu.vector_load %arg8[%get3A_748] {strides = array<i32>} : memref<1024xi32, #tpu.memory_space<vmem>>, vector<16xi32>,
      %gather3A_750 = tpu.vector_load_idx %arg9[%get3A_749] : memref<1000xf32, #tpu.memory_space<vmem>>[vector<16xi32>], vector<16xf32>,
      %get3A_751 = arith.constant 464 : index
      %get3A_752 = tpu.vector_load %arg12[%get3A_751] {strides = array<i32>} : memref<1024xf32, #tpu.memory_space<vmem>>, vector<16xf32>,
      %add3A_753 = arith.addf %get3A_745, %gather3A_750 : vector<16xf32>
      %sub3A_754 = arith.subf %add3A_753, %get3A_747 : vector<16xf32>
      %abs3A_755 = math.absf %sub3A_754 : vector<16xf32>
      %add3A_756 = arith.addf %get3A_752, %abs3A_755 : vector<16xf32>
      %swap3A_757 = arith.constant 464 : index
      %swap3A_758 = tpu.vector_load %arg12[%swap3A_757] {strides = array<i32>} : memref<1024xf32, #tpu.memory_space<vmem>>, vector<16xf32>,
      tpu.vector_store %arg12[%swap3A_757], %add3A_756 {strides = array<i32>} : memref<1024xf32, #tpu.memory_space<vmem>>, vector<16xf32>,
      %get3A_759 = arith.constant 96 : index
      %get3A_760 = tpu.vector_load %arg11[%get3A_759] {strides = array<i32>} : memref<256xf32, #tpu.memory_space<vmem>>, vector<16xf32>,
      %get3A_761 = arith.constant 224 : index
      %get3A_762 = tpu.vector_load %arg11[%get3A_761] {strides = array<i32>} : memref<256xf32, #tpu.memory_space<vmem>>, vector<16xf32>,
      %get3A_763 = arith.constant 480 : index
      %get3A_764 = tpu.vector_load %arg8[%get3A_763] {strides = array<i32>} : memref<1024xi32, #tpu.memory_space<vmem>>, vector<16xi32>,
      %gather3A_765 = tpu.vector_load_idx %arg9[%get3A_764] : memref<1000xf32, #tpu.memory_space<vmem>>[vector<16xi32>], vector<16xf32>,
      %get3A_766 = arith.constant 480 : index
      %get3A_767 = tpu.vector_load %arg12[%get3A_766] {strides = array<i32>} : memref<1024xf32, #tpu.memory_space<vmem>>, vector<16xf32>,
      %add3A_768 = arith.addf %get3A_760, %gather3A_765 : vector<16xf32>
      %sub3A_769 = arith.subf %add3A_768, %get3A_762 : vector<16xf32>
      %abs3A_770 = math.absf %sub3A_769 : vector<16xf32>
      %add3A_771 = arith.addf %get3A_767, %abs3A_770 : vector<16xf32>
      %swap3A_772 = arith.constant 480 : index
      %swap3A_773 = tpu.vector_load %arg12[%swap3A_772] {strides = array<i32>} : memref<1024xf32, #tpu.memory_space<vmem>>, vector<16xf32>,
      tpu.vector_store %arg12[%swap3A_772], %add3A_771 {strides = array<i32>} : memref<1024xf32, #tpu.memory_space<vmem>>, vector<16xf32>,
      %get3A_774 = arith.constant 112 : index
      %get3A_775 = tpu.vector_load %arg11[%get3A_774] {strides = array<i32>} : memref<256xf32, #tpu.memory_space<vmem>>, vector<16xf32>,
      %get3A_776 = arith.constant 240 : index
      %get3A_777 = tpu.vector_load %arg11[%get3A_776] {strides = array<i32>} : memref<256xf32, #tpu.memory_space<vmem>>, vector<16xf32>,
      %get3A_778 = arith.constant 496 : index
      %get3A_779 = tpu.vector_load %arg8[%get3A_778] {strides = array<i32>} : memref<1024xi32, #tpu.memory_space<vmem>>, vector<16xi32>,
      %gather3A_780 = tpu.vector_load_idx %arg9[%get3A_779] : memref<1000xf32, #tpu.memory_space<vmem>>[vector<16xi32>], vector<16xf32>,
      %get3A_781 = arith.constant 496 : index
      %get3A_782 = tpu.vector_load %arg12[%get3A_781] {strides = array<i32>} : memref<1024xf32, #tpu.memory_space<vmem>>, vector<16xf32>,
      %add3A_783 = arith.addf %get3A_775, %gather3A_780 : vector<16xf32>
      %sub3A_784 = arith.subf %add3A_783, %get3A_777 : vector<16xf32>
      %abs3A_785 = math.absf %sub3A_784 : vector<16xf32>
      %add3A_786 = arith.addf %get3A_782, %abs3A_785 : vector<16xf32>
      %swap3A_787 = arith.constant 496 : index
      %swap3A_788 = tpu.vector_load %arg12[%swap3A_787] {strides = array<i32>} : memref<1024xf32, #tpu.memory_space<vmem>>, vector<16xf32>,
      tpu.vector_store %arg12[%swap3A_787], %add3A_786 {strides = array<i32>} : memref<1024xf32, #tpu.memory_space<vmem>>, vector<16xf32>,
      %dma_start3A_789 = arith.constant 1280 : i32
      %dma_start3A_790 = tpu.memref_slice %arg7[%dma_start3A_789] : memref<2048xi32, #tpu.memory_space<vmem>> -> memref<256xi32, #tpu.memory_space<vmem>>
      %dma_start3A_791 = arith.constant 0 : i32
      %dma_start3A_792 = tpu.memref_slice %arg13[%dma_start3A_791] : memref<1000000xf32, #tpu.memory_space<vmem_shared>> -> memref<1000000xf32, #tpu.memory_space<vmem_shared>>
      tpu.enqueue_indirect_dma source(%dma_start3A_792 : memref<1000000xf32, #tpu.memory_space<vmem_shared>>) target(%arg11 : memref<256xf32, #tpu.memory_space<vmem>>) offsets(%dma_start3A_790 : memref<256xi32, #tpu.memory_space<vmem>>) semaphore(%arg16 : memref<!tpu.dma_semaphore, #tpu.memory_space<semaphore_mem>>)
      %dma_wait3A_793 = arith.constant 1024 : i32
      %dma_wait3A_794 = tpu.memref_slice %arg7[%dma_wait3A_793] : memref<2048xi32, #tpu.memory_space<vmem>> -> memref<256xi32, #tpu.memory_space<vmem>>
      %dma_wait3A_795 = arith.constant 0 : i32
      %dma_wait3A_796 = tpu.memref_slice %arg13[%dma_wait3A_795] : memref<1000000xf32, #tpu.memory_space<vmem_shared>> -> memref<1000000xf32, #tpu.memory_space<vmem_shared>>
      tpu.wait_indirect_dma semaphore(%arg16 : memref<!tpu.dma_semaphore, #tpu.memory_space<semaphore_mem>>) src(%dma_wait3A_796 : memref<1000000xf32, #tpu.memory_space<vmem_shared>>) dst(%arg10 : memref<256xf32, #tpu.memory_space<vmem>>)
      %get3A_797 = arith.constant 0 : index
      %get3A_798 = tpu.vector_load %arg10[%get3A_797] {strides = array<i32>} : memref<256xf32, #tpu.memory_space<vmem>>, vector<16xf32>,
      %get3A_799 = arith.constant 128 : index
      %get3A_800 = tpu.vector_load %arg10[%get3A_799] {strides = array<i32>} : memref<256xf32, #tpu.memory_space<vmem>>, vector<16xf32>,
      %get3A_801 = arith.constant 512 : index
      %get3A_802 = tpu.vector_load %arg8[%get3A_801] {strides = array<i32>} : memref<1024xi32, #tpu.memory_space<vmem>>, vector<16xi32>,
      %gather3A_803 = tpu.vector_load_idx %arg9[%get3A_802] : memref<1000xf32, #tpu.memory_space<vmem>>[vector<16xi32>], vector<16xf32>,
      %get3A_804 = arith.constant 512 : index
      %get3A_805 = tpu.vector_load %arg12[%get3A_804] {strides = array<i32>} : memref<1024xf32, #tpu.memory_space<vmem>>, vector<16xf32>,
      %add3A_806 = arith.addf %get3A_798, %gather3A_803 : vector<16xf32>
      %sub3A_807 = arith.subf %add3A_806, %get3A_800 : vector<16xf32>
      %abs3A_808 = math.absf %sub3A_807 : vector<16xf32>
      %add3A_809 = arith.addf %get3A_805, %abs3A_808 : vector<16xf32>
      %swap3A_810 = arith.constant 512 : index
      %swap3A_811 = tpu.vector_load %arg12[%swap3A_810] {strides = array<i32>} : memref<1024xf32, #tpu.memory_space<vmem>>, vector<16xf32>,
      tpu.vector_store %arg12[%swap3A_810], %add3A_809 {strides = array<i32>} : memref<1024xf32, #tpu.memory_space<vmem>>, vector<16xf32>,
      %get3A_812 = arith.constant 16 : index
      %get3A_813 = tpu.vector_load %arg10[%get3A_812] {strides = array<i32>} : memref<256xf32, #tpu.memory_space<vmem>>, vector<16xf32>,
      %get3A_814 = arith.constant 144 : index
      %get3A_815 = tpu.vector_load %arg10[%get3A_814] {strides = array<i32>} : memref<256xf32, #tpu.memory_space<vmem>>, vector<16xf32>,
      %get3A_816 = arith.constant 528 : index
      %get3A_817 = tpu.vector_load %arg8[%get3A_816] {strides = array<i32>} : memref<1024xi32, #tpu.memory_space<vmem>>, vector<16xi32>,
      %gather3A_818 = tpu.vector_load_idx %arg9[%get3A_817] : memref<1000xf32, #tpu.memory_space<vmem>>[vector<16xi32>], vector<16xf32>,
      %get3A_819 = arith.constant 528 : index
      %get3A_820 = tpu.vector_load %arg12[%get3A_819] {strides = array<i32>} : memref<1024xf32, #tpu.memory_space<vmem>>, vector<16xf32>,
      %add3A_821 = arith.addf %get3A_813, %gather3A_818 : vector<16xf32>
      %sub3A_822 = arith.subf %add3A_821, %get3A_815 : vector<16xf32>
      %abs3A_823 = math.absf %sub3A_822 : vector<16xf32>
      %add3A_824 = arith.addf %get3A_820, %abs3A_823 : vector<16xf32>
      %swap3A_825 = arith.constant 528 : index
      %swap3A_826 = tpu.vector_load %arg12[%swap3A_825] {strides = array<i32>} : memref<1024xf32, #tpu.memory_space<vmem>>, vector<16xf32>,
      tpu.vector_store %arg12[%swap3A_825], %add3A_824 {strides = array<i32>} : memref<1024xf32, #tpu.memory_space<vmem>>, vector<16xf32>,
      %get3A_827 = arith.constant 32 : index
      %get3A_828 = tpu.vector_load %arg10[%get3A_827] {strides = array<i32>} : memref<256xf32, #tpu.memory_space<vmem>>, vector<16xf32>,
      %get3A_829 = arith.constant 160 : index
      %get3A_830 = tpu.vector_load %arg10[%get3A_829] {strides = array<i32>} : memref<256xf32, #tpu.memory_space<vmem>>, vector<16xf32>,
      %get3A_831 = arith.constant 544 : index
      %get3A_832 = tpu.vector_load %arg8[%get3A_831] {strides = array<i32>} : memref<1024xi32, #tpu.memory_space<vmem>>, vector<16xi32>,
      %gather3A_833 = tpu.vector_load_idx %arg9[%get3A_832] : memref<1000xf32, #tpu.memory_space<vmem>>[vector<16xi32>], vector<16xf32>,
      %get3A_834 = arith.constant 544 : index
      %get3A_835 = tpu.vector_load %arg12[%get3A_834] {strides = array<i32>} : memref<1024xf32, #tpu.memory_space<vmem>>, vector<16xf32>,
      %add3A_836 = arith.addf %get3A_828, %gather3A_833 : vector<16xf32>
      %sub3A_837 = arith.subf %add3A_836, %get3A_830 : vector<16xf32>
      %abs3A_838 = math.absf %sub3A_837 : vector<16xf32>
      %add3A_839 = arith.addf %get3A_835, %abs3A_838 : vector<16xf32>
      %swap3A_840 = arith.constant 544 : index
      %swap3A_841 = tpu.vector_load %arg12[%swap3A_840] {strides = array<i32>} : memref<1024xf32, #tpu.memory_space<vmem>>, vector<16xf32>,
      tpu.vector_store %arg12[%swap3A_840], %add3A_839 {strides = array<i32>} : memref<1024xf32, #tpu.memory_space<vmem>>, vector<16xf32>,
      %get3A_842 = arith.constant 48 : index
      %get3A_843 = tpu.vector_load %arg10[%get3A_842] {strides = array<i32>} : memref<256xf32, #tpu.memory_space<vmem>>, vector<16xf32>,
      %get3A_844 = arith.constant 176 : index
      %get3A_845 = tpu.vector_load %arg10[%get3A_844] {strides = array<i32>} : memref<256xf32, #tpu.memory_space<vmem>>, vector<16xf32>,
      %get3A_846 = arith.constant 560 : index
      %get3A_847 = tpu.vector_load %arg8[%get3A_846] {strides = array<i32>} : memref<1024xi32, #tpu.memory_space<vmem>>, vector<16xi32>,
      %gather3A_848 = tpu.vector_load_idx %arg9[%get3A_847] : memref<1000xf32, #tpu.memory_space<vmem>>[vector<16xi32>], vector<16xf32>,
      %get3A_849 = arith.constant 560 : index
      %get3A_850 = tpu.vector_load %arg12[%get3A_849] {strides = array<i32>} : memref<1024xf32, #tpu.memory_space<vmem>>, vector<16xf32>,
      %add3A_851 = arith.addf %get3A_843, %gather3A_848 : vector<16xf32>
      %sub3A_852 = arith.subf %add3A_851, %get3A_845 : vector<16xf32>
      %abs3A_853 = math.absf %sub3A_852 : vector<16xf32>
      %add3A_854 = arith.addf %get3A_850, %abs3A_853 : vector<16xf32>
      %swap3A_855 = arith.constant 560 : index
      %swap3A_856 = tpu.vector_load %arg12[%swap3A_855] {strides = array<i32>} : memref<1024xf32, #tpu.memory_space<vmem>>, vector<16xf32>,
      tpu.vector_store %arg12[%swap3A_855], %add3A_854 {strides = array<i32>} : memref<1024xf32, #tpu.memory_space<vmem>>, vector<16xf32>,
      %get3A_857 = arith.constant 64 : index
      %get3A_858 = tpu.vector_load %arg10[%get3A_857] {strides = array<i32>} : memref<256xf32, #tpu.memory_space<vmem>>, vector<16xf32>,
      %get3A_859 = arith.constant 192 : index
      %get3A_860 = tpu.vector_load %arg10[%get3A_859] {strides = array<i32>} : memref<256xf32, #tpu.memory_space<vmem>>, vector<16xf32>,
      %get3A_861 = arith.constant 576 : index
      %get3A_862 = tpu.vector_load %arg8[%get3A_861] {strides = array<i32>} : memref<1024xi32, #tpu.memory_space<vmem>>, vector<16xi32>,
      %gather3A_863 = tpu.vector_load_idx %arg9[%get3A_862] : memref<1000xf32, #tpu.memory_space<vmem>>[vector<16xi32>], vector<16xf32>,
      %get3A_864 = arith.constant 576 : index
      %get3A_865 = tpu.vector_load %arg12[%get3A_864] {strides = array<i32>} : memref<1024xf32, #tpu.memory_space<vmem>>, vector<16xf32>,
      %add3A_866 = arith.addf %get3A_858, %gather3A_863 : vector<16xf32>
      %sub3A_867 = arith.subf %add3A_866, %get3A_860 : vector<16xf32>
      %abs3A_868 = math.absf %sub3A_867 : vector<16xf32>
      %add3A_869 = arith.addf %get3A_865, %abs3A_868 : vector<16xf32>
      %swap3A_870 = arith.constant 576 : index
      %swap3A_871 = tpu.vector_load %arg12[%swap3A_870] {strides = array<i32>} : memref<1024xf32, #tpu.memory_space<vmem>>, vector<16xf32>,
      tpu.vector_store %arg12[%swap3A_870], %add3A_869 {strides = array<i32>} : memref<1024xf32, #tpu.memory_space<vmem>>, vector<16xf32>,
      %get3A_872 = arith.constant 80 : index
      %get3A_873 = tpu.vector_load %arg10[%get3A_872] {strides = array<i32>} : memref<256xf32, #tpu.memory_space<vmem>>, vector<16xf32>,
      %get3A_874 = arith.constant 208 : index
      %get3A_875 = tpu.vector_load %arg10[%get3A_874] {strides = array<i32>} : memref<256xf32, #tpu.memory_space<vmem>>, vector<16xf32>,
      %get3A_876 = arith.constant 592 : index
      %get3A_877 = tpu.vector_load %arg8[%get3A_876] {strides = array<i32>} : memref<1024xi32, #tpu.memory_space<vmem>>, vector<16xi32>,
      %gather3A_878 = tpu.vector_load_idx %arg9[%get3A_877] : memref<1000xf32, #tpu.memory_space<vmem>>[vector<16xi32>], vector<16xf32>,
      %get3A_879 = arith.constant 592 : index
      %get3A_880 = tpu.vector_load %arg12[%get3A_879] {strides = array<i32>} : memref<1024xf32, #tpu.memory_space<vmem>>, vector<16xf32>,
      %add3A_881 = arith.addf %get3A_873, %gather3A_878 : vector<16xf32>
      %sub3A_882 = arith.subf %add3A_881, %get3A_875 : vector<16xf32>
      %abs3A_883 = math.absf %sub3A_882 : vector<16xf32>
      %add3A_884 = arith.addf %get3A_880, %abs3A_883 : vector<16xf32>
      %swap3A_885 = arith.constant 592 : index
      %swap3A_886 = tpu.vector_load %arg12[%swap3A_885] {strides = array<i32>} : memref<1024xf32, #tpu.memory_space<vmem>>, vector<16xf32>,
      tpu.vector_store %arg12[%swap3A_885], %add3A_884 {strides = array<i32>} : memref<1024xf32, #tpu.memory_space<vmem>>, vector<16xf32>,
      %get3A_887 = arith.constant 96 : index
      %get3A_888 = tpu.vector_load %arg10[%get3A_887] {strides = array<i32>} : memref<256xf32, #tpu.memory_space<vmem>>, vector<16xf32>,
      %get3A_889 = arith.constant 224 : index
      %get3A_890 = tpu.vector_load %arg10[%get3A_889] {strides = array<i32>} : memref<256xf32, #tpu.memory_space<vmem>>, vector<16xf32>,
      %get3A_891 = arith.constant 608 : index
      %get3A_892 = tpu.vector_load %arg8[%get3A_891] {strides = array<i32>} : memref<1024xi32, #tpu.memory_space<vmem>>, vector<16xi32>,
      %gather3A_893 = tpu.vector_load_idx %arg9[%get3A_892] : memref<1000xf32, #tpu.memory_space<vmem>>[vector<16xi32>], vector<16xf32>,
      %get3A_894 = arith.constant 608 : index
      %get3A_895 = tpu.vector_load %arg12[%get3A_894] {strides = array<i32>} : memref<1024xf32, #tpu.memory_space<vmem>>, vector<16xf32>,
      %add3A_896 = arith.addf %get3A_888, %gather3A_893 : vector<16xf32>
      %sub3A_897 = arith.subf %add3A_896, %get3A_890 : vector<16xf32>
      %abs3A_898 = math.absf %sub3A_897 : vector<16xf32>
      %add3A_899 = arith.addf %get3A_895, %abs3A_898 : vector<16xf32>
      %swap3A_900 = arith.constant 608 : index
      %swap3A_901 = tpu.vector_load %arg12[%swap3A_900] {strides = array<i32>} : memref<1024xf32, #tpu.memory_space<vmem>>, vector<16xf32>,
      tpu.vector_store %arg12[%swap3A_900], %add3A_899 {strides = array<i32>} : memref<1024xf32, #tpu.memory_space<vmem>>, vector<16xf32>,
      %get3A_902 = arith.constant 112 : index
      %get3A_903 = tpu.vector_load %arg10[%get3A_902] {strides = array<i32>} : memref<256xf32, #tpu.memory_space<vmem>>, vector<16xf32>,
      %get3A_904 = arith.constant 240 : index
      %get3A_905 = tpu.vector_load %arg10[%get3A_904] {strides = array<i32>} : memref<256xf32, #tpu.memory_space<vmem>>, vector<16xf32>,
      %get3A_906 = arith.constant 624 : index
      %get3A_907 = tpu.vector_load %arg8[%get3A_906] {strides = array<i32>} : memref<1024xi32, #tpu.memory_space<vmem>>, vector<16xi32>,
      %gather3A_908 = tpu.vector_load_idx %arg9[%get3A_907] : memref<1000xf32, #tpu.memory_space<vmem>>[vector<16xi32>], vector<16xf32>,
      %get3A_909 = arith.constant 624 : index
      %get3A_910 = tpu.vector_load %arg12[%get3A_909] {strides = array<i32>} : memref<1024xf32, #tpu.memory_space<vmem>>, vector<16xf32>,
      %add3A_911 = arith.addf %get3A_903, %gather3A_908 : vector<16xf32>
      %sub3A_912 = arith.subf %add3A_911, %get3A_905 : vector<16xf32>
      %abs3A_913 = math.absf %sub3A_912 : vector<16xf32>
      %add3A_914 = arith.addf %get3A_910, %abs3A_913 : vector<16xf32>
      %swap3A_915 = arith.constant 624 : index
      %swap3A_916 = tpu.vector_load %arg12[%swap3A_915] {strides = array<i32>} : memref<1024xf32, #tpu.memory_space<vmem>>, vector<16xf32>,
      tpu.vector_store %arg12[%swap3A_915], %add3A_914 {strides = array<i32>} : memref<1024xf32, #tpu.memory_space<vmem>>, vector<16xf32>,
      %dma_start3A_917 = arith.constant 1536 : i32
      %dma_start3A_918 = tpu.memref_slice %arg7[%dma_start3A_917] : memref<2048xi32, #tpu.memory_space<vmem>> -> memref<256xi32, #tpu.memory_space<vmem>>
      %dma_start3A_919 = arith.constant 0 : i32
      %dma_start3A_920 = tpu.memref_slice %arg13[%dma_start3A_919] : memref<1000000xf32, #tpu.memory_space<vmem_shared>> -> memref<1000000xf32, #tpu.memory_space<vmem_shared>>
      tpu.enqueue_indirect_dma source(%dma_start3A_920 : memref<1000000xf32, #tpu.memory_space<vmem_shared>>) target(%arg10 : memref<256xf32, #tpu.memory_space<vmem>>) offsets(%dma_start3A_918 : memref<256xi32, #tpu.memory_space<vmem>>) semaphore(%arg16 : memref<!tpu.dma_semaphore, #tpu.memory_space<semaphore_mem>>)
      %dma_wait3A_921 = arith.constant 1280 : i32
      %dma_wait3A_922 = tpu.memref_slice %arg7[%dma_wait3A_921] : memref<2048xi32, #tpu.memory_space<vmem>> -> memref<256xi32, #tpu.memory_space<vmem>>
      %dma_wait3A_923 = arith.constant 0 : i32
      %dma_wait3A_924 = tpu.memref_slice %arg13[%dma_wait3A_923] : memref<1000000xf32, #tpu.memory_space<vmem_shared>> -> memref<1000000xf32, #tpu.memory_space<vmem_shared>>
      tpu.wait_indirect_dma semaphore(%arg16 : memref<!tpu.dma_semaphore, #tpu.memory_space<semaphore_mem>>) src(%dma_wait3A_924 : memref<1000000xf32, #tpu.memory_space<vmem_shared>>) dst(%arg11 : memref<256xf32, #tpu.memory_space<vmem>>)
      %get3A_925 = arith.constant 0 : index
      %get3A_926 = tpu.vector_load %arg11[%get3A_925] {strides = array<i32>} : memref<256xf32, #tpu.memory_space<vmem>>, vector<16xf32>,
      %get3A_927 = arith.constant 128 : index
      %get3A_928 = tpu.vector_load %arg11[%get3A_927] {strides = array<i32>} : memref<256xf32, #tpu.memory_space<vmem>>, vector<16xf32>,
      %get3A_929 = arith.constant 640 : index
      %get3A_930 = tpu.vector_load %arg8[%get3A_929] {strides = array<i32>} : memref<1024xi32, #tpu.memory_space<vmem>>, vector<16xi32>,
      %gather3A_931 = tpu.vector_load_idx %arg9[%get3A_930] : memref<1000xf32, #tpu.memory_space<vmem>>[vector<16xi32>], vector<16xf32>,
      %get3A_932 = arith.constant 640 : index
      %get3A_933 = tpu.vector_load %arg12[%get3A_932] {strides = array<i32>} : memref<1024xf32, #tpu.memory_space<vmem>>, vector<16xf32>,
      %add3A_934 = arith.addf %get3A_926, %gather3A_931 : vector<16xf32>
      %sub3A_935 = arith.subf %add3A_934, %get3A_928 : vector<16xf32>
      %abs3A_936 = math.absf %sub3A_935 : vector<16xf32>
      %add3A_937 = arith.addf %get3A_933, %abs3A_936 : vector<16xf32>
      %swap3A_938 = arith.constant 640 : index
      %swap3A_939 = tpu.vector_load %arg12[%swap3A_938] {strides = array<i32>} : memref<1024xf32, #tpu.memory_space<vmem>>, vector<16xf32>,
      tpu.vector_store %arg12[%swap3A_938], %add3A_937 {strides = array<i32>} : memref<1024xf32, #tpu.memory_space<vmem>>, vector<16xf32>,
      %get3A_940 = arith.constant 16 : index
      %get3A_941 = tpu.vector_load %arg11[%get3A_940] {strides = array<i32>} : memref<256xf32, #tpu.memory_space<vmem>>, vector<16xf32>,
      %get3A_942 = arith.constant 144 : index
      %get3A_943 = tpu.vector_load %arg11[%get3A_942] {strides = array<i32>} : memref<256xf32, #tpu.memory_space<vmem>>, vector<16xf32>,
      %get3A_944 = arith.constant 656 : index
      %get3A_945 = tpu.vector_load %arg8[%get3A_944] {strides = array<i32>} : memref<1024xi32, #tpu.memory_space<vmem>>, vector<16xi32>,
      %gather3A_946 = tpu.vector_load_idx %arg9[%get3A_945] : memref<1000xf32, #tpu.memory_space<vmem>>[vector<16xi32>], vector<16xf32>,
      %get3A_947 = arith.constant 656 : index
      %get3A_948 = tpu.vector_load %arg12[%get3A_947] {strides = array<i32>} : memref<1024xf32, #tpu.memory_space<vmem>>, vector<16xf32>,
      %add3A_949 = arith.addf %get3A_941, %gather3A_946 : vector<16xf32>
      %sub3A_950 = arith.subf %add3A_949, %get3A_943 : vector<16xf32>
      %abs3A_951 = math.absf %sub3A_950 : vector<16xf32>
      %add3A_952 = arith.addf %get3A_948, %abs3A_951 : vector<16xf32>
      %swap3A_953 = arith.constant 656 : index
      %swap3A_954 = tpu.vector_load %arg12[%swap3A_953] {strides = array<i32>} : memref<1024xf32, #tpu.memory_space<vmem>>, vector<16xf32>,
      tpu.vector_store %arg12[%swap3A_953], %add3A_952 {strides = array<i32>} : memref<1024xf32, #tpu.memory_space<vmem>>, vector<16xf32>,
      %get3A_955 = arith.constant 32 : index
      %get3A_956 = tpu.vector_load %arg11[%get3A_955] {strides = array<i32>} : memref<256xf32, #tpu.memory_space<vmem>>, vector<16xf32>,
      %get3A_957 = arith.constant 160 : index
      %get3A_958 = tpu.vector_load %arg11[%get3A_957] {strides = array<i32>} : memref<256xf32, #tpu.memory_space<vmem>>, vector<16xf32>,
      %get3A_959 = arith.constant 672 : index
      %get3A_960 = tpu.vector_load %arg8[%get3A_959] {strides = array<i32>} : memref<1024xi32, #tpu.memory_space<vmem>>, vector<16xi32>,
      %gather3A_961 = tpu.vector_load_idx %arg9[%get3A_960] : memref<1000xf32, #tpu.memory_space<vmem>>[vector<16xi32>], vector<16xf32>,
      %get3A_962 = arith.constant 672 : index
      %get3A_963 = tpu.vector_load %arg12[%get3A_962] {strides = array<i32>} : memref<1024xf32, #tpu.memory_space<vmem>>, vector<16xf32>,
      %add3A_964 = arith.addf %get3A_956, %gather3A_961 : vector<16xf32>
      %sub3A_965 = arith.subf %add3A_964, %get3A_958 : vector<16xf32>
      %abs3A_966 = math.absf %sub3A_965 : vector<16xf32>
      %add3A_967 = arith.addf %get3A_963, %abs3A_966 : vector<16xf32>
      %swap3A_968 = arith.constant 672 : index
      %swap3A_969 = tpu.vector_load %arg12[%swap3A_968] {strides = array<i32>} : memref<1024xf32, #tpu.memory_space<vmem>>, vector<16xf32>,
      tpu.vector_store %arg12[%swap3A_968], %add3A_967 {strides = array<i32>} : memref<1024xf32, #tpu.memory_space<vmem>>, vector<16xf32>,
      %get3A_970 = arith.constant 48 : index
      %get3A_971 = tpu.vector_load %arg11[%get3A_970] {strides = array<i32>} : memref<256xf32, #tpu.memory_space<vmem>>, vector<16xf32>,
      %get3A_972 = arith.constant 176 : index
      %get3A_973 = tpu.vector_load %arg11[%get3A_972] {strides = array<i32>} : memref<256xf32, #tpu.memory_space<vmem>>, vector<16xf32>,
      %get3A_974 = arith.constant 688 : index
      %get3A_975 = tpu.vector_load %arg8[%get3A_974] {strides = array<i32>} : memref<1024xi32, #tpu.memory_space<vmem>>, vector<16xi32>,
      %gather3A_976 = tpu.vector_load_idx %arg9[%get3A_975] : memref<1000xf32, #tpu.memory_space<vmem>>[vector<16xi32>], vector<16xf32>,
      %get3A_977 = arith.constant 688 : index
      %get3A_978 = tpu.vector_load %arg12[%get3A_977] {strides = array<i32>} : memref<1024xf32, #tpu.memory_space<vmem>>, vector<16xf32>,
      %add3A_979 = arith.addf %get3A_971, %gather3A_976 : vector<16xf32>
      %sub3A_980 = arith.subf %add3A_979, %get3A_973 : vector<16xf32>
      %abs3A_981 = math.absf %sub3A_980 : vector<16xf32>
      %add3A_982 = arith.addf %get3A_978, %abs3A_981 : vector<16xf32>
      %swap3A_983 = arith.constant 688 : index
      %swap3A_984 = tpu.vector_load %arg12[%swap3A_983] {strides = array<i32>} : memref<1024xf32, #tpu.memory_space<vmem>>, vector<16xf32>,
      tpu.vector_store %arg12[%swap3A_983], %add3A_982 {strides = array<i32>} : memref<1024xf32, #tpu.memory_space<vmem>>, vector<16xf32>,
      %get3A_985 = arith.constant 64 : index
      %get3A_986 = tpu.vector_load %arg11[%get3A_985] {strides = array<i32>} : memref<256xf32, #tpu.memory_space<vmem>>, vector<16xf32>,
      %get3A_987 = arith.constant 192 : index
      %get3A_988 = tpu.vector_load %arg11[%get3A_987] {strides = array<i32>} : memref<256xf32, #tpu.memory_space<vmem>>, vector<16xf32>,
      %get3A_989 = arith.constant 704 : index
      %get3A_990 = tpu.vector_load %arg8[%get3A_989] {strides = array<i32>} : memref<1024xi32, #tpu.memory_space<vmem>>, vector<16xi32>,
      %gather3A_991 = tpu.vector_load_idx %arg9[%get3A_990] : memref<1000xf32, #tpu.memory_space<vmem>>[vector<16xi32>], vector<16xf32>,
      %get3A_992 = arith.constant 704 : index
      %get3A_993 = tpu.vector_load %arg12[%get3A_992] {strides = array<i32>} : memref<1024xf32, #tpu.memory_space<vmem>>, vector<16xf32>,
      %add3A_994 = arith.addf %get3A_986, %gather3A_991 : vector<16xf32>
      %sub3A_995 = arith.subf %add3A_994, %get3A_988 : vector<16xf32>
      %abs3A_996 = math.absf %sub3A_995 : vector<16xf32>
      %add3A_997 = arith.addf %get3A_993, %abs3A_996 : vector<16xf32>
      %swap3A_998 = arith.constant 704 : index
      %swap3A_999 = tpu.vector_load %arg12[%swap3A_998] {strides = array<i32>} : memref<1024xf32, #tpu.memory_space<vmem>>, vector<16xf32>,
      tpu.vector_store %arg12[%swap3A_998], %add3A_997 {strides = array<i32>} : memref<1024xf32, #tpu.memory_space<vmem>>, vector<16xf32>,
      %get3A_1000 = arith.constant 80 : index
      %get3A_1001 = tpu.vector_load %arg11[%get3A_1000] {strides = array<i32>} : memref<256xf32, #tpu.memory_space<vmem>>, vector<16xf32>,
      %get3A_1002 = arith.constant 208 : index
      %get3A_1003 = tpu.vector_load %arg11[%get3A_1002] {strides = array<i32>} : memref<256xf32, #tpu.memory_space<vmem>>, vector<16xf32>,
      %get3A_1004 = arith.constant 720 : index
      %get3A_1005 = tpu.vector_load %arg8[%get3A_1004] {strides = array<i32>} : memref<1024xi32, #tpu.memory_space<vmem>>, vector<16xi32>,
      %gather3A_1006 = tpu.vector_load_idx %arg9[%get3A_1005] : memref<1000xf32, #tpu.memory_space<vmem>>[vector<16xi32>], vector<16xf32>,
      %get3A_1007 = arith.constant 720 : index
      %get3A_1008 = tpu.vector_load %arg12[%get3A_1007] {strides = array<i32>} : memref<1024xf32, #tpu.memory_space<vmem>>, vector<16xf32>,
      %add3A_1009 = arith.addf %get3A_1001, %gather3A_1006 : vector<16xf32>
      %sub3A_1010 = arith.subf %add3A_1009, %get3A_1003 : vector<16xf32>
      %abs3A_1011 = math.absf %sub3A_1010 : vector<16xf32>
      %add3A_1012 = arith.addf %get3A_1008, %abs3A_1011 : vector<16xf32>
      %swap3A_1013 = arith.constant 720 : index
      %swap3A_1014 = tpu.vector_load %arg12[%swap3A_1013] {strides = array<i32>} : memref<1024xf32, #tpu.memory_space<vmem>>, vector<16xf32>,
      tpu.vector_store %arg12[%swap3A_1013], %add3A_1012 {strides = array<i32>} : memref<1024xf32, #tpu.memory_space<vmem>>, vector<16xf32>,
      %get3A_1015 = arith.constant 96 : index
      %get3A_1016 = tpu.vector_load %arg11[%get3A_1015] {strides = array<i32>} : memref<256xf32, #tpu.memory_space<vmem>>, vector<16xf32>,
      %get3A_1017 = arith.constant 224 : index
      %get3A_1018 = tpu.vector_load %arg11[%get3A_1017] {strides = array<i32>} : memref<256xf32, #tpu.memory_space<vmem>>, vector<16xf32>,
      %get3A_1019 = arith.constant 736 : index
      %get3A_1020 = tpu.vector_load %arg8[%get3A_1019] {strides = array<i32>} : memref<1024xi32, #tpu.memory_space<vmem>>, vector<16xi32>,
      %gather3A_1021 = tpu.vector_load_idx %arg9[%get3A_1020] : memref<1000xf32, #tpu.memory_space<vmem>>[vector<16xi32>], vector<16xf32>,
      %get3A_1022 = arith.constant 736 : index
      %get3A_1023 = tpu.vector_load %arg12[%get3A_1022] {strides = array<i32>} : memref<1024xf32, #tpu.memory_space<vmem>>, vector<16xf32>,
      %add3A_1024 = arith.addf %get3A_1016, %gather3A_1021 : vector<16xf32>
      %sub3A_1025 = arith.subf %add3A_1024, %get3A_1018 : vector<16xf32>
      %abs3A_1026 = math.absf %sub3A_1025 : vector<16xf32>
      %add3A_1027 = arith.addf %get3A_1023, %abs3A_1026 : vector<16xf32>
      %swap3A_1028 = arith.constant 736 : index
      %swap3A_1029 = tpu.vector_load %arg12[%swap3A_1028] {strides = array<i32>} : memref<1024xf32, #tpu.memory_space<vmem>>, vector<16xf32>,
      tpu.vector_store %arg12[%swap3A_1028], %add3A_1027 {strides = array<i32>} : memref<1024xf32, #tpu.memory_space<vmem>>, vector<16xf32>,
      %get3A_1030 = arith.constant 112 : index
      %get3A_1031 = tpu.vector_load %arg11[%get3A_1030] {strides = array<i32>} : memref<256xf32, #tpu.memory_space<vmem>>, vector<16xf32>,
      %get3A_1032 = arith.constant 240 : index
      %get3A_1033 = tpu.vector_load %arg11[%get3A_1032] {strides = array<i32>} : memref<256xf32, #tpu.memory_space<vmem>>, vector<16xf32>,
      %get3A_1034 = arith.constant 752 : index
      %get3A_1035 = tpu.vector_load %arg8[%get3A_1034] {strides = array<i32>} : memref<1024xi32, #tpu.memory_space<vmem>>, vector<16xi32>,
      %gather3A_1036 = tpu.vector_load_idx %arg9[%get3A_1035] : memref<1000xf32, #tpu.memory_space<vmem>>[vector<16xi32>], vector<16xf32>,
      %get3A_1037 = arith.constant 752 : index
      %get3A_1038 = tpu.vector_load %arg12[%get3A_1037] {strides = array<i32>} : memref<1024xf32, #tpu.memory_space<vmem>>, vector<16xf32>,
      %add3A_1039 = arith.addf %get3A_1031, %gather3A_1036 : vector<16xf32>
      %sub3A_1040 = arith.subf %add3A_1039, %get3A_1033 : vector<16xf32>
      %abs3A_1041 = math.absf %sub3A_1040 : vector<16xf32>
      %add3A_1042 = arith.addf %get3A_1038, %abs3A_1041 : vector<16xf32>
      %swap3A_1043 = arith.constant 752 : index
      %swap3A_1044 = tpu.vector_load %arg12[%swap3A_1043] {strides = array<i32>} : memref<1024xf32, #tpu.memory_space<vmem>>, vector<16xf32>,
      tpu.vector_store %arg12[%swap3A_1043], %add3A_1042 {strides = array<i32>} : memref<1024xf32, #tpu.memory_space<vmem>>, vector<16xf32>,
      %dma_start3A_1045 = arith.constant 1792 : i32
      %dma_start3A_1046 = tpu.memref_slice %arg7[%dma_start3A_1045] : memref<2048xi32, #tpu.memory_space<vmem>> -> memref<256xi32, #tpu.memory_space<vmem>>
      %dma_start3A_1047 = arith.constant 0 : i32
      %dma_start3A_1048 = tpu.memref_slice %arg13[%dma_start3A_1047] : memref<1000000xf32, #tpu.memory_space<vmem_shared>> -> memref<1000000xf32, #tpu.memory_space<vmem_shared>>
      tpu.enqueue_indirect_dma source(%dma_start3A_1048 : memref<1000000xf32, #tpu.memory_space<vmem_shared>>) target(%arg11 : memref<256xf32, #tpu.memory_space<vmem>>) offsets(%dma_start3A_1046 : memref<256xi32, #tpu.memory_space<vmem>>) semaphore(%arg16 : memref<!tpu.dma_semaphore, #tpu.memory_space<semaphore_mem>>)
      %dma_wait3A_1049 = arith.constant 1536 : i32
      %dma_wait3A_1050 = tpu.memref_slice %arg7[%dma_wait3A_1049] : memref<2048xi32, #tpu.memory_space<vmem>> -> memref<256xi32, #tpu.memory_space<vmem>>
      %dma_wait3A_1051 = arith.constant 0 : i32
      %dma_wait3A_1052 = tpu.memref_slice %arg13[%dma_wait3A_1051] : memref<1000000xf32, #tpu.memory_space<vmem_shared>> -> memref<1000000xf32, #tpu.memory_space<vmem_shared>>
      tpu.wait_indirect_dma semaphore(%arg16 : memref<!tpu.dma_semaphore, #tpu.memory_space<semaphore_mem>>) src(%dma_wait3A_1052 : memref<1000000xf32, #tpu.memory_space<vmem_shared>>) dst(%arg10 : memref<256xf32, #tpu.memory_space<vmem>>)
      %get3A_1053 = arith.constant 0 : index
      %get3A_1054 = tpu.vector_load %arg10[%get3A_1053] {strides = array<i32>} : memref<256xf32, #tpu.memory_space<vmem>>, vector<16xf32>,
      %get3A_1055 = arith.constant 128 : index
      %get3A_1056 = tpu.vector_load %arg10[%get3A_1055] {strides = array<i32>} : memref<256xf32, #tpu.memory_space<vmem>>, vector<16xf32>,
      %get3A_1057 = arith.constant 768 : index
      %get3A_1058 = tpu.vector_load %arg8[%get3A_1057] {strides = array<i32>} : memref<1024xi32, #tpu.memory_space<vmem>>, vector<16xi32>,
      %gather3A_1059 = tpu.vector_load_idx %arg9[%get3A_1058] : memref<1000xf32, #tpu.memory_space<vmem>>[vector<16xi32>], vector<16xf32>,
      %get3A_1060 = arith.constant 768 : index
      %get3A_1061 = tpu.vector_load %arg12[%get3A_1060] {strides = array<i32>} : memref<1024xf32, #tpu.memory_space<vmem>>, vector<16xf32>,
      %add3A_1062 = arith.addf %get3A_1054, %gather3A_1059 : vector<16xf32>
      %sub3A_1063 = arith.subf %add3A_1062, %get3A_1056 : vector<16xf32>
      %abs3A_1064 = math.absf %sub3A_1063 : vector<16xf32>
      %add3A_1065 = arith.addf %get3A_1061, %abs3A_1064 : vector<16xf32>
      %swap3A_1066 = arith.constant 768 : index
      %swap3A_1067 = tpu.vector_load %arg12[%swap3A_1066] {strides = array<i32>} : memref<1024xf32, #tpu.memory_space<vmem>>, vector<16xf32>,
      tpu.vector_store %arg12[%swap3A_1066], %add3A_1065 {strides = array<i32>} : memref<1024xf32, #tpu.memory_space<vmem>>, vector<16xf32>,
      %get3A_1068 = arith.constant 16 : index
      %get3A_1069 = tpu.vector_load %arg10[%get3A_1068] {strides = array<i32>} : memref<256xf32, #tpu.memory_space<vmem>>, vector<16xf32>,
      %get3A_1070 = arith.constant 144 : index
      %get3A_1071 = tpu.vector_load %arg10[%get3A_1070] {strides = array<i32>} : memref<256xf32, #tpu.memory_space<vmem>>, vector<16xf32>,
      %get3A_1072 = arith.constant 784 : index
      %get3A_1073 = tpu.vector_load %arg8[%get3A_1072] {strides = array<i32>} : memref<1024xi32, #tpu.memory_space<vmem>>, vector<16xi32>,
      %gather3A_1074 = tpu.vector_load_idx %arg9[%get3A_1073] : memref<1000xf32, #tpu.memory_space<vmem>>[vector<16xi32>], vector<16xf32>,
      %get3A_1075 = arith.constant 784 : index
      %get3A_1076 = tpu.vector_load %arg12[%get3A_1075] {strides = array<i32>} : memref<1024xf32, #tpu.memory_space<vmem>>, vector<16xf32>,
      %add3A_1077 = arith.addf %get3A_1069, %gather3A_1074 : vector<16xf32>
      %sub3A_1078 = arith.subf %add3A_1077, %get3A_1071 : vector<16xf32>
      %abs3A_1079 = math.absf %sub3A_1078 : vector<16xf32>
      %add3A_1080 = arith.addf %get3A_1076, %abs3A_1079 : vector<16xf32>
      %swap3A_1081 = arith.constant 784 : index
      %swap3A_1082 = tpu.vector_load %arg12[%swap3A_1081] {strides = array<i32>} : memref<1024xf32, #tpu.memory_space<vmem>>, vector<16xf32>,
      tpu.vector_store %arg12[%swap3A_1081], %add3A_1080 {strides = array<i32>} : memref<1024xf32, #tpu.memory_space<vmem>>, vector<16xf32>,
      %get3A_1083 = arith.constant 32 : index
      %get3A_1084 = tpu.vector_load %arg10[%get3A_1083] {strides = array<i32>} : memref<256xf32, #tpu.memory_space<vmem>>, vector<16xf32>,
      %get3A_1085 = arith.constant 160 : index
      %get3A_1086 = tpu.vector_load %arg10[%get3A_1085] {strides = array<i32>} : memref<256xf32, #tpu.memory_space<vmem>>, vector<16xf32>,
      %get3A_1087 = arith.constant 800 : index
      %get3A_1088 = tpu.vector_load %arg8[%get3A_1087] {strides = array<i32>} : memref<1024xi32, #tpu.memory_space<vmem>>, vector<16xi32>,
      %gather3A_1089 = tpu.vector_load_idx %arg9[%get3A_1088] : memref<1000xf32, #tpu.memory_space<vmem>>[vector<16xi32>], vector<16xf32>,
      %get3A_1090 = arith.constant 800 : index
      %get3A_1091 = tpu.vector_load %arg12[%get3A_1090] {strides = array<i32>} : memref<1024xf32, #tpu.memory_space<vmem>>, vector<16xf32>,
      %add3A_1092 = arith.addf %get3A_1084, %gather3A_1089 : vector<16xf32>
      %sub3A_1093 = arith.subf %add3A_1092, %get3A_1086 : vector<16xf32>
      %abs3A_1094 = math.absf %sub3A_1093 : vector<16xf32>
      %add3A_1095 = arith.addf %get3A_1091, %abs3A_1094 : vector<16xf32>
      %swap3A_1096 = arith.constant 800 : index
      %swap3A_1097 = tpu.vector_load %arg12[%swap3A_1096] {strides = array<i32>} : memref<1024xf32, #tpu.memory_space<vmem>>, vector<16xf32>,
      tpu.vector_store %arg12[%swap3A_1096], %add3A_1095 {strides = array<i32>} : memref<1024xf32, #tpu.memory_space<vmem>>, vector<16xf32>,
      %get3A_1098 = arith.constant 48 : index
      %get3A_1099 = tpu.vector_load %arg10[%get3A_1098] {strides = array<i32>} : memref<256xf32, #tpu.memory_space<vmem>>, vector<16xf32>,
      %get3A_1100 = arith.constant 176 : index
      %get3A_1101 = tpu.vector_load %arg10[%get3A_1100] {strides = array<i32>} : memref<256xf32, #tpu.memory_space<vmem>>, vector<16xf32>,
      %get3A_1102 = arith.constant 816 : index
      %get3A_1103 = tpu.vector_load %arg8[%get3A_1102] {strides = array<i32>} : memref<1024xi32, #tpu.memory_space<vmem>>, vector<16xi32>,
      %gather3A_1104 = tpu.vector_load_idx %arg9[%get3A_1103] : memref<1000xf32, #tpu.memory_space<vmem>>[vector<16xi32>], vector<16xf32>,
      %get3A_1105 = arith.constant 816 : index
      %get3A_1106 = tpu.vector_load %arg12[%get3A_1105] {strides = array<i32>} : memref<1024xf32, #tpu.memory_space<vmem>>, vector<16xf32>,
      %add3A_1107 = arith.addf %get3A_1099, %gather3A_1104 : vector<16xf32>
      %sub3A_1108 = arith.subf %add3A_1107, %get3A_1101 : vector<16xf32>
      %abs3A_1109 = math.absf %sub3A_1108 : vector<16xf32>
      %add3A_1110 = arith.addf %get3A_1106, %abs3A_1109 : vector<16xf32>
      %swap3A_1111 = arith.constant 816 : index
      %swap3A_1112 = tpu.vector_load %arg12[%swap3A_1111] {strides = array<i32>} : memref<1024xf32, #tpu.memory_space<vmem>>, vector<16xf32>,
      tpu.vector_store %arg12[%swap3A_1111], %add3A_1110 {strides = array<i32>} : memref<1024xf32, #tpu.memory_space<vmem>>, vector<16xf32>,
      %get3A_1113 = arith.constant 64 : index
      %get3A_1114 = tpu.vector_load %arg10[%get3A_1113] {strides = array<i32>} : memref<256xf32, #tpu.memory_space<vmem>>, vector<16xf32>,
      %get3A_1115 = arith.constant 192 : index
      %get3A_1116 = tpu.vector_load %arg10[%get3A_1115] {strides = array<i32>} : memref<256xf32, #tpu.memory_space<vmem>>, vector<16xf32>,
      %get3A_1117 = arith.constant 832 : index
      %get3A_1118 = tpu.vector_load %arg8[%get3A_1117] {strides = array<i32>} : memref<1024xi32, #tpu.memory_space<vmem>>, vector<16xi32>,
      %gather3A_1119 = tpu.vector_load_idx %arg9[%get3A_1118] : memref<1000xf32, #tpu.memory_space<vmem>>[vector<16xi32>], vector<16xf32>,
      %get3A_1120 = arith.constant 832 : index
      %get3A_1121 = tpu.vector_load %arg12[%get3A_1120] {strides = array<i32>} : memref<1024xf32, #tpu.memory_space<vmem>>, vector<16xf32>,
      %add3A_1122 = arith.addf %get3A_1114, %gather3A_1119 : vector<16xf32>
      %sub3A_1123 = arith.subf %add3A_1122, %get3A_1116 : vector<16xf32>
      %abs3A_1124 = math.absf %sub3A_1123 : vector<16xf32>
      %add3A_1125 = arith.addf %get3A_1121, %abs3A_1124 : vector<16xf32>
      %swap3A_1126 = arith.constant 832 : index
      %swap3A_1127 = tpu.vector_load %arg12[%swap3A_1126] {strides = array<i32>} : memref<1024xf32, #tpu.memory_space<vmem>>, vector<16xf32>,
      tpu.vector_store %arg12[%swap3A_1126], %add3A_1125 {strides = array<i32>} : memref<1024xf32, #tpu.memory_space<vmem>>, vector<16xf32>,
      %get3A_1128 = arith.constant 80 : index
      %get3A_1129 = tpu.vector_load %arg10[%get3A_1128] {strides = array<i32>} : memref<256xf32, #tpu.memory_space<vmem>>, vector<16xf32>,
      %get3A_1130 = arith.constant 208 : index
      %get3A_1131 = tpu.vector_load %arg10[%get3A_1130] {strides = array<i32>} : memref<256xf32, #tpu.memory_space<vmem>>, vector<16xf32>,
      %get3A_1132 = arith.constant 848 : index
      %get3A_1133 = tpu.vector_load %arg8[%get3A_1132] {strides = array<i32>} : memref<1024xi32, #tpu.memory_space<vmem>>, vector<16xi32>,
      %gather3A_1134 = tpu.vector_load_idx %arg9[%get3A_1133] : memref<1000xf32, #tpu.memory_space<vmem>>[vector<16xi32>], vector<16xf32>,
      %get3A_1135 = arith.constant 848 : index
      %get3A_1136 = tpu.vector_load %arg12[%get3A_1135] {strides = array<i32>} : memref<1024xf32, #tpu.memory_space<vmem>>, vector<16xf32>,
      %add3A_1137 = arith.addf %get3A_1129, %gather3A_1134 : vector<16xf32>
      %sub3A_1138 = arith.subf %add3A_1137, %get3A_1131 : vector<16xf32>
      %abs3A_1139 = math.absf %sub3A_1138 : vector<16xf32>
      %add3A_1140 = arith.addf %get3A_1136, %abs3A_1139 : vector<16xf32>
      %swap3A_1141 = arith.constant 848 : index
      %swap3A_1142 = tpu.vector_load %arg12[%swap3A_1141] {strides = array<i32>} : memref<1024xf32, #tpu.memory_space<vmem>>, vector<16xf32>,
      tpu.vector_store %arg12[%swap3A_1141], %add3A_1140 {strides = array<i32>} : memref<1024xf32, #tpu.memory_space<vmem>>, vector<16xf32>,
      %get3A_1143 = arith.constant 96 : index
      %get3A_1144 = tpu.vector_load %arg10[%get3A_1143] {strides = array<i32>} : memref<256xf32, #tpu.memory_space<vmem>>, vector<16xf32>,
      %get3A_1145 = arith.constant 224 : index
      %get3A_1146 = tpu.vector_load %arg10[%get3A_1145] {strides = array<i32>} : memref<256xf32, #tpu.memory_space<vmem>>, vector<16xf32>,
      %get3A_1147 = arith.constant 864 : index
      %get3A_1148 = tpu.vector_load %arg8[%get3A_1147] {strides = array<i32>} : memref<1024xi32, #tpu.memory_space<vmem>>, vector<16xi32>,
      %gather3A_1149 = tpu.vector_load_idx %arg9[%get3A_1148] : memref<1000xf32, #tpu.memory_space<vmem>>[vector<16xi32>], vector<16xf32>,
      %get3A_1150 = arith.constant 864 : index
      %get3A_1151 = tpu.vector_load %arg12[%get3A_1150] {strides = array<i32>} : memref<1024xf32, #tpu.memory_space<vmem>>, vector<16xf32>,
      %add3A_1152 = arith.addf %get3A_1144, %gather3A_1149 : vector<16xf32>
      %sub3A_1153 = arith.subf %add3A_1152, %get3A_1146 : vector<16xf32>
      %abs3A_1154 = math.absf %sub3A_1153 : vector<16xf32>
      %add3A_1155 = arith.addf %get3A_1151, %abs3A_1154 : vector<16xf32>
      %swap3A_1156 = arith.constant 864 : index
      %swap3A_1157 = tpu.vector_load %arg12[%swap3A_1156] {strides = array<i32>} : memref<1024xf32, #tpu.memory_space<vmem>>, vector<16xf32>,
      tpu.vector_store %arg12[%swap3A_1156], %add3A_1155 {strides = array<i32>} : memref<1024xf32, #tpu.memory_space<vmem>>, vector<16xf32>,
      %get3A_1158 = arith.constant 112 : index
      %get3A_1159 = tpu.vector_load %arg10[%get3A_1158] {strides = array<i32>} : memref<256xf32, #tpu.memory_space<vmem>>, vector<16xf32>,
      %get3A_1160 = arith.constant 240 : index
      %get3A_1161 = tpu.vector_load %arg10[%get3A_1160] {strides = array<i32>} : memref<256xf32, #tpu.memory_space<vmem>>, vector<16xf32>,
      %get3A_1162 = arith.constant 880 : index
      %get3A_1163 = tpu.vector_load %arg8[%get3A_1162] {strides = array<i32>} : memref<1024xi32, #tpu.memory_space<vmem>>, vector<16xi32>,
      %gather3A_1164 = tpu.vector_load_idx %arg9[%get3A_1163] : memref<1000xf32, #tpu.memory_space<vmem>>[vector<16xi32>], vector<16xf32>,
      %get3A_1165 = arith.constant 880 : index
      %get3A_1166 = tpu.vector_load %arg12[%get3A_1165] {strides = array<i32>} : memref<1024xf32, #tpu.memory_space<vmem>>, vector<16xf32>,
      %add3A_1167 = arith.addf %get3A_1159, %gather3A_1164 : vector<16xf32>
      %sub3A_1168 = arith.subf %add3A_1167, %get3A_1161 : vector<16xf32>
      %abs3A_1169 = math.absf %sub3A_1168 : vector<16xf32>
      %add3A_1170 = arith.addf %get3A_1166, %abs3A_1169 : vector<16xf32>
      %swap3A_1171 = arith.constant 880 : index
      %swap3A_1172 = tpu.vector_load %arg12[%swap3A_1171] {strides = array<i32>} : memref<1024xf32, #tpu.memory_space<vmem>>, vector<16xf32>,
      tpu.vector_store %arg12[%swap3A_1171], %add3A_1170 {strides = array<i32>} : memref<1024xf32, #tpu.memory_space<vmem>>, vector<16xf32>,
      %dma_wait3A_1173 = arith.constant 1792 : i32
      %dma_wait3A_1174 = tpu.memref_slice %arg7[%dma_wait3A_1173] : memref<2048xi32, #tpu.memory_space<vmem>> -> memref<256xi32, #tpu.memory_space<vmem>>
      %dma_wait3A_1175 = arith.constant 0 : i32
      %dma_wait3A_1176 = tpu.memref_slice %arg13[%dma_wait3A_1175] : memref<1000000xf32, #tpu.memory_space<vmem_shared>> -> memref<1000000xf32, #tpu.memory_space<vmem_shared>>
      tpu.wait_indirect_dma semaphore(%arg16 : memref<!tpu.dma_semaphore, #tpu.memory_space<semaphore_mem>>) src(%dma_wait3A_1176 : memref<1000000xf32, #tpu.memory_space<vmem_shared>>) dst(%arg11 : memref<256xf32, #tpu.memory_space<vmem>>)
      %barrier3A_1177 = arith.constant 0 : index
      tpu.barrier barrier_id(%barrier3A_1177)
      %eq3A_1178 = arith.constant 0 : i32
      %eq3A_1179 = arith.cmpi eq, %arg1, %eq3A_1178 : i32
      %lt3A = arith.constant 15 : i32
      %lt3A_1180 = arith.cmpi slt, %scan3A_268, %lt3A : i32
      %and3A = arith.andi %eq3A_1179, %lt3A_1180 : i1
      %convert_element_type3A_1181 = arith.extui %and3A : i1 to i32
      %cond3A_1182 = arith.constant 0 : i32
      %cond3A_1183 = arith.cmpi ne, %convert_element_type3A_1181, %cond3A_1182 : i32
      scf.if %cond3A_1183 {
        %add3A_2348 = arith.constant 2 : i32
        %add3A_2349 = arith.addi %add3A_273, %add3A_2348 : i32
        %dma_start3A_2350 = arith.constant 0 : i32
        %dma_start3A_2351 = tpu.memref_slice %arg4[%add3A_2349, %dma_start3A_2350] : memref<64x1000000xf32, #tpu.memory_space<hbm>> -> memref<1x1000000xf32, #tpu.memory_space<hbm>>
        %dma_start3A_2352 = tpu.memref_squeeze %dma_start3A_2351 : memref<1x1000000xf32, #tpu.memory_space<hbm>> -> memref<1000000xf32, #tpu.memory_space<hbm>>
        tpu.enqueue_dma source(%dma_start3A_2352 : memref<1000000xf32, #tpu.memory_space<hbm>>) target(%arg13 : memref<1000000xf32, #tpu.memory_space<vmem_shared>>) target_semaphore(%arg15 : memref<!tpu.dma_semaphore, #tpu.memory_space<semaphore_mem>>)
      } else {
      }
      %get3A_1184 = arith.constant 0 : index
      %get3A_1185 = tpu.vector_load %arg11[%get3A_1184] {strides = array<i32>} : memref<256xf32, #tpu.memory_space<vmem>>, vector<16xf32>,
      %get3A_1186 = arith.constant 128 : index
      %get3A_1187 = tpu.vector_load %arg11[%get3A_1186] {strides = array<i32>} : memref<256xf32, #tpu.memory_space<vmem>>, vector<16xf32>,
      %get3A_1188 = arith.constant 896 : index
      %get3A_1189 = tpu.vector_load %arg8[%get3A_1188] {strides = array<i32>} : memref<1024xi32, #tpu.memory_space<vmem>>, vector<16xi32>,
      %gather3A_1190 = tpu.vector_load_idx %arg9[%get3A_1189] : memref<1000xf32, #tpu.memory_space<vmem>>[vector<16xi32>], vector<16xf32>,
      %get3A_1191 = arith.constant 896 : index
      %get3A_1192 = tpu.vector_load %arg12[%get3A_1191] {strides = array<i32>} : memref<1024xf32, #tpu.memory_space<vmem>>, vector<16xf32>,
      %add3A_1193 = arith.addf %get3A_1185, %gather3A_1190 : vector<16xf32>
      %sub3A_1194 = arith.subf %add3A_1193, %get3A_1187 : vector<16xf32>
      %abs3A_1195 = math.absf %sub3A_1194 : vector<16xf32>
      %add3A_1196 = arith.addf %get3A_1192, %abs3A_1195 : vector<16xf32>
      %swap3A_1197 = arith.constant 896 : index
      %swap3A_1198 = tpu.vector_load %arg12[%swap3A_1197] {strides = array<i32>} : memref<1024xf32, #tpu.memory_space<vmem>>, vector<16xf32>,
      tpu.vector_store %arg12[%swap3A_1197], %add3A_1196 {strides = array<i32>} : memref<1024xf32, #tpu.memory_space<vmem>>, vector<16xf32>,
      %get3A_1199 = arith.constant 16 : index
      %get3A_1200 = tpu.vector_load %arg11[%get3A_1199] {strides = array<i32>} : memref<256xf32, #tpu.memory_space<vmem>>, vector<16xf32>,
      %get3A_1201 = arith.constant 144 : index
      %get3A_1202 = tpu.vector_load %arg11[%get3A_1201] {strides = array<i32>} : memref<256xf32, #tpu.memory_space<vmem>>, vector<16xf32>,
      %get3A_1203 = arith.constant 912 : index
      %get3A_1204 = tpu.vector_load %arg8[%get3A_1203] {strides = array<i32>} : memref<1024xi32, #tpu.memory_space<vmem>>, vector<16xi32>,
      %gather3A_1205 = tpu.vector_load_idx %arg9[%get3A_1204] : memref<1000xf32, #tpu.memory_space<vmem>>[vector<16xi32>], vector<16xf32>,
      %get3A_1206 = arith.constant 912 : index
      %get3A_1207 = tpu.vector_load %arg12[%get3A_1206] {strides = array<i32>} : memref<1024xf32, #tpu.memory_space<vmem>>, vector<16xf32>,
      %add3A_1208 = arith.addf %get3A_1200, %gather3A_1205 : vector<16xf32>
      %sub3A_1209 = arith.subf %add3A_1208, %get3A_1202 : vector<16xf32>
      %abs3A_1210 = math.absf %sub3A_1209 : vector<16xf32>
      %add3A_1211 = arith.addf %get3A_1207, %abs3A_1210 : vector<16xf32>
      %swap3A_1212 = arith.constant 912 : index
      %swap3A_1213 = tpu.vector_load %arg12[%swap3A_1212] {strides = array<i32>} : memref<1024xf32, #tpu.memory_space<vmem>>, vector<16xf32>,
      tpu.vector_store %arg12[%swap3A_1212], %add3A_1211 {strides = array<i32>} : memref<1024xf32, #tpu.memory_space<vmem>>, vector<16xf32>,
      %get3A_1214 = arith.constant 32 : index
      %get3A_1215 = tpu.vector_load %arg11[%get3A_1214] {strides = array<i32>} : memref<256xf32, #tpu.memory_space<vmem>>, vector<16xf32>,
      %get3A_1216 = arith.constant 160 : index
      %get3A_1217 = tpu.vector_load %arg11[%get3A_1216] {strides = array<i32>} : memref<256xf32, #tpu.memory_space<vmem>>, vector<16xf32>,
      %get3A_1218 = arith.constant 928 : index
      %get3A_1219 = tpu.vector_load %arg8[%get3A_1218] {strides = array<i32>} : memref<1024xi32, #tpu.memory_space<vmem>>, vector<16xi32>,
      %gather3A_1220 = tpu.vector_load_idx %arg9[%get3A_1219] : memref<1000xf32, #tpu.memory_space<vmem>>[vector<16xi32>], vector<16xf32>,
      %get3A_1221 = arith.constant 928 : index
      %get3A_1222 = tpu.vector_load %arg12[%get3A_1221] {strides = array<i32>} : memref<1024xf32, #tpu.memory_space<vmem>>, vector<16xf32>,
      %add3A_1223 = arith.addf %get3A_1215, %gather3A_1220 : vector<16xf32>
      %sub3A_1224 = arith.subf %add3A_1223, %get3A_1217 : vector<16xf32>
      %abs3A_1225 = math.absf %sub3A_1224 : vector<16xf32>
      %add3A_1226 = arith.addf %get3A_1222, %abs3A_1225 : vector<16xf32>
      %swap3A_1227 = arith.constant 928 : index
      %swap3A_1228 = tpu.vector_load %arg12[%swap3A_1227] {strides = array<i32>} : memref<1024xf32, #tpu.memory_space<vmem>>, vector<16xf32>,
      tpu.vector_store %arg12[%swap3A_1227], %add3A_1226 {strides = array<i32>} : memref<1024xf32, #tpu.memory_space<vmem>>, vector<16xf32>,
      %get3A_1229 = arith.constant 48 : index
      %get3A_1230 = tpu.vector_load %arg11[%get3A_1229] {strides = array<i32>} : memref<256xf32, #tpu.memory_space<vmem>>, vector<16xf32>,
      %get3A_1231 = arith.constant 176 : index
      %get3A_1232 = tpu.vector_load %arg11[%get3A_1231] {strides = array<i32>} : memref<256xf32, #tpu.memory_space<vmem>>, vector<16xf32>,
      %get3A_1233 = arith.constant 944 : index
      %get3A_1234 = tpu.vector_load %arg8[%get3A_1233] {strides = array<i32>} : memref<1024xi32, #tpu.memory_space<vmem>>, vector<16xi32>,
      %gather3A_1235 = tpu.vector_load_idx %arg9[%get3A_1234] : memref<1000xf32, #tpu.memory_space<vmem>>[vector<16xi32>], vector<16xf32>,
      %get3A_1236 = arith.constant 944 : index
      %get3A_1237 = tpu.vector_load %arg12[%get3A_1236] {strides = array<i32>} : memref<1024xf32, #tpu.memory_space<vmem>>, vector<16xf32>,
      %add3A_1238 = arith.addf %get3A_1230, %gather3A_1235 : vector<16xf32>
      %sub3A_1239 = arith.subf %add3A_1238, %get3A_1232 : vector<16xf32>
      %abs3A_1240 = math.absf %sub3A_1239 : vector<16xf32>
      %add3A_1241 = arith.addf %get3A_1237, %abs3A_1240 : vector<16xf32>
      %swap3A_1242 = arith.constant 944 : index
      %swap3A_1243 = tpu.vector_load %arg12[%swap3A_1242] {strides = array<i32>} : memref<1024xf32, #tpu.memory_space<vmem>>, vector<16xf32>,
      tpu.vector_store %arg12[%swap3A_1242], %add3A_1241 {strides = array<i32>} : memref<1024xf32, #tpu.memory_space<vmem>>, vector<16xf32>,
      %get3A_1244 = arith.constant 64 : index
      %get3A_1245 = tpu.vector_load %arg11[%get3A_1244] {strides = array<i32>} : memref<256xf32, #tpu.memory_space<vmem>>, vector<16xf32>,
      %get3A_1246 = arith.constant 192 : index
      %get3A_1247 = tpu.vector_load %arg11[%get3A_1246] {strides = array<i32>} : memref<256xf32, #tpu.memory_space<vmem>>, vector<16xf32>,
      %get3A_1248 = arith.constant 960 : index
      %get3A_1249 = tpu.vector_load %arg8[%get3A_1248] {strides = array<i32>} : memref<1024xi32, #tpu.memory_space<vmem>>, vector<16xi32>,
      %gather3A_1250 = tpu.vector_load_idx %arg9[%get3A_1249] : memref<1000xf32, #tpu.memory_space<vmem>>[vector<16xi32>], vector<16xf32>,
      %get3A_1251 = arith.constant 960 : index
      %get3A_1252 = tpu.vector_load %arg12[%get3A_1251] {strides = array<i32>} : memref<1024xf32, #tpu.memory_space<vmem>>, vector<16xf32>,
      %add3A_1253 = arith.addf %get3A_1245, %gather3A_1250 : vector<16xf32>
      %sub3A_1254 = arith.subf %add3A_1253, %get3A_1247 : vector<16xf32>
      %abs3A_1255 = math.absf %sub3A_1254 : vector<16xf32>
      %add3A_1256 = arith.addf %get3A_1252, %abs3A_1255 : vector<16xf32>
      %swap3A_1257 = arith.constant 960 : index
      %swap3A_1258 = tpu.vector_load %arg12[%swap3A_1257] {strides = array<i32>} : memref<1024xf32, #tpu.memory_space<vmem>>, vector<16xf32>,
      tpu.vector_store %arg12[%swap3A_1257], %add3A_1256 {strides = array<i32>} : memref<1024xf32, #tpu.memory_space<vmem>>, vector<16xf32>,
      %get3A_1259 = arith.constant 80 : index
      %get3A_1260 = tpu.vector_load %arg11[%get3A_1259] {strides = array<i32>} : memref<256xf32, #tpu.memory_space<vmem>>, vector<16xf32>,
      %get3A_1261 = arith.constant 208 : index
      %get3A_1262 = tpu.vector_load %arg11[%get3A_1261] {strides = array<i32>} : memref<256xf32, #tpu.memory_space<vmem>>, vector<16xf32>,
      %get3A_1263 = arith.constant 976 : index
      %get3A_1264 = tpu.vector_load %arg8[%get3A_1263] {strides = array<i32>} : memref<1024xi32, #tpu.memory_space<vmem>>, vector<16xi32>,
      %gather3A_1265 = tpu.vector_load_idx %arg9[%get3A_1264] : memref<1000xf32, #tpu.memory_space<vmem>>[vector<16xi32>], vector<16xf32>,
      %get3A_1266 = arith.constant 976 : index
      %get3A_1267 = tpu.vector_load %arg12[%get3A_1266] {strides = array<i32>} : memref<1024xf32, #tpu.memory_space<vmem>>, vector<16xf32>,
      %add3A_1268 = arith.addf %get3A_1260, %gather3A_1265 : vector<16xf32>
      %sub3A_1269 = arith.subf %add3A_1268, %get3A_1262 : vector<16xf32>
      %abs3A_1270 = math.absf %sub3A_1269 : vector<16xf32>
      %add3A_1271 = arith.addf %get3A_1267, %abs3A_1270 : vector<16xf32>
      %swap3A_1272 = arith.constant 976 : index
      %swap3A_1273 = tpu.vector_load %arg12[%swap3A_1272] {strides = array<i32>} : memref<1024xf32, #tpu.memory_space<vmem>>, vector<16xf32>,
      tpu.vector_store %arg12[%swap3A_1272], %add3A_1271 {strides = array<i32>} : memref<1024xf32, #tpu.memory_space<vmem>>, vector<16xf32>,
      %get3A_1274 = arith.constant 96 : index
      %get3A_1275 = tpu.vector_load %arg11[%get3A_1274] {strides = array<i32>} : memref<256xf32, #tpu.memory_space<vmem>>, vector<16xf32>,
      %get3A_1276 = arith.constant 224 : index
      %get3A_1277 = tpu.vector_load %arg11[%get3A_1276] {strides = array<i32>} : memref<256xf32, #tpu.memory_space<vmem>>, vector<16xf32>,
      %get3A_1278 = arith.constant 992 : index
      %get3A_1279 = tpu.vector_load %arg8[%get3A_1278] {strides = array<i32>} : memref<1024xi32, #tpu.memory_space<vmem>>, vector<16xi32>,
      %gather3A_1280 = tpu.vector_load_idx %arg9[%get3A_1279] : memref<1000xf32, #tpu.memory_space<vmem>>[vector<16xi32>], vector<16xf32>,
      %get3A_1281 = arith.constant 992 : index
      %get3A_1282 = tpu.vector_load %arg12[%get3A_1281] {strides = array<i32>} : memref<1024xf32, #tpu.memory_space<vmem>>, vector<16xf32>,
      %add3A_1283 = arith.addf %get3A_1275, %gather3A_1280 : vector<16xf32>
      %sub3A_1284 = arith.subf %add3A_1283, %get3A_1277 : vector<16xf32>
      %abs3A_1285 = math.absf %sub3A_1284 : vector<16xf32>
      %add3A_1286 = arith.addf %get3A_1282, %abs3A_1285 : vector<16xf32>
      %swap3A_1287 = arith.constant 992 : index
      %swap3A_1288 = tpu.vector_load %arg12[%swap3A_1287] {strides = array<i32>} : memref<1024xf32, #tpu.memory_space<vmem>>, vector<16xf32>,
      tpu.vector_store %arg12[%swap3A_1287], %add3A_1286 {strides = array<i32>} : memref<1024xf32, #tpu.memory_space<vmem>>, vector<16xf32>,
      %get3A_1289 = arith.constant 112 : index
      %get3A_1290 = tpu.vector_load %arg11[%get3A_1289] {strides = array<i32>} : memref<256xf32, #tpu.memory_space<vmem>>, vector<16xf32>,
      %get3A_1291 = arith.constant 240 : index
      %get3A_1292 = tpu.vector_load %arg11[%get3A_1291] {strides = array<i32>} : memref<256xf32, #tpu.memory_space<vmem>>, vector<16xf32>,
      %get3A_1293 = arith.constant 1008 : index
      %get3A_1294 = tpu.vector_load %arg8[%get3A_1293] {strides = array<i32>} : memref<1024xi32, #tpu.memory_space<vmem>>, vector<16xi32>,
      %gather3A_1295 = tpu.vector_load_idx %arg9[%get3A_1294] : memref<1000xf32, #tpu.memory_space<vmem>>[vector<16xi32>], vector<16xf32>,
      %get3A_1296 = arith.constant 1008 : index
      %get3A_1297 = tpu.vector_load %arg12[%get3A_1296] {strides = array<i32>} : memref<1024xf32, #tpu.memory_space<vmem>>, vector<16xf32>,
      %add3A_1298 = arith.addf %get3A_1290, %gather3A_1295 : vector<16xf32>
      %sub3A_1299 = arith.subf %add3A_1298, %get3A_1292 : vector<16xf32>
      %abs3A_1300 = math.absf %sub3A_1299 : vector<16xf32>
      %add3A_1301 = arith.addf %get3A_1297, %abs3A_1300 : vector<16xf32>
      %swap3A_1302 = arith.constant 1008 : index
      %swap3A_1303 = tpu.vector_load %arg12[%swap3A_1302] {strides = array<i32>} : memref<1024xf32, #tpu.memory_space<vmem>>, vector<16xf32>,
      tpu.vector_store %arg12[%swap3A_1302], %add3A_1301 {strides = array<i32>} : memref<1024xf32, #tpu.memory_space<vmem>>, vector<16xf32>,
      %mul3A_1304 = arith.constant 2 : i32
      %mul3A_1305 = arith.muli %mul3A_1304, %scan3A_268 : i32
      %add3A_1306 = arith.addi %mul3A_2, %mul3A_1305 : i32
      %add3A_1307 = arith.constant 1 : i32
      %add3A_1308 = arith.addi %add3A_1306, %add3A_1307 : i32
      "tpu.region"() ({
        %run_scoped3A = tpu.sem_alloc : memref<!tpu.dma_semaphore, #tpu.memory_space<semaphore_mem>>
        %dma_start3A_2348 = arith.constant 0 : i32
        %dma_start3A_2349 = tpu.memref_slice %arg5[%add3A_1308, %dma_start3A_2348] : memref<64x1000xf32, #tpu.memory_space<hbm>> -> memref<1x1000xf32, #tpu.memory_space<hbm>>
        %dma_start3A_2350 = tpu.memref_squeeze %dma_start3A_2349 : memref<1x1000xf32, #tpu.memory_space<hbm>> -> memref<1000xf32, #tpu.memory_space<hbm>>
        %dma_start3A_2351 = arith.constant 0 : i32
        %dma_start3A_2352 = tpu.memref_slice %arg5[%add3A_1308, %dma_start3A_2351] : memref<64x1000xf32, #tpu.memory_space<hbm>> -> memref<1x1000xf32, #tpu.memory_space<hbm>>
        %dma_start3A_2353 = tpu.memref_squeeze %dma_start3A_2352 : memref<1x1000xf32, #tpu.memory_space<hbm>> -> memref<1000xf32, #tpu.memory_space<hbm>>
        tpu.enqueue_dma source(%dma_start3A_2353 : memref<1000xf32, #tpu.memory_space<hbm>>) target(%arg9 : memref<1000xf32, #tpu.memory_space<vmem>>) target_semaphore(%run_scoped3A : memref<!tpu.dma_semaphore, #tpu.memory_space<semaphore_mem>>)
        %dma_wait3A_2354 = arith.constant 0 : i32
        %dma_wait3A_2355 = tpu.memref_slice %arg5[%add3A_1308, %dma_wait3A_2354] : memref<64x1000xf32, #tpu.memory_space<hbm>> -> memref<1x1000xf32, #tpu.memory_space<hbm>>
        %dma_wait3A_2356 = tpu.memref_squeeze %dma_wait3A_2355 : memref<1x1000xf32, #tpu.memory_space<hbm>> -> memref<1000xf32, #tpu.memory_space<hbm>>
        %dma_wait3A_2357 = arith.constant 0 : i32
        %dma_wait3A_2358 = tpu.memref_slice %arg5[%add3A_1308, %dma_wait3A_2357] : memref<64x1000xf32, #tpu.memory_space<hbm>> -> memref<1x1000xf32, #tpu.memory_space<hbm>>
        %dma_wait3A_2359 = tpu.memref_squeeze %dma_wait3A_2358 : memref<1x1000xf32, #tpu.memory_space<hbm>> -> memref<1000xf32, #tpu.memory_space<hbm>>
        tpu.wait_dma2 semaphore(%run_scoped3A : memref<!tpu.dma_semaphore, #tpu.memory_space<semaphore_mem>>) src(%dma_wait3A_2359 : memref<1000xf32, #tpu.memory_space<hbm>>) dst(%arg9 : memref<1000xf32, #tpu.memory_space<vmem>>)
        tpu.yield
      }) : () -> ()
      %eq3A_1309 = arith.constant 0 : i32
      %eq3A_1310 = arith.cmpi eq, %arg1, %eq3A_1309 : i32
      %convert_element_type3A_1311 = arith.extui %eq3A_1310 : i1 to i32
      %cond3A_1312 = arith.constant 0 : i32
      %cond3A_1313 = arith.cmpi ne, %convert_element_type3A_1311, %cond3A_1312 : i32
      scf.if %cond3A_1313 {
        %dma_wait3A_2348 = arith.constant 0 : i32
        %dma_wait3A_2349 = tpu.memref_slice %arg4[%add3A_1308, %dma_wait3A_2348] : memref<64x1000000xf32, #tpu.memory_space<hbm>> -> memref<1x1000000xf32, #tpu.memory_space<hbm>>
        %dma_wait3A_2350 = tpu.memref_squeeze %dma_wait3A_2349 : memref<1x1000000xf32, #tpu.memory_space<hbm>> -> memref<1000000xf32, #tpu.memory_space<hbm>>
        tpu.wait_dma2 semaphore(%arg15 : memref<!tpu.dma_semaphore, #tpu.memory_space<semaphore_mem>>) src(%dma_wait3A_2350 : memref<1000000xf32, #tpu.memory_space<hbm>>) dst(%arg14 : memref<1000000xf32, #tpu.memory_space<vmem_shared>>)
      } else {
      }
      %barrier3A_1314 = arith.constant 0 : index
      tpu.barrier barrier_id(%barrier3A_1314)
      %dma_start3A_1315 = arith.constant 0 : i32
      %dma_start3A_1316 = tpu.memref_slice %arg7[%dma_start3A_1315] : memref<2048xi32, #tpu.memory_space<vmem>> -> memref<256xi32, #tpu.memory_space<vmem>>
      %dma_start3A_1317 = arith.constant 0 : i32
      %dma_start3A_1318 = tpu.memref_slice %arg14[%dma_start3A_1317] : memref<1000000xf32, #tpu.memory_space<vmem_shared>> -> memref<1000000xf32, #tpu.memory_space<vmem_shared>>
      tpu.enqueue_indirect_dma source(%dma_start3A_1318 : memref<1000000xf32, #tpu.memory_space<vmem_shared>>) target(%arg10 : memref<256xf32, #tpu.memory_space<vmem>>) offsets(%dma_start3A_1316 : memref<256xi32, #tpu.memory_space<vmem>>) semaphore(%arg16 : memref<!tpu.dma_semaphore, #tpu.memory_space<semaphore_mem>>)
      %dma_start3A_1319 = arith.constant 256 : i32
      %dma_start3A_1320 = tpu.memref_slice %arg7[%dma_start3A_1319] : memref<2048xi32, #tpu.memory_space<vmem>> -> memref<256xi32, #tpu.memory_space<vmem>>
      %dma_start3A_1321 = arith.constant 0 : i32
      %dma_start3A_1322 = tpu.memref_slice %arg14[%dma_start3A_1321] : memref<1000000xf32, #tpu.memory_space<vmem_shared>> -> memref<1000000xf32, #tpu.memory_space<vmem_shared>>
      tpu.enqueue_indirect_dma source(%dma_start3A_1322 : memref<1000000xf32, #tpu.memory_space<vmem_shared>>) target(%arg11 : memref<256xf32, #tpu.memory_space<vmem>>) offsets(%dma_start3A_1320 : memref<256xi32, #tpu.memory_space<vmem>>) semaphore(%arg16 : memref<!tpu.dma_semaphore, #tpu.memory_space<semaphore_mem>>)
      %dma_wait3A_1323 = arith.constant 0 : i32
      %dma_wait3A_1324 = tpu.memref_slice %arg7[%dma_wait3A_1323] : memref<2048xi32, #tpu.memory_space<vmem>> -> memref<256xi32, #tpu.memory_space<vmem>>
      %dma_wait3A_1325 = arith.constant 0 : i32
      %dma_wait3A_1326 = tpu.memref_slice %arg14[%dma_wait3A_1325] : memref<1000000xf32, #tpu.memory_space<vmem_shared>> -> memref<1000000xf32, #tpu.memory_space<vmem_shared>>
      tpu.wait_indirect_dma semaphore(%arg16 : memref<!tpu.dma_semaphore, #tpu.memory_space<semaphore_mem>>) src(%dma_wait3A_1326 : memref<1000000xf32, #tpu.memory_space<vmem_shared>>) dst(%arg10 : memref<256xf32, #tpu.memory_space<vmem>>)
      %get3A_1327 = arith.constant 0 : index
      %get3A_1328 = tpu.vector_load %arg10[%get3A_1327] {strides = array<i32>} : memref<256xf32, #tpu.memory_space<vmem>>, vector<16xf32>,
      %get3A_1329 = arith.constant 128 : index
      %get3A_1330 = tpu.vector_load %arg10[%get3A_1329] {strides = array<i32>} : memref<256xf32, #tpu.memory_space<vmem>>, vector<16xf32>,
      %get3A_1331 = arith.constant 0 : index
      %get3A_1332 = tpu.vector_load %arg8[%get3A_1331] {strides = array<i32>} : memref<1024xi32, #tpu.memory_space<vmem>>, vector<16xi32>,
      %gather3A_1333 = tpu.vector_load_idx %arg9[%get3A_1332] : memref<1000xf32, #tpu.memory_space<vmem>>[vector<16xi32>], vector<16xf32>,
      %get3A_1334 = arith.constant 0 : index
      %get3A_1335 = tpu.vector_load %arg12[%get3A_1334] {strides = array<i32>} : memref<1024xf32, #tpu.memory_space<vmem>>, vector<16xf32>,
      %add3A_1336 = arith.addf %get3A_1328, %gather3A_1333 : vector<16xf32>
      %sub3A_1337 = arith.subf %add3A_1336, %get3A_1330 : vector<16xf32>
      %abs3A_1338 = math.absf %sub3A_1337 : vector<16xf32>
      %add3A_1339 = arith.addf %get3A_1335, %abs3A_1338 : vector<16xf32>
      %swap3A_1340 = arith.constant 0 : index
      %swap3A_1341 = tpu.vector_load %arg12[%swap3A_1340] {strides = array<i32>} : memref<1024xf32, #tpu.memory_space<vmem>>, vector<16xf32>,
      tpu.vector_store %arg12[%swap3A_1340], %add3A_1339 {strides = array<i32>} : memref<1024xf32, #tpu.memory_space<vmem>>, vector<16xf32>,
      %get3A_1342 = arith.constant 16 : index
      %get3A_1343 = tpu.vector_load %arg10[%get3A_1342] {strides = array<i32>} : memref<256xf32, #tpu.memory_space<vmem>>, vector<16xf32>,
      %get3A_1344 = arith.constant 144 : index
      %get3A_1345 = tpu.vector_load %arg10[%get3A_1344] {strides = array<i32>} : memref<256xf32, #tpu.memory_space<vmem>>, vector<16xf32>,
      %get3A_1346 = arith.constant 16 : index
      %get3A_1347 = tpu.vector_load %arg8[%get3A_1346] {strides = array<i32>} : memref<1024xi32, #tpu.memory_space<vmem>>, vector<16xi32>,
      %gather3A_1348 = tpu.vector_load_idx %arg9[%get3A_1347] : memref<1000xf32, #tpu.memory_space<vmem>>[vector<16xi32>], vector<16xf32>,
      %get3A_1349 = arith.constant 16 : index
      %get3A_1350 = tpu.vector_load %arg12[%get3A_1349] {strides = array<i32>} : memref<1024xf32, #tpu.memory_space<vmem>>, vector<16xf32>,
      %add3A_1351 = arith.addf %get3A_1343, %gather3A_1348 : vector<16xf32>
      %sub3A_1352 = arith.subf %add3A_1351, %get3A_1345 : vector<16xf32>
      %abs3A_1353 = math.absf %sub3A_1352 : vector<16xf32>
      %add3A_1354 = arith.addf %get3A_1350, %abs3A_1353 : vector<16xf32>
      %swap3A_1355 = arith.constant 16 : index
      %swap3A_1356 = tpu.vector_load %arg12[%swap3A_1355] {strides = array<i32>} : memref<1024xf32, #tpu.memory_space<vmem>>, vector<16xf32>,
      tpu.vector_store %arg12[%swap3A_1355], %add3A_1354 {strides = array<i32>} : memref<1024xf32, #tpu.memory_space<vmem>>, vector<16xf32>,
      %get3A_1357 = arith.constant 32 : index
      %get3A_1358 = tpu.vector_load %arg10[%get3A_1357] {strides = array<i32>} : memref<256xf32, #tpu.memory_space<vmem>>, vector<16xf32>,
      %get3A_1359 = arith.constant 160 : index
      %get3A_1360 = tpu.vector_load %arg10[%get3A_1359] {strides = array<i32>} : memref<256xf32, #tpu.memory_space<vmem>>, vector<16xf32>,
      %get3A_1361 = arith.constant 32 : index
      %get3A_1362 = tpu.vector_load %arg8[%get3A_1361] {strides = array<i32>} : memref<1024xi32, #tpu.memory_space<vmem>>, vector<16xi32>,
      %gather3A_1363 = tpu.vector_load_idx %arg9[%get3A_1362] : memref<1000xf32, #tpu.memory_space<vmem>>[vector<16xi32>], vector<16xf32>,
      %get3A_1364 = arith.constant 32 : index
      %get3A_1365 = tpu.vector_load %arg12[%get3A_1364] {strides = array<i32>} : memref<1024xf32, #tpu.memory_space<vmem>>, vector<16xf32>,
      %add3A_1366 = arith.addf %get3A_1358, %gather3A_1363 : vector<16xf32>
      %sub3A_1367 = arith.subf %add3A_1366, %get3A_1360 : vector<16xf32>
      %abs3A_1368 = math.absf %sub3A_1367 : vector<16xf32>
      %add3A_1369 = arith.addf %get3A_1365, %abs3A_1368 : vector<16xf32>
      %swap3A_1370 = arith.constant 32 : index
      %swap3A_1371 = tpu.vector_load %arg12[%swap3A_1370] {strides = array<i32>} : memref<1024xf32, #tpu.memory_space<vmem>>, vector<16xf32>,
      tpu.vector_store %arg12[%swap3A_1370], %add3A_1369 {strides = array<i32>} : memref<1024xf32, #tpu.memory_space<vmem>>, vector<16xf32>,
      %get3A_1372 = arith.constant 48 : index
      %get3A_1373 = tpu.vector_load %arg10[%get3A_1372] {strides = array<i32>} : memref<256xf32, #tpu.memory_space<vmem>>, vector<16xf32>,
      %get3A_1374 = arith.constant 176 : index
      %get3A_1375 = tpu.vector_load %arg10[%get3A_1374] {strides = array<i32>} : memref<256xf32, #tpu.memory_space<vmem>>, vector<16xf32>,
      %get3A_1376 = arith.constant 48 : index
      %get3A_1377 = tpu.vector_load %arg8[%get3A_1376] {strides = array<i32>} : memref<1024xi32, #tpu.memory_space<vmem>>, vector<16xi32>,
      %gather3A_1378 = tpu.vector_load_idx %arg9[%get3A_1377] : memref<1000xf32, #tpu.memory_space<vmem>>[vector<16xi32>], vector<16xf32>,
      %get3A_1379 = arith.constant 48 : index
      %get3A_1380 = tpu.vector_load %arg12[%get3A_1379] {strides = array<i32>} : memref<1024xf32, #tpu.memory_space<vmem>>, vector<16xf32>,
      %add3A_1381 = arith.addf %get3A_1373, %gather3A_1378 : vector<16xf32>
      %sub3A_1382 = arith.subf %add3A_1381, %get3A_1375 : vector<16xf32>
      %abs3A_1383 = math.absf %sub3A_1382 : vector<16xf32>
      %add3A_1384 = arith.addf %get3A_1380, %abs3A_1383 : vector<16xf32>
      %swap3A_1385 = arith.constant 48 : index
      %swap3A_1386 = tpu.vector_load %arg12[%swap3A_1385] {strides = array<i32>} : memref<1024xf32, #tpu.memory_space<vmem>>, vector<16xf32>,
      tpu.vector_store %arg12[%swap3A_1385], %add3A_1384 {strides = array<i32>} : memref<1024xf32, #tpu.memory_space<vmem>>, vector<16xf32>,
      %get3A_1387 = arith.constant 64 : index
      %get3A_1388 = tpu.vector_load %arg10[%get3A_1387] {strides = array<i32>} : memref<256xf32, #tpu.memory_space<vmem>>, vector<16xf32>,
      %get3A_1389 = arith.constant 192 : index
      %get3A_1390 = tpu.vector_load %arg10[%get3A_1389] {strides = array<i32>} : memref<256xf32, #tpu.memory_space<vmem>>, vector<16xf32>,
      %get3A_1391 = arith.constant 64 : index
      %get3A_1392 = tpu.vector_load %arg8[%get3A_1391] {strides = array<i32>} : memref<1024xi32, #tpu.memory_space<vmem>>, vector<16xi32>,
      %gather3A_1393 = tpu.vector_load_idx %arg9[%get3A_1392] : memref<1000xf32, #tpu.memory_space<vmem>>[vector<16xi32>], vector<16xf32>,
      %get3A_1394 = arith.constant 64 : index
      %get3A_1395 = tpu.vector_load %arg12[%get3A_1394] {strides = array<i32>} : memref<1024xf32, #tpu.memory_space<vmem>>, vector<16xf32>,
      %add3A_1396 = arith.addf %get3A_1388, %gather3A_1393 : vector<16xf32>
      %sub3A_1397 = arith.subf %add3A_1396, %get3A_1390 : vector<16xf32>
      %abs3A_1398 = math.absf %sub3A_1397 : vector<16xf32>
      %add3A_1399 = arith.addf %get3A_1395, %abs3A_1398 : vector<16xf32>
      %swap3A_1400 = arith.constant 64 : index
      %swap3A_1401 = tpu.vector_load %arg12[%swap3A_1400] {strides = array<i32>} : memref<1024xf32, #tpu.memory_space<vmem>>, vector<16xf32>,
      tpu.vector_store %arg12[%swap3A_1400], %add3A_1399 {strides = array<i32>} : memref<1024xf32, #tpu.memory_space<vmem>>, vector<16xf32>,
      %get3A_1402 = arith.constant 80 : index
      %get3A_1403 = tpu.vector_load %arg10[%get3A_1402] {strides = array<i32>} : memref<256xf32, #tpu.memory_space<vmem>>, vector<16xf32>,
      %get3A_1404 = arith.constant 208 : index
      %get3A_1405 = tpu.vector_load %arg10[%get3A_1404] {strides = array<i32>} : memref<256xf32, #tpu.memory_space<vmem>>, vector<16xf32>,
      %get3A_1406 = arith.constant 80 : index
      %get3A_1407 = tpu.vector_load %arg8[%get3A_1406] {strides = array<i32>} : memref<1024xi32, #tpu.memory_space<vmem>>, vector<16xi32>,
      %gather3A_1408 = tpu.vector_load_idx %arg9[%get3A_1407] : memref<1000xf32, #tpu.memory_space<vmem>>[vector<16xi32>], vector<16xf32>,
      %get3A_1409 = arith.constant 80 : index
      %get3A_1410 = tpu.vector_load %arg12[%get3A_1409] {strides = array<i32>} : memref<1024xf32, #tpu.memory_space<vmem>>, vector<16xf32>,
      %add3A_1411 = arith.addf %get3A_1403, %gather3A_1408 : vector<16xf32>
      %sub3A_1412 = arith.subf %add3A_1411, %get3A_1405 : vector<16xf32>
      %abs3A_1413 = math.absf %sub3A_1412 : vector<16xf32>
      %add3A_1414 = arith.addf %get3A_1410, %abs3A_1413 : vector<16xf32>
      %swap3A_1415 = arith.constant 80 : index
      %swap3A_1416 = tpu.vector_load %arg12[%swap3A_1415] {strides = array<i32>} : memref<1024xf32, #tpu.memory_space<vmem>>, vector<16xf32>,
      tpu.vector_store %arg12[%swap3A_1415], %add3A_1414 {strides = array<i32>} : memref<1024xf32, #tpu.memory_space<vmem>>, vector<16xf32>,
      %get3A_1417 = arith.constant 96 : index
      %get3A_1418 = tpu.vector_load %arg10[%get3A_1417] {strides = array<i32>} : memref<256xf32, #tpu.memory_space<vmem>>, vector<16xf32>,
      %get3A_1419 = arith.constant 224 : index
      %get3A_1420 = tpu.vector_load %arg10[%get3A_1419] {strides = array<i32>} : memref<256xf32, #tpu.memory_space<vmem>>, vector<16xf32>,
      %get3A_1421 = arith.constant 96 : index
      %get3A_1422 = tpu.vector_load %arg8[%get3A_1421] {strides = array<i32>} : memref<1024xi32, #tpu.memory_space<vmem>>, vector<16xi32>,
      %gather3A_1423 = tpu.vector_load_idx %arg9[%get3A_1422] : memref<1000xf32, #tpu.memory_space<vmem>>[vector<16xi32>], vector<16xf32>,
      %get3A_1424 = arith.constant 96 : index
      %get3A_1425 = tpu.vector_load %arg12[%get3A_1424] {strides = array<i32>} : memref<1024xf32, #tpu.memory_space<vmem>>, vector<16xf32>,
      %add3A_1426 = arith.addf %get3A_1418, %gather3A_1423 : vector<16xf32>
      %sub3A_1427 = arith.subf %add3A_1426, %get3A_1420 : vector<16xf32>
      %abs3A_1428 = math.absf %sub3A_1427 : vector<16xf32>
      %add3A_1429 = arith.addf %get3A_1425, %abs3A_1428 : vector<16xf32>
      %swap3A_1430 = arith.constant 96 : index
      %swap3A_1431 = tpu.vector_load %arg12[%swap3A_1430] {strides = array<i32>} : memref<1024xf32, #tpu.memory_space<vmem>>, vector<16xf32>,
      tpu.vector_store %arg12[%swap3A_1430], %add3A_1429 {strides = array<i32>} : memref<1024xf32, #tpu.memory_space<vmem>>, vector<16xf32>,
      %get3A_1432 = arith.constant 112 : index
      %get3A_1433 = tpu.vector_load %arg10[%get3A_1432] {strides = array<i32>} : memref<256xf32, #tpu.memory_space<vmem>>, vector<16xf32>,
      %get3A_1434 = arith.constant 240 : index
      %get3A_1435 = tpu.vector_load %arg10[%get3A_1434] {strides = array<i32>} : memref<256xf32, #tpu.memory_space<vmem>>, vector<16xf32>,
      %get3A_1436 = arith.constant 112 : index
      %get3A_1437 = tpu.vector_load %arg8[%get3A_1436] {strides = array<i32>} : memref<1024xi32, #tpu.memory_space<vmem>>, vector<16xi32>,
      %gather3A_1438 = tpu.vector_load_idx %arg9[%get3A_1437] : memref<1000xf32, #tpu.memory_space<vmem>>[vector<16xi32>], vector<16xf32>,
      %get3A_1439 = arith.constant 112 : index
      %get3A_1440 = tpu.vector_load %arg12[%get3A_1439] {strides = array<i32>} : memref<1024xf32, #tpu.memory_space<vmem>>, vector<16xf32>,
      %add3A_1441 = arith.addf %get3A_1433, %gather3A_1438 : vector<16xf32>
      %sub3A_1442 = arith.subf %add3A_1441, %get3A_1435 : vector<16xf32>
      %abs3A_1443 = math.absf %sub3A_1442 : vector<16xf32>
      %add3A_1444 = arith.addf %get3A_1440, %abs3A_1443 : vector<16xf32>
      %swap3A_1445 = arith.constant 112 : index
      %swap3A_1446 = tpu.vector_load %arg12[%swap3A_1445] {strides = array<i32>} : memref<1024xf32, #tpu.memory_space<vmem>>, vector<16xf32>,
      tpu.vector_store %arg12[%swap3A_1445], %add3A_1444 {strides = array<i32>} : memref<1024xf32, #tpu.memory_space<vmem>>, vector<16xf32>,
      %dma_start3A_1447 = arith.constant 512 : i32
      %dma_start3A_1448 = tpu.memref_slice %arg7[%dma_start3A_1447] : memref<2048xi32, #tpu.memory_space<vmem>> -> memref<256xi32, #tpu.memory_space<vmem>>
      %dma_start3A_1449 = arith.constant 0 : i32
      %dma_start3A_1450 = tpu.memref_slice %arg14[%dma_start3A_1449] : memref<1000000xf32, #tpu.memory_space<vmem_shared>> -> memref<1000000xf32, #tpu.memory_space<vmem_shared>>
      tpu.enqueue_indirect_dma source(%dma_start3A_1450 : memref<1000000xf32, #tpu.memory_space<vmem_shared>>) target(%arg10 : memref<256xf32, #tpu.memory_space<vmem>>) offsets(%dma_start3A_1448 : memref<256xi32, #tpu.memory_space<vmem>>) semaphore(%arg16 : memref<!tpu.dma_semaphore, #tpu.memory_space<semaphore_mem>>)
      %dma_wait3A_1451 = arith.constant 256 : i32
      %dma_wait3A_1452 = tpu.memref_slice %arg7[%dma_wait3A_1451] : memref<2048xi32, #tpu.memory_space<vmem>> -> memref<256xi32, #tpu.memory_space<vmem>>
      %dma_wait3A_1453 = arith.constant 0 : i32
      %dma_wait3A_1454 = tpu.memref_slice %arg14[%dma_wait3A_1453] : memref<1000000xf32, #tpu.memory_space<vmem_shared>> -> memref<1000000xf32, #tpu.memory_space<vmem_shared>>
      tpu.wait_indirect_dma semaphore(%arg16 : memref<!tpu.dma_semaphore, #tpu.memory_space<semaphore_mem>>) src(%dma_wait3A_1454 : memref<1000000xf32, #tpu.memory_space<vmem_shared>>) dst(%arg11 : memref<256xf32, #tpu.memory_space<vmem>>)
      %get3A_1455 = arith.constant 0 : index
      %get3A_1456 = tpu.vector_load %arg11[%get3A_1455] {strides = array<i32>} : memref<256xf32, #tpu.memory_space<vmem>>, vector<16xf32>,
      %get3A_1457 = arith.constant 128 : index
      %get3A_1458 = tpu.vector_load %arg11[%get3A_1457] {strides = array<i32>} : memref<256xf32, #tpu.memory_space<vmem>>, vector<16xf32>,
      %get3A_1459 = arith.constant 128 : index
      %get3A_1460 = tpu.vector_load %arg8[%get3A_1459] {strides = array<i32>} : memref<1024xi32, #tpu.memory_space<vmem>>, vector<16xi32>,
      %gather3A_1461 = tpu.vector_load_idx %arg9[%get3A_1460] : memref<1000xf32, #tpu.memory_space<vmem>>[vector<16xi32>], vector<16xf32>,
      %get3A_1462 = arith.constant 128 : index
      %get3A_1463 = tpu.vector_load %arg12[%get3A_1462] {strides = array<i32>} : memref<1024xf32, #tpu.memory_space<vmem>>, vector<16xf32>,
      %add3A_1464 = arith.addf %get3A_1456, %gather3A_1461 : vector<16xf32>
      %sub3A_1465 = arith.subf %add3A_1464, %get3A_1458 : vector<16xf32>
      %abs3A_1466 = math.absf %sub3A_1465 : vector<16xf32>
      %add3A_1467 = arith.addf %get3A_1463, %abs3A_1466 : vector<16xf32>
      %swap3A_1468 = arith.constant 128 : index
      %swap3A_1469 = tpu.vector_load %arg12[%swap3A_1468] {strides = array<i32>} : memref<1024xf32, #tpu.memory_space<vmem>>, vector<16xf32>,
      tpu.vector_store %arg12[%swap3A_1468], %add3A_1467 {strides = array<i32>} : memref<1024xf32, #tpu.memory_space<vmem>>, vector<16xf32>,
      %get3A_1470 = arith.constant 16 : index
      %get3A_1471 = tpu.vector_load %arg11[%get3A_1470] {strides = array<i32>} : memref<256xf32, #tpu.memory_space<vmem>>, vector<16xf32>,
      %get3A_1472 = arith.constant 144 : index
      %get3A_1473 = tpu.vector_load %arg11[%get3A_1472] {strides = array<i32>} : memref<256xf32, #tpu.memory_space<vmem>>, vector<16xf32>,
      %get3A_1474 = arith.constant 144 : index
      %get3A_1475 = tpu.vector_load %arg8[%get3A_1474] {strides = array<i32>} : memref<1024xi32, #tpu.memory_space<vmem>>, vector<16xi32>,
      %gather3A_1476 = tpu.vector_load_idx %arg9[%get3A_1475] : memref<1000xf32, #tpu.memory_space<vmem>>[vector<16xi32>], vector<16xf32>,
      %get3A_1477 = arith.constant 144 : index
      %get3A_1478 = tpu.vector_load %arg12[%get3A_1477] {strides = array<i32>} : memref<1024xf32, #tpu.memory_space<vmem>>, vector<16xf32>,
      %add3A_1479 = arith.addf %get3A_1471, %gather3A_1476 : vector<16xf32>
      %sub3A_1480 = arith.subf %add3A_1479, %get3A_1473 : vector<16xf32>
      %abs3A_1481 = math.absf %sub3A_1480 : vector<16xf32>
      %add3A_1482 = arith.addf %get3A_1478, %abs3A_1481 : vector<16xf32>
      %swap3A_1483 = arith.constant 144 : index
      %swap3A_1484 = tpu.vector_load %arg12[%swap3A_1483] {strides = array<i32>} : memref<1024xf32, #tpu.memory_space<vmem>>, vector<16xf32>,
      tpu.vector_store %arg12[%swap3A_1483], %add3A_1482 {strides = array<i32>} : memref<1024xf32, #tpu.memory_space<vmem>>, vector<16xf32>,
      %get3A_1485 = arith.constant 32 : index
      %get3A_1486 = tpu.vector_load %arg11[%get3A_1485] {strides = array<i32>} : memref<256xf32, #tpu.memory_space<vmem>>, vector<16xf32>,
      %get3A_1487 = arith.constant 160 : index
      %get3A_1488 = tpu.vector_load %arg11[%get3A_1487] {strides = array<i32>} : memref<256xf32, #tpu.memory_space<vmem>>, vector<16xf32>,
      %get3A_1489 = arith.constant 160 : index
      %get3A_1490 = tpu.vector_load %arg8[%get3A_1489] {strides = array<i32>} : memref<1024xi32, #tpu.memory_space<vmem>>, vector<16xi32>,
      %gather3A_1491 = tpu.vector_load_idx %arg9[%get3A_1490] : memref<1000xf32, #tpu.memory_space<vmem>>[vector<16xi32>], vector<16xf32>,
      %get3A_1492 = arith.constant 160 : index
      %get3A_1493 = tpu.vector_load %arg12[%get3A_1492] {strides = array<i32>} : memref<1024xf32, #tpu.memory_space<vmem>>, vector<16xf32>,
      %add3A_1494 = arith.addf %get3A_1486, %gather3A_1491 : vector<16xf32>
      %sub3A_1495 = arith.subf %add3A_1494, %get3A_1488 : vector<16xf32>
      %abs3A_1496 = math.absf %sub3A_1495 : vector<16xf32>
      %add3A_1497 = arith.addf %get3A_1493, %abs3A_1496 : vector<16xf32>
      %swap3A_1498 = arith.constant 160 : index
      %swap3A_1499 = tpu.vector_load %arg12[%swap3A_1498] {strides = array<i32>} : memref<1024xf32, #tpu.memory_space<vmem>>, vector<16xf32>,
      tpu.vector_store %arg12[%swap3A_1498], %add3A_1497 {strides = array<i32>} : memref<1024xf32, #tpu.memory_space<vmem>>, vector<16xf32>,
      %get3A_1500 = arith.constant 48 : index
      %get3A_1501 = tpu.vector_load %arg11[%get3A_1500] {strides = array<i32>} : memref<256xf32, #tpu.memory_space<vmem>>, vector<16xf32>,
      %get3A_1502 = arith.constant 176 : index
      %get3A_1503 = tpu.vector_load %arg11[%get3A_1502] {strides = array<i32>} : memref<256xf32, #tpu.memory_space<vmem>>, vector<16xf32>,
      %get3A_1504 = arith.constant 176 : index
      %get3A_1505 = tpu.vector_load %arg8[%get3A_1504] {strides = array<i32>} : memref<1024xi32, #tpu.memory_space<vmem>>, vector<16xi32>,
      %gather3A_1506 = tpu.vector_load_idx %arg9[%get3A_1505] : memref<1000xf32, #tpu.memory_space<vmem>>[vector<16xi32>], vector<16xf32>,
      %get3A_1507 = arith.constant 176 : index
      %get3A_1508 = tpu.vector_load %arg12[%get3A_1507] {strides = array<i32>} : memref<1024xf32, #tpu.memory_space<vmem>>, vector<16xf32>,
      %add3A_1509 = arith.addf %get3A_1501, %gather3A_1506 : vector<16xf32>
      %sub3A_1510 = arith.subf %add3A_1509, %get3A_1503 : vector<16xf32>
      %abs3A_1511 = math.absf %sub3A_1510 : vector<16xf32>
      %add3A_1512 = arith.addf %get3A_1508, %abs3A_1511 : vector<16xf32>
      %swap3A_1513 = arith.constant 176 : index
      %swap3A_1514 = tpu.vector_load %arg12[%swap3A_1513] {strides = array<i32>} : memref<1024xf32, #tpu.memory_space<vmem>>, vector<16xf32>,
      tpu.vector_store %arg12[%swap3A_1513], %add3A_1512 {strides = array<i32>} : memref<1024xf32, #tpu.memory_space<vmem>>, vector<16xf32>,
      %get3A_1515 = arith.constant 64 : index
      %get3A_1516 = tpu.vector_load %arg11[%get3A_1515] {strides = array<i32>} : memref<256xf32, #tpu.memory_space<vmem>>, vector<16xf32>,
      %get3A_1517 = arith.constant 192 : index
      %get3A_1518 = tpu.vector_load %arg11[%get3A_1517] {strides = array<i32>} : memref<256xf32, #tpu.memory_space<vmem>>, vector<16xf32>,
      %get3A_1519 = arith.constant 192 : index
      %get3A_1520 = tpu.vector_load %arg8[%get3A_1519] {strides = array<i32>} : memref<1024xi32, #tpu.memory_space<vmem>>, vector<16xi32>,
      %gather3A_1521 = tpu.vector_load_idx %arg9[%get3A_1520] : memref<1000xf32, #tpu.memory_space<vmem>>[vector<16xi32>], vector<16xf32>,
      %get3A_1522 = arith.constant 192 : index
      %get3A_1523 = tpu.vector_load %arg12[%get3A_1522] {strides = array<i32>} : memref<1024xf32, #tpu.memory_space<vmem>>, vector<16xf32>,
      %add3A_1524 = arith.addf %get3A_1516, %gather3A_1521 : vector<16xf32>
      %sub3A_1525 = arith.subf %add3A_1524, %get3A_1518 : vector<16xf32>
      %abs3A_1526 = math.absf %sub3A_1525 : vector<16xf32>
      %add3A_1527 = arith.addf %get3A_1523, %abs3A_1526 : vector<16xf32>
      %swap3A_1528 = arith.constant 192 : index
      %swap3A_1529 = tpu.vector_load %arg12[%swap3A_1528] {strides = array<i32>} : memref<1024xf32, #tpu.memory_space<vmem>>, vector<16xf32>,
      tpu.vector_store %arg12[%swap3A_1528], %add3A_1527 {strides = array<i32>} : memref<1024xf32, #tpu.memory_space<vmem>>, vector<16xf32>,
      %get3A_1530 = arith.constant 80 : index
      %get3A_1531 = tpu.vector_load %arg11[%get3A_1530] {strides = array<i32>} : memref<256xf32, #tpu.memory_space<vmem>>, vector<16xf32>,
      %get3A_1532 = arith.constant 208 : index
      %get3A_1533 = tpu.vector_load %arg11[%get3A_1532] {strides = array<i32>} : memref<256xf32, #tpu.memory_space<vmem>>, vector<16xf32>,
      %get3A_1534 = arith.constant 208 : index
      %get3A_1535 = tpu.vector_load %arg8[%get3A_1534] {strides = array<i32>} : memref<1024xi32, #tpu.memory_space<vmem>>, vector<16xi32>,
      %gather3A_1536 = tpu.vector_load_idx %arg9[%get3A_1535] : memref<1000xf32, #tpu.memory_space<vmem>>[vector<16xi32>], vector<16xf32>,
      %get3A_1537 = arith.constant 208 : index
      %get3A_1538 = tpu.vector_load %arg12[%get3A_1537] {strides = array<i32>} : memref<1024xf32, #tpu.memory_space<vmem>>, vector<16xf32>,
      %add3A_1539 = arith.addf %get3A_1531, %gather3A_1536 : vector<16xf32>
      %sub3A_1540 = arith.subf %add3A_1539, %get3A_1533 : vector<16xf32>
      %abs3A_1541 = math.absf %sub3A_1540 : vector<16xf32>
      %add3A_1542 = arith.addf %get3A_1538, %abs3A_1541 : vector<16xf32>
      %swap3A_1543 = arith.constant 208 : index
      %swap3A_1544 = tpu.vector_load %arg12[%swap3A_1543] {strides = array<i32>} : memref<1024xf32, #tpu.memory_space<vmem>>, vector<16xf32>,
      tpu.vector_store %arg12[%swap3A_1543], %add3A_1542 {strides = array<i32>} : memref<1024xf32, #tpu.memory_space<vmem>>, vector<16xf32>,
      %get3A_1545 = arith.constant 96 : index
      %get3A_1546 = tpu.vector_load %arg11[%get3A_1545] {strides = array<i32>} : memref<256xf32, #tpu.memory_space<vmem>>, vector<16xf32>,
      %get3A_1547 = arith.constant 224 : index
      %get3A_1548 = tpu.vector_load %arg11[%get3A_1547] {strides = array<i32>} : memref<256xf32, #tpu.memory_space<vmem>>, vector<16xf32>,
      %get3A_1549 = arith.constant 224 : index
      %get3A_1550 = tpu.vector_load %arg8[%get3A_1549] {strides = array<i32>} : memref<1024xi32, #tpu.memory_space<vmem>>, vector<16xi32>,
      %gather3A_1551 = tpu.vector_load_idx %arg9[%get3A_1550] : memref<1000xf32, #tpu.memory_space<vmem>>[vector<16xi32>], vector<16xf32>,
      %get3A_1552 = arith.constant 224 : index
      %get3A_1553 = tpu.vector_load %arg12[%get3A_1552] {strides = array<i32>} : memref<1024xf32, #tpu.memory_space<vmem>>, vector<16xf32>,
      %add3A_1554 = arith.addf %get3A_1546, %gather3A_1551 : vector<16xf32>
      %sub3A_1555 = arith.subf %add3A_1554, %get3A_1548 : vector<16xf32>
      %abs3A_1556 = math.absf %sub3A_1555 : vector<16xf32>
      %add3A_1557 = arith.addf %get3A_1553, %abs3A_1556 : vector<16xf32>
      %swap3A_1558 = arith.constant 224 : index
      %swap3A_1559 = tpu.vector_load %arg12[%swap3A_1558] {strides = array<i32>} : memref<1024xf32, #tpu.memory_space<vmem>>, vector<16xf32>,
      tpu.vector_store %arg12[%swap3A_1558], %add3A_1557 {strides = array<i32>} : memref<1024xf32, #tpu.memory_space<vmem>>, vector<16xf32>,
      %get3A_1560 = arith.constant 112 : index
      %get3A_1561 = tpu.vector_load %arg11[%get3A_1560] {strides = array<i32>} : memref<256xf32, #tpu.memory_space<vmem>>, vector<16xf32>,
      %get3A_1562 = arith.constant 240 : index
      %get3A_1563 = tpu.vector_load %arg11[%get3A_1562] {strides = array<i32>} : memref<256xf32, #tpu.memory_space<vmem>>, vector<16xf32>,
      %get3A_1564 = arith.constant 240 : index
      %get3A_1565 = tpu.vector_load %arg8[%get3A_1564] {strides = array<i32>} : memref<1024xi32, #tpu.memory_space<vmem>>, vector<16xi32>,
      %gather3A_1566 = tpu.vector_load_idx %arg9[%get3A_1565] : memref<1000xf32, #tpu.memory_space<vmem>>[vector<16xi32>], vector<16xf32>,
      %get3A_1567 = arith.constant 240 : index
      %get3A_1568 = tpu.vector_load %arg12[%get3A_1567] {strides = array<i32>} : memref<1024xf32, #tpu.memory_space<vmem>>, vector<16xf32>,
      %add3A_1569 = arith.addf %get3A_1561, %gather3A_1566 : vector<16xf32>
      %sub3A_1570 = arith.subf %add3A_1569, %get3A_1563 : vector<16xf32>
      %abs3A_1571 = math.absf %sub3A_1570 : vector<16xf32>
      %add3A_1572 = arith.addf %get3A_1568, %abs3A_1571 : vector<16xf32>
      %swap3A_1573 = arith.constant 240 : index
      %swap3A_1574 = tpu.vector_load %arg12[%swap3A_1573] {strides = array<i32>} : memref<1024xf32, #tpu.memory_space<vmem>>, vector<16xf32>,
      tpu.vector_store %arg12[%swap3A_1573], %add3A_1572 {strides = array<i32>} : memref<1024xf32, #tpu.memory_space<vmem>>, vector<16xf32>,
      %dma_start3A_1575 = arith.constant 768 : i32
      %dma_start3A_1576 = tpu.memref_slice %arg7[%dma_start3A_1575] : memref<2048xi32, #tpu.memory_space<vmem>> -> memref<256xi32, #tpu.memory_space<vmem>>
      %dma_start3A_1577 = arith.constant 0 : i32
      %dma_start3A_1578 = tpu.memref_slice %arg14[%dma_start3A_1577] : memref<1000000xf32, #tpu.memory_space<vmem_shared>> -> memref<1000000xf32, #tpu.memory_space<vmem_shared>>
      tpu.enqueue_indirect_dma source(%dma_start3A_1578 : memref<1000000xf32, #tpu.memory_space<vmem_shared>>) target(%arg11 : memref<256xf32, #tpu.memory_space<vmem>>) offsets(%dma_start3A_1576 : memref<256xi32, #tpu.memory_space<vmem>>) semaphore(%arg16 : memref<!tpu.dma_semaphore, #tpu.memory_space<semaphore_mem>>)
      %dma_wait3A_1579 = arith.constant 512 : i32
      %dma_wait3A_1580 = tpu.memref_slice %arg7[%dma_wait3A_1579] : memref<2048xi32, #tpu.memory_space<vmem>> -> memref<256xi32, #tpu.memory_space<vmem>>
      %dma_wait3A_1581 = arith.constant 0 : i32
      %dma_wait3A_1582 = tpu.memref_slice %arg14[%dma_wait3A_1581] : memref<1000000xf32, #tpu.memory_space<vmem_shared>> -> memref<1000000xf32, #tpu.memory_space<vmem_shared>>
      tpu.wait_indirect_dma semaphore(%arg16 : memref<!tpu.dma_semaphore, #tpu.memory_space<semaphore_mem>>) src(%dma_wait3A_1582 : memref<1000000xf32, #tpu.memory_space<vmem_shared>>) dst(%arg10 : memref<256xf32, #tpu.memory_space<vmem>>)
      %get3A_1583 = arith.constant 0 : index
      %get3A_1584 = tpu.vector_load %arg10[%get3A_1583] {strides = array<i32>} : memref<256xf32, #tpu.memory_space<vmem>>, vector<16xf32>,
      %get3A_1585 = arith.constant 128 : index
      %get3A_1586 = tpu.vector_load %arg10[%get3A_1585] {strides = array<i32>} : memref<256xf32, #tpu.memory_space<vmem>>, vector<16xf32>,
      %get3A_1587 = arith.constant 256 : index
      %get3A_1588 = tpu.vector_load %arg8[%get3A_1587] {strides = array<i32>} : memref<1024xi32, #tpu.memory_space<vmem>>, vector<16xi32>,
      %gather3A_1589 = tpu.vector_load_idx %arg9[%get3A_1588] : memref<1000xf32, #tpu.memory_space<vmem>>[vector<16xi32>], vector<16xf32>,
      %get3A_1590 = arith.constant 256 : index
      %get3A_1591 = tpu.vector_load %arg12[%get3A_1590] {strides = array<i32>} : memref<1024xf32, #tpu.memory_space<vmem>>, vector<16xf32>,
      %add3A_1592 = arith.addf %get3A_1584, %gather3A_1589 : vector<16xf32>
      %sub3A_1593 = arith.subf %add3A_1592, %get3A_1586 : vector<16xf32>
      %abs3A_1594 = math.absf %sub3A_1593 : vector<16xf32>
      %add3A_1595 = arith.addf %get3A_1591, %abs3A_1594 : vector<16xf32>
      %swap3A_1596 = arith.constant 256 : index
      %swap3A_1597 = tpu.vector_load %arg12[%swap3A_1596] {strides = array<i32>} : memref<1024xf32, #tpu.memory_space<vmem>>, vector<16xf32>,
      tpu.vector_store %arg12[%swap3A_1596], %add3A_1595 {strides = array<i32>} : memref<1024xf32, #tpu.memory_space<vmem>>, vector<16xf32>,
      %get3A_1598 = arith.constant 16 : index
      %get3A_1599 = tpu.vector_load %arg10[%get3A_1598] {strides = array<i32>} : memref<256xf32, #tpu.memory_space<vmem>>, vector<16xf32>,
      %get3A_1600 = arith.constant 144 : index
      %get3A_1601 = tpu.vector_load %arg10[%get3A_1600] {strides = array<i32>} : memref<256xf32, #tpu.memory_space<vmem>>, vector<16xf32>,
      %get3A_1602 = arith.constant 272 : index
      %get3A_1603 = tpu.vector_load %arg8[%get3A_1602] {strides = array<i32>} : memref<1024xi32, #tpu.memory_space<vmem>>, vector<16xi32>,
      %gather3A_1604 = tpu.vector_load_idx %arg9[%get3A_1603] : memref<1000xf32, #tpu.memory_space<vmem>>[vector<16xi32>], vector<16xf32>,
      %get3A_1605 = arith.constant 272 : index
      %get3A_1606 = tpu.vector_load %arg12[%get3A_1605] {strides = array<i32>} : memref<1024xf32, #tpu.memory_space<vmem>>, vector<16xf32>,
      %add3A_1607 = arith.addf %get3A_1599, %gather3A_1604 : vector<16xf32>
      %sub3A_1608 = arith.subf %add3A_1607, %get3A_1601 : vector<16xf32>
      %abs3A_1609 = math.absf %sub3A_1608 : vector<16xf32>
      %add3A_1610 = arith.addf %get3A_1606, %abs3A_1609 : vector<16xf32>
      %swap3A_1611 = arith.constant 272 : index
      %swap3A_1612 = tpu.vector_load %arg12[%swap3A_1611] {strides = array<i32>} : memref<1024xf32, #tpu.memory_space<vmem>>, vector<16xf32>,
      tpu.vector_store %arg12[%swap3A_1611], %add3A_1610 {strides = array<i32>} : memref<1024xf32, #tpu.memory_space<vmem>>, vector<16xf32>,
      %get3A_1613 = arith.constant 32 : index
      %get3A_1614 = tpu.vector_load %arg10[%get3A_1613] {strides = array<i32>} : memref<256xf32, #tpu.memory_space<vmem>>, vector<16xf32>,
      %get3A_1615 = arith.constant 160 : index
      %get3A_1616 = tpu.vector_load %arg10[%get3A_1615] {strides = array<i32>} : memref<256xf32, #tpu.memory_space<vmem>>, vector<16xf32>,
      %get3A_1617 = arith.constant 288 : index
      %get3A_1618 = tpu.vector_load %arg8[%get3A_1617] {strides = array<i32>} : memref<1024xi32, #tpu.memory_space<vmem>>, vector<16xi32>,
      %gather3A_1619 = tpu.vector_load_idx %arg9[%get3A_1618] : memref<1000xf32, #tpu.memory_space<vmem>>[vector<16xi32>], vector<16xf32>,
      %get3A_1620 = arith.constant 288 : index
      %get3A_1621 = tpu.vector_load %arg12[%get3A_1620] {strides = array<i32>} : memref<1024xf32, #tpu.memory_space<vmem>>, vector<16xf32>,
      %add3A_1622 = arith.addf %get3A_1614, %gather3A_1619 : vector<16xf32>
      %sub3A_1623 = arith.subf %add3A_1622, %get3A_1616 : vector<16xf32>
      %abs3A_1624 = math.absf %sub3A_1623 : vector<16xf32>
      %add3A_1625 = arith.addf %get3A_1621, %abs3A_1624 : vector<16xf32>
      %swap3A_1626 = arith.constant 288 : index
      %swap3A_1627 = tpu.vector_load %arg12[%swap3A_1626] {strides = array<i32>} : memref<1024xf32, #tpu.memory_space<vmem>>, vector<16xf32>,
      tpu.vector_store %arg12[%swap3A_1626], %add3A_1625 {strides = array<i32>} : memref<1024xf32, #tpu.memory_space<vmem>>, vector<16xf32>,
      %get3A_1628 = arith.constant 48 : index
      %get3A_1629 = tpu.vector_load %arg10[%get3A_1628] {strides = array<i32>} : memref<256xf32, #tpu.memory_space<vmem>>, vector<16xf32>,
      %get3A_1630 = arith.constant 176 : index
      %get3A_1631 = tpu.vector_load %arg10[%get3A_1630] {strides = array<i32>} : memref<256xf32, #tpu.memory_space<vmem>>, vector<16xf32>,
      %get3A_1632 = arith.constant 304 : index
      %get3A_1633 = tpu.vector_load %arg8[%get3A_1632] {strides = array<i32>} : memref<1024xi32, #tpu.memory_space<vmem>>, vector<16xi32>,
      %gather3A_1634 = tpu.vector_load_idx %arg9[%get3A_1633] : memref<1000xf32, #tpu.memory_space<vmem>>[vector<16xi32>], vector<16xf32>,
      %get3A_1635 = arith.constant 304 : index
      %get3A_1636 = tpu.vector_load %arg12[%get3A_1635] {strides = array<i32>} : memref<1024xf32, #tpu.memory_space<vmem>>, vector<16xf32>,
      %add3A_1637 = arith.addf %get3A_1629, %gather3A_1634 : vector<16xf32>
      %sub3A_1638 = arith.subf %add3A_1637, %get3A_1631 : vector<16xf32>
      %abs3A_1639 = math.absf %sub3A_1638 : vector<16xf32>
      %add3A_1640 = arith.addf %get3A_1636, %abs3A_1639 : vector<16xf32>
      %swap3A_1641 = arith.constant 304 : index
      %swap3A_1642 = tpu.vector_load %arg12[%swap3A_1641] {strides = array<i32>} : memref<1024xf32, #tpu.memory_space<vmem>>, vector<16xf32>,
      tpu.vector_store %arg12[%swap3A_1641], %add3A_1640 {strides = array<i32>} : memref<1024xf32, #tpu.memory_space<vmem>>, vector<16xf32>,
      %get3A_1643 = arith.constant 64 : index
      %get3A_1644 = tpu.vector_load %arg10[%get3A_1643] {strides = array<i32>} : memref<256xf32, #tpu.memory_space<vmem>>, vector<16xf32>,
      %get3A_1645 = arith.constant 192 : index
      %get3A_1646 = tpu.vector_load %arg10[%get3A_1645] {strides = array<i32>} : memref<256xf32, #tpu.memory_space<vmem>>, vector<16xf32>,
      %get3A_1647 = arith.constant 320 : index
      %get3A_1648 = tpu.vector_load %arg8[%get3A_1647] {strides = array<i32>} : memref<1024xi32, #tpu.memory_space<vmem>>, vector<16xi32>,
      %gather3A_1649 = tpu.vector_load_idx %arg9[%get3A_1648] : memref<1000xf32, #tpu.memory_space<vmem>>[vector<16xi32>], vector<16xf32>,
      %get3A_1650 = arith.constant 320 : index
      %get3A_1651 = tpu.vector_load %arg12[%get3A_1650] {strides = array<i32>} : memref<1024xf32, #tpu.memory_space<vmem>>, vector<16xf32>,
      %add3A_1652 = arith.addf %get3A_1644, %gather3A_1649 : vector<16xf32>
      %sub3A_1653 = arith.subf %add3A_1652, %get3A_1646 : vector<16xf32>
      %abs3A_1654 = math.absf %sub3A_1653 : vector<16xf32>
      %add3A_1655 = arith.addf %get3A_1651, %abs3A_1654 : vector<16xf32>
      %swap3A_1656 = arith.constant 320 : index
      %swap3A_1657 = tpu.vector_load %arg12[%swap3A_1656] {strides = array<i32>} : memref<1024xf32, #tpu.memory_space<vmem>>, vector<16xf32>,
      tpu.vector_store %arg12[%swap3A_1656], %add3A_1655 {strides = array<i32>} : memref<1024xf32, #tpu.memory_space<vmem>>, vector<16xf32>,
      %get3A_1658 = arith.constant 80 : index
      %get3A_1659 = tpu.vector_load %arg10[%get3A_1658] {strides = array<i32>} : memref<256xf32, #tpu.memory_space<vmem>>, vector<16xf32>,
      %get3A_1660 = arith.constant 208 : index
      %get3A_1661 = tpu.vector_load %arg10[%get3A_1660] {strides = array<i32>} : memref<256xf32, #tpu.memory_space<vmem>>, vector<16xf32>,
      %get3A_1662 = arith.constant 336 : index
      %get3A_1663 = tpu.vector_load %arg8[%get3A_1662] {strides = array<i32>} : memref<1024xi32, #tpu.memory_space<vmem>>, vector<16xi32>,
      %gather3A_1664 = tpu.vector_load_idx %arg9[%get3A_1663] : memref<1000xf32, #tpu.memory_space<vmem>>[vector<16xi32>], vector<16xf32>,
      %get3A_1665 = arith.constant 336 : index
      %get3A_1666 = tpu.vector_load %arg12[%get3A_1665] {strides = array<i32>} : memref<1024xf32, #tpu.memory_space<vmem>>, vector<16xf32>,
      %add3A_1667 = arith.addf %get3A_1659, %gather3A_1664 : vector<16xf32>
      %sub3A_1668 = arith.subf %add3A_1667, %get3A_1661 : vector<16xf32>
      %abs3A_1669 = math.absf %sub3A_1668 : vector<16xf32>
      %add3A_1670 = arith.addf %get3A_1666, %abs3A_1669 : vector<16xf32>
      %swap3A_1671 = arith.constant 336 : index
      %swap3A_1672 = tpu.vector_load %arg12[%swap3A_1671] {strides = array<i32>} : memref<1024xf32, #tpu.memory_space<vmem>>, vector<16xf32>,
      tpu.vector_store %arg12[%swap3A_1671], %add3A_1670 {strides = array<i32>} : memref<1024xf32, #tpu.memory_space<vmem>>, vector<16xf32>,
      %get3A_1673 = arith.constant 96 : index
      %get3A_1674 = tpu.vector_load %arg10[%get3A_1673] {strides = array<i32>} : memref<256xf32, #tpu.memory_space<vmem>>, vector<16xf32>,
      %get3A_1675 = arith.constant 224 : index
      %get3A_1676 = tpu.vector_load %arg10[%get3A_1675] {strides = array<i32>} : memref<256xf32, #tpu.memory_space<vmem>>, vector<16xf32>,
      %get3A_1677 = arith.constant 352 : index
      %get3A_1678 = tpu.vector_load %arg8[%get3A_1677] {strides = array<i32>} : memref<1024xi32, #tpu.memory_space<vmem>>, vector<16xi32>,
      %gather3A_1679 = tpu.vector_load_idx %arg9[%get3A_1678] : memref<1000xf32, #tpu.memory_space<vmem>>[vector<16xi32>], vector<16xf32>,
      %get3A_1680 = arith.constant 352 : index
      %get3A_1681 = tpu.vector_load %arg12[%get3A_1680] {strides = array<i32>} : memref<1024xf32, #tpu.memory_space<vmem>>, vector<16xf32>,
      %add3A_1682 = arith.addf %get3A_1674, %gather3A_1679 : vector<16xf32>
      %sub3A_1683 = arith.subf %add3A_1682, %get3A_1676 : vector<16xf32>
      %abs3A_1684 = math.absf %sub3A_1683 : vector<16xf32>
      %add3A_1685 = arith.addf %get3A_1681, %abs3A_1684 : vector<16xf32>
      %swap3A_1686 = arith.constant 352 : index
      %swap3A_1687 = tpu.vector_load %arg12[%swap3A_1686] {strides = array<i32>} : memref<1024xf32, #tpu.memory_space<vmem>>, vector<16xf32>,
      tpu.vector_store %arg12[%swap3A_1686], %add3A_1685 {strides = array<i32>} : memref<1024xf32, #tpu.memory_space<vmem>>, vector<16xf32>,
      %get3A_1688 = arith.constant 112 : index
      %get3A_1689 = tpu.vector_load %arg10[%get3A_1688] {strides = array<i32>} : memref<256xf32, #tpu.memory_space<vmem>>, vector<16xf32>,
      %get3A_1690 = arith.constant 240 : index
      %get3A_1691 = tpu.vector_load %arg10[%get3A_1690] {strides = array<i32>} : memref<256xf32, #tpu.memory_space<vmem>>, vector<16xf32>,
      %get3A_1692 = arith.constant 368 : index
      %get3A_1693 = tpu.vector_load %arg8[%get3A_1692] {strides = array<i32>} : memref<1024xi32, #tpu.memory_space<vmem>>, vector<16xi32>,
      %gather3A_1694 = tpu.vector_load_idx %arg9[%get3A_1693] : memref<1000xf32, #tpu.memory_space<vmem>>[vector<16xi32>], vector<16xf32>,
      %get3A_1695 = arith.constant 368 : index
      %get3A_1696 = tpu.vector_load %arg12[%get3A_1695] {strides = array<i32>} : memref<1024xf32, #tpu.memory_space<vmem>>, vector<16xf32>,
      %add3A_1697 = arith.addf %get3A_1689, %gather3A_1694 : vector<16xf32>
      %sub3A_1698 = arith.subf %add3A_1697, %get3A_1691 : vector<16xf32>
      %abs3A_1699 = math.absf %sub3A_1698 : vector<16xf32>
      %add3A_1700 = arith.addf %get3A_1696, %abs3A_1699 : vector<16xf32>
      %swap3A_1701 = arith.constant 368 : index
      %swap3A_1702 = tpu.vector_load %arg12[%swap3A_1701] {strides = array<i32>} : memref<1024xf32, #tpu.memory_space<vmem>>, vector<16xf32>,
      tpu.vector_store %arg12[%swap3A_1701], %add3A_1700 {strides = array<i32>} : memref<1024xf32, #tpu.memory_space<vmem>>, vector<16xf32>,
      %dma_start3A_1703 = arith.constant 1024 : i32
      %dma_start3A_1704 = tpu.memref_slice %arg7[%dma_start3A_1703] : memref<2048xi32, #tpu.memory_space<vmem>> -> memref<256xi32, #tpu.memory_space<vmem>>
      %dma_start3A_1705 = arith.constant 0 : i32
      %dma_start3A_1706 = tpu.memref_slice %arg14[%dma_start3A_1705] : memref<1000000xf32, #tpu.memory_space<vmem_shared>> -> memref<1000000xf32, #tpu.memory_space<vmem_shared>>
      tpu.enqueue_indirect_dma source(%dma_start3A_1706 : memref<1000000xf32, #tpu.memory_space<vmem_shared>>) target(%arg10 : memref<256xf32, #tpu.memory_space<vmem>>) offsets(%dma_start3A_1704 : memref<256xi32, #tpu.memory_space<vmem>>) semaphore(%arg16 : memref<!tpu.dma_semaphore, #tpu.memory_space<semaphore_mem>>)
      %dma_wait3A_1707 = arith.constant 768 : i32
      %dma_wait3A_1708 = tpu.memref_slice %arg7[%dma_wait3A_1707] : memref<2048xi32, #tpu.memory_space<vmem>> -> memref<256xi32, #tpu.memory_space<vmem>>
      %dma_wait3A_1709 = arith.constant 0 : i32
      %dma_wait3A_1710 = tpu.memref_slice %arg14[%dma_wait3A_1709] : memref<1000000xf32, #tpu.memory_space<vmem_shared>> -> memref<1000000xf32, #tpu.memory_space<vmem_shared>>
      tpu.wait_indirect_dma semaphore(%arg16 : memref<!tpu.dma_semaphore, #tpu.memory_space<semaphore_mem>>) src(%dma_wait3A_1710 : memref<1000000xf32, #tpu.memory_space<vmem_shared>>) dst(%arg11 : memref<256xf32, #tpu.memory_space<vmem>>)
      %get3A_1711 = arith.constant 0 : index
      %get3A_1712 = tpu.vector_load %arg11[%get3A_1711] {strides = array<i32>} : memref<256xf32, #tpu.memory_space<vmem>>, vector<16xf32>,
      %get3A_1713 = arith.constant 128 : index
      %get3A_1714 = tpu.vector_load %arg11[%get3A_1713] {strides = array<i32>} : memref<256xf32, #tpu.memory_space<vmem>>, vector<16xf32>,
      %get3A_1715 = arith.constant 384 : index
      %get3A_1716 = tpu.vector_load %arg8[%get3A_1715] {strides = array<i32>} : memref<1024xi32, #tpu.memory_space<vmem>>, vector<16xi32>,
      %gather3A_1717 = tpu.vector_load_idx %arg9[%get3A_1716] : memref<1000xf32, #tpu.memory_space<vmem>>[vector<16xi32>], vector<16xf32>,
      %get3A_1718 = arith.constant 384 : index
      %get3A_1719 = tpu.vector_load %arg12[%get3A_1718] {strides = array<i32>} : memref<1024xf32, #tpu.memory_space<vmem>>, vector<16xf32>,
      %add3A_1720 = arith.addf %get3A_1712, %gather3A_1717 : vector<16xf32>
      %sub3A_1721 = arith.subf %add3A_1720, %get3A_1714 : vector<16xf32>
      %abs3A_1722 = math.absf %sub3A_1721 : vector<16xf32>
      %add3A_1723 = arith.addf %get3A_1719, %abs3A_1722 : vector<16xf32>
      %swap3A_1724 = arith.constant 384 : index
      %swap3A_1725 = tpu.vector_load %arg12[%swap3A_1724] {strides = array<i32>} : memref<1024xf32, #tpu.memory_space<vmem>>, vector<16xf32>,
      tpu.vector_store %arg12[%swap3A_1724], %add3A_1723 {strides = array<i32>} : memref<1024xf32, #tpu.memory_space<vmem>>, vector<16xf32>,
      %get3A_1726 = arith.constant 16 : index
      %get3A_1727 = tpu.vector_load %arg11[%get3A_1726] {strides = array<i32>} : memref<256xf32, #tpu.memory_space<vmem>>, vector<16xf32>,
      %get3A_1728 = arith.constant 144 : index
      %get3A_1729 = tpu.vector_load %arg11[%get3A_1728] {strides = array<i32>} : memref<256xf32, #tpu.memory_space<vmem>>, vector<16xf32>,
      %get3A_1730 = arith.constant 400 : index
      %get3A_1731 = tpu.vector_load %arg8[%get3A_1730] {strides = array<i32>} : memref<1024xi32, #tpu.memory_space<vmem>>, vector<16xi32>,
      %gather3A_1732 = tpu.vector_load_idx %arg9[%get3A_1731] : memref<1000xf32, #tpu.memory_space<vmem>>[vector<16xi32>], vector<16xf32>,
      %get3A_1733 = arith.constant 400 : index
      %get3A_1734 = tpu.vector_load %arg12[%get3A_1733] {strides = array<i32>} : memref<1024xf32, #tpu.memory_space<vmem>>, vector<16xf32>,
      %add3A_1735 = arith.addf %get3A_1727, %gather3A_1732 : vector<16xf32>
      %sub3A_1736 = arith.subf %add3A_1735, %get3A_1729 : vector<16xf32>
      %abs3A_1737 = math.absf %sub3A_1736 : vector<16xf32>
      %add3A_1738 = arith.addf %get3A_1734, %abs3A_1737 : vector<16xf32>
      %swap3A_1739 = arith.constant 400 : index
      %swap3A_1740 = tpu.vector_load %arg12[%swap3A_1739] {strides = array<i32>} : memref<1024xf32, #tpu.memory_space<vmem>>, vector<16xf32>,
      tpu.vector_store %arg12[%swap3A_1739], %add3A_1738 {strides = array<i32>} : memref<1024xf32, #tpu.memory_space<vmem>>, vector<16xf32>,
      %get3A_1741 = arith.constant 32 : index
      %get3A_1742 = tpu.vector_load %arg11[%get3A_1741] {strides = array<i32>} : memref<256xf32, #tpu.memory_space<vmem>>, vector<16xf32>,
      %get3A_1743 = arith.constant 160 : index
      %get3A_1744 = tpu.vector_load %arg11[%get3A_1743] {strides = array<i32>} : memref<256xf32, #tpu.memory_space<vmem>>, vector<16xf32>,
      %get3A_1745 = arith.constant 416 : index
      %get3A_1746 = tpu.vector_load %arg8[%get3A_1745] {strides = array<i32>} : memref<1024xi32, #tpu.memory_space<vmem>>, vector<16xi32>,
      %gather3A_1747 = tpu.vector_load_idx %arg9[%get3A_1746] : memref<1000xf32, #tpu.memory_space<vmem>>[vector<16xi32>], vector<16xf32>,
      %get3A_1748 = arith.constant 416 : index
      %get3A_1749 = tpu.vector_load %arg12[%get3A_1748] {strides = array<i32>} : memref<1024xf32, #tpu.memory_space<vmem>>, vector<16xf32>,
      %add3A_1750 = arith.addf %get3A_1742, %gather3A_1747 : vector<16xf32>
      %sub3A_1751 = arith.subf %add3A_1750, %get3A_1744 : vector<16xf32>
      %abs3A_1752 = math.absf %sub3A_1751 : vector<16xf32>
      %add3A_1753 = arith.addf %get3A_1749, %abs3A_1752 : vector<16xf32>
      %swap3A_1754 = arith.constant 416 : index
      %swap3A_1755 = tpu.vector_load %arg12[%swap3A_1754] {strides = array<i32>} : memref<1024xf32, #tpu.memory_space<vmem>>, vector<16xf32>,
      tpu.vector_store %arg12[%swap3A_1754], %add3A_1753 {strides = array<i32>} : memref<1024xf32, #tpu.memory_space<vmem>>, vector<16xf32>,
      %get3A_1756 = arith.constant 48 : index
      %get3A_1757 = tpu.vector_load %arg11[%get3A_1756] {strides = array<i32>} : memref<256xf32, #tpu.memory_space<vmem>>, vector<16xf32>,
      %get3A_1758 = arith.constant 176 : index
      %get3A_1759 = tpu.vector_load %arg11[%get3A_1758] {strides = array<i32>} : memref<256xf32, #tpu.memory_space<vmem>>, vector<16xf32>,
      %get3A_1760 = arith.constant 432 : index
      %get3A_1761 = tpu.vector_load %arg8[%get3A_1760] {strides = array<i32>} : memref<1024xi32, #tpu.memory_space<vmem>>, vector<16xi32>,
      %gather3A_1762 = tpu.vector_load_idx %arg9[%get3A_1761] : memref<1000xf32, #tpu.memory_space<vmem>>[vector<16xi32>], vector<16xf32>,
      %get3A_1763 = arith.constant 432 : index
      %get3A_1764 = tpu.vector_load %arg12[%get3A_1763] {strides = array<i32>} : memref<1024xf32, #tpu.memory_space<vmem>>, vector<16xf32>,
      %add3A_1765 = arith.addf %get3A_1757, %gather3A_1762 : vector<16xf32>
      %sub3A_1766 = arith.subf %add3A_1765, %get3A_1759 : vector<16xf32>
      %abs3A_1767 = math.absf %sub3A_1766 : vector<16xf32>
      %add3A_1768 = arith.addf %get3A_1764, %abs3A_1767 : vector<16xf32>
      %swap3A_1769 = arith.constant 432 : index
      %swap3A_1770 = tpu.vector_load %arg12[%swap3A_1769] {strides = array<i32>} : memref<1024xf32, #tpu.memory_space<vmem>>, vector<16xf32>,
      tpu.vector_store %arg12[%swap3A_1769], %add3A_1768 {strides = array<i32>} : memref<1024xf32, #tpu.memory_space<vmem>>, vector<16xf32>,
      %get3A_1771 = arith.constant 64 : index
      %get3A_1772 = tpu.vector_load %arg11[%get3A_1771] {strides = array<i32>} : memref<256xf32, #tpu.memory_space<vmem>>, vector<16xf32>,
      %get3A_1773 = arith.constant 192 : index
      %get3A_1774 = tpu.vector_load %arg11[%get3A_1773] {strides = array<i32>} : memref<256xf32, #tpu.memory_space<vmem>>, vector<16xf32>,
      %get3A_1775 = arith.constant 448 : index
      %get3A_1776 = tpu.vector_load %arg8[%get3A_1775] {strides = array<i32>} : memref<1024xi32, #tpu.memory_space<vmem>>, vector<16xi32>,
      %gather3A_1777 = tpu.vector_load_idx %arg9[%get3A_1776] : memref<1000xf32, #tpu.memory_space<vmem>>[vector<16xi32>], vector<16xf32>,
      %get3A_1778 = arith.constant 448 : index
      %get3A_1779 = tpu.vector_load %arg12[%get3A_1778] {strides = array<i32>} : memref<1024xf32, #tpu.memory_space<vmem>>, vector<16xf32>,
      %add3A_1780 = arith.addf %get3A_1772, %gather3A_1777 : vector<16xf32>
      %sub3A_1781 = arith.subf %add3A_1780, %get3A_1774 : vector<16xf32>
      %abs3A_1782 = math.absf %sub3A_1781 : vector<16xf32>
      %add3A_1783 = arith.addf %get3A_1779, %abs3A_1782 : vector<16xf32>
      %swap3A_1784 = arith.constant 448 : index
      %swap3A_1785 = tpu.vector_load %arg12[%swap3A_1784] {strides = array<i32>} : memref<1024xf32, #tpu.memory_space<vmem>>, vector<16xf32>,
      tpu.vector_store %arg12[%swap3A_1784], %add3A_1783 {strides = array<i32>} : memref<1024xf32, #tpu.memory_space<vmem>>, vector<16xf32>,
      %get3A_1786 = arith.constant 80 : index
      %get3A_1787 = tpu.vector_load %arg11[%get3A_1786] {strides = array<i32>} : memref<256xf32, #tpu.memory_space<vmem>>, vector<16xf32>,
      %get3A_1788 = arith.constant 208 : index
      %get3A_1789 = tpu.vector_load %arg11[%get3A_1788] {strides = array<i32>} : memref<256xf32, #tpu.memory_space<vmem>>, vector<16xf32>,
      %get3A_1790 = arith.constant 464 : index
      %get3A_1791 = tpu.vector_load %arg8[%get3A_1790] {strides = array<i32>} : memref<1024xi32, #tpu.memory_space<vmem>>, vector<16xi32>,
      %gather3A_1792 = tpu.vector_load_idx %arg9[%get3A_1791] : memref<1000xf32, #tpu.memory_space<vmem>>[vector<16xi32>], vector<16xf32>,
      %get3A_1793 = arith.constant 464 : index
      %get3A_1794 = tpu.vector_load %arg12[%get3A_1793] {strides = array<i32>} : memref<1024xf32, #tpu.memory_space<vmem>>, vector<16xf32>,
      %add3A_1795 = arith.addf %get3A_1787, %gather3A_1792 : vector<16xf32>
      %sub3A_1796 = arith.subf %add3A_1795, %get3A_1789 : vector<16xf32>
      %abs3A_1797 = math.absf %sub3A_1796 : vector<16xf32>
      %add3A_1798 = arith.addf %get3A_1794, %abs3A_1797 : vector<16xf32>
      %swap3A_1799 = arith.constant 464 : index
      %swap3A_1800 = tpu.vector_load %arg12[%swap3A_1799] {strides = array<i32>} : memref<1024xf32, #tpu.memory_space<vmem>>, vector<16xf32>,
      tpu.vector_store %arg12[%swap3A_1799], %add3A_1798 {strides = array<i32>} : memref<1024xf32, #tpu.memory_space<vmem>>, vector<16xf32>,
      %get3A_1801 = arith.constant 96 : index
      %get3A_1802 = tpu.vector_load %arg11[%get3A_1801] {strides = array<i32>} : memref<256xf32, #tpu.memory_space<vmem>>, vector<16xf32>,
      %get3A_1803 = arith.constant 224 : index
      %get3A_1804 = tpu.vector_load %arg11[%get3A_1803] {strides = array<i32>} : memref<256xf32, #tpu.memory_space<vmem>>, vector<16xf32>,
      %get3A_1805 = arith.constant 480 : index
      %get3A_1806 = tpu.vector_load %arg8[%get3A_1805] {strides = array<i32>} : memref<1024xi32, #tpu.memory_space<vmem>>, vector<16xi32>,
      %gather3A_1807 = tpu.vector_load_idx %arg9[%get3A_1806] : memref<1000xf32, #tpu.memory_space<vmem>>[vector<16xi32>], vector<16xf32>,
      %get3A_1808 = arith.constant 480 : index
      %get3A_1809 = tpu.vector_load %arg12[%get3A_1808] {strides = array<i32>} : memref<1024xf32, #tpu.memory_space<vmem>>, vector<16xf32>,
      %add3A_1810 = arith.addf %get3A_1802, %gather3A_1807 : vector<16xf32>
      %sub3A_1811 = arith.subf %add3A_1810, %get3A_1804 : vector<16xf32>
      %abs3A_1812 = math.absf %sub3A_1811 : vector<16xf32>
      %add3A_1813 = arith.addf %get3A_1809, %abs3A_1812 : vector<16xf32>
      %swap3A_1814 = arith.constant 480 : index
      %swap3A_1815 = tpu.vector_load %arg12[%swap3A_1814] {strides = array<i32>} : memref<1024xf32, #tpu.memory_space<vmem>>, vector<16xf32>,
      tpu.vector_store %arg12[%swap3A_1814], %add3A_1813 {strides = array<i32>} : memref<1024xf32, #tpu.memory_space<vmem>>, vector<16xf32>,
      %get3A_1816 = arith.constant 112 : index
      %get3A_1817 = tpu.vector_load %arg11[%get3A_1816] {strides = array<i32>} : memref<256xf32, #tpu.memory_space<vmem>>, vector<16xf32>,
      %get3A_1818 = arith.constant 240 : index
      %get3A_1819 = tpu.vector_load %arg11[%get3A_1818] {strides = array<i32>} : memref<256xf32, #tpu.memory_space<vmem>>, vector<16xf32>,
      %get3A_1820 = arith.constant 496 : index
      %get3A_1821 = tpu.vector_load %arg8[%get3A_1820] {strides = array<i32>} : memref<1024xi32, #tpu.memory_space<vmem>>, vector<16xi32>,
      %gather3A_1822 = tpu.vector_load_idx %arg9[%get3A_1821] : memref<1000xf32, #tpu.memory_space<vmem>>[vector<16xi32>], vector<16xf32>,
      %get3A_1823 = arith.constant 496 : index
      %get3A_1824 = tpu.vector_load %arg12[%get3A_1823] {strides = array<i32>} : memref<1024xf32, #tpu.memory_space<vmem>>, vector<16xf32>,
      %add3A_1825 = arith.addf %get3A_1817, %gather3A_1822 : vector<16xf32>
      %sub3A_1826 = arith.subf %add3A_1825, %get3A_1819 : vector<16xf32>
      %abs3A_1827 = math.absf %sub3A_1826 : vector<16xf32>
      %add3A_1828 = arith.addf %get3A_1824, %abs3A_1827 : vector<16xf32>
      %swap3A_1829 = arith.constant 496 : index
      %swap3A_1830 = tpu.vector_load %arg12[%swap3A_1829] {strides = array<i32>} : memref<1024xf32, #tpu.memory_space<vmem>>, vector<16xf32>,
      tpu.vector_store %arg12[%swap3A_1829], %add3A_1828 {strides = array<i32>} : memref<1024xf32, #tpu.memory_space<vmem>>, vector<16xf32>,
      %dma_start3A_1831 = arith.constant 1280 : i32
      %dma_start3A_1832 = tpu.memref_slice %arg7[%dma_start3A_1831] : memref<2048xi32, #tpu.memory_space<vmem>> -> memref<256xi32, #tpu.memory_space<vmem>>
      %dma_start3A_1833 = arith.constant 0 : i32
      %dma_start3A_1834 = tpu.memref_slice %arg14[%dma_start3A_1833] : memref<1000000xf32, #tpu.memory_space<vmem_shared>> -> memref<1000000xf32, #tpu.memory_space<vmem_shared>>
      tpu.enqueue_indirect_dma source(%dma_start3A_1834 : memref<1000000xf32, #tpu.memory_space<vmem_shared>>) target(%arg11 : memref<256xf32, #tpu.memory_space<vmem>>) offsets(%dma_start3A_1832 : memref<256xi32, #tpu.memory_space<vmem>>) semaphore(%arg16 : memref<!tpu.dma_semaphore, #tpu.memory_space<semaphore_mem>>)
      %dma_wait3A_1835 = arith.constant 1024 : i32
      %dma_wait3A_1836 = tpu.memref_slice %arg7[%dma_wait3A_1835] : memref<2048xi32, #tpu.memory_space<vmem>> -> memref<256xi32, #tpu.memory_space<vmem>>
      %dma_wait3A_1837 = arith.constant 0 : i32
      %dma_wait3A_1838 = tpu.memref_slice %arg14[%dma_wait3A_1837] : memref<1000000xf32, #tpu.memory_space<vmem_shared>> -> memref<1000000xf32, #tpu.memory_space<vmem_shared>>
      tpu.wait_indirect_dma semaphore(%arg16 : memref<!tpu.dma_semaphore, #tpu.memory_space<semaphore_mem>>) src(%dma_wait3A_1838 : memref<1000000xf32, #tpu.memory_space<vmem_shared>>) dst(%arg10 : memref<256xf32, #tpu.memory_space<vmem>>)
      %get3A_1839 = arith.constant 0 : index
      %get3A_1840 = tpu.vector_load %arg10[%get3A_1839] {strides = array<i32>} : memref<256xf32, #tpu.memory_space<vmem>>, vector<16xf32>,
      %get3A_1841 = arith.constant 128 : index
      %get3A_1842 = tpu.vector_load %arg10[%get3A_1841] {strides = array<i32>} : memref<256xf32, #tpu.memory_space<vmem>>, vector<16xf32>,
      %get3A_1843 = arith.constant 512 : index
      %get3A_1844 = tpu.vector_load %arg8[%get3A_1843] {strides = array<i32>} : memref<1024xi32, #tpu.memory_space<vmem>>, vector<16xi32>,
      %gather3A_1845 = tpu.vector_load_idx %arg9[%get3A_1844] : memref<1000xf32, #tpu.memory_space<vmem>>[vector<16xi32>], vector<16xf32>,
      %get3A_1846 = arith.constant 512 : index
      %get3A_1847 = tpu.vector_load %arg12[%get3A_1846] {strides = array<i32>} : memref<1024xf32, #tpu.memory_space<vmem>>, vector<16xf32>,
      %add3A_1848 = arith.addf %get3A_1840, %gather3A_1845 : vector<16xf32>
      %sub3A_1849 = arith.subf %add3A_1848, %get3A_1842 : vector<16xf32>
      %abs3A_1850 = math.absf %sub3A_1849 : vector<16xf32>
      %add3A_1851 = arith.addf %get3A_1847, %abs3A_1850 : vector<16xf32>
      %swap3A_1852 = arith.constant 512 : index
      %swap3A_1853 = tpu.vector_load %arg12[%swap3A_1852] {strides = array<i32>} : memref<1024xf32, #tpu.memory_space<vmem>>, vector<16xf32>,
      tpu.vector_store %arg12[%swap3A_1852], %add3A_1851 {strides = array<i32>} : memref<1024xf32, #tpu.memory_space<vmem>>, vector<16xf32>,
      %get3A_1854 = arith.constant 16 : index
      %get3A_1855 = tpu.vector_load %arg10[%get3A_1854] {strides = array<i32>} : memref<256xf32, #tpu.memory_space<vmem>>, vector<16xf32>,
      %get3A_1856 = arith.constant 144 : index
      %get3A_1857 = tpu.vector_load %arg10[%get3A_1856] {strides = array<i32>} : memref<256xf32, #tpu.memory_space<vmem>>, vector<16xf32>,
      %get3A_1858 = arith.constant 528 : index
      %get3A_1859 = tpu.vector_load %arg8[%get3A_1858] {strides = array<i32>} : memref<1024xi32, #tpu.memory_space<vmem>>, vector<16xi32>,
      %gather3A_1860 = tpu.vector_load_idx %arg9[%get3A_1859] : memref<1000xf32, #tpu.memory_space<vmem>>[vector<16xi32>], vector<16xf32>,
      %get3A_1861 = arith.constant 528 : index
      %get3A_1862 = tpu.vector_load %arg12[%get3A_1861] {strides = array<i32>} : memref<1024xf32, #tpu.memory_space<vmem>>, vector<16xf32>,
      %add3A_1863 = arith.addf %get3A_1855, %gather3A_1860 : vector<16xf32>
      %sub3A_1864 = arith.subf %add3A_1863, %get3A_1857 : vector<16xf32>
      %abs3A_1865 = math.absf %sub3A_1864 : vector<16xf32>
      %add3A_1866 = arith.addf %get3A_1862, %abs3A_1865 : vector<16xf32>
      %swap3A_1867 = arith.constant 528 : index
      %swap3A_1868 = tpu.vector_load %arg12[%swap3A_1867] {strides = array<i32>} : memref<1024xf32, #tpu.memory_space<vmem>>, vector<16xf32>,
      tpu.vector_store %arg12[%swap3A_1867], %add3A_1866 {strides = array<i32>} : memref<1024xf32, #tpu.memory_space<vmem>>, vector<16xf32>,
      %get3A_1869 = arith.constant 32 : index
      %get3A_1870 = tpu.vector_load %arg10[%get3A_1869] {strides = array<i32>} : memref<256xf32, #tpu.memory_space<vmem>>, vector<16xf32>,
      %get3A_1871 = arith.constant 160 : index
      %get3A_1872 = tpu.vector_load %arg10[%get3A_1871] {strides = array<i32>} : memref<256xf32, #tpu.memory_space<vmem>>, vector<16xf32>,
      %get3A_1873 = arith.constant 544 : index
      %get3A_1874 = tpu.vector_load %arg8[%get3A_1873] {strides = array<i32>} : memref<1024xi32, #tpu.memory_space<vmem>>, vector<16xi32>,
      %gather3A_1875 = tpu.vector_load_idx %arg9[%get3A_1874] : memref<1000xf32, #tpu.memory_space<vmem>>[vector<16xi32>], vector<16xf32>,
      %get3A_1876 = arith.constant 544 : index
      %get3A_1877 = tpu.vector_load %arg12[%get3A_1876] {strides = array<i32>} : memref<1024xf32, #tpu.memory_space<vmem>>, vector<16xf32>,
      %add3A_1878 = arith.addf %get3A_1870, %gather3A_1875 : vector<16xf32>
      %sub3A_1879 = arith.subf %add3A_1878, %get3A_1872 : vector<16xf32>
      %abs3A_1880 = math.absf %sub3A_1879 : vector<16xf32>
      %add3A_1881 = arith.addf %get3A_1877, %abs3A_1880 : vector<16xf32>
      %swap3A_1882 = arith.constant 544 : index
      %swap3A_1883 = tpu.vector_load %arg12[%swap3A_1882] {strides = array<i32>} : memref<1024xf32, #tpu.memory_space<vmem>>, vector<16xf32>,
      tpu.vector_store %arg12[%swap3A_1882], %add3A_1881 {strides = array<i32>} : memref<1024xf32, #tpu.memory_space<vmem>>, vector<16xf32>,
      %get3A_1884 = arith.constant 48 : index
      %get3A_1885 = tpu.vector_load %arg10[%get3A_1884] {strides = array<i32>} : memref<256xf32, #tpu.memory_space<vmem>>, vector<16xf32>,
      %get3A_1886 = arith.constant 176 : index
      %get3A_1887 = tpu.vector_load %arg10[%get3A_1886] {strides = array<i32>} : memref<256xf32, #tpu.memory_space<vmem>>, vector<16xf32>,
      %get3A_1888 = arith.constant 560 : index
      %get3A_1889 = tpu.vector_load %arg8[%get3A_1888] {strides = array<i32>} : memref<1024xi32, #tpu.memory_space<vmem>>, vector<16xi32>,
      %gather3A_1890 = tpu.vector_load_idx %arg9[%get3A_1889] : memref<1000xf32, #tpu.memory_space<vmem>>[vector<16xi32>], vector<16xf32>,
      %get3A_1891 = arith.constant 560 : index
      %get3A_1892 = tpu.vector_load %arg12[%get3A_1891] {strides = array<i32>} : memref<1024xf32, #tpu.memory_space<vmem>>, vector<16xf32>,
      %add3A_1893 = arith.addf %get3A_1885, %gather3A_1890 : vector<16xf32>
      %sub3A_1894 = arith.subf %add3A_1893, %get3A_1887 : vector<16xf32>
      %abs3A_1895 = math.absf %sub3A_1894 : vector<16xf32>
      %add3A_1896 = arith.addf %get3A_1892, %abs3A_1895 : vector<16xf32>
      %swap3A_1897 = arith.constant 560 : index
      %swap3A_1898 = tpu.vector_load %arg12[%swap3A_1897] {strides = array<i32>} : memref<1024xf32, #tpu.memory_space<vmem>>, vector<16xf32>,
      tpu.vector_store %arg12[%swap3A_1897], %add3A_1896 {strides = array<i32>} : memref<1024xf32, #tpu.memory_space<vmem>>, vector<16xf32>,
      %get3A_1899 = arith.constant 64 : index
      %get3A_1900 = tpu.vector_load %arg10[%get3A_1899] {strides = array<i32>} : memref<256xf32, #tpu.memory_space<vmem>>, vector<16xf32>,
      %get3A_1901 = arith.constant 192 : index
      %get3A_1902 = tpu.vector_load %arg10[%get3A_1901] {strides = array<i32>} : memref<256xf32, #tpu.memory_space<vmem>>, vector<16xf32>,
      %get3A_1903 = arith.constant 576 : index
      %get3A_1904 = tpu.vector_load %arg8[%get3A_1903] {strides = array<i32>} : memref<1024xi32, #tpu.memory_space<vmem>>, vector<16xi32>,
      %gather3A_1905 = tpu.vector_load_idx %arg9[%get3A_1904] : memref<1000xf32, #tpu.memory_space<vmem>>[vector<16xi32>], vector<16xf32>,
      %get3A_1906 = arith.constant 576 : index
      %get3A_1907 = tpu.vector_load %arg12[%get3A_1906] {strides = array<i32>} : memref<1024xf32, #tpu.memory_space<vmem>>, vector<16xf32>,
      %add3A_1908 = arith.addf %get3A_1900, %gather3A_1905 : vector<16xf32>
      %sub3A_1909 = arith.subf %add3A_1908, %get3A_1902 : vector<16xf32>
      %abs3A_1910 = math.absf %sub3A_1909 : vector<16xf32>
      %add3A_1911 = arith.addf %get3A_1907, %abs3A_1910 : vector<16xf32>
      %swap3A_1912 = arith.constant 576 : index
      %swap3A_1913 = tpu.vector_load %arg12[%swap3A_1912] {strides = array<i32>} : memref<1024xf32, #tpu.memory_space<vmem>>, vector<16xf32>,
      tpu.vector_store %arg12[%swap3A_1912], %add3A_1911 {strides = array<i32>} : memref<1024xf32, #tpu.memory_space<vmem>>, vector<16xf32>,
      %get3A_1914 = arith.constant 80 : index
      %get3A_1915 = tpu.vector_load %arg10[%get3A_1914] {strides = array<i32>} : memref<256xf32, #tpu.memory_space<vmem>>, vector<16xf32>,
      %get3A_1916 = arith.constant 208 : index
      %get3A_1917 = tpu.vector_load %arg10[%get3A_1916] {strides = array<i32>} : memref<256xf32, #tpu.memory_space<vmem>>, vector<16xf32>,
      %get3A_1918 = arith.constant 592 : index
      %get3A_1919 = tpu.vector_load %arg8[%get3A_1918] {strides = array<i32>} : memref<1024xi32, #tpu.memory_space<vmem>>, vector<16xi32>,
      %gather3A_1920 = tpu.vector_load_idx %arg9[%get3A_1919] : memref<1000xf32, #tpu.memory_space<vmem>>[vector<16xi32>], vector<16xf32>,
      %get3A_1921 = arith.constant 592 : index
      %get3A_1922 = tpu.vector_load %arg12[%get3A_1921] {strides = array<i32>} : memref<1024xf32, #tpu.memory_space<vmem>>, vector<16xf32>,
      %add3A_1923 = arith.addf %get3A_1915, %gather3A_1920 : vector<16xf32>
      %sub3A_1924 = arith.subf %add3A_1923, %get3A_1917 : vector<16xf32>
      %abs3A_1925 = math.absf %sub3A_1924 : vector<16xf32>
      %add3A_1926 = arith.addf %get3A_1922, %abs3A_1925 : vector<16xf32>
      %swap3A_1927 = arith.constant 592 : index
      %swap3A_1928 = tpu.vector_load %arg12[%swap3A_1927] {strides = array<i32>} : memref<1024xf32, #tpu.memory_space<vmem>>, vector<16xf32>,
      tpu.vector_store %arg12[%swap3A_1927], %add3A_1926 {strides = array<i32>} : memref<1024xf32, #tpu.memory_space<vmem>>, vector<16xf32>,
      %get3A_1929 = arith.constant 96 : index
      %get3A_1930 = tpu.vector_load %arg10[%get3A_1929] {strides = array<i32>} : memref<256xf32, #tpu.memory_space<vmem>>, vector<16xf32>,
      %get3A_1931 = arith.constant 224 : index
      %get3A_1932 = tpu.vector_load %arg10[%get3A_1931] {strides = array<i32>} : memref<256xf32, #tpu.memory_space<vmem>>, vector<16xf32>,
      %get3A_1933 = arith.constant 608 : index
      %get3A_1934 = tpu.vector_load %arg8[%get3A_1933] {strides = array<i32>} : memref<1024xi32, #tpu.memory_space<vmem>>, vector<16xi32>,
      %gather3A_1935 = tpu.vector_load_idx %arg9[%get3A_1934] : memref<1000xf32, #tpu.memory_space<vmem>>[vector<16xi32>], vector<16xf32>,
      %get3A_1936 = arith.constant 608 : index
      %get3A_1937 = tpu.vector_load %arg12[%get3A_1936] {strides = array<i32>} : memref<1024xf32, #tpu.memory_space<vmem>>, vector<16xf32>,
      %add3A_1938 = arith.addf %get3A_1930, %gather3A_1935 : vector<16xf32>
      %sub3A_1939 = arith.subf %add3A_1938, %get3A_1932 : vector<16xf32>
      %abs3A_1940 = math.absf %sub3A_1939 : vector<16xf32>
      %add3A_1941 = arith.addf %get3A_1937, %abs3A_1940 : vector<16xf32>
      %swap3A_1942 = arith.constant 608 : index
      %swap3A_1943 = tpu.vector_load %arg12[%swap3A_1942] {strides = array<i32>} : memref<1024xf32, #tpu.memory_space<vmem>>, vector<16xf32>,
      tpu.vector_store %arg12[%swap3A_1942], %add3A_1941 {strides = array<i32>} : memref<1024xf32, #tpu.memory_space<vmem>>, vector<16xf32>,
      %get3A_1944 = arith.constant 112 : index
      %get3A_1945 = tpu.vector_load %arg10[%get3A_1944] {strides = array<i32>} : memref<256xf32, #tpu.memory_space<vmem>>, vector<16xf32>,
      %get3A_1946 = arith.constant 240 : index
      %get3A_1947 = tpu.vector_load %arg10[%get3A_1946] {strides = array<i32>} : memref<256xf32, #tpu.memory_space<vmem>>, vector<16xf32>,
      %get3A_1948 = arith.constant 624 : index
      %get3A_1949 = tpu.vector_load %arg8[%get3A_1948] {strides = array<i32>} : memref<1024xi32, #tpu.memory_space<vmem>>, vector<16xi32>,
      %gather3A_1950 = tpu.vector_load_idx %arg9[%get3A_1949] : memref<1000xf32, #tpu.memory_space<vmem>>[vector<16xi32>], vector<16xf32>,
      %get3A_1951 = arith.constant 624 : index
      %get3A_1952 = tpu.vector_load %arg12[%get3A_1951] {strides = array<i32>} : memref<1024xf32, #tpu.memory_space<vmem>>, vector<16xf32>,
      %add3A_1953 = arith.addf %get3A_1945, %gather3A_1950 : vector<16xf32>
      %sub3A_1954 = arith.subf %add3A_1953, %get3A_1947 : vector<16xf32>
      %abs3A_1955 = math.absf %sub3A_1954 : vector<16xf32>
      %add3A_1956 = arith.addf %get3A_1952, %abs3A_1955 : vector<16xf32>
      %swap3A_1957 = arith.constant 624 : index
      %swap3A_1958 = tpu.vector_load %arg12[%swap3A_1957] {strides = array<i32>} : memref<1024xf32, #tpu.memory_space<vmem>>, vector<16xf32>,
      tpu.vector_store %arg12[%swap3A_1957], %add3A_1956 {strides = array<i32>} : memref<1024xf32, #tpu.memory_space<vmem>>, vector<16xf32>,
      %dma_start3A_1959 = arith.constant 1536 : i32
      %dma_start3A_1960 = tpu.memref_slice %arg7[%dma_start3A_1959] : memref<2048xi32, #tpu.memory_space<vmem>> -> memref<256xi32, #tpu.memory_space<vmem>>
      %dma_start3A_1961 = arith.constant 0 : i32
      %dma_start3A_1962 = tpu.memref_slice %arg14[%dma_start3A_1961] : memref<1000000xf32, #tpu.memory_space<vmem_shared>> -> memref<1000000xf32, #tpu.memory_space<vmem_shared>>
      tpu.enqueue_indirect_dma source(%dma_start3A_1962 : memref<1000000xf32, #tpu.memory_space<vmem_shared>>) target(%arg10 : memref<256xf32, #tpu.memory_space<vmem>>) offsets(%dma_start3A_1960 : memref<256xi32, #tpu.memory_space<vmem>>) semaphore(%arg16 : memref<!tpu.dma_semaphore, #tpu.memory_space<semaphore_mem>>)
      %dma_wait3A_1963 = arith.constant 1280 : i32
      %dma_wait3A_1964 = tpu.memref_slice %arg7[%dma_wait3A_1963] : memref<2048xi32, #tpu.memory_space<vmem>> -> memref<256xi32, #tpu.memory_space<vmem>>
      %dma_wait3A_1965 = arith.constant 0 : i32
      %dma_wait3A_1966 = tpu.memref_slice %arg14[%dma_wait3A_1965] : memref<1000000xf32, #tpu.memory_space<vmem_shared>> -> memref<1000000xf32, #tpu.memory_space<vmem_shared>>
      tpu.wait_indirect_dma semaphore(%arg16 : memref<!tpu.dma_semaphore, #tpu.memory_space<semaphore_mem>>) src(%dma_wait3A_1966 : memref<1000000xf32, #tpu.memory_space<vmem_shared>>) dst(%arg11 : memref<256xf32, #tpu.memory_space<vmem>>)
      %get3A_1967 = arith.constant 0 : index
      %get3A_1968 = tpu.vector_load %arg11[%get3A_1967] {strides = array<i32>} : memref<256xf32, #tpu.memory_space<vmem>>, vector<16xf32>,
      %get3A_1969 = arith.constant 128 : index
      %get3A_1970 = tpu.vector_load %arg11[%get3A_1969] {strides = array<i32>} : memref<256xf32, #tpu.memory_space<vmem>>, vector<16xf32>,
      %get3A_1971 = arith.constant 640 : index
      %get3A_1972 = tpu.vector_load %arg8[%get3A_1971] {strides = array<i32>} : memref<1024xi32, #tpu.memory_space<vmem>>, vector<16xi32>,
      %gather3A_1973 = tpu.vector_load_idx %arg9[%get3A_1972] : memref<1000xf32, #tpu.memory_space<vmem>>[vector<16xi32>], vector<16xf32>,
      %get3A_1974 = arith.constant 640 : index
      %get3A_1975 = tpu.vector_load %arg12[%get3A_1974] {strides = array<i32>} : memref<1024xf32, #tpu.memory_space<vmem>>, vector<16xf32>,
      %add3A_1976 = arith.addf %get3A_1968, %gather3A_1973 : vector<16xf32>
      %sub3A_1977 = arith.subf %add3A_1976, %get3A_1970 : vector<16xf32>
      %abs3A_1978 = math.absf %sub3A_1977 : vector<16xf32>
      %add3A_1979 = arith.addf %get3A_1975, %abs3A_1978 : vector<16xf32>
      %swap3A_1980 = arith.constant 640 : index
      %swap3A_1981 = tpu.vector_load %arg12[%swap3A_1980] {strides = array<i32>} : memref<1024xf32, #tpu.memory_space<vmem>>, vector<16xf32>,
      tpu.vector_store %arg12[%swap3A_1980], %add3A_1979 {strides = array<i32>} : memref<1024xf32, #tpu.memory_space<vmem>>, vector<16xf32>,
      %get3A_1982 = arith.constant 16 : index
      %get3A_1983 = tpu.vector_load %arg11[%get3A_1982] {strides = array<i32>} : memref<256xf32, #tpu.memory_space<vmem>>, vector<16xf32>,
      %get3A_1984 = arith.constant 144 : index
      %get3A_1985 = tpu.vector_load %arg11[%get3A_1984] {strides = array<i32>} : memref<256xf32, #tpu.memory_space<vmem>>, vector<16xf32>,
      %get3A_1986 = arith.constant 656 : index
      %get3A_1987 = tpu.vector_load %arg8[%get3A_1986] {strides = array<i32>} : memref<1024xi32, #tpu.memory_space<vmem>>, vector<16xi32>,
      %gather3A_1988 = tpu.vector_load_idx %arg9[%get3A_1987] : memref<1000xf32, #tpu.memory_space<vmem>>[vector<16xi32>], vector<16xf32>,
      %get3A_1989 = arith.constant 656 : index
      %get3A_1990 = tpu.vector_load %arg12[%get3A_1989] {strides = array<i32>} : memref<1024xf32, #tpu.memory_space<vmem>>, vector<16xf32>,
      %add3A_1991 = arith.addf %get3A_1983, %gather3A_1988 : vector<16xf32>
      %sub3A_1992 = arith.subf %add3A_1991, %get3A_1985 : vector<16xf32>
      %abs3A_1993 = math.absf %sub3A_1992 : vector<16xf32>
      %add3A_1994 = arith.addf %get3A_1990, %abs3A_1993 : vector<16xf32>
      %swap3A_1995 = arith.constant 656 : index
      %swap3A_1996 = tpu.vector_load %arg12[%swap3A_1995] {strides = array<i32>} : memref<1024xf32, #tpu.memory_space<vmem>>, vector<16xf32>,
      tpu.vector_store %arg12[%swap3A_1995], %add3A_1994 {strides = array<i32>} : memref<1024xf32, #tpu.memory_space<vmem>>, vector<16xf32>,
      %get3A_1997 = arith.constant 32 : index
      %get3A_1998 = tpu.vector_load %arg11[%get3A_1997] {strides = array<i32>} : memref<256xf32, #tpu.memory_space<vmem>>, vector<16xf32>,
      %get3A_1999 = arith.constant 160 : index
      %get3A_2000 = tpu.vector_load %arg11[%get3A_1999] {strides = array<i32>} : memref<256xf32, #tpu.memory_space<vmem>>, vector<16xf32>,
      %get3A_2001 = arith.constant 672 : index
      %get3A_2002 = tpu.vector_load %arg8[%get3A_2001] {strides = array<i32>} : memref<1024xi32, #tpu.memory_space<vmem>>, vector<16xi32>,
      %gather3A_2003 = tpu.vector_load_idx %arg9[%get3A_2002] : memref<1000xf32, #tpu.memory_space<vmem>>[vector<16xi32>], vector<16xf32>,
      %get3A_2004 = arith.constant 672 : index
      %get3A_2005 = tpu.vector_load %arg12[%get3A_2004] {strides = array<i32>} : memref<1024xf32, #tpu.memory_space<vmem>>, vector<16xf32>,
      %add3A_2006 = arith.addf %get3A_1998, %gather3A_2003 : vector<16xf32>
      %sub3A_2007 = arith.subf %add3A_2006, %get3A_2000 : vector<16xf32>
      %abs3A_2008 = math.absf %sub3A_2007 : vector<16xf32>
      %add3A_2009 = arith.addf %get3A_2005, %abs3A_2008 : vector<16xf32>
      %swap3A_2010 = arith.constant 672 : index
      %swap3A_2011 = tpu.vector_load %arg12[%swap3A_2010] {strides = array<i32>} : memref<1024xf32, #tpu.memory_space<vmem>>, vector<16xf32>,
      tpu.vector_store %arg12[%swap3A_2010], %add3A_2009 {strides = array<i32>} : memref<1024xf32, #tpu.memory_space<vmem>>, vector<16xf32>,
      %get3A_2012 = arith.constant 48 : index
      %get3A_2013 = tpu.vector_load %arg11[%get3A_2012] {strides = array<i32>} : memref<256xf32, #tpu.memory_space<vmem>>, vector<16xf32>,
      %get3A_2014 = arith.constant 176 : index
      %get3A_2015 = tpu.vector_load %arg11[%get3A_2014] {strides = array<i32>} : memref<256xf32, #tpu.memory_space<vmem>>, vector<16xf32>,
      %get3A_2016 = arith.constant 688 : index
      %get3A_2017 = tpu.vector_load %arg8[%get3A_2016] {strides = array<i32>} : memref<1024xi32, #tpu.memory_space<vmem>>, vector<16xi32>,
      %gather3A_2018 = tpu.vector_load_idx %arg9[%get3A_2017] : memref<1000xf32, #tpu.memory_space<vmem>>[vector<16xi32>], vector<16xf32>,
      %get3A_2019 = arith.constant 688 : index
      %get3A_2020 = tpu.vector_load %arg12[%get3A_2019] {strides = array<i32>} : memref<1024xf32, #tpu.memory_space<vmem>>, vector<16xf32>,
      %add3A_2021 = arith.addf %get3A_2013, %gather3A_2018 : vector<16xf32>
      %sub3A_2022 = arith.subf %add3A_2021, %get3A_2015 : vector<16xf32>
      %abs3A_2023 = math.absf %sub3A_2022 : vector<16xf32>
      %add3A_2024 = arith.addf %get3A_2020, %abs3A_2023 : vector<16xf32>
      %swap3A_2025 = arith.constant 688 : index
      %swap3A_2026 = tpu.vector_load %arg12[%swap3A_2025] {strides = array<i32>} : memref<1024xf32, #tpu.memory_space<vmem>>, vector<16xf32>,
      tpu.vector_store %arg12[%swap3A_2025], %add3A_2024 {strides = array<i32>} : memref<1024xf32, #tpu.memory_space<vmem>>, vector<16xf32>,
      %get3A_2027 = arith.constant 64 : index
      %get3A_2028 = tpu.vector_load %arg11[%get3A_2027] {strides = array<i32>} : memref<256xf32, #tpu.memory_space<vmem>>, vector<16xf32>,
      %get3A_2029 = arith.constant 192 : index
      %get3A_2030 = tpu.vector_load %arg11[%get3A_2029] {strides = array<i32>} : memref<256xf32, #tpu.memory_space<vmem>>, vector<16xf32>,
      %get3A_2031 = arith.constant 704 : index
      %get3A_2032 = tpu.vector_load %arg8[%get3A_2031] {strides = array<i32>} : memref<1024xi32, #tpu.memory_space<vmem>>, vector<16xi32>,
      %gather3A_2033 = tpu.vector_load_idx %arg9[%get3A_2032] : memref<1000xf32, #tpu.memory_space<vmem>>[vector<16xi32>], vector<16xf32>,
      %get3A_2034 = arith.constant 704 : index
      %get3A_2035 = tpu.vector_load %arg12[%get3A_2034] {strides = array<i32>} : memref<1024xf32, #tpu.memory_space<vmem>>, vector<16xf32>,
      %add3A_2036 = arith.addf %get3A_2028, %gather3A_2033 : vector<16xf32>
      %sub3A_2037 = arith.subf %add3A_2036, %get3A_2030 : vector<16xf32>
      %abs3A_2038 = math.absf %sub3A_2037 : vector<16xf32>
      %add3A_2039 = arith.addf %get3A_2035, %abs3A_2038 : vector<16xf32>
      %swap3A_2040 = arith.constant 704 : index
      %swap3A_2041 = tpu.vector_load %arg12[%swap3A_2040] {strides = array<i32>} : memref<1024xf32, #tpu.memory_space<vmem>>, vector<16xf32>,
      tpu.vector_store %arg12[%swap3A_2040], %add3A_2039 {strides = array<i32>} : memref<1024xf32, #tpu.memory_space<vmem>>, vector<16xf32>,
      %get3A_2042 = arith.constant 80 : index
      %get3A_2043 = tpu.vector_load %arg11[%get3A_2042] {strides = array<i32>} : memref<256xf32, #tpu.memory_space<vmem>>, vector<16xf32>,
      %get3A_2044 = arith.constant 208 : index
      %get3A_2045 = tpu.vector_load %arg11[%get3A_2044] {strides = array<i32>} : memref<256xf32, #tpu.memory_space<vmem>>, vector<16xf32>,
      %get3A_2046 = arith.constant 720 : index
      %get3A_2047 = tpu.vector_load %arg8[%get3A_2046] {strides = array<i32>} : memref<1024xi32, #tpu.memory_space<vmem>>, vector<16xi32>,
      %gather3A_2048 = tpu.vector_load_idx %arg9[%get3A_2047] : memref<1000xf32, #tpu.memory_space<vmem>>[vector<16xi32>], vector<16xf32>,
      %get3A_2049 = arith.constant 720 : index
      %get3A_2050 = tpu.vector_load %arg12[%get3A_2049] {strides = array<i32>} : memref<1024xf32, #tpu.memory_space<vmem>>, vector<16xf32>,
      %add3A_2051 = arith.addf %get3A_2043, %gather3A_2048 : vector<16xf32>
      %sub3A_2052 = arith.subf %add3A_2051, %get3A_2045 : vector<16xf32>
      %abs3A_2053 = math.absf %sub3A_2052 : vector<16xf32>
      %add3A_2054 = arith.addf %get3A_2050, %abs3A_2053 : vector<16xf32>
      %swap3A_2055 = arith.constant 720 : index
      %swap3A_2056 = tpu.vector_load %arg12[%swap3A_2055] {strides = array<i32>} : memref<1024xf32, #tpu.memory_space<vmem>>, vector<16xf32>,
      tpu.vector_store %arg12[%swap3A_2055], %add3A_2054 {strides = array<i32>} : memref<1024xf32, #tpu.memory_space<vmem>>, vector<16xf32>,
      %get3A_2057 = arith.constant 96 : index
      %get3A_2058 = tpu.vector_load %arg11[%get3A_2057] {strides = array<i32>} : memref<256xf32, #tpu.memory_space<vmem>>, vector<16xf32>,
      %get3A_2059 = arith.constant 224 : index
      %get3A_2060 = tpu.vector_load %arg11[%get3A_2059] {strides = array<i32>} : memref<256xf32, #tpu.memory_space<vmem>>, vector<16xf32>,
      %get3A_2061 = arith.constant 736 : index
      %get3A_2062 = tpu.vector_load %arg8[%get3A_2061] {strides = array<i32>} : memref<1024xi32, #tpu.memory_space<vmem>>, vector<16xi32>,
      %gather3A_2063 = tpu.vector_load_idx %arg9[%get3A_2062] : memref<1000xf32, #tpu.memory_space<vmem>>[vector<16xi32>], vector<16xf32>,
      %get3A_2064 = arith.constant 736 : index
      %get3A_2065 = tpu.vector_load %arg12[%get3A_2064] {strides = array<i32>} : memref<1024xf32, #tpu.memory_space<vmem>>, vector<16xf32>,
      %add3A_2066 = arith.addf %get3A_2058, %gather3A_2063 : vector<16xf32>
      %sub3A_2067 = arith.subf %add3A_2066, %get3A_2060 : vector<16xf32>
      %abs3A_2068 = math.absf %sub3A_2067 : vector<16xf32>
      %add3A_2069 = arith.addf %get3A_2065, %abs3A_2068 : vector<16xf32>
      %swap3A_2070 = arith.constant 736 : index
      %swap3A_2071 = tpu.vector_load %arg12[%swap3A_2070] {strides = array<i32>} : memref<1024xf32, #tpu.memory_space<vmem>>, vector<16xf32>,
      tpu.vector_store %arg12[%swap3A_2070], %add3A_2069 {strides = array<i32>} : memref<1024xf32, #tpu.memory_space<vmem>>, vector<16xf32>,
      %get3A_2072 = arith.constant 112 : index
      %get3A_2073 = tpu.vector_load %arg11[%get3A_2072] {strides = array<i32>} : memref<256xf32, #tpu.memory_space<vmem>>, vector<16xf32>,
      %get3A_2074 = arith.constant 240 : index
      %get3A_2075 = tpu.vector_load %arg11[%get3A_2074] {strides = array<i32>} : memref<256xf32, #tpu.memory_space<vmem>>, vector<16xf32>,
      %get3A_2076 = arith.constant 752 : index
      %get3A_2077 = tpu.vector_load %arg8[%get3A_2076] {strides = array<i32>} : memref<1024xi32, #tpu.memory_space<vmem>>, vector<16xi32>,
      %gather3A_2078 = tpu.vector_load_idx %arg9[%get3A_2077] : memref<1000xf32, #tpu.memory_space<vmem>>[vector<16xi32>], vector<16xf32>,
      %get3A_2079 = arith.constant 752 : index
      %get3A_2080 = tpu.vector_load %arg12[%get3A_2079] {strides = array<i32>} : memref<1024xf32, #tpu.memory_space<vmem>>, vector<16xf32>,
      %add3A_2081 = arith.addf %get3A_2073, %gather3A_2078 : vector<16xf32>
      %sub3A_2082 = arith.subf %add3A_2081, %get3A_2075 : vector<16xf32>
      %abs3A_2083 = math.absf %sub3A_2082 : vector<16xf32>
      %add3A_2084 = arith.addf %get3A_2080, %abs3A_2083 : vector<16xf32>
      %swap3A_2085 = arith.constant 752 : index
      %swap3A_2086 = tpu.vector_load %arg12[%swap3A_2085] {strides = array<i32>} : memref<1024xf32, #tpu.memory_space<vmem>>, vector<16xf32>,
      tpu.vector_store %arg12[%swap3A_2085], %add3A_2084 {strides = array<i32>} : memref<1024xf32, #tpu.memory_space<vmem>>, vector<16xf32>,
      %dma_start3A_2087 = arith.constant 1792 : i32
      %dma_start3A_2088 = tpu.memref_slice %arg7[%dma_start3A_2087] : memref<2048xi32, #tpu.memory_space<vmem>> -> memref<256xi32, #tpu.memory_space<vmem>>
      %dma_start3A_2089 = arith.constant 0 : i32
      %dma_start3A_2090 = tpu.memref_slice %arg14[%dma_start3A_2089] : memref<1000000xf32, #tpu.memory_space<vmem_shared>> -> memref<1000000xf32, #tpu.memory_space<vmem_shared>>
      tpu.enqueue_indirect_dma source(%dma_start3A_2090 : memref<1000000xf32, #tpu.memory_space<vmem_shared>>) target(%arg11 : memref<256xf32, #tpu.memory_space<vmem>>) offsets(%dma_start3A_2088 : memref<256xi32, #tpu.memory_space<vmem>>) semaphore(%arg16 : memref<!tpu.dma_semaphore, #tpu.memory_space<semaphore_mem>>)
      %dma_wait3A_2091 = arith.constant 1536 : i32
      %dma_wait3A_2092 = tpu.memref_slice %arg7[%dma_wait3A_2091] : memref<2048xi32, #tpu.memory_space<vmem>> -> memref<256xi32, #tpu.memory_space<vmem>>
      %dma_wait3A_2093 = arith.constant 0 : i32
      %dma_wait3A_2094 = tpu.memref_slice %arg14[%dma_wait3A_2093] : memref<1000000xf32, #tpu.memory_space<vmem_shared>> -> memref<1000000xf32, #tpu.memory_space<vmem_shared>>
      tpu.wait_indirect_dma semaphore(%arg16 : memref<!tpu.dma_semaphore, #tpu.memory_space<semaphore_mem>>) src(%dma_wait3A_2094 : memref<1000000xf32, #tpu.memory_space<vmem_shared>>) dst(%arg10 : memref<256xf32, #tpu.memory_space<vmem>>)
      %get3A_2095 = arith.constant 0 : index
      %get3A_2096 = tpu.vector_load %arg10[%get3A_2095] {strides = array<i32>} : memref<256xf32, #tpu.memory_space<vmem>>, vector<16xf32>,
      %get3A_2097 = arith.constant 128 : index
      %get3A_2098 = tpu.vector_load %arg10[%get3A_2097] {strides = array<i32>} : memref<256xf32, #tpu.memory_space<vmem>>, vector<16xf32>,
      %get3A_2099 = arith.constant 768 : index
      %get3A_2100 = tpu.vector_load %arg8[%get3A_2099] {strides = array<i32>} : memref<1024xi32, #tpu.memory_space<vmem>>, vector<16xi32>,
      %gather3A_2101 = tpu.vector_load_idx %arg9[%get3A_2100] : memref<1000xf32, #tpu.memory_space<vmem>>[vector<16xi32>], vector<16xf32>,
      %get3A_2102 = arith.constant 768 : index
      %get3A_2103 = tpu.vector_load %arg12[%get3A_2102] {strides = array<i32>} : memref<1024xf32, #tpu.memory_space<vmem>>, vector<16xf32>,
      %add3A_2104 = arith.addf %get3A_2096, %gather3A_2101 : vector<16xf32>
      %sub3A_2105 = arith.subf %add3A_2104, %get3A_2098 : vector<16xf32>
      %abs3A_2106 = math.absf %sub3A_2105 : vector<16xf32>
      %add3A_2107 = arith.addf %get3A_2103, %abs3A_2106 : vector<16xf32>
      %swap3A_2108 = arith.constant 768 : index
      %swap3A_2109 = tpu.vector_load %arg12[%swap3A_2108] {strides = array<i32>} : memref<1024xf32, #tpu.memory_space<vmem>>, vector<16xf32>,
      tpu.vector_store %arg12[%swap3A_2108], %add3A_2107 {strides = array<i32>} : memref<1024xf32, #tpu.memory_space<vmem>>, vector<16xf32>,
      %get3A_2110 = arith.constant 16 : index
      %get3A_2111 = tpu.vector_load %arg10[%get3A_2110] {strides = array<i32>} : memref<256xf32, #tpu.memory_space<vmem>>, vector<16xf32>,
      %get3A_2112 = arith.constant 144 : index
      %get3A_2113 = tpu.vector_load %arg10[%get3A_2112] {strides = array<i32>} : memref<256xf32, #tpu.memory_space<vmem>>, vector<16xf32>,
      %get3A_2114 = arith.constant 784 : index
      %get3A_2115 = tpu.vector_load %arg8[%get3A_2114] {strides = array<i32>} : memref<1024xi32, #tpu.memory_space<vmem>>, vector<16xi32>,
      %gather3A_2116 = tpu.vector_load_idx %arg9[%get3A_2115] : memref<1000xf32, #tpu.memory_space<vmem>>[vector<16xi32>], vector<16xf32>,
      %get3A_2117 = arith.constant 784 : index
      %get3A_2118 = tpu.vector_load %arg12[%get3A_2117] {strides = array<i32>} : memref<1024xf32, #tpu.memory_space<vmem>>, vector<16xf32>,
      %add3A_2119 = arith.addf %get3A_2111, %gather3A_2116 : vector<16xf32>
      %sub3A_2120 = arith.subf %add3A_2119, %get3A_2113 : vector<16xf32>
      %abs3A_2121 = math.absf %sub3A_2120 : vector<16xf32>
      %add3A_2122 = arith.addf %get3A_2118, %abs3A_2121 : vector<16xf32>
      %swap3A_2123 = arith.constant 784 : index
      %swap3A_2124 = tpu.vector_load %arg12[%swap3A_2123] {strides = array<i32>} : memref<1024xf32, #tpu.memory_space<vmem>>, vector<16xf32>,
      tpu.vector_store %arg12[%swap3A_2123], %add3A_2122 {strides = array<i32>} : memref<1024xf32, #tpu.memory_space<vmem>>, vector<16xf32>,
      %get3A_2125 = arith.constant 32 : index
      %get3A_2126 = tpu.vector_load %arg10[%get3A_2125] {strides = array<i32>} : memref<256xf32, #tpu.memory_space<vmem>>, vector<16xf32>,
      %get3A_2127 = arith.constant 160 : index
      %get3A_2128 = tpu.vector_load %arg10[%get3A_2127] {strides = array<i32>} : memref<256xf32, #tpu.memory_space<vmem>>, vector<16xf32>,
      %get3A_2129 = arith.constant 800 : index
      %get3A_2130 = tpu.vector_load %arg8[%get3A_2129] {strides = array<i32>} : memref<1024xi32, #tpu.memory_space<vmem>>, vector<16xi32>,
      %gather3A_2131 = tpu.vector_load_idx %arg9[%get3A_2130] : memref<1000xf32, #tpu.memory_space<vmem>>[vector<16xi32>], vector<16xf32>,
      %get3A_2132 = arith.constant 800 : index
      %get3A_2133 = tpu.vector_load %arg12[%get3A_2132] {strides = array<i32>} : memref<1024xf32, #tpu.memory_space<vmem>>, vector<16xf32>,
      %add3A_2134 = arith.addf %get3A_2126, %gather3A_2131 : vector<16xf32>
      %sub3A_2135 = arith.subf %add3A_2134, %get3A_2128 : vector<16xf32>
      %abs3A_2136 = math.absf %sub3A_2135 : vector<16xf32>
      %add3A_2137 = arith.addf %get3A_2133, %abs3A_2136 : vector<16xf32>
      %swap3A_2138 = arith.constant 800 : index
      %swap3A_2139 = tpu.vector_load %arg12[%swap3A_2138] {strides = array<i32>} : memref<1024xf32, #tpu.memory_space<vmem>>, vector<16xf32>,
      tpu.vector_store %arg12[%swap3A_2138], %add3A_2137 {strides = array<i32>} : memref<1024xf32, #tpu.memory_space<vmem>>, vector<16xf32>,
      %get3A_2140 = arith.constant 48 : index
      %get3A_2141 = tpu.vector_load %arg10[%get3A_2140] {strides = array<i32>} : memref<256xf32, #tpu.memory_space<vmem>>, vector<16xf32>,
      %get3A_2142 = arith.constant 176 : index
      %get3A_2143 = tpu.vector_load %arg10[%get3A_2142] {strides = array<i32>} : memref<256xf32, #tpu.memory_space<vmem>>, vector<16xf32>,
      %get3A_2144 = arith.constant 816 : index
      %get3A_2145 = tpu.vector_load %arg8[%get3A_2144] {strides = array<i32>} : memref<1024xi32, #tpu.memory_space<vmem>>, vector<16xi32>,
      %gather3A_2146 = tpu.vector_load_idx %arg9[%get3A_2145] : memref<1000xf32, #tpu.memory_space<vmem>>[vector<16xi32>], vector<16xf32>,
      %get3A_2147 = arith.constant 816 : index
      %get3A_2148 = tpu.vector_load %arg12[%get3A_2147] {strides = array<i32>} : memref<1024xf32, #tpu.memory_space<vmem>>, vector<16xf32>,
      %add3A_2149 = arith.addf %get3A_2141, %gather3A_2146 : vector<16xf32>
      %sub3A_2150 = arith.subf %add3A_2149, %get3A_2143 : vector<16xf32>
      %abs3A_2151 = math.absf %sub3A_2150 : vector<16xf32>
      %add3A_2152 = arith.addf %get3A_2148, %abs3A_2151 : vector<16xf32>
      %swap3A_2153 = arith.constant 816 : index
      %swap3A_2154 = tpu.vector_load %arg12[%swap3A_2153] {strides = array<i32>} : memref<1024xf32, #tpu.memory_space<vmem>>, vector<16xf32>,
      tpu.vector_store %arg12[%swap3A_2153], %add3A_2152 {strides = array<i32>} : memref<1024xf32, #tpu.memory_space<vmem>>, vector<16xf32>,
      %get3A_2155 = arith.constant 64 : index
      %get3A_2156 = tpu.vector_load %arg10[%get3A_2155] {strides = array<i32>} : memref<256xf32, #tpu.memory_space<vmem>>, vector<16xf32>,
      %get3A_2157 = arith.constant 192 : index
      %get3A_2158 = tpu.vector_load %arg10[%get3A_2157] {strides = array<i32>} : memref<256xf32, #tpu.memory_space<vmem>>, vector<16xf32>,
      %get3A_2159 = arith.constant 832 : index
      %get3A_2160 = tpu.vector_load %arg8[%get3A_2159] {strides = array<i32>} : memref<1024xi32, #tpu.memory_space<vmem>>, vector<16xi32>,
      %gather3A_2161 = tpu.vector_load_idx %arg9[%get3A_2160] : memref<1000xf32, #tpu.memory_space<vmem>>[vector<16xi32>], vector<16xf32>,
      %get3A_2162 = arith.constant 832 : index
      %get3A_2163 = tpu.vector_load %arg12[%get3A_2162] {strides = array<i32>} : memref<1024xf32, #tpu.memory_space<vmem>>, vector<16xf32>,
      %add3A_2164 = arith.addf %get3A_2156, %gather3A_2161 : vector<16xf32>
      %sub3A_2165 = arith.subf %add3A_2164, %get3A_2158 : vector<16xf32>
      %abs3A_2166 = math.absf %sub3A_2165 : vector<16xf32>
      %add3A_2167 = arith.addf %get3A_2163, %abs3A_2166 : vector<16xf32>
      %swap3A_2168 = arith.constant 832 : index
      %swap3A_2169 = tpu.vector_load %arg12[%swap3A_2168] {strides = array<i32>} : memref<1024xf32, #tpu.memory_space<vmem>>, vector<16xf32>,
      tpu.vector_store %arg12[%swap3A_2168], %add3A_2167 {strides = array<i32>} : memref<1024xf32, #tpu.memory_space<vmem>>, vector<16xf32>,
      %get3A_2170 = arith.constant 80 : index
      %get3A_2171 = tpu.vector_load %arg10[%get3A_2170] {strides = array<i32>} : memref<256xf32, #tpu.memory_space<vmem>>, vector<16xf32>,
      %get3A_2172 = arith.constant 208 : index
      %get3A_2173 = tpu.vector_load %arg10[%get3A_2172] {strides = array<i32>} : memref<256xf32, #tpu.memory_space<vmem>>, vector<16xf32>,
      %get3A_2174 = arith.constant 848 : index
      %get3A_2175 = tpu.vector_load %arg8[%get3A_2174] {strides = array<i32>} : memref<1024xi32, #tpu.memory_space<vmem>>, vector<16xi32>,
      %gather3A_2176 = tpu.vector_load_idx %arg9[%get3A_2175] : memref<1000xf32, #tpu.memory_space<vmem>>[vector<16xi32>], vector<16xf32>,
      %get3A_2177 = arith.constant 848 : index
      %get3A_2178 = tpu.vector_load %arg12[%get3A_2177] {strides = array<i32>} : memref<1024xf32, #tpu.memory_space<vmem>>, vector<16xf32>,
      %add3A_2179 = arith.addf %get3A_2171, %gather3A_2176 : vector<16xf32>
      %sub3A_2180 = arith.subf %add3A_2179, %get3A_2173 : vector<16xf32>
      %abs3A_2181 = math.absf %sub3A_2180 : vector<16xf32>
      %add3A_2182 = arith.addf %get3A_2178, %abs3A_2181 : vector<16xf32>
      %swap3A_2183 = arith.constant 848 : index
      %swap3A_2184 = tpu.vector_load %arg12[%swap3A_2183] {strides = array<i32>} : memref<1024xf32, #tpu.memory_space<vmem>>, vector<16xf32>,
      tpu.vector_store %arg12[%swap3A_2183], %add3A_2182 {strides = array<i32>} : memref<1024xf32, #tpu.memory_space<vmem>>, vector<16xf32>,
      %get3A_2185 = arith.constant 96 : index
      %get3A_2186 = tpu.vector_load %arg10[%get3A_2185] {strides = array<i32>} : memref<256xf32, #tpu.memory_space<vmem>>, vector<16xf32>,
      %get3A_2187 = arith.constant 224 : index
      %get3A_2188 = tpu.vector_load %arg10[%get3A_2187] {strides = array<i32>} : memref<256xf32, #tpu.memory_space<vmem>>, vector<16xf32>,
      %get3A_2189 = arith.constant 864 : index
      %get3A_2190 = tpu.vector_load %arg8[%get3A_2189] {strides = array<i32>} : memref<1024xi32, #tpu.memory_space<vmem>>, vector<16xi32>,
      %gather3A_2191 = tpu.vector_load_idx %arg9[%get3A_2190] : memref<1000xf32, #tpu.memory_space<vmem>>[vector<16xi32>], vector<16xf32>,
      %get3A_2192 = arith.constant 864 : index
      %get3A_2193 = tpu.vector_load %arg12[%get3A_2192] {strides = array<i32>} : memref<1024xf32, #tpu.memory_space<vmem>>, vector<16xf32>,
      %add3A_2194 = arith.addf %get3A_2186, %gather3A_2191 : vector<16xf32>
      %sub3A_2195 = arith.subf %add3A_2194, %get3A_2188 : vector<16xf32>
      %abs3A_2196 = math.absf %sub3A_2195 : vector<16xf32>
      %add3A_2197 = arith.addf %get3A_2193, %abs3A_2196 : vector<16xf32>
      %swap3A_2198 = arith.constant 864 : index
      %swap3A_2199 = tpu.vector_load %arg12[%swap3A_2198] {strides = array<i32>} : memref<1024xf32, #tpu.memory_space<vmem>>, vector<16xf32>,
      tpu.vector_store %arg12[%swap3A_2198], %add3A_2197 {strides = array<i32>} : memref<1024xf32, #tpu.memory_space<vmem>>, vector<16xf32>,
      %get3A_2200 = arith.constant 112 : index
      %get3A_2201 = tpu.vector_load %arg10[%get3A_2200] {strides = array<i32>} : memref<256xf32, #tpu.memory_space<vmem>>, vector<16xf32>,
      %get3A_2202 = arith.constant 240 : index
      %get3A_2203 = tpu.vector_load %arg10[%get3A_2202] {strides = array<i32>} : memref<256xf32, #tpu.memory_space<vmem>>, vector<16xf32>,
      %get3A_2204 = arith.constant 880 : index
      %get3A_2205 = tpu.vector_load %arg8[%get3A_2204] {strides = array<i32>} : memref<1024xi32, #tpu.memory_space<vmem>>, vector<16xi32>,
      %gather3A_2206 = tpu.vector_load_idx %arg9[%get3A_2205] : memref<1000xf32, #tpu.memory_space<vmem>>[vector<16xi32>], vector<16xf32>,
      %get3A_2207 = arith.constant 880 : index
      %get3A_2208 = tpu.vector_load %arg12[%get3A_2207] {strides = array<i32>} : memref<1024xf32, #tpu.memory_space<vmem>>, vector<16xf32>,
      %add3A_2209 = arith.addf %get3A_2201, %gather3A_2206 : vector<16xf32>
      %sub3A_2210 = arith.subf %add3A_2209, %get3A_2203 : vector<16xf32>
      %abs3A_2211 = math.absf %sub3A_2210 : vector<16xf32>
      %add3A_2212 = arith.addf %get3A_2208, %abs3A_2211 : vector<16xf32>
      %swap3A_2213 = arith.constant 880 : index
      %swap3A_2214 = tpu.vector_load %arg12[%swap3A_2213] {strides = array<i32>} : memref<1024xf32, #tpu.memory_space<vmem>>, vector<16xf32>,
      tpu.vector_store %arg12[%swap3A_2213], %add3A_2212 {strides = array<i32>} : memref<1024xf32, #tpu.memory_space<vmem>>, vector<16xf32>,
      %dma_wait3A_2215 = arith.constant 1792 : i32
      %dma_wait3A_2216 = tpu.memref_slice %arg7[%dma_wait3A_2215] : memref<2048xi32, #tpu.memory_space<vmem>> -> memref<256xi32, #tpu.memory_space<vmem>>
      %dma_wait3A_2217 = arith.constant 0 : i32
      %dma_wait3A_2218 = tpu.memref_slice %arg14[%dma_wait3A_2217] : memref<1000000xf32, #tpu.memory_space<vmem_shared>> -> memref<1000000xf32, #tpu.memory_space<vmem_shared>>
      tpu.wait_indirect_dma semaphore(%arg16 : memref<!tpu.dma_semaphore, #tpu.memory_space<semaphore_mem>>) src(%dma_wait3A_2218 : memref<1000000xf32, #tpu.memory_space<vmem_shared>>) dst(%arg11 : memref<256xf32, #tpu.memory_space<vmem>>)
      %barrier3A_2219 = arith.constant 0 : index
      tpu.barrier barrier_id(%barrier3A_2219)
      %eq3A_2220 = arith.constant 0 : i32
      %eq3A_2221 = arith.cmpi eq, %arg1, %eq3A_2220 : i32
      %lt3A_2222 = arith.constant 15 : i32
      %lt3A_2223 = arith.cmpi slt, %scan3A_268, %lt3A_2222 : i32
      %and3A_2224 = arith.andi %eq3A_2221, %lt3A_2223 : i1
      %convert_element_type3A_2225 = arith.extui %and3A_2224 : i1 to i32
      %cond3A_2226 = arith.constant 0 : i32
      %cond3A_2227 = arith.cmpi ne, %convert_element_type3A_2225, %cond3A_2226 : i32
      scf.if %cond3A_2227 {
        %add3A_2348 = arith.constant 2 : i32
        %add3A_2349 = arith.addi %add3A_1308, %add3A_2348 : i32
        %dma_start3A_2350 = arith.constant 0 : i32
        %dma_start3A_2351 = tpu.memref_slice %arg4[%add3A_2349, %dma_start3A_2350] : memref<64x1000000xf32, #tpu.memory_space<hbm>> -> memref<1x1000000xf32, #tpu.memory_space<hbm>>
        %dma_start3A_2352 = tpu.memref_squeeze %dma_start3A_2351 : memref<1x1000000xf32, #tpu.memory_space<hbm>> -> memref<1000000xf32, #tpu.memory_space<hbm>>
        tpu.enqueue_dma source(%dma_start3A_2352 : memref<1000000xf32, #tpu.memory_space<hbm>>) target(%arg14 : memref<1000000xf32, #tpu.memory_space<vmem_shared>>) target_semaphore(%arg15 : memref<!tpu.dma_semaphore, #tpu.memory_space<semaphore_mem>>)
      } else {
      }
      %get3A_2228 = arith.constant 0 : index
      %get3A_2229 = tpu.vector_load %arg11[%get3A_2228] {strides = array<i32>} : memref<256xf32, #tpu.memory_space<vmem>>, vector<16xf32>,
      %get3A_2230 = arith.constant 128 : index
      %get3A_2231 = tpu.vector_load %arg11[%get3A_2230] {strides = array<i32>} : memref<256xf32, #tpu.memory_space<vmem>>, vector<16xf32>,
      %get3A_2232 = arith.constant 896 : index
      %get3A_2233 = tpu.vector_load %arg8[%get3A_2232] {strides = array<i32>} : memref<1024xi32, #tpu.memory_space<vmem>>, vector<16xi32>,
      %gather3A_2234 = tpu.vector_load_idx %arg9[%get3A_2233] : memref<1000xf32, #tpu.memory_space<vmem>>[vector<16xi32>], vector<16xf32>,
      %get3A_2235 = arith.constant 896 : index
      %get3A_2236 = tpu.vector_load %arg12[%get3A_2235] {strides = array<i32>} : memref<1024xf32, #tpu.memory_space<vmem>>, vector<16xf32>,
      %add3A_2237 = arith.addf %get3A_2229, %gather3A_2234 : vector<16xf32>
      %sub3A_2238 = arith.subf %add3A_2237, %get3A_2231 : vector<16xf32>
      %abs3A_2239 = math.absf %sub3A_2238 : vector<16xf32>
      %add3A_2240 = arith.addf %get3A_2236, %abs3A_2239 : vector<16xf32>
      %swap3A_2241 = arith.constant 896 : index
      %swap3A_2242 = tpu.vector_load %arg12[%swap3A_2241] {strides = array<i32>} : memref<1024xf32, #tpu.memory_space<vmem>>, vector<16xf32>,
      tpu.vector_store %arg12[%swap3A_2241], %add3A_2240 {strides = array<i32>} : memref<1024xf32, #tpu.memory_space<vmem>>, vector<16xf32>,
      %get3A_2243 = arith.constant 16 : index
      %get3A_2244 = tpu.vector_load %arg11[%get3A_2243] {strides = array<i32>} : memref<256xf32, #tpu.memory_space<vmem>>, vector<16xf32>,
      %get3A_2245 = arith.constant 144 : index
      %get3A_2246 = tpu.vector_load %arg11[%get3A_2245] {strides = array<i32>} : memref<256xf32, #tpu.memory_space<vmem>>, vector<16xf32>,
      %get3A_2247 = arith.constant 912 : index
      %get3A_2248 = tpu.vector_load %arg8[%get3A_2247] {strides = array<i32>} : memref<1024xi32, #tpu.memory_space<vmem>>, vector<16xi32>,
      %gather3A_2249 = tpu.vector_load_idx %arg9[%get3A_2248] : memref<1000xf32, #tpu.memory_space<vmem>>[vector<16xi32>], vector<16xf32>,
      %get3A_2250 = arith.constant 912 : index
      %get3A_2251 = tpu.vector_load %arg12[%get3A_2250] {strides = array<i32>} : memref<1024xf32, #tpu.memory_space<vmem>>, vector<16xf32>,
      %add3A_2252 = arith.addf %get3A_2244, %gather3A_2249 : vector<16xf32>
      %sub3A_2253 = arith.subf %add3A_2252, %get3A_2246 : vector<16xf32>
      %abs3A_2254 = math.absf %sub3A_2253 : vector<16xf32>
      %add3A_2255 = arith.addf %get3A_2251, %abs3A_2254 : vector<16xf32>
      %swap3A_2256 = arith.constant 912 : index
      %swap3A_2257 = tpu.vector_load %arg12[%swap3A_2256] {strides = array<i32>} : memref<1024xf32, #tpu.memory_space<vmem>>, vector<16xf32>,
      tpu.vector_store %arg12[%swap3A_2256], %add3A_2255 {strides = array<i32>} : memref<1024xf32, #tpu.memory_space<vmem>>, vector<16xf32>,
      %get3A_2258 = arith.constant 32 : index
      %get3A_2259 = tpu.vector_load %arg11[%get3A_2258] {strides = array<i32>} : memref<256xf32, #tpu.memory_space<vmem>>, vector<16xf32>,
      %get3A_2260 = arith.constant 160 : index
      %get3A_2261 = tpu.vector_load %arg11[%get3A_2260] {strides = array<i32>} : memref<256xf32, #tpu.memory_space<vmem>>, vector<16xf32>,
      %get3A_2262 = arith.constant 928 : index
      %get3A_2263 = tpu.vector_load %arg8[%get3A_2262] {strides = array<i32>} : memref<1024xi32, #tpu.memory_space<vmem>>, vector<16xi32>,
      %gather3A_2264 = tpu.vector_load_idx %arg9[%get3A_2263] : memref<1000xf32, #tpu.memory_space<vmem>>[vector<16xi32>], vector<16xf32>,
      %get3A_2265 = arith.constant 928 : index
      %get3A_2266 = tpu.vector_load %arg12[%get3A_2265] {strides = array<i32>} : memref<1024xf32, #tpu.memory_space<vmem>>, vector<16xf32>,
      %add3A_2267 = arith.addf %get3A_2259, %gather3A_2264 : vector<16xf32>
      %sub3A_2268 = arith.subf %add3A_2267, %get3A_2261 : vector<16xf32>
      %abs3A_2269 = math.absf %sub3A_2268 : vector<16xf32>
      %add3A_2270 = arith.addf %get3A_2266, %abs3A_2269 : vector<16xf32>
      %swap3A_2271 = arith.constant 928 : index
      %swap3A_2272 = tpu.vector_load %arg12[%swap3A_2271] {strides = array<i32>} : memref<1024xf32, #tpu.memory_space<vmem>>, vector<16xf32>,
      tpu.vector_store %arg12[%swap3A_2271], %add3A_2270 {strides = array<i32>} : memref<1024xf32, #tpu.memory_space<vmem>>, vector<16xf32>,
      %get3A_2273 = arith.constant 48 : index
      %get3A_2274 = tpu.vector_load %arg11[%get3A_2273] {strides = array<i32>} : memref<256xf32, #tpu.memory_space<vmem>>, vector<16xf32>,
      %get3A_2275 = arith.constant 176 : index
      %get3A_2276 = tpu.vector_load %arg11[%get3A_2275] {strides = array<i32>} : memref<256xf32, #tpu.memory_space<vmem>>, vector<16xf32>,
      %get3A_2277 = arith.constant 944 : index
      %get3A_2278 = tpu.vector_load %arg8[%get3A_2277] {strides = array<i32>} : memref<1024xi32, #tpu.memory_space<vmem>>, vector<16xi32>,
      %gather3A_2279 = tpu.vector_load_idx %arg9[%get3A_2278] : memref<1000xf32, #tpu.memory_space<vmem>>[vector<16xi32>], vector<16xf32>,
      %get3A_2280 = arith.constant 944 : index
      %get3A_2281 = tpu.vector_load %arg12[%get3A_2280] {strides = array<i32>} : memref<1024xf32, #tpu.memory_space<vmem>>, vector<16xf32>,
      %add3A_2282 = arith.addf %get3A_2274, %gather3A_2279 : vector<16xf32>
      %sub3A_2283 = arith.subf %add3A_2282, %get3A_2276 : vector<16xf32>
      %abs3A_2284 = math.absf %sub3A_2283 : vector<16xf32>
      %add3A_2285 = arith.addf %get3A_2281, %abs3A_2284 : vector<16xf32>
      %swap3A_2286 = arith.constant 944 : index
      %swap3A_2287 = tpu.vector_load %arg12[%swap3A_2286] {strides = array<i32>} : memref<1024xf32, #tpu.memory_space<vmem>>, vector<16xf32>,
      tpu.vector_store %arg12[%swap3A_2286], %add3A_2285 {strides = array<i32>} : memref<1024xf32, #tpu.memory_space<vmem>>, vector<16xf32>,
      %get3A_2288 = arith.constant 64 : index
      %get3A_2289 = tpu.vector_load %arg11[%get3A_2288] {strides = array<i32>} : memref<256xf32, #tpu.memory_space<vmem>>, vector<16xf32>,
      %get3A_2290 = arith.constant 192 : index
      %get3A_2291 = tpu.vector_load %arg11[%get3A_2290] {strides = array<i32>} : memref<256xf32, #tpu.memory_space<vmem>>, vector<16xf32>,
      %get3A_2292 = arith.constant 960 : index
      %get3A_2293 = tpu.vector_load %arg8[%get3A_2292] {strides = array<i32>} : memref<1024xi32, #tpu.memory_space<vmem>>, vector<16xi32>,
      %gather3A_2294 = tpu.vector_load_idx %arg9[%get3A_2293] : memref<1000xf32, #tpu.memory_space<vmem>>[vector<16xi32>], vector<16xf32>,
      %get3A_2295 = arith.constant 960 : index
      %get3A_2296 = tpu.vector_load %arg12[%get3A_2295] {strides = array<i32>} : memref<1024xf32, #tpu.memory_space<vmem>>, vector<16xf32>,
      %add3A_2297 = arith.addf %get3A_2289, %gather3A_2294 : vector<16xf32>
      %sub3A_2298 = arith.subf %add3A_2297, %get3A_2291 : vector<16xf32>
      %abs3A_2299 = math.absf %sub3A_2298 : vector<16xf32>
      %add3A_2300 = arith.addf %get3A_2296, %abs3A_2299 : vector<16xf32>
      %swap3A_2301 = arith.constant 960 : index
      %swap3A_2302 = tpu.vector_load %arg12[%swap3A_2301] {strides = array<i32>} : memref<1024xf32, #tpu.memory_space<vmem>>, vector<16xf32>,
      tpu.vector_store %arg12[%swap3A_2301], %add3A_2300 {strides = array<i32>} : memref<1024xf32, #tpu.memory_space<vmem>>, vector<16xf32>,
      %get3A_2303 = arith.constant 80 : index
      %get3A_2304 = tpu.vector_load %arg11[%get3A_2303] {strides = array<i32>} : memref<256xf32, #tpu.memory_space<vmem>>, vector<16xf32>,
      %get3A_2305 = arith.constant 208 : index
      %get3A_2306 = tpu.vector_load %arg11[%get3A_2305] {strides = array<i32>} : memref<256xf32, #tpu.memory_space<vmem>>, vector<16xf32>,
      %get3A_2307 = arith.constant 976 : index
      %get3A_2308 = tpu.vector_load %arg8[%get3A_2307] {strides = array<i32>} : memref<1024xi32, #tpu.memory_space<vmem>>, vector<16xi32>,
      %gather3A_2309 = tpu.vector_load_idx %arg9[%get3A_2308] : memref<1000xf32, #tpu.memory_space<vmem>>[vector<16xi32>], vector<16xf32>,
      %get3A_2310 = arith.constant 976 : index
      %get3A_2311 = tpu.vector_load %arg12[%get3A_2310] {strides = array<i32>} : memref<1024xf32, #tpu.memory_space<vmem>>, vector<16xf32>,
      %add3A_2312 = arith.addf %get3A_2304, %gather3A_2309 : vector<16xf32>
      %sub3A_2313 = arith.subf %add3A_2312, %get3A_2306 : vector<16xf32>
      %abs3A_2314 = math.absf %sub3A_2313 : vector<16xf32>
      %add3A_2315 = arith.addf %get3A_2311, %abs3A_2314 : vector<16xf32>
      %swap3A_2316 = arith.constant 976 : index
      %swap3A_2317 = tpu.vector_load %arg12[%swap3A_2316] {strides = array<i32>} : memref<1024xf32, #tpu.memory_space<vmem>>, vector<16xf32>,
      tpu.vector_store %arg12[%swap3A_2316], %add3A_2315 {strides = array<i32>} : memref<1024xf32, #tpu.memory_space<vmem>>, vector<16xf32>,
      %get3A_2318 = arith.constant 96 : index
      %get3A_2319 = tpu.vector_load %arg11[%get3A_2318] {strides = array<i32>} : memref<256xf32, #tpu.memory_space<vmem>>, vector<16xf32>,
      %get3A_2320 = arith.constant 224 : index
      %get3A_2321 = tpu.vector_load %arg11[%get3A_2320] {strides = array<i32>} : memref<256xf32, #tpu.memory_space<vmem>>, vector<16xf32>,
      %get3A_2322 = arith.constant 992 : index
      %get3A_2323 = tpu.vector_load %arg8[%get3A_2322] {strides = array<i32>} : memref<1024xi32, #tpu.memory_space<vmem>>, vector<16xi32>,
      %gather3A_2324 = tpu.vector_load_idx %arg9[%get3A_2323] : memref<1000xf32, #tpu.memory_space<vmem>>[vector<16xi32>], vector<16xf32>,
      %get3A_2325 = arith.constant 992 : index
      %get3A_2326 = tpu.vector_load %arg12[%get3A_2325] {strides = array<i32>} : memref<1024xf32, #tpu.memory_space<vmem>>, vector<16xf32>,
      %add3A_2327 = arith.addf %get3A_2319, %gather3A_2324 : vector<16xf32>
      %sub3A_2328 = arith.subf %add3A_2327, %get3A_2321 : vector<16xf32>
      %abs3A_2329 = math.absf %sub3A_2328 : vector<16xf32>
      %add3A_2330 = arith.addf %get3A_2326, %abs3A_2329 : vector<16xf32>
      %swap3A_2331 = arith.constant 992 : index
      %swap3A_2332 = tpu.vector_load %arg12[%swap3A_2331] {strides = array<i32>} : memref<1024xf32, #tpu.memory_space<vmem>>, vector<16xf32>,
      tpu.vector_store %arg12[%swap3A_2331], %add3A_2330 {strides = array<i32>} : memref<1024xf32, #tpu.memory_space<vmem>>, vector<16xf32>,
      %get3A_2333 = arith.constant 112 : index
      %get3A_2334 = tpu.vector_load %arg11[%get3A_2333] {strides = array<i32>} : memref<256xf32, #tpu.memory_space<vmem>>, vector<16xf32>,
      %get3A_2335 = arith.constant 240 : index
      %get3A_2336 = tpu.vector_load %arg11[%get3A_2335] {strides = array<i32>} : memref<256xf32, #tpu.memory_space<vmem>>, vector<16xf32>,
      %get3A_2337 = arith.constant 1008 : index
      %get3A_2338 = tpu.vector_load %arg8[%get3A_2337] {strides = array<i32>} : memref<1024xi32, #tpu.memory_space<vmem>>, vector<16xi32>,
      %gather3A_2339 = tpu.vector_load_idx %arg9[%get3A_2338] : memref<1000xf32, #tpu.memory_space<vmem>>[vector<16xi32>], vector<16xf32>,
      %get3A_2340 = arith.constant 1008 : index
      %get3A_2341 = tpu.vector_load %arg12[%get3A_2340] {strides = array<i32>} : memref<1024xf32, #tpu.memory_space<vmem>>, vector<16xf32>,
      %add3A_2342 = arith.addf %get3A_2334, %gather3A_2339 : vector<16xf32>
      %sub3A_2343 = arith.subf %add3A_2342, %get3A_2336 : vector<16xf32>
      %abs3A_2344 = math.absf %sub3A_2343 : vector<16xf32>
      %add3A_2345 = arith.addf %get3A_2341, %abs3A_2344 : vector<16xf32>
      %swap3A_2346 = arith.constant 1008 : index
      %swap3A_2347 = tpu.vector_load %arg12[%swap3A_2346] {strides = array<i32>} : memref<1024xf32, #tpu.memory_space<vmem>>, vector<16xf32>,
      tpu.vector_store %arg12[%swap3A_2346], %add3A_2345 {strides = array<i32>} : memref<1024xf32, #tpu.memory_space<vmem>>, vector<16xf32>,
    }
    %scan3A_265 = arith.constant 16 : i32
    %mul3A_266 = arith.constant 16384 : i32
    %mul3A_267 = arith.muli %arg0, %mul3A_266 : i32
    %add3A = arith.addi %mul3A_267, %mul3A_0 : i32
    "tpu.region"() ({
      %run_scoped3A = tpu.sem_alloc : memref<!tpu.dma_semaphore, #tpu.memory_space<semaphore_mem>>
      %dma_start3A = tpu.memref_slice %arg6[%add3A] : memref<32768xf32, #tpu.memory_space<hbm>> -> memref<1024xf32, #tpu.memory_space<hbm>>
      %dma_start3A_268 = tpu.memref_slice %arg6[%add3A] : memref<32768xf32, #tpu.memory_space<hbm>> -> memref<1024xf32, #tpu.memory_space<hbm>>
      tpu.enqueue_dma source(%arg12 : memref<1024xf32, #tpu.memory_space<vmem>>) target(%dma_start3A_268 : memref<1024xf32, #tpu.memory_space<hbm>>) target_semaphore(%run_scoped3A : memref<!tpu.dma_semaphore, #tpu.memory_space<semaphore_mem>>)
      %dma_wait3A = tpu.memref_slice %arg6[%add3A] : memref<32768xf32, #tpu.memory_space<hbm>> -> memref<1024xf32, #tpu.memory_space<hbm>>
      %dma_wait3A_269 = tpu.memref_slice %arg6[%add3A] : memref<32768xf32, #tpu.memory_space<hbm>> -> memref<1024xf32, #tpu.memory_space<hbm>>
      tpu.wait_dma2 semaphore(%run_scoped3A : memref<!tpu.dma_semaphore, #tpu.memory_space<semaphore_mem>>) src(%arg12 : memref<1024xf32, #tpu.memory_space<vmem>>) dst(%dma_wait3A_269 : memref<1024xf32, #tpu.memory_space<hbm>>)
      tpu.yield
    }) : () -> ()
    return
  }
}

#map = affine_map<(d0, d1) -> (0)>
module attributes {stable_mosaic.version = 14 : i64} {
  func.func @_sig_body(%arg0: i32, %arg1: i32, %arg2: memref<32768xf32, #tpu.memory_space<hbm>>, %arg3: memref<16xf32, #tpu.memory_space<hbm>>, %arg4: memref<16384xf32, #tpu.memory_space<hbm>>, %arg5: memref<512xf32, #tpu.memory_space<vmem>>, %arg6: memref<512xf32, #tpu.memory_space<vmem>>, %arg7: memref<512xf32, #tpu.memory_space<vmem>>, %arg8: memref<16xf32, #tpu.memory_space<vmem>>) attributes {dimension_semantics = [#tpu.dimension_semantics<core_parallel>, #tpu.dimension_semantics<subcore_parallel>], iteration_bounds = array<i64: 2, 16>, scalar_prefetch = 0 : i64, scratch_operands = 4 : i64, tpu.core_type = #tpu.core_type<sc_vector_subcore>, window_params = [{transform_indices = #map}, {transform_indices = #map}, {transform_indices = #map}]} {
    %mul3A = arith.constant 2 : i32
    %mul3A_0 = arith.muli %arg1, %mul3A : i32
    %add3A = arith.addi %mul3A_0, %arg0 : i32
    %mul3A_1 = arith.constant 512 : i32
    %mul3A_2 = arith.muli %add3A, %mul3A_1 : i32
    "tpu.region"() ({
      %run_scoped3A = tpu.sem_alloc : memref<!tpu.dma_semaphore, #tpu.memory_space<semaphore_mem>>
      %dma_start3A = tpu.memref_slice %arg2[%mul3A_2] : memref<32768xf32, #tpu.memory_space<hbm>> -> memref<512xf32, #tpu.memory_space<hbm>>
      %dma_start3A_577 = tpu.memref_slice %arg2[%mul3A_2] : memref<32768xf32, #tpu.memory_space<hbm>> -> memref<512xf32, #tpu.memory_space<hbm>>
      tpu.enqueue_dma source(%dma_start3A_577 : memref<512xf32, #tpu.memory_space<hbm>>) target(%arg5 : memref<512xf32, #tpu.memory_space<vmem>>) target_semaphore(%run_scoped3A : memref<!tpu.dma_semaphore, #tpu.memory_space<semaphore_mem>>)
      %dma_wait3A = tpu.memref_slice %arg2[%mul3A_2] : memref<32768xf32, #tpu.memory_space<hbm>> -> memref<512xf32, #tpu.memory_space<hbm>>
      %dma_wait3A_578 = tpu.memref_slice %arg2[%mul3A_2] : memref<32768xf32, #tpu.memory_space<hbm>> -> memref<512xf32, #tpu.memory_space<hbm>>
      tpu.wait_dma2 semaphore(%run_scoped3A : memref<!tpu.dma_semaphore, #tpu.memory_space<semaphore_mem>>) src(%dma_wait3A_578 : memref<512xf32, #tpu.memory_space<hbm>>) dst(%arg5 : memref<512xf32, #tpu.memory_space<vmem>>)
      tpu.yield
    }) : () -> ()
    %add3A_3 = arith.constant 16384 : i32
    %add3A_4 = arith.addi %add3A_3, %mul3A_2 : i32
    "tpu.region"() ({
      %run_scoped3A = tpu.sem_alloc : memref<!tpu.dma_semaphore, #tpu.memory_space<semaphore_mem>>
      %dma_start3A = tpu.memref_slice %arg2[%add3A_4] : memref<32768xf32, #tpu.memory_space<hbm>> -> memref<512xf32, #tpu.memory_space<hbm>>
      %dma_start3A_577 = tpu.memref_slice %arg2[%add3A_4] : memref<32768xf32, #tpu.memory_space<hbm>> -> memref<512xf32, #tpu.memory_space<hbm>>
      tpu.enqueue_dma source(%dma_start3A_577 : memref<512xf32, #tpu.memory_space<hbm>>) target(%arg6 : memref<512xf32, #tpu.memory_space<vmem>>) target_semaphore(%run_scoped3A : memref<!tpu.dma_semaphore, #tpu.memory_space<semaphore_mem>>)
      %dma_wait3A = tpu.memref_slice %arg2[%add3A_4] : memref<32768xf32, #tpu.memory_space<hbm>> -> memref<512xf32, #tpu.memory_space<hbm>>
      %dma_wait3A_578 = tpu.memref_slice %arg2[%add3A_4] : memref<32768xf32, #tpu.memory_space<hbm>> -> memref<512xf32, #tpu.memory_space<hbm>>
      tpu.wait_dma2 semaphore(%run_scoped3A : memref<!tpu.dma_semaphore, #tpu.memory_space<semaphore_mem>>) src(%dma_wait3A_578 : memref<512xf32, #tpu.memory_space<hbm>>) dst(%arg6 : memref<512xf32, #tpu.memory_space<vmem>>)
      tpu.yield
    }) : () -> ()
    "tpu.region"() ({
      %run_scoped3A = tpu.sem_alloc : memref<!tpu.dma_semaphore, #tpu.memory_space<semaphore_mem>>
      tpu.enqueue_dma source(%arg3 : memref<16xf32, #tpu.memory_space<hbm>>) target(%arg8 : memref<16xf32, #tpu.memory_space<vmem>>) target_semaphore(%run_scoped3A : memref<!tpu.dma_semaphore, #tpu.memory_space<semaphore_mem>>)
      tpu.wait_dma2 semaphore(%run_scoped3A : memref<!tpu.dma_semaphore, #tpu.memory_space<semaphore_mem>>) src(%arg3 : memref<16xf32, #tpu.memory_space<hbm>>) dst(%arg8 : memref<16xf32, #tpu.memory_space<vmem>>)
      tpu.yield
    }) : () -> ()
    %get3A = arith.constant 0 : index
    %get3A_5 = tpu.vector_load %arg8[%get3A] {strides = array<i32>} : memref<16xf32, #tpu.memory_space<vmem>>, vector<16xf32>,
    %get3A_6 = arith.constant 0 : index
    %get3A_7 = tpu.vector_load %arg5[%get3A_6] {strides = array<i32>} : memref<512xf32, #tpu.memory_space<vmem>>, vector<16xf32>,
    %sub3A = arith.subf %get3A_5, %get3A_7 : vector<16xf32>
    %get3A_8 = arith.constant 0 : index
    %get3A_9 = tpu.vector_load %arg6[%get3A_8] {strides = array<i32>} : memref<512xf32, #tpu.memory_space<vmem>>, vector<16xf32>,
    %sub3A_10 = arith.subf %sub3A, %get3A_9 : vector<16xf32>
    %neg3A = arith.constant 0.000000e+00 : f32
    %neg3A_11 = vector.broadcast %neg3A : f32 to vector<16xf32>
    %neg3A_12 = arith.subf %neg3A_11, %sub3A_10 : vector<16xf32>
    %exp3A = math.exp %neg3A_12 : vector<16xf32>
    %add3A_13 = arith.constant 1.000000e+00 : f32
    %add3A_14 = vector.broadcast %add3A_13 : f32 to vector<16xf32>
    %add3A_15 = arith.addf %add3A_14, %exp3A : vector<16xf32>
    %div3A = arith.constant 1.000000e+00 : f32
    %div3A_16 = vector.broadcast %div3A : f32 to vector<16xf32>
    %div3A_17 = arith.divf %div3A_16, %add3A_15 : vector<16xf32>
    %swap3A = arith.constant 0 : index
    %swap3A_18 = tpu.vector_load %arg7[%swap3A] {strides = array<i32>} : memref<512xf32, #tpu.memory_space<vmem>>, vector<16xf32>,
    tpu.vector_store %arg7[%swap3A], %div3A_17 {strides = array<i32>} : memref<512xf32, #tpu.memory_space<vmem>>, vector<16xf32>,
    %get3A_19 = arith.constant 16 : index
    %get3A_20 = tpu.vector_load %arg5[%get3A_19] {strides = array<i32>} : memref<512xf32, #tpu.memory_space<vmem>>, vector<16xf32>,
    %sub3A_21 = arith.subf %get3A_5, %get3A_20 : vector<16xf32>
    %get3A_22 = arith.constant 16 : index
    %get3A_23 = tpu.vector_load %arg6[%get3A_22] {strides = array<i32>} : memref<512xf32, #tpu.memory_space<vmem>>, vector<16xf32>,
    %sub3A_24 = arith.subf %sub3A_21, %get3A_23 : vector<16xf32>
    %neg3A_25 = arith.constant 0.000000e+00 : f32
    %neg3A_26 = vector.broadcast %neg3A_25 : f32 to vector<16xf32>
    %neg3A_27 = arith.subf %neg3A_26, %sub3A_24 : vector<16xf32>
    %exp3A_28 = math.exp %neg3A_27 : vector<16xf32>
    %add3A_29 = arith.constant 1.000000e+00 : f32
    %add3A_30 = vector.broadcast %add3A_29 : f32 to vector<16xf32>
    %add3A_31 = arith.addf %add3A_30, %exp3A_28 : vector<16xf32>
    %div3A_32 = arith.constant 1.000000e+00 : f32
    %div3A_33 = vector.broadcast %div3A_32 : f32 to vector<16xf32>
    %div3A_34 = arith.divf %div3A_33, %add3A_31 : vector<16xf32>
    %swap3A_35 = arith.constant 16 : index
    %swap3A_36 = tpu.vector_load %arg7[%swap3A_35] {strides = array<i32>} : memref<512xf32, #tpu.memory_space<vmem>>, vector<16xf32>,
    tpu.vector_store %arg7[%swap3A_35], %div3A_34 {strides = array<i32>} : memref<512xf32, #tpu.memory_space<vmem>>, vector<16xf32>,
    %get3A_37 = arith.constant 32 : index
    %get3A_38 = tpu.vector_load %arg5[%get3A_37] {strides = array<i32>} : memref<512xf32, #tpu.memory_space<vmem>>, vector<16xf32>,
    %sub3A_39 = arith.subf %get3A_5, %get3A_38 : vector<16xf32>
    %get3A_40 = arith.constant 32 : index
    %get3A_41 = tpu.vector_load %arg6[%get3A_40] {strides = array<i32>} : memref<512xf32, #tpu.memory_space<vmem>>, vector<16xf32>,
    %sub3A_42 = arith.subf %sub3A_39, %get3A_41 : vector<16xf32>
    %neg3A_43 = arith.constant 0.000000e+00 : f32
    %neg3A_44 = vector.broadcast %neg3A_43 : f32 to vector<16xf32>
    %neg3A_45 = arith.subf %neg3A_44, %sub3A_42 : vector<16xf32>
    %exp3A_46 = math.exp %neg3A_45 : vector<16xf32>
    %add3A_47 = arith.constant 1.000000e+00 : f32
    %add3A_48 = vector.broadcast %add3A_47 : f32 to vector<16xf32>
    %add3A_49 = arith.addf %add3A_48, %exp3A_46 : vector<16xf32>
    %div3A_50 = arith.constant 1.000000e+00 : f32
    %div3A_51 = vector.broadcast %div3A_50 : f32 to vector<16xf32>
    %div3A_52 = arith.divf %div3A_51, %add3A_49 : vector<16xf32>
    %swap3A_53 = arith.constant 32 : index
    %swap3A_54 = tpu.vector_load %arg7[%swap3A_53] {strides = array<i32>} : memref<512xf32, #tpu.memory_space<vmem>>, vector<16xf32>,
    tpu.vector_store %arg7[%swap3A_53], %div3A_52 {strides = array<i32>} : memref<512xf32, #tpu.memory_space<vmem>>, vector<16xf32>,
    %get3A_55 = arith.constant 48 : index
    %get3A_56 = tpu.vector_load %arg5[%get3A_55] {strides = array<i32>} : memref<512xf32, #tpu.memory_space<vmem>>, vector<16xf32>,
    %sub3A_57 = arith.subf %get3A_5, %get3A_56 : vector<16xf32>
    %get3A_58 = arith.constant 48 : index
    %get3A_59 = tpu.vector_load %arg6[%get3A_58] {strides = array<i32>} : memref<512xf32, #tpu.memory_space<vmem>>, vector<16xf32>,
    %sub3A_60 = arith.subf %sub3A_57, %get3A_59 : vector<16xf32>
    %neg3A_61 = arith.constant 0.000000e+00 : f32
    %neg3A_62 = vector.broadcast %neg3A_61 : f32 to vector<16xf32>
    %neg3A_63 = arith.subf %neg3A_62, %sub3A_60 : vector<16xf32>
    %exp3A_64 = math.exp %neg3A_63 : vector<16xf32>
    %add3A_65 = arith.constant 1.000000e+00 : f32
    %add3A_66 = vector.broadcast %add3A_65 : f32 to vector<16xf32>
    %add3A_67 = arith.addf %add3A_66, %exp3A_64 : vector<16xf32>
    %div3A_68 = arith.constant 1.000000e+00 : f32
    %div3A_69 = vector.broadcast %div3A_68 : f32 to vector<16xf32>
    %div3A_70 = arith.divf %div3A_69, %add3A_67 : vector<16xf32>
    %swap3A_71 = arith.constant 48 : index
    %swap3A_72 = tpu.vector_load %arg7[%swap3A_71] {strides = array<i32>} : memref<512xf32, #tpu.memory_space<vmem>>, vector<16xf32>,
    tpu.vector_store %arg7[%swap3A_71], %div3A_70 {strides = array<i32>} : memref<512xf32, #tpu.memory_space<vmem>>, vector<16xf32>,
    %get3A_73 = arith.constant 64 : index
    %get3A_74 = tpu.vector_load %arg5[%get3A_73] {strides = array<i32>} : memref<512xf32, #tpu.memory_space<vmem>>, vector<16xf32>,
    %sub3A_75 = arith.subf %get3A_5, %get3A_74 : vector<16xf32>
    %get3A_76 = arith.constant 64 : index
    %get3A_77 = tpu.vector_load %arg6[%get3A_76] {strides = array<i32>} : memref<512xf32, #tpu.memory_space<vmem>>, vector<16xf32>,
    %sub3A_78 = arith.subf %sub3A_75, %get3A_77 : vector<16xf32>
    %neg3A_79 = arith.constant 0.000000e+00 : f32
    %neg3A_80 = vector.broadcast %neg3A_79 : f32 to vector<16xf32>
    %neg3A_81 = arith.subf %neg3A_80, %sub3A_78 : vector<16xf32>
    %exp3A_82 = math.exp %neg3A_81 : vector<16xf32>
    %add3A_83 = arith.constant 1.000000e+00 : f32
    %add3A_84 = vector.broadcast %add3A_83 : f32 to vector<16xf32>
    %add3A_85 = arith.addf %add3A_84, %exp3A_82 : vector<16xf32>
    %div3A_86 = arith.constant 1.000000e+00 : f32
    %div3A_87 = vector.broadcast %div3A_86 : f32 to vector<16xf32>
    %div3A_88 = arith.divf %div3A_87, %add3A_85 : vector<16xf32>
    %swap3A_89 = arith.constant 64 : index
    %swap3A_90 = tpu.vector_load %arg7[%swap3A_89] {strides = array<i32>} : memref<512xf32, #tpu.memory_space<vmem>>, vector<16xf32>,
    tpu.vector_store %arg7[%swap3A_89], %div3A_88 {strides = array<i32>} : memref<512xf32, #tpu.memory_space<vmem>>, vector<16xf32>,
    %get3A_91 = arith.constant 80 : index
    %get3A_92 = tpu.vector_load %arg5[%get3A_91] {strides = array<i32>} : memref<512xf32, #tpu.memory_space<vmem>>, vector<16xf32>,
    %sub3A_93 = arith.subf %get3A_5, %get3A_92 : vector<16xf32>
    %get3A_94 = arith.constant 80 : index
    %get3A_95 = tpu.vector_load %arg6[%get3A_94] {strides = array<i32>} : memref<512xf32, #tpu.memory_space<vmem>>, vector<16xf32>,
    %sub3A_96 = arith.subf %sub3A_93, %get3A_95 : vector<16xf32>
    %neg3A_97 = arith.constant 0.000000e+00 : f32
    %neg3A_98 = vector.broadcast %neg3A_97 : f32 to vector<16xf32>
    %neg3A_99 = arith.subf %neg3A_98, %sub3A_96 : vector<16xf32>
    %exp3A_100 = math.exp %neg3A_99 : vector<16xf32>
    %add3A_101 = arith.constant 1.000000e+00 : f32
    %add3A_102 = vector.broadcast %add3A_101 : f32 to vector<16xf32>
    %add3A_103 = arith.addf %add3A_102, %exp3A_100 : vector<16xf32>
    %div3A_104 = arith.constant 1.000000e+00 : f32
    %div3A_105 = vector.broadcast %div3A_104 : f32 to vector<16xf32>
    %div3A_106 = arith.divf %div3A_105, %add3A_103 : vector<16xf32>
    %swap3A_107 = arith.constant 80 : index
    %swap3A_108 = tpu.vector_load %arg7[%swap3A_107] {strides = array<i32>} : memref<512xf32, #tpu.memory_space<vmem>>, vector<16xf32>,
    tpu.vector_store %arg7[%swap3A_107], %div3A_106 {strides = array<i32>} : memref<512xf32, #tpu.memory_space<vmem>>, vector<16xf32>,
    %get3A_109 = arith.constant 96 : index
    %get3A_110 = tpu.vector_load %arg5[%get3A_109] {strides = array<i32>} : memref<512xf32, #tpu.memory_space<vmem>>, vector<16xf32>,
    %sub3A_111 = arith.subf %get3A_5, %get3A_110 : vector<16xf32>
    %get3A_112 = arith.constant 96 : index
    %get3A_113 = tpu.vector_load %arg6[%get3A_112] {strides = array<i32>} : memref<512xf32, #tpu.memory_space<vmem>>, vector<16xf32>,
    %sub3A_114 = arith.subf %sub3A_111, %get3A_113 : vector<16xf32>
    %neg3A_115 = arith.constant 0.000000e+00 : f32
    %neg3A_116 = vector.broadcast %neg3A_115 : f32 to vector<16xf32>
    %neg3A_117 = arith.subf %neg3A_116, %sub3A_114 : vector<16xf32>
    %exp3A_118 = math.exp %neg3A_117 : vector<16xf32>
    %add3A_119 = arith.constant 1.000000e+00 : f32
    %add3A_120 = vector.broadcast %add3A_119 : f32 to vector<16xf32>
    %add3A_121 = arith.addf %add3A_120, %exp3A_118 : vector<16xf32>
    %div3A_122 = arith.constant 1.000000e+00 : f32
    %div3A_123 = vector.broadcast %div3A_122 : f32 to vector<16xf32>
    %div3A_124 = arith.divf %div3A_123, %add3A_121 : vector<16xf32>
    %swap3A_125 = arith.constant 96 : index
    %swap3A_126 = tpu.vector_load %arg7[%swap3A_125] {strides = array<i32>} : memref<512xf32, #tpu.memory_space<vmem>>, vector<16xf32>,
    tpu.vector_store %arg7[%swap3A_125], %div3A_124 {strides = array<i32>} : memref<512xf32, #tpu.memory_space<vmem>>, vector<16xf32>,
    %get3A_127 = arith.constant 112 : index
    %get3A_128 = tpu.vector_load %arg5[%get3A_127] {strides = array<i32>} : memref<512xf32, #tpu.memory_space<vmem>>, vector<16xf32>,
    %sub3A_129 = arith.subf %get3A_5, %get3A_128 : vector<16xf32>
    %get3A_130 = arith.constant 112 : index
    %get3A_131 = tpu.vector_load %arg6[%get3A_130] {strides = array<i32>} : memref<512xf32, #tpu.memory_space<vmem>>, vector<16xf32>,
    %sub3A_132 = arith.subf %sub3A_129, %get3A_131 : vector<16xf32>
    %neg3A_133 = arith.constant 0.000000e+00 : f32
    %neg3A_134 = vector.broadcast %neg3A_133 : f32 to vector<16xf32>
    %neg3A_135 = arith.subf %neg3A_134, %sub3A_132 : vector<16xf32>
    %exp3A_136 = math.exp %neg3A_135 : vector<16xf32>
    %add3A_137 = arith.constant 1.000000e+00 : f32
    %add3A_138 = vector.broadcast %add3A_137 : f32 to vector<16xf32>
    %add3A_139 = arith.addf %add3A_138, %exp3A_136 : vector<16xf32>
    %div3A_140 = arith.constant 1.000000e+00 : f32
    %div3A_141 = vector.broadcast %div3A_140 : f32 to vector<16xf32>
    %div3A_142 = arith.divf %div3A_141, %add3A_139 : vector<16xf32>
    %swap3A_143 = arith.constant 112 : index
    %swap3A_144 = tpu.vector_load %arg7[%swap3A_143] {strides = array<i32>} : memref<512xf32, #tpu.memory_space<vmem>>, vector<16xf32>,
    tpu.vector_store %arg7[%swap3A_143], %div3A_142 {strides = array<i32>} : memref<512xf32, #tpu.memory_space<vmem>>, vector<16xf32>,
    %get3A_145 = arith.constant 128 : index
    %get3A_146 = tpu.vector_load %arg5[%get3A_145] {strides = array<i32>} : memref<512xf32, #tpu.memory_space<vmem>>, vector<16xf32>,
    %sub3A_147 = arith.subf %get3A_5, %get3A_146 : vector<16xf32>
    %get3A_148 = arith.constant 128 : index
    %get3A_149 = tpu.vector_load %arg6[%get3A_148] {strides = array<i32>} : memref<512xf32, #tpu.memory_space<vmem>>, vector<16xf32>,
    %sub3A_150 = arith.subf %sub3A_147, %get3A_149 : vector<16xf32>
    %neg3A_151 = arith.constant 0.000000e+00 : f32
    %neg3A_152 = vector.broadcast %neg3A_151 : f32 to vector<16xf32>
    %neg3A_153 = arith.subf %neg3A_152, %sub3A_150 : vector<16xf32>
    %exp3A_154 = math.exp %neg3A_153 : vector<16xf32>
    %add3A_155 = arith.constant 1.000000e+00 : f32
    %add3A_156 = vector.broadcast %add3A_155 : f32 to vector<16xf32>
    %add3A_157 = arith.addf %add3A_156, %exp3A_154 : vector<16xf32>
    %div3A_158 = arith.constant 1.000000e+00 : f32
    %div3A_159 = vector.broadcast %div3A_158 : f32 to vector<16xf32>
    %div3A_160 = arith.divf %div3A_159, %add3A_157 : vector<16xf32>
    %swap3A_161 = arith.constant 128 : index
    %swap3A_162 = tpu.vector_load %arg7[%swap3A_161] {strides = array<i32>} : memref<512xf32, #tpu.memory_space<vmem>>, vector<16xf32>,
    tpu.vector_store %arg7[%swap3A_161], %div3A_160 {strides = array<i32>} : memref<512xf32, #tpu.memory_space<vmem>>, vector<16xf32>,
    %get3A_163 = arith.constant 144 : index
    %get3A_164 = tpu.vector_load %arg5[%get3A_163] {strides = array<i32>} : memref<512xf32, #tpu.memory_space<vmem>>, vector<16xf32>,
    %sub3A_165 = arith.subf %get3A_5, %get3A_164 : vector<16xf32>
    %get3A_166 = arith.constant 144 : index
    %get3A_167 = tpu.vector_load %arg6[%get3A_166] {strides = array<i32>} : memref<512xf32, #tpu.memory_space<vmem>>, vector<16xf32>,
    %sub3A_168 = arith.subf %sub3A_165, %get3A_167 : vector<16xf32>
    %neg3A_169 = arith.constant 0.000000e+00 : f32
    %neg3A_170 = vector.broadcast %neg3A_169 : f32 to vector<16xf32>
    %neg3A_171 = arith.subf %neg3A_170, %sub3A_168 : vector<16xf32>
    %exp3A_172 = math.exp %neg3A_171 : vector<16xf32>
    %add3A_173 = arith.constant 1.000000e+00 : f32
    %add3A_174 = vector.broadcast %add3A_173 : f32 to vector<16xf32>
    %add3A_175 = arith.addf %add3A_174, %exp3A_172 : vector<16xf32>
    %div3A_176 = arith.constant 1.000000e+00 : f32
    %div3A_177 = vector.broadcast %div3A_176 : f32 to vector<16xf32>
    %div3A_178 = arith.divf %div3A_177, %add3A_175 : vector<16xf32>
    %swap3A_179 = arith.constant 144 : index
    %swap3A_180 = tpu.vector_load %arg7[%swap3A_179] {strides = array<i32>} : memref<512xf32, #tpu.memory_space<vmem>>, vector<16xf32>,
    tpu.vector_store %arg7[%swap3A_179], %div3A_178 {strides = array<i32>} : memref<512xf32, #tpu.memory_space<vmem>>, vector<16xf32>,
    %get3A_181 = arith.constant 160 : index
    %get3A_182 = tpu.vector_load %arg5[%get3A_181] {strides = array<i32>} : memref<512xf32, #tpu.memory_space<vmem>>, vector<16xf32>,
    %sub3A_183 = arith.subf %get3A_5, %get3A_182 : vector<16xf32>
    %get3A_184 = arith.constant 160 : index
    %get3A_185 = tpu.vector_load %arg6[%get3A_184] {strides = array<i32>} : memref<512xf32, #tpu.memory_space<vmem>>, vector<16xf32>,
    %sub3A_186 = arith.subf %sub3A_183, %get3A_185 : vector<16xf32>
    %neg3A_187 = arith.constant 0.000000e+00 : f32
    %neg3A_188 = vector.broadcast %neg3A_187 : f32 to vector<16xf32>
    %neg3A_189 = arith.subf %neg3A_188, %sub3A_186 : vector<16xf32>
    %exp3A_190 = math.exp %neg3A_189 : vector<16xf32>
    %add3A_191 = arith.constant 1.000000e+00 : f32
    %add3A_192 = vector.broadcast %add3A_191 : f32 to vector<16xf32>
    %add3A_193 = arith.addf %add3A_192, %exp3A_190 : vector<16xf32>
    %div3A_194 = arith.constant 1.000000e+00 : f32
    %div3A_195 = vector.broadcast %div3A_194 : f32 to vector<16xf32>
    %div3A_196 = arith.divf %div3A_195, %add3A_193 : vector<16xf32>
    %swap3A_197 = arith.constant 160 : index
    %swap3A_198 = tpu.vector_load %arg7[%swap3A_197] {strides = array<i32>} : memref<512xf32, #tpu.memory_space<vmem>>, vector<16xf32>,
    tpu.vector_store %arg7[%swap3A_197], %div3A_196 {strides = array<i32>} : memref<512xf32, #tpu.memory_space<vmem>>, vector<16xf32>,
    %get3A_199 = arith.constant 176 : index
    %get3A_200 = tpu.vector_load %arg5[%get3A_199] {strides = array<i32>} : memref<512xf32, #tpu.memory_space<vmem>>, vector<16xf32>,
    %sub3A_201 = arith.subf %get3A_5, %get3A_200 : vector<16xf32>
    %get3A_202 = arith.constant 176 : index
    %get3A_203 = tpu.vector_load %arg6[%get3A_202] {strides = array<i32>} : memref<512xf32, #tpu.memory_space<vmem>>, vector<16xf32>,
    %sub3A_204 = arith.subf %sub3A_201, %get3A_203 : vector<16xf32>
    %neg3A_205 = arith.constant 0.000000e+00 : f32
    %neg3A_206 = vector.broadcast %neg3A_205 : f32 to vector<16xf32>
    %neg3A_207 = arith.subf %neg3A_206, %sub3A_204 : vector<16xf32>
    %exp3A_208 = math.exp %neg3A_207 : vector<16xf32>
    %add3A_209 = arith.constant 1.000000e+00 : f32
    %add3A_210 = vector.broadcast %add3A_209 : f32 to vector<16xf32>
    %add3A_211 = arith.addf %add3A_210, %exp3A_208 : vector<16xf32>
    %div3A_212 = arith.constant 1.000000e+00 : f32
    %div3A_213 = vector.broadcast %div3A_212 : f32 to vector<16xf32>
    %div3A_214 = arith.divf %div3A_213, %add3A_211 : vector<16xf32>
    %swap3A_215 = arith.constant 176 : index
    %swap3A_216 = tpu.vector_load %arg7[%swap3A_215] {strides = array<i32>} : memref<512xf32, #tpu.memory_space<vmem>>, vector<16xf32>,
    tpu.vector_store %arg7[%swap3A_215], %div3A_214 {strides = array<i32>} : memref<512xf32, #tpu.memory_space<vmem>>, vector<16xf32>,
    %get3A_217 = arith.constant 192 : index
    %get3A_218 = tpu.vector_load %arg5[%get3A_217] {strides = array<i32>} : memref<512xf32, #tpu.memory_space<vmem>>, vector<16xf32>,
    %sub3A_219 = arith.subf %get3A_5, %get3A_218 : vector<16xf32>
    %get3A_220 = arith.constant 192 : index
    %get3A_221 = tpu.vector_load %arg6[%get3A_220] {strides = array<i32>} : memref<512xf32, #tpu.memory_space<vmem>>, vector<16xf32>,
    %sub3A_222 = arith.subf %sub3A_219, %get3A_221 : vector<16xf32>
    %neg3A_223 = arith.constant 0.000000e+00 : f32
    %neg3A_224 = vector.broadcast %neg3A_223 : f32 to vector<16xf32>
    %neg3A_225 = arith.subf %neg3A_224, %sub3A_222 : vector<16xf32>
    %exp3A_226 = math.exp %neg3A_225 : vector<16xf32>
    %add3A_227 = arith.constant 1.000000e+00 : f32
    %add3A_228 = vector.broadcast %add3A_227 : f32 to vector<16xf32>
    %add3A_229 = arith.addf %add3A_228, %exp3A_226 : vector<16xf32>
    %div3A_230 = arith.constant 1.000000e+00 : f32
    %div3A_231 = vector.broadcast %div3A_230 : f32 to vector<16xf32>
    %div3A_232 = arith.divf %div3A_231, %add3A_229 : vector<16xf32>
    %swap3A_233 = arith.constant 192 : index
    %swap3A_234 = tpu.vector_load %arg7[%swap3A_233] {strides = array<i32>} : memref<512xf32, #tpu.memory_space<vmem>>, vector<16xf32>,
    tpu.vector_store %arg7[%swap3A_233], %div3A_232 {strides = array<i32>} : memref<512xf32, #tpu.memory_space<vmem>>, vector<16xf32>,
    %get3A_235 = arith.constant 208 : index
    %get3A_236 = tpu.vector_load %arg5[%get3A_235] {strides = array<i32>} : memref<512xf32, #tpu.memory_space<vmem>>, vector<16xf32>,
    %sub3A_237 = arith.subf %get3A_5, %get3A_236 : vector<16xf32>
    %get3A_238 = arith.constant 208 : index
    %get3A_239 = tpu.vector_load %arg6[%get3A_238] {strides = array<i32>} : memref<512xf32, #tpu.memory_space<vmem>>, vector<16xf32>,
    %sub3A_240 = arith.subf %sub3A_237, %get3A_239 : vector<16xf32>
    %neg3A_241 = arith.constant 0.000000e+00 : f32
    %neg3A_242 = vector.broadcast %neg3A_241 : f32 to vector<16xf32>
    %neg3A_243 = arith.subf %neg3A_242, %sub3A_240 : vector<16xf32>
    %exp3A_244 = math.exp %neg3A_243 : vector<16xf32>
    %add3A_245 = arith.constant 1.000000e+00 : f32
    %add3A_246 = vector.broadcast %add3A_245 : f32 to vector<16xf32>
    %add3A_247 = arith.addf %add3A_246, %exp3A_244 : vector<16xf32>
    %div3A_248 = arith.constant 1.000000e+00 : f32
    %div3A_249 = vector.broadcast %div3A_248 : f32 to vector<16xf32>
    %div3A_250 = arith.divf %div3A_249, %add3A_247 : vector<16xf32>
    %swap3A_251 = arith.constant 208 : index
    %swap3A_252 = tpu.vector_load %arg7[%swap3A_251] {strides = array<i32>} : memref<512xf32, #tpu.memory_space<vmem>>, vector<16xf32>,
    tpu.vector_store %arg7[%swap3A_251], %div3A_250 {strides = array<i32>} : memref<512xf32, #tpu.memory_space<vmem>>, vector<16xf32>,
    %get3A_253 = arith.constant 224 : index
    %get3A_254 = tpu.vector_load %arg5[%get3A_253] {strides = array<i32>} : memref<512xf32, #tpu.memory_space<vmem>>, vector<16xf32>,
    %sub3A_255 = arith.subf %get3A_5, %get3A_254 : vector<16xf32>
    %get3A_256 = arith.constant 224 : index
    %get3A_257 = tpu.vector_load %arg6[%get3A_256] {strides = array<i32>} : memref<512xf32, #tpu.memory_space<vmem>>, vector<16xf32>,
    %sub3A_258 = arith.subf %sub3A_255, %get3A_257 : vector<16xf32>
    %neg3A_259 = arith.constant 0.000000e+00 : f32
    %neg3A_260 = vector.broadcast %neg3A_259 : f32 to vector<16xf32>
    %neg3A_261 = arith.subf %neg3A_260, %sub3A_258 : vector<16xf32>
    %exp3A_262 = math.exp %neg3A_261 : vector<16xf32>
    %add3A_263 = arith.constant 1.000000e+00 : f32
    %add3A_264 = vector.broadcast %add3A_263 : f32 to vector<16xf32>
    %add3A_265 = arith.addf %add3A_264, %exp3A_262 : vector<16xf32>
    %div3A_266 = arith.constant 1.000000e+00 : f32
    %div3A_267 = vector.broadcast %div3A_266 : f32 to vector<16xf32>
    %div3A_268 = arith.divf %div3A_267, %add3A_265 : vector<16xf32>
    %swap3A_269 = arith.constant 224 : index
    %swap3A_270 = tpu.vector_load %arg7[%swap3A_269] {strides = array<i32>} : memref<512xf32, #tpu.memory_space<vmem>>, vector<16xf32>,
    tpu.vector_store %arg7[%swap3A_269], %div3A_268 {strides = array<i32>} : memref<512xf32, #tpu.memory_space<vmem>>, vector<16xf32>,
    %get3A_271 = arith.constant 240 : index
    %get3A_272 = tpu.vector_load %arg5[%get3A_271] {strides = array<i32>} : memref<512xf32, #tpu.memory_space<vmem>>, vector<16xf32>,
    %sub3A_273 = arith.subf %get3A_5, %get3A_272 : vector<16xf32>
    %get3A_274 = arith.constant 240 : index
    %get3A_275 = tpu.vector_load %arg6[%get3A_274] {strides = array<i32>} : memref<512xf32, #tpu.memory_space<vmem>>, vector<16xf32>,
    %sub3A_276 = arith.subf %sub3A_273, %get3A_275 : vector<16xf32>
    %neg3A_277 = arith.constant 0.000000e+00 : f32
    %neg3A_278 = vector.broadcast %neg3A_277 : f32 to vector<16xf32>
    %neg3A_279 = arith.subf %neg3A_278, %sub3A_276 : vector<16xf32>
    %exp3A_280 = math.exp %neg3A_279 : vector<16xf32>
    %add3A_281 = arith.constant 1.000000e+00 : f32
    %add3A_282 = vector.broadcast %add3A_281 : f32 to vector<16xf32>
    %add3A_283 = arith.addf %add3A_282, %exp3A_280 : vector<16xf32>
    %div3A_284 = arith.constant 1.000000e+00 : f32
    %div3A_285 = vector.broadcast %div3A_284 : f32 to vector<16xf32>
    %div3A_286 = arith.divf %div3A_285, %add3A_283 : vector<16xf32>
    %swap3A_287 = arith.constant 240 : index
    %swap3A_288 = tpu.vector_load %arg7[%swap3A_287] {strides = array<i32>} : memref<512xf32, #tpu.memory_space<vmem>>, vector<16xf32>,
    tpu.vector_store %arg7[%swap3A_287], %div3A_286 {strides = array<i32>} : memref<512xf32, #tpu.memory_space<vmem>>, vector<16xf32>,
    %get3A_289 = arith.constant 256 : index
    %get3A_290 = tpu.vector_load %arg5[%get3A_289] {strides = array<i32>} : memref<512xf32, #tpu.memory_space<vmem>>, vector<16xf32>,
    %sub3A_291 = arith.subf %get3A_5, %get3A_290 : vector<16xf32>
    %get3A_292 = arith.constant 256 : index
    %get3A_293 = tpu.vector_load %arg6[%get3A_292] {strides = array<i32>} : memref<512xf32, #tpu.memory_space<vmem>>, vector<16xf32>,
    %sub3A_294 = arith.subf %sub3A_291, %get3A_293 : vector<16xf32>
    %neg3A_295 = arith.constant 0.000000e+00 : f32
    %neg3A_296 = vector.broadcast %neg3A_295 : f32 to vector<16xf32>
    %neg3A_297 = arith.subf %neg3A_296, %sub3A_294 : vector<16xf32>
    %exp3A_298 = math.exp %neg3A_297 : vector<16xf32>
    %add3A_299 = arith.constant 1.000000e+00 : f32
    %add3A_300 = vector.broadcast %add3A_299 : f32 to vector<16xf32>
    %add3A_301 = arith.addf %add3A_300, %exp3A_298 : vector<16xf32>
    %div3A_302 = arith.constant 1.000000e+00 : f32
    %div3A_303 = vector.broadcast %div3A_302 : f32 to vector<16xf32>
    %div3A_304 = arith.divf %div3A_303, %add3A_301 : vector<16xf32>
    %swap3A_305 = arith.constant 256 : index
    %swap3A_306 = tpu.vector_load %arg7[%swap3A_305] {strides = array<i32>} : memref<512xf32, #tpu.memory_space<vmem>>, vector<16xf32>,
    tpu.vector_store %arg7[%swap3A_305], %div3A_304 {strides = array<i32>} : memref<512xf32, #tpu.memory_space<vmem>>, vector<16xf32>,
    %get3A_307 = arith.constant 272 : index
    %get3A_308 = tpu.vector_load %arg5[%get3A_307] {strides = array<i32>} : memref<512xf32, #tpu.memory_space<vmem>>, vector<16xf32>,
    %sub3A_309 = arith.subf %get3A_5, %get3A_308 : vector<16xf32>
    %get3A_310 = arith.constant 272 : index
    %get3A_311 = tpu.vector_load %arg6[%get3A_310] {strides = array<i32>} : memref<512xf32, #tpu.memory_space<vmem>>, vector<16xf32>,
    %sub3A_312 = arith.subf %sub3A_309, %get3A_311 : vector<16xf32>
    %neg3A_313 = arith.constant 0.000000e+00 : f32
    %neg3A_314 = vector.broadcast %neg3A_313 : f32 to vector<16xf32>
    %neg3A_315 = arith.subf %neg3A_314, %sub3A_312 : vector<16xf32>
    %exp3A_316 = math.exp %neg3A_315 : vector<16xf32>
    %add3A_317 = arith.constant 1.000000e+00 : f32
    %add3A_318 = vector.broadcast %add3A_317 : f32 to vector<16xf32>
    %add3A_319 = arith.addf %add3A_318, %exp3A_316 : vector<16xf32>
    %div3A_320 = arith.constant 1.000000e+00 : f32
    %div3A_321 = vector.broadcast %div3A_320 : f32 to vector<16xf32>
    %div3A_322 = arith.divf %div3A_321, %add3A_319 : vector<16xf32>
    %swap3A_323 = arith.constant 272 : index
    %swap3A_324 = tpu.vector_load %arg7[%swap3A_323] {strides = array<i32>} : memref<512xf32, #tpu.memory_space<vmem>>, vector<16xf32>,
    tpu.vector_store %arg7[%swap3A_323], %div3A_322 {strides = array<i32>} : memref<512xf32, #tpu.memory_space<vmem>>, vector<16xf32>,
    %get3A_325 = arith.constant 288 : index
    %get3A_326 = tpu.vector_load %arg5[%get3A_325] {strides = array<i32>} : memref<512xf32, #tpu.memory_space<vmem>>, vector<16xf32>,
    %sub3A_327 = arith.subf %get3A_5, %get3A_326 : vector<16xf32>
    %get3A_328 = arith.constant 288 : index
    %get3A_329 = tpu.vector_load %arg6[%get3A_328] {strides = array<i32>} : memref<512xf32, #tpu.memory_space<vmem>>, vector<16xf32>,
    %sub3A_330 = arith.subf %sub3A_327, %get3A_329 : vector<16xf32>
    %neg3A_331 = arith.constant 0.000000e+00 : f32
    %neg3A_332 = vector.broadcast %neg3A_331 : f32 to vector<16xf32>
    %neg3A_333 = arith.subf %neg3A_332, %sub3A_330 : vector<16xf32>
    %exp3A_334 = math.exp %neg3A_333 : vector<16xf32>
    %add3A_335 = arith.constant 1.000000e+00 : f32
    %add3A_336 = vector.broadcast %add3A_335 : f32 to vector<16xf32>
    %add3A_337 = arith.addf %add3A_336, %exp3A_334 : vector<16xf32>
    %div3A_338 = arith.constant 1.000000e+00 : f32
    %div3A_339 = vector.broadcast %div3A_338 : f32 to vector<16xf32>
    %div3A_340 = arith.divf %div3A_339, %add3A_337 : vector<16xf32>
    %swap3A_341 = arith.constant 288 : index
    %swap3A_342 = tpu.vector_load %arg7[%swap3A_341] {strides = array<i32>} : memref<512xf32, #tpu.memory_space<vmem>>, vector<16xf32>,
    tpu.vector_store %arg7[%swap3A_341], %div3A_340 {strides = array<i32>} : memref<512xf32, #tpu.memory_space<vmem>>, vector<16xf32>,
    %get3A_343 = arith.constant 304 : index
    %get3A_344 = tpu.vector_load %arg5[%get3A_343] {strides = array<i32>} : memref<512xf32, #tpu.memory_space<vmem>>, vector<16xf32>,
    %sub3A_345 = arith.subf %get3A_5, %get3A_344 : vector<16xf32>
    %get3A_346 = arith.constant 304 : index
    %get3A_347 = tpu.vector_load %arg6[%get3A_346] {strides = array<i32>} : memref<512xf32, #tpu.memory_space<vmem>>, vector<16xf32>,
    %sub3A_348 = arith.subf %sub3A_345, %get3A_347 : vector<16xf32>
    %neg3A_349 = arith.constant 0.000000e+00 : f32
    %neg3A_350 = vector.broadcast %neg3A_349 : f32 to vector<16xf32>
    %neg3A_351 = arith.subf %neg3A_350, %sub3A_348 : vector<16xf32>
    %exp3A_352 = math.exp %neg3A_351 : vector<16xf32>
    %add3A_353 = arith.constant 1.000000e+00 : f32
    %add3A_354 = vector.broadcast %add3A_353 : f32 to vector<16xf32>
    %add3A_355 = arith.addf %add3A_354, %exp3A_352 : vector<16xf32>
    %div3A_356 = arith.constant 1.000000e+00 : f32
    %div3A_357 = vector.broadcast %div3A_356 : f32 to vector<16xf32>
    %div3A_358 = arith.divf %div3A_357, %add3A_355 : vector<16xf32>
    %swap3A_359 = arith.constant 304 : index
    %swap3A_360 = tpu.vector_load %arg7[%swap3A_359] {strides = array<i32>} : memref<512xf32, #tpu.memory_space<vmem>>, vector<16xf32>,
    tpu.vector_store %arg7[%swap3A_359], %div3A_358 {strides = array<i32>} : memref<512xf32, #tpu.memory_space<vmem>>, vector<16xf32>,
    %get3A_361 = arith.constant 320 : index
    %get3A_362 = tpu.vector_load %arg5[%get3A_361] {strides = array<i32>} : memref<512xf32, #tpu.memory_space<vmem>>, vector<16xf32>,
    %sub3A_363 = arith.subf %get3A_5, %get3A_362 : vector<16xf32>
    %get3A_364 = arith.constant 320 : index
    %get3A_365 = tpu.vector_load %arg6[%get3A_364] {strides = array<i32>} : memref<512xf32, #tpu.memory_space<vmem>>, vector<16xf32>,
    %sub3A_366 = arith.subf %sub3A_363, %get3A_365 : vector<16xf32>
    %neg3A_367 = arith.constant 0.000000e+00 : f32
    %neg3A_368 = vector.broadcast %neg3A_367 : f32 to vector<16xf32>
    %neg3A_369 = arith.subf %neg3A_368, %sub3A_366 : vector<16xf32>
    %exp3A_370 = math.exp %neg3A_369 : vector<16xf32>
    %add3A_371 = arith.constant 1.000000e+00 : f32
    %add3A_372 = vector.broadcast %add3A_371 : f32 to vector<16xf32>
    %add3A_373 = arith.addf %add3A_372, %exp3A_370 : vector<16xf32>
    %div3A_374 = arith.constant 1.000000e+00 : f32
    %div3A_375 = vector.broadcast %div3A_374 : f32 to vector<16xf32>
    %div3A_376 = arith.divf %div3A_375, %add3A_373 : vector<16xf32>
    %swap3A_377 = arith.constant 320 : index
    %swap3A_378 = tpu.vector_load %arg7[%swap3A_377] {strides = array<i32>} : memref<512xf32, #tpu.memory_space<vmem>>, vector<16xf32>,
    tpu.vector_store %arg7[%swap3A_377], %div3A_376 {strides = array<i32>} : memref<512xf32, #tpu.memory_space<vmem>>, vector<16xf32>,
    %get3A_379 = arith.constant 336 : index
    %get3A_380 = tpu.vector_load %arg5[%get3A_379] {strides = array<i32>} : memref<512xf32, #tpu.memory_space<vmem>>, vector<16xf32>,
    %sub3A_381 = arith.subf %get3A_5, %get3A_380 : vector<16xf32>
    %get3A_382 = arith.constant 336 : index
    %get3A_383 = tpu.vector_load %arg6[%get3A_382] {strides = array<i32>} : memref<512xf32, #tpu.memory_space<vmem>>, vector<16xf32>,
    %sub3A_384 = arith.subf %sub3A_381, %get3A_383 : vector<16xf32>
    %neg3A_385 = arith.constant 0.000000e+00 : f32
    %neg3A_386 = vector.broadcast %neg3A_385 : f32 to vector<16xf32>
    %neg3A_387 = arith.subf %neg3A_386, %sub3A_384 : vector<16xf32>
    %exp3A_388 = math.exp %neg3A_387 : vector<16xf32>
    %add3A_389 = arith.constant 1.000000e+00 : f32
    %add3A_390 = vector.broadcast %add3A_389 : f32 to vector<16xf32>
    %add3A_391 = arith.addf %add3A_390, %exp3A_388 : vector<16xf32>
    %div3A_392 = arith.constant 1.000000e+00 : f32
    %div3A_393 = vector.broadcast %div3A_392 : f32 to vector<16xf32>
    %div3A_394 = arith.divf %div3A_393, %add3A_391 : vector<16xf32>
    %swap3A_395 = arith.constant 336 : index
    %swap3A_396 = tpu.vector_load %arg7[%swap3A_395] {strides = array<i32>} : memref<512xf32, #tpu.memory_space<vmem>>, vector<16xf32>,
    tpu.vector_store %arg7[%swap3A_395], %div3A_394 {strides = array<i32>} : memref<512xf32, #tpu.memory_space<vmem>>, vector<16xf32>,
    %get3A_397 = arith.constant 352 : index
    %get3A_398 = tpu.vector_load %arg5[%get3A_397] {strides = array<i32>} : memref<512xf32, #tpu.memory_space<vmem>>, vector<16xf32>,
    %sub3A_399 = arith.subf %get3A_5, %get3A_398 : vector<16xf32>
    %get3A_400 = arith.constant 352 : index
    %get3A_401 = tpu.vector_load %arg6[%get3A_400] {strides = array<i32>} : memref<512xf32, #tpu.memory_space<vmem>>, vector<16xf32>,
    %sub3A_402 = arith.subf %sub3A_399, %get3A_401 : vector<16xf32>
    %neg3A_403 = arith.constant 0.000000e+00 : f32
    %neg3A_404 = vector.broadcast %neg3A_403 : f32 to vector<16xf32>
    %neg3A_405 = arith.subf %neg3A_404, %sub3A_402 : vector<16xf32>
    %exp3A_406 = math.exp %neg3A_405 : vector<16xf32>
    %add3A_407 = arith.constant 1.000000e+00 : f32
    %add3A_408 = vector.broadcast %add3A_407 : f32 to vector<16xf32>
    %add3A_409 = arith.addf %add3A_408, %exp3A_406 : vector<16xf32>
    %div3A_410 = arith.constant 1.000000e+00 : f32
    %div3A_411 = vector.broadcast %div3A_410 : f32 to vector<16xf32>
    %div3A_412 = arith.divf %div3A_411, %add3A_409 : vector<16xf32>
    %swap3A_413 = arith.constant 352 : index
    %swap3A_414 = tpu.vector_load %arg7[%swap3A_413] {strides = array<i32>} : memref<512xf32, #tpu.memory_space<vmem>>, vector<16xf32>,
    tpu.vector_store %arg7[%swap3A_413], %div3A_412 {strides = array<i32>} : memref<512xf32, #tpu.memory_space<vmem>>, vector<16xf32>,
    %get3A_415 = arith.constant 368 : index
    %get3A_416 = tpu.vector_load %arg5[%get3A_415] {strides = array<i32>} : memref<512xf32, #tpu.memory_space<vmem>>, vector<16xf32>,
    %sub3A_417 = arith.subf %get3A_5, %get3A_416 : vector<16xf32>
    %get3A_418 = arith.constant 368 : index
    %get3A_419 = tpu.vector_load %arg6[%get3A_418] {strides = array<i32>} : memref<512xf32, #tpu.memory_space<vmem>>, vector<16xf32>,
    %sub3A_420 = arith.subf %sub3A_417, %get3A_419 : vector<16xf32>
    %neg3A_421 = arith.constant 0.000000e+00 : f32
    %neg3A_422 = vector.broadcast %neg3A_421 : f32 to vector<16xf32>
    %neg3A_423 = arith.subf %neg3A_422, %sub3A_420 : vector<16xf32>
    %exp3A_424 = math.exp %neg3A_423 : vector<16xf32>
    %add3A_425 = arith.constant 1.000000e+00 : f32
    %add3A_426 = vector.broadcast %add3A_425 : f32 to vector<16xf32>
    %add3A_427 = arith.addf %add3A_426, %exp3A_424 : vector<16xf32>
    %div3A_428 = arith.constant 1.000000e+00 : f32
    %div3A_429 = vector.broadcast %div3A_428 : f32 to vector<16xf32>
    %div3A_430 = arith.divf %div3A_429, %add3A_427 : vector<16xf32>
    %swap3A_431 = arith.constant 368 : index
    %swap3A_432 = tpu.vector_load %arg7[%swap3A_431] {strides = array<i32>} : memref<512xf32, #tpu.memory_space<vmem>>, vector<16xf32>,
    tpu.vector_store %arg7[%swap3A_431], %div3A_430 {strides = array<i32>} : memref<512xf32, #tpu.memory_space<vmem>>, vector<16xf32>,
    %get3A_433 = arith.constant 384 : index
    %get3A_434 = tpu.vector_load %arg5[%get3A_433] {strides = array<i32>} : memref<512xf32, #tpu.memory_space<vmem>>, vector<16xf32>,
    %sub3A_435 = arith.subf %get3A_5, %get3A_434 : vector<16xf32>
    %get3A_436 = arith.constant 384 : index
    %get3A_437 = tpu.vector_load %arg6[%get3A_436] {strides = array<i32>} : memref<512xf32, #tpu.memory_space<vmem>>, vector<16xf32>,
    %sub3A_438 = arith.subf %sub3A_435, %get3A_437 : vector<16xf32>
    %neg3A_439 = arith.constant 0.000000e+00 : f32
    %neg3A_440 = vector.broadcast %neg3A_439 : f32 to vector<16xf32>
    %neg3A_441 = arith.subf %neg3A_440, %sub3A_438 : vector<16xf32>
    %exp3A_442 = math.exp %neg3A_441 : vector<16xf32>
    %add3A_443 = arith.constant 1.000000e+00 : f32
    %add3A_444 = vector.broadcast %add3A_443 : f32 to vector<16xf32>
    %add3A_445 = arith.addf %add3A_444, %exp3A_442 : vector<16xf32>
    %div3A_446 = arith.constant 1.000000e+00 : f32
    %div3A_447 = vector.broadcast %div3A_446 : f32 to vector<16xf32>
    %div3A_448 = arith.divf %div3A_447, %add3A_445 : vector<16xf32>
    %swap3A_449 = arith.constant 384 : index
    %swap3A_450 = tpu.vector_load %arg7[%swap3A_449] {strides = array<i32>} : memref<512xf32, #tpu.memory_space<vmem>>, vector<16xf32>,
    tpu.vector_store %arg7[%swap3A_449], %div3A_448 {strides = array<i32>} : memref<512xf32, #tpu.memory_space<vmem>>, vector<16xf32>,
    %get3A_451 = arith.constant 400 : index
    %get3A_452 = tpu.vector_load %arg5[%get3A_451] {strides = array<i32>} : memref<512xf32, #tpu.memory_space<vmem>>, vector<16xf32>,
    %sub3A_453 = arith.subf %get3A_5, %get3A_452 : vector<16xf32>
    %get3A_454 = arith.constant 400 : index
    %get3A_455 = tpu.vector_load %arg6[%get3A_454] {strides = array<i32>} : memref<512xf32, #tpu.memory_space<vmem>>, vector<16xf32>,
    %sub3A_456 = arith.subf %sub3A_453, %get3A_455 : vector<16xf32>
    %neg3A_457 = arith.constant 0.000000e+00 : f32
    %neg3A_458 = vector.broadcast %neg3A_457 : f32 to vector<16xf32>
    %neg3A_459 = arith.subf %neg3A_458, %sub3A_456 : vector<16xf32>
    %exp3A_460 = math.exp %neg3A_459 : vector<16xf32>
    %add3A_461 = arith.constant 1.000000e+00 : f32
    %add3A_462 = vector.broadcast %add3A_461 : f32 to vector<16xf32>
    %add3A_463 = arith.addf %add3A_462, %exp3A_460 : vector<16xf32>
    %div3A_464 = arith.constant 1.000000e+00 : f32
    %div3A_465 = vector.broadcast %div3A_464 : f32 to vector<16xf32>
    %div3A_466 = arith.divf %div3A_465, %add3A_463 : vector<16xf32>
    %swap3A_467 = arith.constant 400 : index
    %swap3A_468 = tpu.vector_load %arg7[%swap3A_467] {strides = array<i32>} : memref<512xf32, #tpu.memory_space<vmem>>, vector<16xf32>,
    tpu.vector_store %arg7[%swap3A_467], %div3A_466 {strides = array<i32>} : memref<512xf32, #tpu.memory_space<vmem>>, vector<16xf32>,
    %get3A_469 = arith.constant 416 : index
    %get3A_470 = tpu.vector_load %arg5[%get3A_469] {strides = array<i32>} : memref<512xf32, #tpu.memory_space<vmem>>, vector<16xf32>,
    %sub3A_471 = arith.subf %get3A_5, %get3A_470 : vector<16xf32>
    %get3A_472 = arith.constant 416 : index
    %get3A_473 = tpu.vector_load %arg6[%get3A_472] {strides = array<i32>} : memref<512xf32, #tpu.memory_space<vmem>>, vector<16xf32>,
    %sub3A_474 = arith.subf %sub3A_471, %get3A_473 : vector<16xf32>
    %neg3A_475 = arith.constant 0.000000e+00 : f32
    %neg3A_476 = vector.broadcast %neg3A_475 : f32 to vector<16xf32>
    %neg3A_477 = arith.subf %neg3A_476, %sub3A_474 : vector<16xf32>
    %exp3A_478 = math.exp %neg3A_477 : vector<16xf32>
    %add3A_479 = arith.constant 1.000000e+00 : f32
    %add3A_480 = vector.broadcast %add3A_479 : f32 to vector<16xf32>
    %add3A_481 = arith.addf %add3A_480, %exp3A_478 : vector<16xf32>
    %div3A_482 = arith.constant 1.000000e+00 : f32
    %div3A_483 = vector.broadcast %div3A_482 : f32 to vector<16xf32>
    %div3A_484 = arith.divf %div3A_483, %add3A_481 : vector<16xf32>
    %swap3A_485 = arith.constant 416 : index
    %swap3A_486 = tpu.vector_load %arg7[%swap3A_485] {strides = array<i32>} : memref<512xf32, #tpu.memory_space<vmem>>, vector<16xf32>,
    tpu.vector_store %arg7[%swap3A_485], %div3A_484 {strides = array<i32>} : memref<512xf32, #tpu.memory_space<vmem>>, vector<16xf32>,
    %get3A_487 = arith.constant 432 : index
    %get3A_488 = tpu.vector_load %arg5[%get3A_487] {strides = array<i32>} : memref<512xf32, #tpu.memory_space<vmem>>, vector<16xf32>,
    %sub3A_489 = arith.subf %get3A_5, %get3A_488 : vector<16xf32>
    %get3A_490 = arith.constant 432 : index
    %get3A_491 = tpu.vector_load %arg6[%get3A_490] {strides = array<i32>} : memref<512xf32, #tpu.memory_space<vmem>>, vector<16xf32>,
    %sub3A_492 = arith.subf %sub3A_489, %get3A_491 : vector<16xf32>
    %neg3A_493 = arith.constant 0.000000e+00 : f32
    %neg3A_494 = vector.broadcast %neg3A_493 : f32 to vector<16xf32>
    %neg3A_495 = arith.subf %neg3A_494, %sub3A_492 : vector<16xf32>
    %exp3A_496 = math.exp %neg3A_495 : vector<16xf32>
    %add3A_497 = arith.constant 1.000000e+00 : f32
    %add3A_498 = vector.broadcast %add3A_497 : f32 to vector<16xf32>
    %add3A_499 = arith.addf %add3A_498, %exp3A_496 : vector<16xf32>
    %div3A_500 = arith.constant 1.000000e+00 : f32
    %div3A_501 = vector.broadcast %div3A_500 : f32 to vector<16xf32>
    %div3A_502 = arith.divf %div3A_501, %add3A_499 : vector<16xf32>
    %swap3A_503 = arith.constant 432 : index
    %swap3A_504 = tpu.vector_load %arg7[%swap3A_503] {strides = array<i32>} : memref<512xf32, #tpu.memory_space<vmem>>, vector<16xf32>,
    tpu.vector_store %arg7[%swap3A_503], %div3A_502 {strides = array<i32>} : memref<512xf32, #tpu.memory_space<vmem>>, vector<16xf32>,
    %get3A_505 = arith.constant 448 : index
    %get3A_506 = tpu.vector_load %arg5[%get3A_505] {strides = array<i32>} : memref<512xf32, #tpu.memory_space<vmem>>, vector<16xf32>,
    %sub3A_507 = arith.subf %get3A_5, %get3A_506 : vector<16xf32>
    %get3A_508 = arith.constant 448 : index
    %get3A_509 = tpu.vector_load %arg6[%get3A_508] {strides = array<i32>} : memref<512xf32, #tpu.memory_space<vmem>>, vector<16xf32>,
    %sub3A_510 = arith.subf %sub3A_507, %get3A_509 : vector<16xf32>
    %neg3A_511 = arith.constant 0.000000e+00 : f32
    %neg3A_512 = vector.broadcast %neg3A_511 : f32 to vector<16xf32>
    %neg3A_513 = arith.subf %neg3A_512, %sub3A_510 : vector<16xf32>
    %exp3A_514 = math.exp %neg3A_513 : vector<16xf32>
    %add3A_515 = arith.constant 1.000000e+00 : f32
    %add3A_516 = vector.broadcast %add3A_515 : f32 to vector<16xf32>
    %add3A_517 = arith.addf %add3A_516, %exp3A_514 : vector<16xf32>
    %div3A_518 = arith.constant 1.000000e+00 : f32
    %div3A_519 = vector.broadcast %div3A_518 : f32 to vector<16xf32>
    %div3A_520 = arith.divf %div3A_519, %add3A_517 : vector<16xf32>
    %swap3A_521 = arith.constant 448 : index
    %swap3A_522 = tpu.vector_load %arg7[%swap3A_521] {strides = array<i32>} : memref<512xf32, #tpu.memory_space<vmem>>, vector<16xf32>,
    tpu.vector_store %arg7[%swap3A_521], %div3A_520 {strides = array<i32>} : memref<512xf32, #tpu.memory_space<vmem>>, vector<16xf32>,
    %get3A_523 = arith.constant 464 : index
    %get3A_524 = tpu.vector_load %arg5[%get3A_523] {strides = array<i32>} : memref<512xf32, #tpu.memory_space<vmem>>, vector<16xf32>,
    %sub3A_525 = arith.subf %get3A_5, %get3A_524 : vector<16xf32>
    %get3A_526 = arith.constant 464 : index
    %get3A_527 = tpu.vector_load %arg6[%get3A_526] {strides = array<i32>} : memref<512xf32, #tpu.memory_space<vmem>>, vector<16xf32>,
    %sub3A_528 = arith.subf %sub3A_525, %get3A_527 : vector<16xf32>
    %neg3A_529 = arith.constant 0.000000e+00 : f32
    %neg3A_530 = vector.broadcast %neg3A_529 : f32 to vector<16xf32>
    %neg3A_531 = arith.subf %neg3A_530, %sub3A_528 : vector<16xf32>
    %exp3A_532 = math.exp %neg3A_531 : vector<16xf32>
    %add3A_533 = arith.constant 1.000000e+00 : f32
    %add3A_534 = vector.broadcast %add3A_533 : f32 to vector<16xf32>
    %add3A_535 = arith.addf %add3A_534, %exp3A_532 : vector<16xf32>
    %div3A_536 = arith.constant 1.000000e+00 : f32
    %div3A_537 = vector.broadcast %div3A_536 : f32 to vector<16xf32>
    %div3A_538 = arith.divf %div3A_537, %add3A_535 : vector<16xf32>
    %swap3A_539 = arith.constant 464 : index
    %swap3A_540 = tpu.vector_load %arg7[%swap3A_539] {strides = array<i32>} : memref<512xf32, #tpu.memory_space<vmem>>, vector<16xf32>,
    tpu.vector_store %arg7[%swap3A_539], %div3A_538 {strides = array<i32>} : memref<512xf32, #tpu.memory_space<vmem>>, vector<16xf32>,
    %get3A_541 = arith.constant 480 : index
    %get3A_542 = tpu.vector_load %arg5[%get3A_541] {strides = array<i32>} : memref<512xf32, #tpu.memory_space<vmem>>, vector<16xf32>,
    %sub3A_543 = arith.subf %get3A_5, %get3A_542 : vector<16xf32>
    %get3A_544 = arith.constant 480 : index
    %get3A_545 = tpu.vector_load %arg6[%get3A_544] {strides = array<i32>} : memref<512xf32, #tpu.memory_space<vmem>>, vector<16xf32>,
    %sub3A_546 = arith.subf %sub3A_543, %get3A_545 : vector<16xf32>
    %neg3A_547 = arith.constant 0.000000e+00 : f32
    %neg3A_548 = vector.broadcast %neg3A_547 : f32 to vector<16xf32>
    %neg3A_549 = arith.subf %neg3A_548, %sub3A_546 : vector<16xf32>
    %exp3A_550 = math.exp %neg3A_549 : vector<16xf32>
    %add3A_551 = arith.constant 1.000000e+00 : f32
    %add3A_552 = vector.broadcast %add3A_551 : f32 to vector<16xf32>
    %add3A_553 = arith.addf %add3A_552, %exp3A_550 : vector<16xf32>
    %div3A_554 = arith.constant 1.000000e+00 : f32
    %div3A_555 = vector.broadcast %div3A_554 : f32 to vector<16xf32>
    %div3A_556 = arith.divf %div3A_555, %add3A_553 : vector<16xf32>
    %swap3A_557 = arith.constant 480 : index
    %swap3A_558 = tpu.vector_load %arg7[%swap3A_557] {strides = array<i32>} : memref<512xf32, #tpu.memory_space<vmem>>, vector<16xf32>,
    tpu.vector_store %arg7[%swap3A_557], %div3A_556 {strides = array<i32>} : memref<512xf32, #tpu.memory_space<vmem>>, vector<16xf32>,
    %get3A_559 = arith.constant 496 : index
    %get3A_560 = tpu.vector_load %arg5[%get3A_559] {strides = array<i32>} : memref<512xf32, #tpu.memory_space<vmem>>, vector<16xf32>,
    %sub3A_561 = arith.subf %get3A_5, %get3A_560 : vector<16xf32>
    %get3A_562 = arith.constant 496 : index
    %get3A_563 = tpu.vector_load %arg6[%get3A_562] {strides = array<i32>} : memref<512xf32, #tpu.memory_space<vmem>>, vector<16xf32>,
    %sub3A_564 = arith.subf %sub3A_561, %get3A_563 : vector<16xf32>
    %neg3A_565 = arith.constant 0.000000e+00 : f32
    %neg3A_566 = vector.broadcast %neg3A_565 : f32 to vector<16xf32>
    %neg3A_567 = arith.subf %neg3A_566, %sub3A_564 : vector<16xf32>
    %exp3A_568 = math.exp %neg3A_567 : vector<16xf32>
    %add3A_569 = arith.constant 1.000000e+00 : f32
    %add3A_570 = vector.broadcast %add3A_569 : f32 to vector<16xf32>
    %add3A_571 = arith.addf %add3A_570, %exp3A_568 : vector<16xf32>
    %div3A_572 = arith.constant 1.000000e+00 : f32
    %div3A_573 = vector.broadcast %div3A_572 : f32 to vector<16xf32>
    %div3A_574 = arith.divf %div3A_573, %add3A_571 : vector<16xf32>
    %swap3A_575 = arith.constant 496 : index
    %swap3A_576 = tpu.vector_load %arg7[%swap3A_575] {strides = array<i32>} : memref<512xf32, #tpu.memory_space<vmem>>, vector<16xf32>,
    tpu.vector_store %arg7[%swap3A_575], %div3A_574 {strides = array<i32>} : memref<512xf32, #tpu.memory_space<vmem>>, vector<16xf32>,
    "tpu.region"() ({
      %run_scoped3A = tpu.sem_alloc : memref<!tpu.dma_semaphore, #tpu.memory_space<semaphore_mem>>
      %dma_start3A = tpu.memref_slice %arg4[%mul3A_2] : memref<16384xf32, #tpu.memory_space<hbm>> -> memref<512xf32, #tpu.memory_space<hbm>>
      %dma_start3A_577 = tpu.memref_slice %arg4[%mul3A_2] : memref<16384xf32, #tpu.memory_space<hbm>> -> memref<512xf32, #tpu.memory_space<hbm>>
      tpu.enqueue_dma source(%arg7 : memref<512xf32, #tpu.memory_space<vmem>>) target(%dma_start3A_577 : memref<512xf32, #tpu.memory_space<hbm>>) target_semaphore(%run_scoped3A : memref<!tpu.dma_semaphore, #tpu.memory_space<semaphore_mem>>)
      %dma_wait3A = tpu.memref_slice %arg4[%mul3A_2] : memref<16384xf32, #tpu.memory_space<hbm>> -> memref<512xf32, #tpu.memory_space<hbm>>
      %dma_wait3A_578 = tpu.memref_slice %arg4[%mul3A_2] : memref<16384xf32, #tpu.memory_space<hbm>> -> memref<512xf32, #tpu.memory_space<hbm>>
      tpu.wait_dma2 semaphore(%run_scoped3A : memref<!tpu.dma_semaphore, #tpu.memory_space<semaphore_mem>>) src(%arg7 : memref<512xf32, #tpu.memory_space<vmem>>) dst(%dma_wait3A_578 : memref<512xf32, #tpu.memory_space<hbm>>)
      tpu.yield
    }) : () -> ()
    return
  }
}

</mosaic_0001>

<sc_bundles>
// kernel: _transe_call.4.cloned.1.call-start
scs
__scs_entry_jumppad:
0x0: {  	(pc) =	sbr.rel $0x88, $3  }
0x1: {  	(tag) =	ssettag $0x0;
	lr =	simm.s32 $0x1  }
0x2: {  	[smem:$0x3F9C] =	sst lr;
	_ =	strace $0xD0000000  }
0x3: {  	_ = 	snop  }
0x4: {  	_ = 	snop  }
0x5: {  	_ = 	snop  }
0x6: {  	_ = 	snop  }
0x7: {  	_ = 	snop  }
__scs_overlays_trampoline_lowered:
0x8: {  	[smem:$0x3FAB] =	sst s0  }
0x9: {  	[smem:$0x3FAC] =	sst s1  }
0xa: {  	[smem:$0x3FAD] =	sst s2  }
0xb: {  	[smem:$0x3FAE] =	sst s3  }
0xc: {  	[smem:$0x3FAF] =	sst s4  }
0xd: {  	[smem:$0x3FB0] =	sst s5  }
0xe: {  	[smem:$0x3FB1] =	sst s6  }
0xf: {  	[smem:$0x3FB2] =	sst s7  }
0x10: {  	[smem:$0x3FB3] =	sst s8  }
0x11: {  	[smem:$0x3FB4] =	sst s9;
	s0 =	simm.s32 @!p0 $0x0  }
0x12: {  	s1 =	sld [smem:$0x3F9A];
	s0 =	simm.s32 @p0 $0x1  }
0x13: {  	[smem:$0x3FB5] =	sst s0;
	s0 =	simm.s32 @!p1 $0x0  }
0x14: {  	s2 =	sld [smem:$0x3F99];
	s0 =	simm.s32 @p1 $0x1  }
0x15: {  	[smem:$0x3FB6] =	sst s0;
	s0 =	simm.s32 @!p2 $0x0  }
0x16: {  	s3 =	sld [smem:$0x3FDB];
	s0 =	simm.s32 @p2 $0x1  }
0x17: {  	s4 =	simm.s32 $0x1BF5;
	[smem:$0x3FB8] =	sst s0  }
0x18: {  	s0 =	sld [smem:$0x3F9B];
	_ =	swait.ge [sflag:s4], $0x0  }
0x19: {  	s7 =	sld [smem:$0x3F9C]  }
0x1a: {  	s8 =	sadd.s32 $0xFFFFE003, lr  }
0x1b: {  	s9 =	sadd.s32 $0xFFFFFEF7, lr;
	s5 =	simm.s32 $0xFFFFFFFF;
	p2 =	slt.u32 s8, $0xFFFFF086  }
0x1c: {  	p1 =	slt.u32 s9, $0xF7A;
	s5 =	simm.s32 @!p2 $0x0  }
0x1d: {  	s5 =	simm.s32 @p1 $0x1;
	p0 =	seq.s32 s7, s2  }
0x1e: {  	s7 =	smul.u32 @!p0 $0xF7A, s2;
	p2 =	seq.s32 @!p0 s5, $0x0  }
0x1f: {  	s9 =	smul.u32 $0xF7A, s1;
	s8 =	simm.s32 @!p0 $0x1BF5;
	p2 =	por !p2, p0  }
0x20: {  	[sflag:s8] =	ssyncset.s32 @!p0 $0xFFFFF086;
	s6 =	sadd.s32 @!p0 s3, s7;
	s7 =	simm.s32 @!p0 $0x108  }
0x21: {  	s3 =	sadd.s32 s3, s9;
	s6 =	sadd.s32 @!p0 $0x88, s6;
	s7 =	simm.s32 @p2 $0x1082  }
0x22: {  	[simem:s7], [sflag:s8] =	dma.local @!p0 [hbm:s6], $0xF7A  }
0x23: {  	s9 =	sor.u32 $0xD0000000, s2;
	s6 =	simm.s32 $0x108;
	_ =	swait.ge @!p0 [sflag:s8], $0x0  }
0x24: {  	s3 =	sadd.s32 $0x88, s3;
	s6 =	simm.s32 @!p1 $0x1082;
	[sflag:s4] =	ssyncset.s32 $0xFFFFF086  }
0x25: {  	[simem:s6], [sflag:s4] =	dma.local [hbm:s3], $0xF7A  }
0x26: {  	[smem:$0x3F9C] =	sst s1;
	(tag) =	ssettag s2;
	_ =	strace s9  }
0x27: {  	s1 =	sld [smem:$0x3FAC]  }
0x28: {  	s2 =	sld [smem:$0x3FAD]  }
0x29: {  	s4 =	sld [smem:$0x3FAF]  }
0x2a: {  	p0 =	seq.s32 s5, $0x0;
	s5 =	sld [smem:$0x3FB0]  }
0x2b: {  	s6 =	sld [smem:$0x3FB1]  }
0x2c: {  	s7 =	sld [smem:$0x3FB2]  }
0x2d: {  	s3 =	simm.s32 $0x108;
	s8 =	sld [smem:$0x3FB3]  }
0x2e: {  	s3 =	simm.s32 @!p0 $0x1082;
	s9 =	sld [smem:$0x3FB4]  }
0x2f: {  	lr =	sadd.s32 s0, s3;
	s0 =	sld [smem:$0x3FAB]  }
0x30: {  	s3 =	sld [smem:$0x3FAE]  }
0x31: {  	[smem:$0x3FB7] =	sst s10  }
0x32: {  	s10 =	sld [smem:$0x3FB5];
	_ =	sdelay $0x3  }
0x33: {  	p0 =	seq.s32 s10, $0x1;
	s10 =	sld [smem:$0x3FB7];
	_ =	sdelay $0x3  }
0x34: {  	[smem:$0x3FB7] =	sst s10  }
0x35: {  	s10 =	sld [smem:$0x3FB6];
	_ =	sdelay $0x3  }
0x36: {  	p1 =	seq.s32 s10, $0x1;
	s10 =	sld [smem:$0x3FB7];
	_ =	sdelay $0x3  }
0x37: {  	[smem:$0x3FB7] =	sst s10  }
0x38: {  	s10 =	sld [smem:$0x3FB8]  }
0x39: {  	_ = 	snop;
	(pc) =	sbr.ind lr, $3  }
0x3a: {  	_ = 	snop  }
0x3b: {  	_ = 	snop  }
0x3c: {  	p2 =	seq.s32 s10, $0x1;
	s10 =	sld [smem:$0x3FB7]  }
0x3d: {  	_ =	shalt  }
0x3e: {  	_ =	shalt  }
0x3f: {  	_ =	shalt  }
0x40: {  	_ =	shalt  }
0x41: {  	_ =	shalt  }
0x42: {  	_ =	shalt  }
0x43: {  	_ =	shalt  }
0x44: {  	_ =	shalt  }
0x45: {  	_ =	shalt  }
0x46: {  	_ =	shalt  }
0x47: {  	_ =	shalt  }
0x48: {  	_ =	shalt  }
0x49: {  	_ =	shalt  }
0x4a: {  	_ =	shalt  }
0x4b: {  	_ =	shalt  }
0x4c: {  	_ =	shalt  }
0x4d: {  	_ =	shalt  }
0x4e: {  	_ =	shalt  }
0x4f: {  	_ =	shalt  }
0x50: {  	_ =	shalt  }
0x51: {  	_ =	shalt  }
0x52: {  	_ =	shalt  }
0x53: {  	_ =	shalt  }
0x54: {  	_ =	shalt  }
0x55: {  	_ =	shalt  }
0x56: {  	_ =	shalt  }
0x57: {  	_ =	shalt  }
0x58: {  	_ =	shalt  }
0x59: {  	_ =	shalt  }
0x5a: {  	_ =	shalt  }
0x5b: {  	_ =	shalt  }
0x5c: {  	_ =	shalt  }
0x5d: {  	_ =	shalt  }
0x5e: {  	_ =	shalt  }
0x5f: {  	_ =	shalt  }
0x60: {  	_ =	shalt  }
0x61: {  	_ =	shalt  }
0x62: {  	_ =	shalt  }
0x63: {  	_ =	shalt  }
0x64: {  	_ =	shalt  }
0x65: {  	_ =	shalt  }
0x66: {  	_ =	shalt  }
0x67: {  	_ =	shalt  }
0x68: {  	_ =	shalt  }
0x69: {  	_ =	shalt  }
0x6a: {  	_ =	shalt  }
0x6b: {  	_ =	shalt  }
0x6c: {  	_ =	shalt  }
0x6d: {  	_ =	shalt  }
0x6e: {  	_ =	shalt  }
0x6f: {  	_ =	shalt  }
0x70: {  	_ =	shalt  }
0x71: {  	_ =	shalt  }
0x72: {  	_ =	shalt  }
0x73: {  	_ =	shalt  }
0x74: {  	_ =	shalt  }
0x75: {  	_ =	shalt  }
0x76: {  	_ =	shalt  }
0x77: {  	_ =	shalt  }
0x78: {  	_ =	shalt  }
0x79: {  	_ =	shalt  }
0x7a: {  	_ =	shalt  }
0x7b: {  	_ =	shalt  }
0x7c: {  	_ =	shalt  }
0x7d: {  	_ =	shalt  }
0x7e: {  	_ =	shalt  }
0x7f: {  	_ =	shalt  }
0x80: {  	_ =	shalt  }
0x81: {  	_ =	shalt  }
0x82: {  	_ =	shalt  }
0x83: {  	_ =	shalt  }
0x84: {  	_ =	shalt  }
0x85: {  	_ =	shalt  }
0x86: {  	_ =	shalt  }
0x87: {  	_ =	shalt  }
.Lfunc_end0:
.L_simem_size_0:
called_computation_lowered:
.L_overlay_start_0:
0x88: {  	s2 =	sld [smem:$0x3FD9]  }
0x89: {  	s3 =	sld [smem:$0x3FFE];
	_ =	sdelay $0x1  }
0x8a: {  	s1 =	srdreg.scid  }
0x8b: {  	s0 =	sand.u32 $0x1, s1  }
0x8c: {  	s17 =	sshll.u32 s0, $0xA;
	s2 =	sadd.s32 s3, s2  }
0x8d: {  	s2 =	sadd.s32 s2, s17  }
0x8e: {  	[smem:$0x3FC3] =	sst s2  }
0x8f: {  	_ = 	snop  }
0x90: {  	s2 =	sld [smem:$0x3FC9]  }
0x91: {  	s18 =	sld [smem:$0x3FC8]  }
0x92: {  	s4 =	sld [smem:$0x3FC7]  }
0x93: {  	s5 =	sld [smem:$0x3FC6];
	(tm) =	ssettm $0x1  }
0x94: {  	s6 =	sld [smem:$0x3FFB];
	_ =	sdelay $0x3  }
0x95: {  	_ =	strace s6  }
0x96: {  	s6 =	sld [smem:$0x3FFC];
	_ =	sdelay $0x3  }
0x97: {  	_ =	strace s6  }
0x98: {  	s6 =	sld [smem:$0x3FFD];
	_ =	sdelay $0x3  }
0x99: {  	_ =	strace s6  }
0x9a: {  	_ =	strace $0x8FFFFFFF  }
0x9b: {  	s19 =	sld [smem:$0x3FDB];
	_ =	sdelay $0x1  }
0x9c: {  	s7 =	simm.s32 $_scs_section_size  }
0x9d: {  	s8 =	simm.s32 $_size__tile_overlayer_lowered;
	s9 =	simm.s32 $_tile_overlayer_lowered  }
0x9e: {  	s22 =	simm.s32 $0x1BFF;
	s21 =	sshll.u32 s9, $0x1;
	s6 =	sadd.s32 s7, s19  }
0x9f: {  	s10 =	simm.s32 $0x0;
	s20 =	sshll.u32 s8, $0x1;
	s8 =	sadd.s32 s21, s6  }
0xa0: {  	[timem:s10], [sflag:s22] =	dma.local [hbm:s8], s20  }
0xa1: {  	_ =	swait.ge [sflag:s22], s20  }
0xa2: {  	s7 =	ssub.s32 $0x0, s20;
	[sflag:s22] =	ssyncset.done $0x0  }
0xa3: {  	[sflag:s22] =	ssyncadd.s32 s7;
	_ =	sdelay $0x1  }
0xa4: {  	s23 =	simm.s32 $0x1B8B  }
0xa5: {  	_ =	swait.ge [sflag:s23], $0x1  }
0xa6: {  	[sflag:s23] =	ssyncset.done $0x0  }
0xa7: {  	s25 =	simm.s32 $0x1B8E;
	s24 =	sld [smem:$0x3FFE];
	[sflag:s23] =	ssyncadd.s32 $0xFFFFFFFF  }
0xa8: {  	s26 =	simm.s32 $execute0_lowered;
	[smem:$0x3FD2] =	sst s25  }
0xa9: {  	s8 =	sshll.u32 s26, $0x1;
	_ =	strace $0x80000046;
	[dreg:$0x1] =	wrdreg $0xFFFFFFFF  }
0xaa: {  	s28 =	simm.s32 $_size_execute0_lowered;
	s6 =	sadd.s32 s6, s8;
	[dreg:$0x0] =	wrdreg $0x0  }
0xab: {  	s8 =	sshll.u32 s28, $0x1;
	[dreg:$0x2] =	wrdreg s6  }
0xac: {  	[dreg:$0x3] =	wrdreg s8  }
0xad: {  	[dreg:$0x4] =	wrdreg $0xC0  }
0xae: {  	_ =	task [dreg:s10], $0x5FFFF  }
0xaf: {  	[dreg:$0x1] =	wrdreg $0xFFFFFFFF  }
0xb0: {  	[dreg:$0x0] =	wrdreg $0x60  }
0xb1: {  	[dreg:$0x2] =	wrdreg s2  }
0xb2: {  	[dreg:$0x3] =	wrdreg s18  }
0xb3: {  	[dreg:$0x4] =	wrdreg s4  }
0xb4: {  	[dreg:$0x5] =	wrdreg s5  }
0xb5: {  	[dreg:$0x6] =	wrdreg s24  }
0xb6: {  	[dreg:$0x7] =	wrdreg $0x16000  }
0xb7: {  	[dreg:$0x8] =	wrdreg $0x10A280  }
0xb8: {  	[dreg:$0x9] =	wrdreg $0x9  }
0xb9: {  	_ =	task.clear_ibuf [dreg:s10], $0xAFFFF;
	_ =	strace $0x90000046  }
0xba: {  	s29 =	simm.s32 $0x9;
	_ =	strace $0x80000048  }
0xbb: {  	_ =	swait.ge [sflag:s29], $0x1  }
0xbc: {  	[sflag:s29] =	ssyncadd.s32 $0xFFFFFFFF  }
0xbd: {  	_ =	strace $0x90000048  }
0xbe: {  	_ =	sfence  }
0xbf: {  	s30 =	sld [smem:$0x0];
	_ =	sdelay $0x2  }
0xc0: {  	s31 =	sshll.u32 s1, $0xD;
	s1 =	sshrl.u32 s1, $0x2  }
0xc1: {  	s3 =	sand.u32 $0x4000, s31;
	s1 =	sadd.s32 s1, s30  }
0xc2: {  	s0 =	sor.u32 s3, s0;
	s1 =	sshll.u32 s1, $0x11  }
0xc3: {  	s0 =	sor.u32 s1, s0  }
0xc4: {  	s0 =	sadd.s32 $0x8F2B, s0  }
0xc5: {  	[sflag:s0] =	ssyncadd.remote.s32 $0x1  }
0xc6: {  	_ =	sfence.sel $0xFFFF  }
0xc7: {  	[dreg:$0x0] =	wrdreg $0xFFFFFFFF;
	(pc) =	sbr.abs _section_cstart, $3  }
0xc8: {  	[dreg:$0x1] =	wrdreg $0xFFFFFFFF  }
0xc9: {  	_ =	task.clear_ibuf [dreg:s10], $0x2FFFF;
	_ =	strace $0x9FFFFFFF  }
0xca: {  	(tm) =	ssettm $0x7FFFFFFF  }
0xcb: {  	_ =	shalt  }
tec
execute0_lowered:
.L_overlay_start_1:
0x0: {  	(tag) =	ssettag $0x1  }
0x1: {  	s0 =	rddreg [dreg:$0x0]  }
0x2: {  	s6 =	rddreg [dreg:$0x1]  }
0x3: {  	s1 =	rddreg [dreg:$0x2]  }
0x4: {  	s18 =	rddreg [dreg:$0x3]  }
0x5: {  	s7 =	rddreg [dreg:$0x4]  }
0x6: {  	s3 =	rddreg [dreg:$0x5]  }
0x7: {  	s4 =	rddreg [dreg:$0x6];
	s5 =	simm.s32 $0x0;
	s8 =	srdreg.scid  }
0x8: {  	s9 =	stileid.u32;
	s19 =	simm.s32 $0x400;
	s20 =	simm.s32 $0xC00  }
0x9: {  	s21 =	simm.s32 $0x100;
	s28 =	simm.s32 $0x500;
	s29 =	simm.s32 $0x600  }
0xa: {  	s30 =	simm.s32 $0x700;
	[smem:$0x7FF] =	sst s5;
	s8 =	sand.u32 $0x1, s8  }
0xb: {  	s10 =	sshll.u32 s9, $0x7;
	s22 =	sshll.u32 s9, $0x8;
	p0 =	sne.s32 s9, $0x0  }
0xc: {  	p1 =	seq.s32 s9, $0x0;
	_ =	strace $0x80000047;
	s11 =	ssub.s32 $0x2, s8  }
0xd: {  	s7 =	sadd.s32 s10, s7;
	s13 =	smul.u32 $0x3D0A00, s8;
	s14 =	sshll.u32 s8, $0x5  }
0xe: {  	s0 =	sadd.s32 s0, s22;
	s24 =	sshll.u32 s8, $0xB;
	s6 =	sadd.s32 s6, s10  }
0xf: {  	s22 =	simm.s32 $0x1000;
	s12 =	sshrl.u32 s11, $0x1;
	[dreg:$0x8] =	wrdreg s0  }
0x10: {  	[dreg:$0xa] =	wrdreg s6;
	s0 =	sadd.s32 s24, s7;
	s31 =	sor.u32 $0x3, s14  }
0x11: {  	s14 =	simm.s32 $0x3;
	s23 =	sadd.s32 s1, s13;
	[dreg:$0xe] =	wrdreg s31  }
0x12: {  	s24 =	simm.s32 $0x2;
	s0 =	sadd.s32 $0x800, s0;
	[dreg:$0x9] =	wrdreg s23  }
0x13: {  	s11 =	ssub.s32 s11, s12;
	s25 =	sadd.s32 $0x10, s23;
	[dreg:$0xc] =	wrdreg s0  }
0x14: {  	s6 =	simm.s32 $0x0;
	s26 =	smax.u32 s11, $0x1;
	[dreg:$0xb] =	wrdreg s25  }
0x15: {  	s12 =	sshll.u32 s8, $0xC;
	s0 =	sshrl.u32 @!p0 s3, $0x3;
	[dreg:$0xd] =	wrdreg s26  }
0x16: {  	s23 =	simm.s32 $0x1100;
	[dreg:$0xf] =	wrdreg s0;
	s0 =	sshrl.u32 @!p0 s4, $0x3  }
0x17: {  	v0 =	vimm.f32 $0.0e+00;
	s25 =	simm.s32 $0x200;
	s26 =	simm.s32 $0x300;
	[dreg:$0x10] =	wrdreg s0  }
.LBB2_1:
0x18: {  	[dreg:$0x11] =	wrdreg s6  }
0x19: {  	s0 =	rddreg [dreg:$0x8]  }
0x1a: {  	[tilespmem:s5], [sflag:$0x3] =	stream.linear.gather [hbm4b:s0+s5], $0x800, $0x38;
	[tilespmem:$0x1FE50] =	vst v63  }
0x1b: {  	_ =	swait.ge [sflag:s14], $0x800  }
0x1c: {  	[sflag:s14] =	ssyncset.done $0x0  }
0x1d: {  	s31 =	simm.s32 $0x800;
	s17 =	rddreg [dreg:$0xa];
	[sflag:s14] =	ssyncadd.s32 $0xFFFFF800  }
0x1e: {  	[tilespmem:s31], [sflag:$0x3] =	stream.linear.gather [hbm4b:s17+s5], $0x400, $0x38;
	[tilespmem:$0x1FE50] =	vst v63  }
0x1f: {  	_ =	swait.ge [sflag:s14], $0x400  }
0x20: {  	[sflag:s14] =	ssyncset.done $0x0  }
0x21: {  	[sflag:s14] =	ssyncadd.s32 $0xFFFFFC00  }
0x22: {  	[tilespmem:$0x1200] =	vst v0  }
0x23: {  	[tilespmem:$0x1210] =	vst v0  }
0x24: {  	[tilespmem:$0x1220] =	vst v0  }
0x25: {  	[tilespmem:$0x1230] =	vst v0  }
0x26: {  	[tilespmem:$0x1240] =	vst v0  }
0x27: {  	[tilespmem:$0x1250] =	vst v0  }
0x28: {  	[tilespmem:$0x1260] =	vst v0  }
0x29: {  	[tilespmem:$0x1270] =	vst v0  }
0x2a: {  	[tilespmem:$0x1280] =	vst v0  }
0x2b: {  	[tilespmem:$0x1290] =	vst v0  }
0x2c: {  	[tilespmem:$0x12A0] =	vst v0  }
0x2d: {  	[tilespmem:$0x12B0] =	vst v0  }
0x2e: {  	[tilespmem:$0x12C0] =	vst v0  }
0x2f: {  	[tilespmem:$0x12D0] =	vst v0  }
0x30: {  	[tilespmem:$0x12E0] =	vst v0  }
0x31: {  	[tilespmem:$0x12F0] =	vst v0  }
0x32: {  	[tilespmem:$0x1300] =	vst v0  }
0x33: {  	[tilespmem:$0x1310] =	vst v0  }
0x34: {  	[tilespmem:$0x1320] =	vst v0  }
0x35: {  	[tilespmem:$0x1330] =	vst v0  }
0x36: {  	[tilespmem:$0x1340] =	vst v0  }
0x37: {  	[tilespmem:$0x1350] =	vst v0  }
0x38: {  	[tilespmem:$0x1360] =	vst v0  }
0x39: {  	[tilespmem:$0x1370] =	vst v0  }
0x3a: {  	[tilespmem:$0x1380] =	vst v0  }
0x3b: {  	[tilespmem:$0x1390] =	vst v0  }
0x3c: {  	[tilespmem:$0x13A0] =	vst v0  }
0x3d: {  	[tilespmem:$0x13B0] =	vst v0  }
0x3e: {  	[tilespmem:$0x13C0] =	vst v0  }
0x3f: {  	[tilespmem:$0x13D0] =	vst v0  }
0x40: {  	[tilespmem:$0x13E0] =	vst v0  }
0x41: {  	[tilespmem:$0x13F0] =	vst v0  }
0x42: {  	[tilespmem:$0x1400] =	vst v0  }
0x43: {  	[tilespmem:$0x1410] =	vst v0  }
0x44: {  	[tilespmem:$0x1420] =	vst v0  }
0x45: {  	[tilespmem:$0x1430] =	vst v0  }
0x46: {  	[tilespmem:$0x1440] =	vst v0  }
0x47: {  	[tilespmem:$0x1450] =	vst v0  }
0x48: {  	[tilespmem:$0x1460] =	vst v0  }
0x49: {  	[tilespmem:$0x1470] =	vst v0  }
0x4a: {  	[tilespmem:$0x1480] =	vst v0  }
0x4b: {  	[tilespmem:$0x1490] =	vst v0  }
0x4c: {  	[tilespmem:$0x14A0] =	vst v0  }
0x4d: {  	[tilespmem:$0x14B0] =	vst v0  }
0x4e: {  	[tilespmem:$0x14C0] =	vst v0  }
0x4f: {  	[tilespmem:$0x14D0] =	vst v0  }
0x50: {  	[tilespmem:$0x14E0] =	vst v0  }
0x51: {  	[tilespmem:$0x14F0] =	vst v0  }
0x52: {  	[tilespmem:$0x1500] =	vst v0  }
0x53: {  	[tilespmem:$0x1510] =	vst v0  }
0x54: {  	[tilespmem:$0x1520] =	vst v0  }
0x55: {  	[tilespmem:$0x1530] =	vst v0  }
0x56: {  	[tilespmem:$0x1540] =	vst v0  }
0x57: {  	[tilespmem:$0x1550] =	vst v0  }
0x58: {  	[tilespmem:$0x1560] =	vst v0  }
0x59: {  	[tilespmem:$0x1570] =	vst v0  }
0x5a: {  	[tilespmem:$0x1580] =	vst v0  }
0x5b: {  	[tilespmem:$0x1590] =	vst v0  }
0x5c: {  	[tilespmem:$0x15A0] =	vst v0  }
0x5d: {  	[tilespmem:$0x15B0] =	vst v0  }
0x5e: {  	[tilespmem:$0x15C0] =	vst v0  }
0x5f: {  	[tilespmem:$0x15D0] =	vst v0  }
0x60: {  	s15 =	simm.s32 @!p0 $0x1;
	s6 =	simm.s32 @!p0 $0x10;
	s0 =	rddreg [dreg:$0x9];
	[tilespmem:$0x15E0] =	vst v0  }
0x61: {  	s7 =	simm.s32 @!p0 $0x80;
	s8 =	simm.s32 @!p0 $0x1C01;
	s9 =	rddreg [dreg:$0xf];
	[tilespmem:$0x15F0] =	vst v0  }
0x62: {  	[spmem:s9@s6], [sflag:s8] =	dma.strided @!p0 [hbm:s0@s7], $0x1E850, s15, $0x10   }
0x63: {  	s0 =	rddreg [dreg:$0xb]  }
0x64: {  	s9 =	rddreg [dreg:$0x10]  }
0x65: {  	[spmem:s9@s6], [sflag:s8] =	dma.strided @!p0 [hbm:s0@s7], $0x1E850, s15, $0x10   }
0x66: {  	s6 =	simm.s32 $0x0;
	s8 =	simm.s32 $0x0;
	s13 =	rddreg [dreg:$0xe]  }
.LBB2_2:
0x67: {  	s7 =	sadd.s32 s8, s12;
	s10 =	sand.u32 $0x60, s6  }
0x68: {  	s9 =	sand.u32 $0x1C00, s7;
	s31 =	sadd.s32 s18, s10  }
0x69: {  	s0 =	simm.s32 $0x80;
	s7 =	sadd.s32 s9, s31  }
0x6a: {  	[tilespmem:s20], [sflag:$0x3] =	stream.strided.gather [hbm4b:s7+s0], $0x400, s19, s0, $0x38;
	[tilespmem:$0x1FE50] =	vst v63  }
0x6b: {  	_ =	swait.ge [sflag:s14], $0x400  }
0x6c: {  	[sflag:s14] =	ssyncset.done $0x0  }
0x6d: {  	[sflag:s14] =	ssyncadd.s32 $0xFFFFFC00  }
0x6e: {  	_ =	swait.ge @!p0 [sflag:s15], $0x1E850  }
0x6f: {  	[sflag:s15] =	ssyncset.done @!p0 $0x0  }
0x70: {  	[sflag:s15] =	ssyncadd.s32 @!p0 $0xFFFE17B0  }
0x71: {  	[bflag:$0x0] =	sbarrier.arrive $0xFFFF  }
0x72: {  	[tilespmem:s22], [sflag:$0x2] =	stream.indirect.gather [spmem:s3], $0x1, s5, s21, $0xb8;
	[tilespmem:$0x1FE50] =	vst v63  }
0x73: {  	_ = 	snop  }
0x74: {  	[tilespmem:s23], [sflag:$0x2] =	stream.indirect.gather [spmem:s3], $0x1, s21, s21, $0xb8;
	[tilespmem:$0x1FE50] =	vst v63  }
0x75: {  	_ =	swait.ge [sflag:s24], $0x100  }
0x76: {  	[sflag:s24] =	ssyncset.done $0x0  }
0x77: {  	[sflag:s24] =	ssyncadd.s32 $0xFFFFFF00  }
0x78: {  	v1 =	vld [tilespmem:$0x800];
	_ =	sdelay $0x6  }
0x79: {  	v2 =	vld [tilespmem:$0x1000]  }
0x7a: {  	v1 =	vld.idx.msk [tilespmem:v1+s20+$0x0], $0xffff;
	_ =	sdelay $0x1  }
0x7b: {  	v3 =	vld [tilespmem:$0x1080];
	_ =	sdelay $0x1  }
0x7c: {  	v4 =	vld [tilespmem:$0x1200]  }
0x7d: {  	v1 =	vadd.f32 v1, v2;
	v2 =	vld [tilespmem:$0x810];
	_ =	sdelay $0x1  }
0x7e: {  	v1 =	vsub.f32 v1, v3;
	_ =	sdelay $0x1  }
0x7f: {  	v1 =	vand.u32 $0x7FFFFFFF, v1  }
0x80: {  	v1 =	vadd.f32 v1, v4;
	_ =	sdelay $0x1  }
0x81: {  	[tilespmem:$0x1200] =	vst v1;
	v1 =	vld [tilespmem:$0x1010]  }
0x82: {  	v2 =	vld.idx.msk [tilespmem:v2+s20+$0x0], $0xffff;
	_ =	sdelay $0x1  }
0x83: {  	v3 =	vld [tilespmem:$0x1090];
	_ =	sdelay $0x1  }
0x84: {  	v49 =	vld [tilespmem:$0x1210]  }
0x85: {  	v1 =	vadd.f32 v2, v1;
	v2 =	vld [tilespmem:$0x820];
	_ =	sdelay $0x1  }
0x86: {  	v1 =	vsub.f32 v1, v3;
	_ =	sdelay $0x1  }
0x87: {  	v1 =	vand.u32 $0x7FFFFFFF, v1  }
0x88: {  	v1 =	vadd.f32 v1, v49;
	_ =	sdelay $0x1  }
0x89: {  	[tilespmem:$0x1210] =	vst v1;
	v1 =	vld [tilespmem:$0x1020]  }
0x8a: {  	v2 =	vld.idx.msk [tilespmem:v2+s20+$0x0], $0xffff;
	_ =	sdelay $0x1  }
0x8b: {  	v3 =	vld [tilespmem:$0x10A0];
	_ =	sdelay $0x1  }
0x8c: {  	v50 =	vld [tilespmem:$0x1220]  }
0x8d: {  	v1 =	vadd.f32 v2, v1;
	v2 =	vld [tilespmem:$0x830];
	_ =	sdelay $0x1  }
0x8e: {  	v1 =	vsub.f32 v1, v3;
	_ =	sdelay $0x1  }
0x8f: {  	v1 =	vand.u32 $0x7FFFFFFF, v1  }
0x90: {  	v1 =	vadd.f32 v1, v50;
	_ =	sdelay $0x1  }
0x91: {  	[tilespmem:$0x1220] =	vst v1;
	v1 =	vld [tilespmem:$0x1030]  }
0x92: {  	v2 =	vld.idx.msk [tilespmem:v2+s20+$0x0], $0xffff;
	_ =	sdelay $0x1  }
0x93: {  	v3 =	vld [tilespmem:$0x10B0];
	_ =	sdelay $0x1  }
0x94: {  	v51 =	vld [tilespmem:$0x1230]  }
0x95: {  	v1 =	vadd.f32 v2, v1;
	v2 =	vld [tilespmem:$0x840];
	_ =	sdelay $0x1  }
0x96: {  	v1 =	vsub.f32 v1, v3;
	_ =	sdelay $0x1  }
0x97: {  	v1 =	vand.u32 $0x7FFFFFFF, v1  }
0x98: {  	v1 =	vadd.f32 v1, v51;
	_ =	sdelay $0x1  }
0x99: {  	[tilespmem:$0x1230] =	vst v1;
	v1 =	vld [tilespmem:$0x1040]  }
0x9a: {  	v2 =	vld.idx.msk [tilespmem:v2+s20+$0x0], $0xffff;
	_ =	sdelay $0x1  }
0x9b: {  	v3 =	vld [tilespmem:$0x10C0];
	_ =	sdelay $0x1  }
0x9c: {  	v52 =	vld [tilespmem:$0x1240]  }
0x9d: {  	v1 =	vadd.f32 v2, v1;
	v2 =	vld [tilespmem:$0x850];
	_ =	sdelay $0x1  }
0x9e: {  	v1 =	vsub.f32 v1, v3;
	_ =	sdelay $0x1  }
0x9f: {  	v1 =	vand.u32 $0x7FFFFFFF, v1  }
0xa0: {  	v1 =	vadd.f32 v1, v52;
	_ =	sdelay $0x1  }
0xa1: {  	[tilespmem:$0x1240] =	vst v1;
	v1 =	vld [tilespmem:$0x1050]  }
0xa2: {  	v2 =	vld.idx.msk [tilespmem:v2+s20+$0x0], $0xffff;
	_ =	sdelay $0x1  }
0xa3: {  	v3 =	vld [tilespmem:$0x10D0];
	_ =	sdelay $0x1  }
0xa4: {  	v53 =	vld [tilespmem:$0x1250]  }
0xa5: {  	v1 =	vadd.f32 v2, v1;
	v2 =	vld [tilespmem:$0x860];
	_ =	sdelay $0x1  }
0xa6: {  	v1 =	vsub.f32 v1, v3;
	_ =	sdelay $0x1  }
0xa7: {  	v1 =	vand.u32 $0x7FFFFFFF, v1  }
0xa8: {  	v1 =	vadd.f32 v1, v53;
	_ =	sdelay $0x1  }
0xa9: {  	[tilespmem:$0x1250] =	vst v1;
	v1 =	vld [tilespmem:$0x1060]  }
0xaa: {  	v2 =	vld.idx.msk [tilespmem:v2+s20+$0x0], $0xffff;
	_ =	sdelay $0x1  }
0xab: {  	v3 =	vld [tilespmem:$0x10E0];
	_ =	sdelay $0x1  }
0xac: {  	v54 =	vld [tilespmem:$0x1260]  }
0xad: {  	v1 =	vadd.f32 v2, v1;
	v2 =	vld [tilespmem:$0x870];
	_ =	sdelay $0x1  }
0xae: {  	v1 =	vsub.f32 v1, v3;
	_ =	sdelay $0x1  }
0xaf: {  	v1 =	vand.u32 $0x7FFFFFFF, v1  }
0xb0: {  	v1 =	vadd.f32 v1, v54;
	_ =	sdelay $0x1  }
0xb1: {  	[tilespmem:$0x1260] =	vst v1;
	v1 =	vld [tilespmem:$0x1070]  }
0xb2: {  	v2 =	vld.idx.msk [tilespmem:v2+s20+$0x0], $0xffff;
	_ =	sdelay $0x1  }
0xb3: {  	v3 =	vld [tilespmem:$0x10F0];
	_ =	sdelay $0x2  }
0xb4: {  	v55 =	vld [tilespmem:$0x1270];
	v1 =	vadd.f32 v2, v1;
	_ =	sdelay $0x1  }
0xb5: {  	v1 =	vsub.f32 v1, v3;
	_ =	sdelay $0x1  }
0xb6: {  	v1 =	vand.u32 $0x7FFFFFFF, v1  }
0xb7: {  	v1 =	vadd.f32 v1, v55;
	_ =	sdelay $0x1  }
0xb8: {  	[tilespmem:$0x1270] =	vst v1  }
0xb9: {  	[tilespmem:s22], [sflag:$0x2] =	stream.indirect.gather [spmem:s3], $0x1, s25, s21, $0xb8;
	[tilespmem:$0x1FE50] =	vst v63  }
0xba: {  	_ =	swait.ge [sflag:s24], $0x100  }
0xbb: {  	[sflag:s24] =	ssyncset.done $0x0  }
0xbc: {  	[sflag:s24] =	ssyncadd.s32 $0xFFFFFF00  }
0xbd: {  	v1 =	vld [tilespmem:$0x880];
	_ =	sdelay $0x6  }
0xbe: {  	v2 =	vld [tilespmem:$0x1100]  }
0xbf: {  	v1 =	vld.idx.msk [tilespmem:v1+s20+$0x0], $0xffff;
	_ =	sdelay $0x1  }
0xc0: {  	v3 =	vld [tilespmem:$0x1180];
	_ =	sdelay $0x1  }
0xc1: {  	v56 =	vld [tilespmem:$0x1280]  }
0xc2: {  	v1 =	vadd.f32 v1, v2;
	v2 =	vld [tilespmem:$0x890];
	_ =	sdelay $0x1  }
0xc3: {  	v1 =	vsub.f32 v1, v3;
	_ =	sdelay $0x1  }
0xc4: {  	v1 =	vand.u32 $0x7FFFFFFF, v1  }
0xc5: {  	v1 =	vadd.f32 v1, v56;
	_ =	sdelay $0x1  }
0xc6: {  	[tilespmem:$0x1280] =	vst v1;
	v1 =	vld [tilespmem:$0x1110]  }
0xc7: {  	v2 =	vld.idx.msk [tilespmem:v2+s20+$0x0], $0xffff;
	_ =	sdelay $0x1  }
0xc8: {  	v3 =	vld [tilespmem:$0x1190];
	_ =	sdelay $0x1  }
0xc9: {  	v57 =	vld [tilespmem:$0x1290]  }
0xca: {  	v1 =	vadd.f32 v2, v1;
	v2 =	vld [tilespmem:$0x8A0];
	_ =	sdelay $0x1  }
0xcb: {  	v1 =	vsub.f32 v1, v3;
	_ =	sdelay $0x1  }
0xcc: {  	v1 =	vand.u32 $0x7FFFFFFF, v1  }
0xcd: {  	v1 =	vadd.f32 v1, v57;
	_ =	sdelay $0x1  }
0xce: {  	[tilespmem:$0x1290] =	vst v1;
	v1 =	vld [tilespmem:$0x1120]  }
0xcf: {  	v2 =	vld.idx.msk [tilespmem:v2+s20+$0x0], $0xffff;
	_ =	sdelay $0x1  }
0xd0: {  	v3 =	vld [tilespmem:$0x11A0];
	_ =	sdelay $0x1  }
0xd1: {  	v58 =	vld [tilespmem:$0x12A0]  }
0xd2: {  	v1 =	vadd.f32 v2, v1;
	v2 =	vld [tilespmem:$0x8B0];
	_ =	sdelay $0x1  }
0xd3: {  	v1 =	vsub.f32 v1, v3;
	_ =	sdelay $0x1  }
0xd4: {  	v1 =	vand.u32 $0x7FFFFFFF, v1  }
0xd5: {  	v1 =	vadd.f32 v1, v58;
	_ =	sdelay $0x1  }
0xd6: {  	[tilespmem:$0x12A0] =	vst v1;
	v1 =	vld [tilespmem:$0x1130]  }
0xd7: {  	v2 =	vld.idx.msk [tilespmem:v2+s20+$0x0], $0xffff;
	_ =	sdelay $0x1  }
0xd8: {  	v3 =	vld [tilespmem:$0x11B0];
	_ =	sdelay $0x1  }
0xd9: {  	v59 =	vld [tilespmem:$0x12B0]  }
0xda: {  	v1 =	vadd.f32 v2, v1;
	v2 =	vld [tilespmem:$0x8C0];
	_ =	sdelay $0x1  }
0xdb: {  	v1 =	vsub.f32 v1, v3;
	_ =	sdelay $0x1  }
0xdc: {  	v1 =	vand.u32 $0x7FFFFFFF, v1  }
0xdd: {  	v1 =	vadd.f32 v1, v59;
	_ =	sdelay $0x1  }
0xde: {  	[tilespmem:$0x12B0] =	vst v1;
	v1 =	vld [tilespmem:$0x1140]  }
0xdf: {  	v2 =	vld.idx.msk [tilespmem:v2+s20+$0x0], $0xffff;
	_ =	sdelay $0x1  }
0xe0: {  	v3 =	vld [tilespmem:$0x11C0];
	_ =	sdelay $0x1  }
0xe1: {  	v60 =	vld [tilespmem:$0x12C0]  }
0xe2: {  	v1 =	vadd.f32 v2, v1;
	v2 =	vld [tilespmem:$0x8D0];
	_ =	sdelay $0x1  }
0xe3: {  	v1 =	vsub.f32 v1, v3;
	_ =	sdelay $0x1  }
0xe4: {  	v1 =	vand.u32 $0x7FFFFFFF, v1  }
0xe5: {  	v1 =	vadd.f32 v1, v60;
	_ =	sdelay $0x1  }
0xe6: {  	[tilespmem:$0x12C0] =	vst v1;
	v1 =	vld [tilespmem:$0x1150]  }
0xe7: {  	v2 =	vld.idx.msk [tilespmem:v2+s20+$0x0], $0xffff;
	_ =	sdelay $0x1  }
0xe8: {  	v3 =	vld [tilespmem:$0x11D0];
	_ =	sdelay $0x1  }
0xe9: {  	v61 =	vld [tilespmem:$0x12D0]  }
0xea: {  	v1 =	vadd.f32 v2, v1;
	v2 =	vld [tilespmem:$0x8E0];
	_ =	sdelay $0x1  }
0xeb: {  	v1 =	vsub.f32 v1, v3;
	_ =	sdelay $0x1  }
0xec: {  	v1 =	vand.u32 $0x7FFFFFFF, v1  }
0xed: {  	v1 =	vadd.f32 v1, v61;
	_ =	sdelay $0x1  }
0xee: {  	[tilespmem:$0x12D0] =	vst v1;
	v1 =	vld [tilespmem:$0x1160]  }
0xef: {  	v2 =	vld.idx.msk [tilespmem:v2+s20+$0x0], $0xffff;
	_ =	sdelay $0x1  }
0xf0: {  	v3 =	vld [tilespmem:$0x11E0];
	_ =	sdelay $0x1  }
0xf1: {  	v62 =	vld [tilespmem:$0x12E0]  }
0xf2: {  	v1 =	vadd.f32 v2, v1;
	v2 =	vld [tilespmem:$0x8F0];
	_ =	sdelay $0x1  }
0xf3: {  	v1 =	vsub.f32 v1, v3;
	_ =	sdelay $0x1  }
0xf4: {  	v1 =	vand.u32 $0x7FFFFFFF, v1  }
0xf5: {  	v1 =	vadd.f32 v1, v62;
	_ =	sdelay $0x1  }
0xf6: {  	[tilespmem:$0x12E0] =	vst v1;
	v1 =	vld [tilespmem:$0x1170]  }
0xf7: {  	v2 =	vld.idx.msk [tilespmem:v2+s20+$0x0], $0xffff;
	_ =	sdelay $0x1  }
0xf8: {  	v3 =	vld [tilespmem:$0x11F0];
	_ =	sdelay $0x2  }
0xf9: {  	v63 =	vld [tilespmem:$0x12F0];
	v1 =	vadd.f32 v2, v1;
	_ =	sdelay $0x1  }
0xfa: {  	v1 =	vsub.f32 v1, v3;
	_ =	sdelay $0x1  }
0xfb: {  	v1 =	vand.u32 $0x7FFFFFFF, v1  }
0xfc: {  	v1 =	vadd.f32 v1, v63;
	_ =	sdelay $0x1  }
0xfd: {  	[tilespmem:$0x12F0] =	vst v1  }
0xfe: {  	[tilespmem:s23], [sflag:$0x2] =	stream.indirect.gather [spmem:s3], $0x1, s26, s21, $0xb8;
	[tilespmem:$0x1FE50] =	vst v63  }
0xff: {  	_ =	swait.ge [sflag:s24], $0x100  }
0x100: {  	[sflag:s24] =	ssyncset.done $0x0  }
0x101: {  	[sflag:s24] =	ssyncadd.s32 $0xFFFFFF00  }
0x102: {  	v1 =	vld [tilespmem:$0x900];
	_ =	sdelay $0x6  }
0x103: {  	v2 =	vld [tilespmem:$0x1000]  }
0x104: {  	v1 =	vld.idx.msk [tilespmem:v1+s20+$0x0], $0xffff;
	_ =	sdelay $0x1  }
0x105: {  	v3 =	vld [tilespmem:$0x1080];
	_ =	sdelay $0x1  }
0x106: {  	v8 =	vld [tilespmem:$0x1300]  }
0x107: {  	v1 =	vadd.f32 v1, v2;
	v2 =	vld [tilespmem:$0x910];
	_ =	sdelay $0x1  }
0x108: {  	v1 =	vsub.f32 v1, v3;
	_ =	sdelay $0x1  }
0x109: {  	v1 =	vand.u32 $0x7FFFFFFF, v1  }
0x10a: {  	v1 =	vadd.f32 v1, v8;
	_ =	sdelay $0x1  }
0x10b: {  	[tilespmem:$0x1300] =	vst v1;
	v1 =	vld [tilespmem:$0x1010]  }
0x10c: {  	v2 =	vld.idx.msk [tilespmem:v2+s20+$0x0], $0xffff;
	_ =	sdelay $0x1  }
0x10d: {  	v3 =	vld [tilespmem:$0x1090];
	_ =	sdelay $0x1  }
0x10e: {  	v9 =	vld [tilespmem:$0x1310]  }
0x10f: {  	v1 =	vadd.f32 v2, v1;
	v2 =	vld [tilespmem:$0x920];
	_ =	sdelay $0x1  }
0x110: {  	v1 =	vsub.f32 v1, v3;
	_ =	sdelay $0x1  }
0x111: {  	v1 =	vand.u32 $0x7FFFFFFF, v1  }
0x112: {  	v1 =	vadd.f32 v1, v9;
	_ =	sdelay $0x1  }
0x113: {  	[tilespmem:$0x1310] =	vst v1;
	v1 =	vld [tilespmem:$0x1020]  }
0x114: {  	v2 =	vld.idx.msk [tilespmem:v2+s20+$0x0], $0xffff;
	_ =	sdelay $0x1  }
0x115: {  	v3 =	vld [tilespmem:$0x10A0];
	_ =	sdelay $0x1  }
0x116: {  	v10 =	vld [tilespmem:$0x1320]  }
0x117: {  	v1 =	vadd.f32 v2, v1;
	v2 =	vld [tilespmem:$0x930];
	_ =	sdelay $0x1  }
0x118: {  	v1 =	vsub.f32 v1, v3;
	_ =	sdelay $0x1  }
0x119: {  	v1 =	vand.u32 $0x7FFFFFFF, v1  }
0x11a: {  	v1 =	vadd.f32 v1, v10;
	_ =	sdelay $0x1  }
0x11b: {  	[tilespmem:$0x1320] =	vst v1;
	v1 =	vld [tilespmem:$0x1030]  }
0x11c: {  	v2 =	vld.idx.msk [tilespmem:v2+s20+$0x0], $0xffff;
	_ =	sdelay $0x1  }
0x11d: {  	v3 =	vld [tilespmem:$0x10B0];
	_ =	sdelay $0x1  }
0x11e: {  	v11 =	vld [tilespmem:$0x1330]  }
0x11f: {  	v1 =	vadd.f32 v2, v1;
	v2 =	vld [tilespmem:$0x940];
	_ =	sdelay $0x1  }
0x120: {  	v1 =	vsub.f32 v1, v3;
	_ =	sdelay $0x1  }
0x121: {  	v1 =	vand.u32 $0x7FFFFFFF, v1  }
0x122: {  	v1 =	vadd.f32 v1, v11;
	_ =	sdelay $0x1  }
0x123: {  	[tilespmem:$0x1330] =	vst v1;
	v1 =	vld [tilespmem:$0x1040]  }
0x124: {  	v2 =	vld.idx.msk [tilespmem:v2+s20+$0x0], $0xffff;
	_ =	sdelay $0x1  }
0x125: {  	v3 =	vld [tilespmem:$0x10C0];
	_ =	sdelay $0x1  }
0x126: {  	v12 =	vld [tilespmem:$0x1340]  }
0x127: {  	v1 =	vadd.f32 v2, v1;
	v2 =	vld [tilespmem:$0x950];
	_ =	sdelay $0x1  }
0x128: {  	v1 =	vsub.f32 v1, v3;
	_ =	sdelay $0x1  }
0x129: {  	v1 =	vand.u32 $0x7FFFFFFF, v1  }
0x12a: {  	v1 =	vadd.f32 v1, v12;
	_ =	sdelay $0x1  }
0x12b: {  	[tilespmem:$0x1340] =	vst v1;
	v1 =	vld [tilespmem:$0x1050]  }
0x12c: {  	v2 =	vld.idx.msk [tilespmem:v2+s20+$0x0], $0xffff;
	_ =	sdelay $0x1  }
0x12d: {  	v3 =	vld [tilespmem:$0x10D0];
	_ =	sdelay $0x1  }
0x12e: {  	v13 =	vld [tilespmem:$0x1350]  }
0x12f: {  	v1 =	vadd.f32 v2, v1;
	v2 =	vld [tilespmem:$0x960];
	_ =	sdelay $0x1  }
0x130: {  	v1 =	vsub.f32 v1, v3;
	_ =	sdelay $0x1  }
0x131: {  	v1 =	vand.u32 $0x7FFFFFFF, v1  }
0x132: {  	v1 =	vadd.f32 v1, v13;
	_ =	sdelay $0x1  }
0x133: {  	[tilespmem:$0x1350] =	vst v1;
	v1 =	vld [tilespmem:$0x1060]  }
0x134: {  	v2 =	vld.idx.msk [tilespmem:v2+s20+$0x0], $0xffff;
	_ =	sdelay $0x1  }
0x135: {  	v3 =	vld [tilespmem:$0x10E0];
	_ =	sdelay $0x1  }
0x136: {  	v14 =	vld [tilespmem:$0x1360]  }
0x137: {  	v1 =	vadd.f32 v2, v1;
	v2 =	vld [tilespmem:$0x970];
	_ =	sdelay $0x1  }
0x138: {  	v1 =	vsub.f32 v1, v3;
	_ =	sdelay $0x1  }
0x139: {  	v1 =	vand.u32 $0x7FFFFFFF, v1  }
0x13a: {  	v1 =	vadd.f32 v1, v14;
	_ =	sdelay $0x1  }
0x13b: {  	[tilespmem:$0x1360] =	vst v1;
	v1 =	vld [tilespmem:$0x1070]  }
0x13c: {  	v2 =	vld.idx.msk [tilespmem:v2+s20+$0x0], $0xffff;
	_ =	sdelay $0x1  }
0x13d: {  	v3 =	vld [tilespmem:$0x10F0];
	_ =	sdelay $0x2  }
0x13e: {  	v15 =	vld [tilespmem:$0x1370];
	v1 =	vadd.f32 v2, v1;
	_ =	sdelay $0x1  }
0x13f: {  	v1 =	vsub.f32 v1, v3;
	_ =	sdelay $0x1  }
0x140: {  	v1 =	vand.u32 $0x7FFFFFFF, v1  }
0x141: {  	v1 =	vadd.f32 v1, v15;
	_ =	sdelay $0x1  }
0x142: {  	[tilespmem:$0x1370] =	vst v1  }
0x143: {  	[tilespmem:s22], [sflag:$0x2] =	stream.indirect.gather [spmem:s3], $0x1, s19, s21, $0xb8;
	[tilespmem:$0x1FE50] =	vst v63  }
0x144: {  	_ =	swait.ge [sflag:s24], $0x100  }
0x145: {  	[sflag:s24] =	ssyncset.done $0x0  }
0x146: {  	[sflag:s24] =	ssyncadd.s32 $0xFFFFFF00  }
0x147: {  	v1 =	vld [tilespmem:$0x980];
	_ =	sdelay $0x6  }
0x148: {  	v2 =	vld [tilespmem:$0x1100]  }
0x149: {  	v1 =	vld.idx.msk [tilespmem:v1+s20+$0x0], $0xffff;
	_ =	sdelay $0x1  }
0x14a: {  	v3 =	vld [tilespmem:$0x1180];
	_ =	sdelay $0x1  }
0x14b: {  	v16 =	vld [tilespmem:$0x1380]  }
0x14c: {  	v1 =	vadd.f32 v1, v2;
	v2 =	vld [tilespmem:$0x990];
	_ =	sdelay $0x1  }
0x14d: {  	v1 =	vsub.f32 v1, v3;
	_ =	sdelay $0x1  }
0x14e: {  	v1 =	vand.u32 $0x7FFFFFFF, v1  }
0x14f: {  	v1 =	vadd.f32 v1, v16;
	_ =	sdelay $0x1  }
0x150: {  	[tilespmem:$0x1380] =	vst v1;
	v1 =	vld [tilespmem:$0x1110]  }
0x151: {  	v2 =	vld.idx.msk [tilespmem:v2+s20+$0x0], $0xffff;
	_ =	sdelay $0x1  }
0x152: {  	v3 =	vld [tilespmem:$0x1190];
	_ =	sdelay $0x1  }
0x153: {  	v17 =	vld [tilespmem:$0x1390]  }
0x154: {  	v1 =	vadd.f32 v2, v1;
	v2 =	vld [tilespmem:$0x9A0];
	_ =	sdelay $0x1  }
0x155: {  	v1 =	vsub.f32 v1, v3;
	_ =	sdelay $0x1  }
0x156: {  	v1 =	vand.u32 $0x7FFFFFFF, v1  }
0x157: {  	v1 =	vadd.f32 v1, v17;
	_ =	sdelay $0x1  }
0x158: {  	[tilespmem:$0x1390] =	vst v1;
	v1 =	vld [tilespmem:$0x1120]  }
0x159: {  	v2 =	vld.idx.msk [tilespmem:v2+s20+$0x0], $0xffff;
	_ =	sdelay $0x1  }
0x15a: {  	v3 =	vld [tilespmem:$0x11A0];
	_ =	sdelay $0x1  }
0x15b: {  	v18 =	vld [tilespmem:$0x13A0]  }
0x15c: {  	v1 =	vadd.f32 v2, v1;
	v2 =	vld [tilespmem:$0x9B0];
	_ =	sdelay $0x1  }
0x15d: {  	v1 =	vsub.f32 v1, v3;
	_ =	sdelay $0x1  }
0x15e: {  	v1 =	vand.u32 $0x7FFFFFFF, v1  }
0x15f: {  	v1 =	vadd.f32 v1, v18;
	_ =	sdelay $0x1  }
0x160: {  	[tilespmem:$0x13A0] =	vst v1;
	v1 =	vld [tilespmem:$0x1130]  }
0x161: {  	v2 =	vld.idx.msk [tilespmem:v2+s20+$0x0], $0xffff;
	_ =	sdelay $0x1  }
0x162: {  	v3 =	vld [tilespmem:$0x11B0];
	_ =	sdelay $0x1  }
0x163: {  	v19 =	vld [tilespmem:$0x13B0]  }
0x164: {  	v1 =	vadd.f32 v2, v1;
	v2 =	vld [tilespmem:$0x9C0];
	_ =	sdelay $0x1  }
0x165: {  	v1 =	vsub.f32 v1, v3;
	_ =	sdelay $0x1  }
0x166: {  	v1 =	vand.u32 $0x7FFFFFFF, v1  }
0x167: {  	v1 =	vadd.f32 v1, v19;
	_ =	sdelay $0x1  }
0x168: {  	[tilespmem:$0x13B0] =	vst v1;
	v1 =	vld [tilespmem:$0x1140]  }
0x169: {  	v2 =	vld.idx.msk [tilespmem:v2+s20+$0x0], $0xffff;
	_ =	sdelay $0x1  }
0x16a: {  	v3 =	vld [tilespmem:$0x11C0];
	_ =	sdelay $0x1  }
0x16b: {  	v20 =	vld [tilespmem:$0x13C0]  }
0x16c: {  	v1 =	vadd.f32 v2, v1;
	v2 =	vld [tilespmem:$0x9D0];
	_ =	sdelay $0x1  }
0x16d: {  	v1 =	vsub.f32 v1, v3;
	_ =	sdelay $0x1  }
0x16e: {  	v1 =	vand.u32 $0x7FFFFFFF, v1  }
0x16f: {  	v1 =	vadd.f32 v1, v20;
	_ =	sdelay $0x1  }
0x170: {  	[tilespmem:$0x13C0] =	vst v1;
	v1 =	vld [tilespmem:$0x1150]  }
0x171: {  	v2 =	vld.idx.msk [tilespmem:v2+s20+$0x0], $0xffff;
	_ =	sdelay $0x1  }
0x172: {  	v3 =	vld [tilespmem:$0x11D0];
	_ =	sdelay $0x1  }
0x173: {  	v21 =	vld [tilespmem:$0x13D0]  }
0x174: {  	v1 =	vadd.f32 v2, v1;
	v2 =	vld [tilespmem:$0x9E0];
	_ =	sdelay $0x1  }
0x175: {  	v1 =	vsub.f32 v1, v3;
	_ =	sdelay $0x1  }
0x176: {  	v1 =	vand.u32 $0x7FFFFFFF, v1  }
0x177: {  	v1 =	vadd.f32 v1, v21;
	_ =	sdelay $0x1  }
0x178: {  	[tilespmem:$0x13D0] =	vst v1;
	v1 =	vld [tilespmem:$0x1160]  }
0x179: {  	v2 =	vld.idx.msk [tilespmem:v2+s20+$0x0], $0xffff;
	_ =	sdelay $0x1  }
0x17a: {  	v3 =	vld [tilespmem:$0x11E0];
	_ =	sdelay $0x1  }
0x17b: {  	v22 =	vld [tilespmem:$0x13E0]  }
0x17c: {  	v1 =	vadd.f32 v2, v1;
	v2 =	vld [tilespmem:$0x9F0];
	_ =	sdelay $0x1  }
0x17d: {  	v1 =	vsub.f32 v1, v3;
	_ =	sdelay $0x1  }
0x17e: {  	v1 =	vand.u32 $0x7FFFFFFF, v1  }
0x17f: {  	v1 =	vadd.f32 v1, v22;
	_ =	sdelay $0x1  }
0x180: {  	[tilespmem:$0x13E0] =	vst v1;
	v1 =	vld [tilespmem:$0x1170]  }
0x181: {  	v2 =	vld.idx.msk [tilespmem:v2+s20+$0x0], $0xffff;
	_ =	sdelay $0x1  }
0x182: {  	v3 =	vld [tilespmem:$0x11F0];
	_ =	sdelay $0x2  }
0x183: {  	v23 =	vld [tilespmem:$0x13F0];
	v1 =	vadd.f32 v2, v1;
	_ =	sdelay $0x1  }
0x184: {  	v1 =	vsub.f32 v1, v3;
	_ =	sdelay $0x1  }
0x185: {  	v1 =	vand.u32 $0x7FFFFFFF, v1  }
0x186: {  	v1 =	vadd.f32 v1, v23;
	_ =	sdelay $0x1  }
0x187: {  	[tilespmem:$0x13F0] =	vst v1  }
0x188: {  	[tilespmem:s23], [sflag:$0x2] =	stream.indirect.gather [spmem:s3], $0x1, s28, s21, $0xb8;
	[tilespmem:$0x1FE50] =	vst v63  }
0x189: {  	_ =	swait.ge [sflag:s24], $0x100  }
0x18a: {  	[sflag:s24] =	ssyncset.done $0x0  }
0x18b: {  	[sflag:s24] =	ssyncadd.s32 $0xFFFFFF00  }
0x18c: {  	v1 =	vld [tilespmem:$0xA00];
	_ =	sdelay $0x6  }
0x18d: {  	v2 =	vld [tilespmem:$0x1000]  }
0x18e: {  	v1 =	vld.idx.msk [tilespmem:v1+s20+$0x0], $0xffff;
	_ =	sdelay $0x1  }
0x18f: {  	v3 =	vld [tilespmem:$0x1080];
	_ =	sdelay $0x1  }
0x190: {  	v24 =	vld [tilespmem:$0x1400]  }
0x191: {  	v1 =	vadd.f32 v1, v2;
	v2 =	vld [tilespmem:$0xA10];
	_ =	sdelay $0x1  }
0x192: {  	v1 =	vsub.f32 v1, v3;
	_ =	sdelay $0x1  }
0x193: {  	v1 =	vand.u32 $0x7FFFFFFF, v1  }
0x194: {  	v1 =	vadd.f32 v1, v24;
	_ =	sdelay $0x1  }
0x195: {  	[tilespmem:$0x1400] =	vst v1;
	v1 =	vld [tilespmem:$0x1010]  }
0x196: {  	v2 =	vld.idx.msk [tilespmem:v2+s20+$0x0], $0xffff;
	_ =	sdelay $0x1  }
0x197: {  	v3 =	vld [tilespmem:$0x1090];
	_ =	sdelay $0x1  }
0x198: {  	v25 =	vld [tilespmem:$0x1410]  }
0x199: {  	v1 =	vadd.f32 v2, v1;
	v2 =	vld [tilespmem:$0xA20];
	_ =	sdelay $0x1  }
0x19a: {  	v1 =	vsub.f32 v1, v3;
	_ =	sdelay $0x1  }
0x19b: {  	v1 =	vand.u32 $0x7FFFFFFF, v1  }
0x19c: {  	v1 =	vadd.f32 v1, v25;
	_ =	sdelay $0x1  }
0x19d: {  	[tilespmem:$0x1410] =	vst v1;
	v1 =	vld [tilespmem:$0x1020]  }
0x19e: {  	v2 =	vld.idx.msk [tilespmem:v2+s20+$0x0], $0xffff;
	_ =	sdelay $0x1  }
0x19f: {  	v3 =	vld [tilespmem:$0x10A0];
	_ =	sdelay $0x1  }
0x1a0: {  	v26 =	vld [tilespmem:$0x1420]  }
0x1a1: {  	v1 =	vadd.f32 v2, v1;
	v2 =	vld [tilespmem:$0xA30];
	_ =	sdelay $0x1  }
0x1a2: {  	v1 =	vsub.f32 v1, v3;
	_ =	sdelay $0x1  }
0x1a3: {  	v1 =	vand.u32 $0x7FFFFFFF, v1  }
0x1a4: {  	v1 =	vadd.f32 v1, v26;
	_ =	sdelay $0x1  }
0x1a5: {  	[tilespmem:$0x1420] =	vst v1;
	v1 =	vld [tilespmem:$0x1030]  }
0x1a6: {  	v2 =	vld.idx.msk [tilespmem:v2+s20+$0x0], $0xffff;
	_ =	sdelay $0x1  }
0x1a7: {  	v3 =	vld [tilespmem:$0x10B0];
	_ =	sdelay $0x1  }
0x1a8: {  	v27 =	vld [tilespmem:$0x1430]  }
0x1a9: {  	v1 =	vadd.f32 v2, v1;
	v2 =	vld [tilespmem:$0xA40];
	_ =	sdelay $0x1  }
0x1aa: {  	v1 =	vsub.f32 v1, v3;
	_ =	sdelay $0x1  }
0x1ab: {  	v1 =	vand.u32 $0x7FFFFFFF, v1  }
0x1ac: {  	v1 =	vadd.f32 v1, v27;
	_ =	sdelay $0x1  }
0x1ad: {  	[tilespmem:$0x1430] =	vst v1;
	v1 =	vld [tilespmem:$0x1040]  }
0x1ae: {  	v2 =	vld.idx.msk [tilespmem:v2+s20+$0x0], $0xffff;
	_ =	sdelay $0x1  }
0x1af: {  	v3 =	vld [tilespmem:$0x10C0];
	_ =	sdelay $0x1  }
0x1b0: {  	v28 =	vld [tilespmem:$0x1440]  }
0x1b1: {  	v1 =	vadd.f32 v2, v1;
	v2 =	vld [tilespmem:$0xA50];
	_ =	sdelay $0x1  }
0x1b2: {  	v1 =	vsub.f32 v1, v3;
	_ =	sdelay $0x1  }
0x1b3: {  	v1 =	vand.u32 $0x7FFFFFFF, v1  }
0x1b4: {  	v1 =	vadd.f32 v1, v28;
	_ =	sdelay $0x1  }
0x1b5: {  	[tilespmem:$0x1440] =	vst v1;
	v1 =	vld [tilespmem:$0x1050]  }
0x1b6: {  	v2 =	vld.idx.msk [tilespmem:v2+s20+$0x0], $0xffff;
	_ =	sdelay $0x1  }
0x1b7: {  	v3 =	vld [tilespmem:$0x10D0];
	_ =	sdelay $0x1  }
0x1b8: {  	v29 =	vld [tilespmem:$0x1450]  }
0x1b9: {  	v1 =	vadd.f32 v2, v1;
	v2 =	vld [tilespmem:$0xA60];
	_ =	sdelay $0x1  }
0x1ba: {  	v1 =	vsub.f32 v1, v3;
	_ =	sdelay $0x1  }
0x1bb: {  	v1 =	vand.u32 $0x7FFFFFFF, v1  }
0x1bc: {  	v1 =	vadd.f32 v1, v29;
	_ =	sdelay $0x1  }
0x1bd: {  	[tilespmem:$0x1450] =	vst v1;
	v1 =	vld [tilespmem:$0x1060]  }
0x1be: {  	v2 =	vld.idx.msk [tilespmem:v2+s20+$0x0], $0xffff;
	_ =	sdelay $0x1  }
0x1bf: {  	v3 =	vld [tilespmem:$0x10E0];
	_ =	sdelay $0x1  }
0x1c0: {  	v30 =	vld [tilespmem:$0x1460]  }
0x1c1: {  	v1 =	vadd.f32 v2, v1;
	v2 =	vld [tilespmem:$0xA70];
	_ =	sdelay $0x1  }
0x1c2: {  	v1 =	vsub.f32 v1, v3;
	_ =	sdelay $0x1  }
0x1c3: {  	v1 =	vand.u32 $0x7FFFFFFF, v1  }
0x1c4: {  	v1 =	vadd.f32 v1, v30;
	_ =	sdelay $0x1  }
0x1c5: {  	[tilespmem:$0x1460] =	vst v1;
	v1 =	vld [tilespmem:$0x1070]  }
0x1c6: {  	v2 =	vld.idx.msk [tilespmem:v2+s20+$0x0], $0xffff;
	_ =	sdelay $0x1  }
0x1c7: {  	v3 =	vld [tilespmem:$0x10F0];
	_ =	sdelay $0x2  }
0x1c8: {  	v31 =	vld [tilespmem:$0x1470];
	v1 =	vadd.f32 v2, v1;
	_ =	sdelay $0x1  }
0x1c9: {  	v1 =	vsub.f32 v1, v3;
	_ =	sdelay $0x1  }
0x1ca: {  	v1 =	vand.u32 $0x7FFFFFFF, v1  }
0x1cb: {  	v1 =	vadd.f32 v1, v31;
	_ =	sdelay $0x1  }
0x1cc: {  	[tilespmem:$0x1470] =	vst v1  }
0x1cd: {  	[tilespmem:s22], [sflag:$0x2] =	stream.indirect.gather [spmem:s3], $0x1, s29, s21, $0xb8;
	[tilespmem:$0x1FE50] =	vst v63  }
0x1ce: {  	_ =	swait.ge [sflag:s24], $0x100  }
0x1cf: {  	[sflag:s24] =	ssyncset.done $0x0  }
0x1d0: {  	[sflag:s24] =	ssyncadd.s32 $0xFFFFFF00  }
0x1d1: {  	v1 =	vld [tilespmem:$0xA80];
	_ =	sdelay $0x6  }
0x1d2: {  	v2 =	vld [tilespmem:$0x1100]  }
0x1d3: {  	v1 =	vld.idx.msk [tilespmem:v1+s20+$0x0], $0xffff;
	_ =	sdelay $0x1  }
0x1d4: {  	v3 =	vld [tilespmem:$0x1180];
	_ =	sdelay $0x1  }
0x1d5: {  	v32 =	vld [tilespmem:$0x1480]  }
0x1d6: {  	v1 =	vadd.f32 v1, v2;
	v2 =	vld [tilespmem:$0xA90];
	_ =	sdelay $0x1  }
0x1d7: {  	v1 =	vsub.f32 v1, v3;
	_ =	sdelay $0x1  }
0x1d8: {  	v1 =	vand.u32 $0x7FFFFFFF, v1  }
0x1d9: {  	v1 =	vadd.f32 v1, v32;
	_ =	sdelay $0x1  }
0x1da: {  	[tilespmem:$0x1480] =	vst v1;
	v1 =	vld [tilespmem:$0x1110]  }
0x1db: {  	v2 =	vld.idx.msk [tilespmem:v2+s20+$0x0], $0xffff;
	_ =	sdelay $0x1  }
0x1dc: {  	v3 =	vld [tilespmem:$0x1190];
	_ =	sdelay $0x1  }
0x1dd: {  	v33 =	vld [tilespmem:$0x1490]  }
0x1de: {  	v1 =	vadd.f32 v2, v1;
	v2 =	vld [tilespmem:$0xAA0];
	_ =	sdelay $0x1  }
0x1df: {  	v1 =	vsub.f32 v1, v3;
	_ =	sdelay $0x1  }
0x1e0: {  	v1 =	vand.u32 $0x7FFFFFFF, v1  }
0x1e1: {  	v1 =	vadd.f32 v1, v33;
	_ =	sdelay $0x1  }
0x1e2: {  	[tilespmem:$0x1490] =	vst v1;
	v1 =	vld [tilespmem:$0x1120]  }
0x1e3: {  	v2 =	vld.idx.msk [tilespmem:v2+s20+$0x0], $0xffff;
	_ =	sdelay $0x1  }
0x1e4: {  	v3 =	vld [tilespmem:$0x11A0];
	_ =	sdelay $0x1  }
0x1e5: {  	v34 =	vld [tilespmem:$0x14A0]  }
0x1e6: {  	v1 =	vadd.f32 v2, v1;
	v2 =	vld [tilespmem:$0xAB0];
	_ =	sdelay $0x1  }
0x1e7: {  	v1 =	vsub.f32 v1, v3;
	_ =	sdelay $0x1  }
0x1e8: {  	v1 =	vand.u32 $0x7FFFFFFF, v1  }
0x1e9: {  	v1 =	vadd.f32 v1, v34;
	_ =	sdelay $0x1  }
0x1ea: {  	[tilespmem:$0x14A0] =	vst v1;
	v1 =	vld [tilespmem:$0x1130]  }
0x1eb: {  	v2 =	vld.idx.msk [tilespmem:v2+s20+$0x0], $0xffff;
	_ =	sdelay $0x1  }
0x1ec: {  	v3 =	vld [tilespmem:$0x11B0];
	_ =	sdelay $0x1  }
0x1ed: {  	v35 =	vld [tilespmem:$0x14B0]  }
0x1ee: {  	v1 =	vadd.f32 v2, v1;
	v2 =	vld [tilespmem:$0xAC0];
	_ =	sdelay $0x1  }
0x1ef: {  	v1 =	vsub.f32 v1, v3;
	_ =	sdelay $0x1  }
0x1f0: {  	v1 =	vand.u32 $0x7FFFFFFF, v1  }
0x1f1: {  	v1 =	vadd.f32 v1, v35;
	_ =	sdelay $0x1  }
0x1f2: {  	[tilespmem:$0x14B0] =	vst v1;
	v1 =	vld [tilespmem:$0x1140]  }
0x1f3: {  	v2 =	vld.idx.msk [tilespmem:v2+s20+$0x0], $0xffff;
	_ =	sdelay $0x1  }
0x1f4: {  	v3 =	vld [tilespmem:$0x11C0];
	_ =	sdelay $0x1  }
0x1f5: {  	v36 =	vld [tilespmem:$0x14C0]  }
0x1f6: {  	v1 =	vadd.f32 v2, v1;
	v2 =	vld [tilespmem:$0xAD0];
	_ =	sdelay $0x1  }
0x1f7: {  	v1 =	vsub.f32 v1, v3;
	_ =	sdelay $0x1  }
0x1f8: {  	v1 =	vand.u32 $0x7FFFFFFF, v1  }
0x1f9: {  	v1 =	vadd.f32 v1, v36;
	_ =	sdelay $0x1  }
0x1fa: {  	[tilespmem:$0x14C0] =	vst v1;
	v1 =	vld [tilespmem:$0x1150]  }
0x1fb: {  	v2 =	vld.idx.msk [tilespmem:v2+s20+$0x0], $0xffff;
	_ =	sdelay $0x1  }
0x1fc: {  	v3 =	vld [tilespmem:$0x11D0];
	_ =	sdelay $0x1  }
0x1fd: {  	v37 =	vld [tilespmem:$0x14D0]  }
0x1fe: {  	v1 =	vadd.f32 v2, v1;
	v2 =	vld [tilespmem:$0xAE0];
	_ =	sdelay $0x1  }
0x1ff: {  	v1 =	vsub.f32 v1, v3;
	_ =	sdelay $0x1  }
0x200: {  	v1 =	vand.u32 $0x7FFFFFFF, v1  }
0x201: {  	v1 =	vadd.f32 v1, v37;
	_ =	sdelay $0x1  }
0x202: {  	[tilespmem:$0x14D0] =	vst v1;
	v1 =	vld [tilespmem:$0x1160]  }
0x203: {  	v2 =	vld.idx.msk [tilespmem:v2+s20+$0x0], $0xffff;
	_ =	sdelay $0x1  }
0x204: {  	v3 =	vld [tilespmem:$0x11E0];
	_ =	sdelay $0x1  }
0x205: {  	v38 =	vld [tilespmem:$0x14E0]  }
0x206: {  	v1 =	vadd.f32 v2, v1;
	v2 =	vld [tilespmem:$0xAF0];
	_ =	sdelay $0x1  }
0x207: {  	v1 =	vsub.f32 v1, v3;
	_ =	sdelay $0x1  }
0x208: {  	v1 =	vand.u32 $0x7FFFFFFF, v1  }
0x209: {  	v1 =	vadd.f32 v1, v38;
	_ =	sdelay $0x1  }
0x20a: {  	[tilespmem:$0x14E0] =	vst v1;
	v1 =	vld [tilespmem:$0x1170]  }
0x20b: {  	v2 =	vld.idx.msk [tilespmem:v2+s20+$0x0], $0xffff;
	_ =	sdelay $0x1  }
0x20c: {  	v3 =	vld [tilespmem:$0x11F0];
	_ =	sdelay $0x2  }
0x20d: {  	v39 =	vld [tilespmem:$0x14F0];
	v1 =	vadd.f32 v2, v1;
	_ =	sdelay $0x1  }
0x20e: {  	v1 =	vsub.f32 v1, v3;
	_ =	sdelay $0x1  }
0x20f: {  	v1 =	vand.u32 $0x7FFFFFFF, v1  }
0x210: {  	v1 =	vadd.f32 v1, v39;
	_ =	sdelay $0x1  }
0x211: {  	[tilespmem:$0x14F0] =	vst v1  }
0x212: {  	[tilespmem:s23], [sflag:$0x2] =	stream.indirect.gather [spmem:s3], $0x1, s30, s21, $0xb8;
	[tilespmem:$0x1FE50] =	vst v63  }
0x213: {  	_ =	swait.ge [sflag:s24], $0x100  }
0x214: {  	[sflag:s24] =	ssyncset.done $0x0  }
0x215: {  	[sflag:s24] =	ssyncadd.s32 $0xFFFFFF00  }
0x216: {  	v1 =	vld [tilespmem:$0xB00];
	_ =	sdelay $0x6  }
0x217: {  	v2 =	vld [tilespmem:$0x1000]  }
0x218: {  	v1 =	vld.idx.msk [tilespmem:v1+s20+$0x0], $0xffff;
	_ =	sdelay $0x1  }
0x219: {  	v3 =	vld [tilespmem:$0x1080];
	_ =	sdelay $0x1  }
0x21a: {  	v40 =	vld [tilespmem:$0x1500]  }
0x21b: {  	v1 =	vadd.f32 v1, v2;
	v2 =	vld [tilespmem:$0xB10];
	_ =	sdelay $0x1  }
0x21c: {  	v1 =	vsub.f32 v1, v3;
	_ =	sdelay $0x1  }
0x21d: {  	v1 =	vand.u32 $0x7FFFFFFF, v1  }
0x21e: {  	v1 =	vadd.f32 v1, v40;
	_ =	sdelay $0x1  }
0x21f: {  	[tilespmem:$0x1500] =	vst v1;
	v1 =	vld [tilespmem:$0x1010]  }
0x220: {  	v2 =	vld.idx.msk [tilespmem:v2+s20+$0x0], $0xffff;
	_ =	sdelay $0x1  }
0x221: {  	v3 =	vld [tilespmem:$0x1090];
	_ =	sdelay $0x2  }
0x222: {  	v41 =	vld [tilespmem:$0x1510];
	v1 =	vadd.f32 v2, v1;
	_ =	sdelay $0x1  }
0x223: {  	v1 =	vsub.f32 v1, v3;
	_ =	sdelay $0x1  }
0x224: {  	v1 =	vand.u32 $0x7FFFFFFF, v1  }
0x225: {  	v1 =	vadd.f32 v1, v41;
	_ =	sdelay $0x1  }
0x226: {  	[tilespmem:$0x1510] =	vst v1  }
0x227: {  	v1 =	vld [tilespmem:$0xB20];
	_ =	sdelay $0x6  }
0x228: {  	v2 =	vld [tilespmem:$0x1020]  }
0x229: {  	v1 =	vld.idx.msk [tilespmem:v1+s20+$0x0], $0xffff;
	_ =	sdelay $0x1  }
0x22a: {  	v3 =	vld [tilespmem:$0x10A0];
	_ =	sdelay $0x1  }
0x22b: {  	v42 =	vld [tilespmem:$0x1520]  }
0x22c: {  	v1 =	vadd.f32 v1, v2;
	v2 =	vld [tilespmem:$0xB30];
	_ =	sdelay $0x1  }
0x22d: {  	v1 =	vsub.f32 v1, v3;
	_ =	sdelay $0x1  }
0x22e: {  	v1 =	vand.u32 $0x7FFFFFFF, v1  }
0x22f: {  	v1 =	vadd.f32 v1, v42;
	_ =	sdelay $0x1  }
0x230: {  	[tilespmem:$0x1520] =	vst v1;
	v1 =	vld [tilespmem:$0x1030]  }
0x231: {  	v2 =	vld.idx.msk [tilespmem:v2+s20+$0x0], $0xffff;
	_ =	sdelay $0x1  }
0x232: {  	v3 =	vld [tilespmem:$0x10B0];
	_ =	sdelay $0x1  }
0x233: {  	v43 =	vld [tilespmem:$0x1530]  }
0x234: {  	v1 =	vadd.f32 v2, v1;
	v2 =	vld [tilespmem:$0xB40];
	_ =	sdelay $0x1  }
0x235: {  	v1 =	vsub.f32 v1, v3;
	_ =	sdelay $0x1  }
0x236: {  	v1 =	vand.u32 $0x7FFFFFFF, v1  }
0x237: {  	v1 =	vadd.f32 v1, v43;
	_ =	sdelay $0x1  }
0x238: {  	[tilespmem:$0x1530] =	vst v1;
	v1 =	vld [tilespmem:$0x1040]  }
0x239: {  	v2 =	vld.idx.msk [tilespmem:v2+s20+$0x0], $0xffff;
	_ =	sdelay $0x1  }
0x23a: {  	v3 =	vld [tilespmem:$0x10C0];
	_ =	sdelay $0x1  }
0x23b: {  	v44 =	vld [tilespmem:$0x1540]  }
0x23c: {  	v1 =	vadd.f32 v2, v1;
	v2 =	vld [tilespmem:$0xB50];
	_ =	sdelay $0x1  }
0x23d: {  	v1 =	vsub.f32 v1, v3;
	_ =	sdelay $0x1  }
0x23e: {  	v1 =	vand.u32 $0x7FFFFFFF, v1  }
0x23f: {  	v1 =	vadd.f32 v1, v44;
	_ =	sdelay $0x1  }
0x240: {  	[tilespmem:$0x1540] =	vst v1;
	v1 =	vld [tilespmem:$0x1050]  }
0x241: {  	v2 =	vld.idx.msk [tilespmem:v2+s20+$0x0], $0xffff;
	_ =	sdelay $0x1  }
0x242: {  	v3 =	vld [tilespmem:$0x10D0];
	_ =	sdelay $0x1  }
0x243: {  	v45 =	vld [tilespmem:$0x1550]  }
0x244: {  	v1 =	vadd.f32 v2, v1;
	v2 =	vld [tilespmem:$0xB60];
	_ =	sdelay $0x1  }
0x245: {  	v1 =	vsub.f32 v1, v3;
	_ =	sdelay $0x1  }
0x246: {  	v1 =	vand.u32 $0x7FFFFFFF, v1  }
0x247: {  	v1 =	vadd.f32 v1, v45;
	_ =	sdelay $0x1  }
0x248: {  	[tilespmem:$0x1550] =	vst v1;
	v1 =	vld [tilespmem:$0x1060]  }
0x249: {  	v2 =	vld.idx.msk [tilespmem:v2+s20+$0x0], $0xffff;
	_ =	sdelay $0x1  }
0x24a: {  	v3 =	vld [tilespmem:$0x10E0];
	_ =	sdelay $0x1  }
0x24b: {  	v46 =	vld [tilespmem:$0x1560]  }
0x24c: {  	v1 =	vadd.f32 v2, v1;
	v2 =	vld [tilespmem:$0xB70];
	_ =	sdelay $0x1  }
0x24d: {  	v1 =	vsub.f32 v1, v3;
	_ =	sdelay $0x1  }
0x24e: {  	v1 =	vand.u32 $0x7FFFFFFF, v1  }
0x24f: {  	v1 =	vadd.f32 v1, v46;
	_ =	sdelay $0x1  }
0x250: {  	[tilespmem:$0x1560] =	vst v1;
	v1 =	vld [tilespmem:$0x1070]  }
0x251: {  	v2 =	vld.idx.msk [tilespmem:v2+s20+$0x0], $0xffff;
	_ =	sdelay $0x1  }
0x252: {  	v3 =	vld [tilespmem:$0x10F0];
	_ =	sdelay $0x2  }
0x253: {  	v47 =	vld [tilespmem:$0x1570];
	v1 =	vadd.f32 v2, v1  }
0x254: {  	p2 =	sne.s32 s8, $0xF00  }
0x255: {  	p2 =	por !p1, !p2;
	v1 =	vsub.f32 v1, v3  }
0x256: {  	p2 =	por !p2, !p2  }
0x257: {  	s7 =	sadd.s32 @p2 $0xFFFFFFFF, s13;
	v1 =	vand.u32 $0x7FFFFFFF, v1  }
0x258: {  	s11 =	sadd.s32 @p2 s8, s12;
	s7 =	sshrl.u32 @p2 s7, $0x3;
	v1 =	vadd.f32 v1, v47  }
0x259: {  	s16 =	sadd.s32 @p2 $0x100, s11;
	s7 =	smul.u32 @p2 $0x7A1400, s7  }
0x25a: {  	s2 =	smov.u32 s1;
	s16 =	sand.u32 @p2 $0x300, s16;
	[tilespmem:$0x1570] =	vst v1  }
0x25b: {  	s17 =	simm.s32 @p2 $0x10;
	s7 =	sor.u32 @p2 s16, s7;
	_ =	swait.ge [sflag:s24], $0x100  }
0x25c: {  	s31 =	simm.s32 @p2 $0x80;
	s7 =	sshrl.u32 @p2 s7, $0x3;
	[sflag:s24] =	ssyncset.done $0x0  }
0x25d: {  	s16 =	simm.s32 @p2 $0x1;
	s0 =	sadd.s32 @p2 s1, s7;
	[sflag:s24] =	ssyncadd.s32 $0xFFFFFF00  }
0x25e: {  	s1 =	sshrl.u32 @p2 s3, $0x3;
	s7 =	simm.s32 @p2 $0x1C01;
	[bflag:$0x0] =	sbarrier.arrive $0xFFFF  }
0x25f: {  	[spmem:s1@s17], [sflag:s7] =	dma.strided @p2 [hbm:s0@s31], $0x1E850, s16, $0x10   }
0x260: {  	v1 =	vld [tilespmem:$0xB80];
	_ =	sdelay $0x6  }
0x261: {  	v2 =	vld [tilespmem:$0x1100]  }
0x262: {  	v1 =	vld.idx.msk [tilespmem:v1+s20+$0x0], $0xffff;
	_ =	sdelay $0x1  }
0x263: {  	v3 =	vld [tilespmem:$0x1180];
	_ =	sdelay $0x1  }
0x264: {  	v48 =	vld [tilespmem:$0x1580]  }
0x265: {  	v1 =	vadd.f32 v1, v2;
	v2 =	vld [tilespmem:$0xB90];
	_ =	sdelay $0x1  }
0x266: {  	v1 =	vsub.f32 v1, v3;
	_ =	sdelay $0x1  }
0x267: {  	v1 =	vand.u32 $0x7FFFFFFF, v1  }
0x268: {  	v1 =	vadd.f32 v1, v48;
	_ =	sdelay $0x1  }
0x269: {  	[tilespmem:$0x1580] =	vst v1;
	v1 =	vld [tilespmem:$0x1110]  }
0x26a: {  	v2 =	vld.idx.msk [tilespmem:v2+s20+$0x0], $0xffff;
	_ =	sdelay $0x1  }
0x26b: {  	v3 =	vld [tilespmem:$0x1190];
	_ =	sdelay $0x1  }
0x26c: {  	v49 =	vld [tilespmem:$0x1590]  }
0x26d: {  	v1 =	vadd.f32 v2, v1;
	v2 =	vld [tilespmem:$0xBA0];
	_ =	sdelay $0x1  }
0x26e: {  	v1 =	vsub.f32 v1, v3;
	_ =	sdelay $0x1  }
0x26f: {  	v1 =	vand.u32 $0x7FFFFFFF, v1  }
0x270: {  	v1 =	vadd.f32 v1, v49;
	_ =	sdelay $0x1  }
0x271: {  	[tilespmem:$0x1590] =	vst v1;
	v1 =	vld [tilespmem:$0x1120]  }
0x272: {  	v2 =	vld.idx.msk [tilespmem:v2+s20+$0x0], $0xffff;
	_ =	sdelay $0x1  }
0x273: {  	v3 =	vld [tilespmem:$0x11A0];
	_ =	sdelay $0x1  }
0x274: {  	v50 =	vld [tilespmem:$0x15A0]  }
0x275: {  	v1 =	vadd.f32 v2, v1;
	v2 =	vld [tilespmem:$0xBB0];
	_ =	sdelay $0x1  }
0x276: {  	v1 =	vsub.f32 v1, v3;
	_ =	sdelay $0x1  }
0x277: {  	v1 =	vand.u32 $0x7FFFFFFF, v1  }
0x278: {  	v1 =	vadd.f32 v1, v50;
	_ =	sdelay $0x1  }
0x279: {  	[tilespmem:$0x15A0] =	vst v1;
	v1 =	vld [tilespmem:$0x1130]  }
0x27a: {  	v2 =	vld.idx.msk [tilespmem:v2+s20+$0x0], $0xffff;
	_ =	sdelay $0x1  }
0x27b: {  	v3 =	vld [tilespmem:$0x11B0];
	_ =	sdelay $0x1  }
0x27c: {  	v51 =	vld [tilespmem:$0x15B0]  }
0x27d: {  	v1 =	vadd.f32 v2, v1;
	v2 =	vld [tilespmem:$0xBC0];
	_ =	sdelay $0x1  }
0x27e: {  	v1 =	vsub.f32 v1, v3;
	_ =	sdelay $0x1  }
0x27f: {  	v1 =	vand.u32 $0x7FFFFFFF, v1  }
0x280: {  	v1 =	vadd.f32 v1, v51;
	_ =	sdelay $0x1  }
0x281: {  	[tilespmem:$0x15B0] =	vst v1;
	v1 =	vld [tilespmem:$0x1140]  }
0x282: {  	v2 =	vld.idx.msk [tilespmem:v2+s20+$0x0], $0xffff;
	_ =	sdelay $0x1  }
0x283: {  	v3 =	vld [tilespmem:$0x11C0];
	_ =	sdelay $0x1  }
0x284: {  	v52 =	vld [tilespmem:$0x15C0]  }
0x285: {  	v1 =	vadd.f32 v2, v1;
	v2 =	vld [tilespmem:$0xBD0];
	_ =	sdelay $0x1  }
0x286: {  	v1 =	vsub.f32 v1, v3;
	_ =	sdelay $0x1  }
0x287: {  	v1 =	vand.u32 $0x7FFFFFFF, v1  }
0x288: {  	v1 =	vadd.f32 v1, v52;
	_ =	sdelay $0x1  }
0x289: {  	[tilespmem:$0x15C0] =	vst v1;
	v1 =	vld [tilespmem:$0x1150]  }
0x28a: {  	v2 =	vld.idx.msk [tilespmem:v2+s20+$0x0], $0xffff;
	_ =	sdelay $0x1  }
0x28b: {  	v3 =	vld [tilespmem:$0x11D0];
	_ =	sdelay $0x1  }
0x28c: {  	v53 =	vld [tilespmem:$0x15D0]  }
0x28d: {  	v1 =	vadd.f32 v2, v1;
	v2 =	vld [tilespmem:$0xBE0];
	_ =	sdelay $0x1  }
0x28e: {  	v1 =	vsub.f32 v1, v3;
	_ =	sdelay $0x1  }
0x28f: {  	v1 =	vand.u32 $0x7FFFFFFF, v1  }
0x290: {  	v1 =	vadd.f32 v1, v53;
	_ =	sdelay $0x1  }
0x291: {  	[tilespmem:$0x15D0] =	vst v1;
	v1 =	vld [tilespmem:$0x1160]  }
0x292: {  	v2 =	vld.idx.msk [tilespmem:v2+s20+$0x0], $0xffff;
	_ =	sdelay $0x1  }
0x293: {  	v3 =	vld [tilespmem:$0x11E0];
	_ =	sdelay $0x1  }
0x294: {  	v54 =	vld [tilespmem:$0x15E0]  }
0x295: {  	v1 =	vadd.f32 v2, v1;
	v2 =	vld [tilespmem:$0xBF0];
	_ =	sdelay $0x1  }
0x296: {  	v1 =	vsub.f32 v1, v3;
	_ =	sdelay $0x1  }
0x297: {  	v1 =	vand.u32 $0x7FFFFFFF, v1  }
0x298: {  	v1 =	vadd.f32 v1, v54;
	_ =	sdelay $0x1  }
0x299: {  	[tilespmem:$0x15E0] =	vst v1;
	v1 =	vld [tilespmem:$0x1170]  }
0x29a: {  	v2 =	vld.idx.msk [tilespmem:v2+s20+$0x0], $0xffff;
	_ =	sdelay $0x1  }
0x29b: {  	v3 =	vld [tilespmem:$0x11F0];
	_ =	sdelay $0x2  }
0x29c: {  	v55 =	vld [tilespmem:$0x15F0];
	v1 =	vadd.f32 v2, v1;
	_ =	sdelay $0x1  }
0x29d: {  	v1 =	vsub.f32 v1, v3;
	_ =	sdelay $0x1  }
0x29e: {  	v1 =	vand.u32 $0x7FFFFFFF, v1  }
0x29f: {  	s1 =	sadd.s32 s10, s18;
	v1 =	vadd.f32 v1, v55  }
0x2a0: {  	s0 =	sadd.s32 s9, s1  }
0x2a1: {  	s10 =	simm.s32 $0x80;
	s0 =	sadd.s32 $0x10, s0;
	[tilespmem:$0x15F0] =	vst v1  }
0x2a2: {  	[tilespmem:s20], [sflag:$0x3] =	stream.strided.gather [hbm4b:s0+s10], $0x400, s19, s10, $0x38;
	[tilespmem:$0x1FE50] =	vst v63  }
0x2a3: {  	_ =	swait.ge [sflag:s14], $0x400  }
0x2a4: {  	[sflag:s14] =	ssyncset.done $0x0  }
0x2a5: {  	[sflag:s14] =	ssyncadd.s32 $0xFFFFFC00  }
0x2a6: {  	_ =	swait.ge @!p0 [sflag:s15], $0x1E850  }
0x2a7: {  	[sflag:s15] =	ssyncset.done @!p0 $0x0  }
0x2a8: {  	[sflag:s15] =	ssyncadd.s32 @!p0 $0xFFFE17B0  }
0x2a9: {  	[bflag:$0x0] =	sbarrier.arrive $0xFFFF  }
0x2aa: {  	[tilespmem:s22], [sflag:$0x2] =	stream.indirect.gather [spmem:s4], $0x1, s5, s21, $0xb8;
	[tilespmem:$0x1FE50] =	vst v63  }
0x2ab: {  	_ = 	snop  }
0x2ac: {  	[tilespmem:s23], [sflag:$0x2] =	stream.indirect.gather [spmem:s4], $0x1, s21, s21, $0xb8;
	[tilespmem:$0x1FE50] =	vst v63  }
0x2ad: {  	_ =	swait.ge [sflag:s24], $0x100  }
0x2ae: {  	[sflag:s24] =	ssyncset.done $0x0  }
0x2af: {  	[sflag:s24] =	ssyncadd.s32 $0xFFFFFF00  }
0x2b0: {  	v1 =	vld [tilespmem:$0x800];
	_ =	sdelay $0x6  }
0x2b1: {  	v2 =	vld [tilespmem:$0x1000]  }
0x2b2: {  	v1 =	vld.idx.msk [tilespmem:v1+s20+$0x0], $0xffff;
	_ =	sdelay $0x1  }
0x2b3: {  	v3 =	vld [tilespmem:$0x1080];
	_ =	sdelay $0x1  }
0x2b4: {  	v56 =	vld [tilespmem:$0x1200]  }
0x2b5: {  	v1 =	vadd.f32 v1, v2;
	v2 =	vld [tilespmem:$0x810];
	_ =	sdelay $0x1  }
0x2b6: {  	v1 =	vsub.f32 v1, v3;
	_ =	sdelay $0x1  }
0x2b7: {  	v1 =	vand.u32 $0x7FFFFFFF, v1  }
0x2b8: {  	v1 =	vadd.f32 v1, v56;
	_ =	sdelay $0x1  }
0x2b9: {  	[tilespmem:$0x1200] =	vst v1;
	v1 =	vld [tilespmem:$0x1010]  }
0x2ba: {  	v2 =	vld.idx.msk [tilespmem:v2+s20+$0x0], $0xffff;
	_ =	sdelay $0x1  }
0x2bb: {  	v3 =	vld [tilespmem:$0x1090];
	_ =	sdelay $0x1  }
0x2bc: {  	v57 =	vld [tilespmem:$0x1210]  }
0x2bd: {  	v1 =	vadd.f32 v2, v1;
	v2 =	vld [tilespmem:$0x820];
	_ =	sdelay $0x1  }
0x2be: {  	v1 =	vsub.f32 v1, v3;
	_ =	sdelay $0x1  }
0x2bf: {  	v1 =	vand.u32 $0x7FFFFFFF, v1  }
0x2c0: {  	v1 =	vadd.f32 v1, v57;
	_ =	sdelay $0x1  }
0x2c1: {  	[tilespmem:$0x1210] =	vst v1;
	v1 =	vld [tilespmem:$0x1020]  }
0x2c2: {  	v2 =	vld.idx.msk [tilespmem:v2+s20+$0x0], $0xffff;
	_ =	sdelay $0x1  }
0x2c3: {  	v3 =	vld [tilespmem:$0x10A0];
	_ =	sdelay $0x1  }
0x2c4: {  	v58 =	vld [tilespmem:$0x1220]  }
0x2c5: {  	v1 =	vadd.f32 v2, v1;
	v2 =	vld [tilespmem:$0x830];
	_ =	sdelay $0x1  }
0x2c6: {  	v1 =	vsub.f32 v1, v3;
	_ =	sdelay $0x1  }
0x2c7: {  	v1 =	vand.u32 $0x7FFFFFFF, v1  }
0x2c8: {  	v1 =	vadd.f32 v1, v58;
	_ =	sdelay $0x1  }
0x2c9: {  	[tilespmem:$0x1220] =	vst v1;
	v1 =	vld [tilespmem:$0x1030]  }
0x2ca: {  	v2 =	vld.idx.msk [tilespmem:v2+s20+$0x0], $0xffff;
	_ =	sdelay $0x1  }
0x2cb: {  	v3 =	vld [tilespmem:$0x10B0];
	_ =	sdelay $0x1  }
0x2cc: {  	v59 =	vld [tilespmem:$0x1230]  }
0x2cd: {  	v1 =	vadd.f32 v2, v1;
	v2 =	vld [tilespmem:$0x840];
	_ =	sdelay $0x1  }
0x2ce: {  	v1 =	vsub.f32 v1, v3;
	_ =	sdelay $0x1  }
0x2cf: {  	v1 =	vand.u32 $0x7FFFFFFF, v1  }
0x2d0: {  	v1 =	vadd.f32 v1, v59;
	_ =	sdelay $0x1  }
0x2d1: {  	[tilespmem:$0x1230] =	vst v1;
	v1 =	vld [tilespmem:$0x1040]  }
0x2d2: {  	v2 =	vld.idx.msk [tilespmem:v2+s20+$0x0], $0xffff;
	_ =	sdelay $0x1  }
0x2d3: {  	v3 =	vld [tilespmem:$0x10C0];
	_ =	sdelay $0x1  }
0x2d4: {  	v60 =	vld [tilespmem:$0x1240]  }
0x2d5: {  	v1 =	vadd.f32 v2, v1;
	v2 =	vld [tilespmem:$0x850];
	_ =	sdelay $0x1  }
0x2d6: {  	v1 =	vsub.f32 v1, v3;
	_ =	sdelay $0x1  }
0x2d7: {  	v1 =	vand.u32 $0x7FFFFFFF, v1  }
0x2d8: {  	v1 =	vadd.f32 v1, v60;
	_ =	sdelay $0x1  }
0x2d9: {  	[tilespmem:$0x1240] =	vst v1;
	v1 =	vld [tilespmem:$0x1050]  }
0x2da: {  	v2 =	vld.idx.msk [tilespmem:v2+s20+$0x0], $0xffff;
	_ =	sdelay $0x1  }
0x2db: {  	v3 =	vld [tilespmem:$0x10D0];
	_ =	sdelay $0x1  }
0x2dc: {  	v61 =	vld [tilespmem:$0x1250]  }
0x2dd: {  	v1 =	vadd.f32 v2, v1;
	v2 =	vld [tilespmem:$0x860];
	_ =	sdelay $0x1  }
0x2de: {  	v1 =	vsub.f32 v1, v3;
	_ =	sdelay $0x1  }
0x2df: {  	v1 =	vand.u32 $0x7FFFFFFF, v1  }
0x2e0: {  	v1 =	vadd.f32 v1, v61;
	_ =	sdelay $0x1  }
0x2e1: {  	[tilespmem:$0x1250] =	vst v1;
	v1 =	vld [tilespmem:$0x1060]  }
0x2e2: {  	v2 =	vld.idx.msk [tilespmem:v2+s20+$0x0], $0xffff;
	_ =	sdelay $0x1  }
0x2e3: {  	v3 =	vld [tilespmem:$0x10E0];
	_ =	sdelay $0x1  }
0x2e4: {  	v62 =	vld [tilespmem:$0x1260]  }
0x2e5: {  	v1 =	vadd.f32 v2, v1;
	v2 =	vld [tilespmem:$0x870];
	_ =	sdelay $0x1  }
0x2e6: {  	v1 =	vsub.f32 v1, v3;
	_ =	sdelay $0x1  }
0x2e7: {  	v1 =	vand.u32 $0x7FFFFFFF, v1  }
0x2e8: {  	v1 =	vadd.f32 v1, v62;
	_ =	sdelay $0x1  }
0x2e9: {  	[tilespmem:$0x1260] =	vst v1;
	v1 =	vld [tilespmem:$0x1070]  }
0x2ea: {  	v2 =	vld.idx.msk [tilespmem:v2+s20+$0x0], $0xffff;
	_ =	sdelay $0x1  }
0x2eb: {  	v3 =	vld [tilespmem:$0x10F0];
	_ =	sdelay $0x2  }
0x2ec: {  	v63 =	vld [tilespmem:$0x1270];
	v1 =	vadd.f32 v2, v1;
	_ =	sdelay $0x1  }
0x2ed: {  	v1 =	vsub.f32 v1, v3;
	_ =	sdelay $0x1  }
0x2ee: {  	v1 =	vand.u32 $0x7FFFFFFF, v1  }
0x2ef: {  	v1 =	vadd.f32 v1, v63;
	_ =	sdelay $0x1  }
0x2f0: {  	[tilespmem:$0x1270] =	vst v1  }
0x2f1: {  	[tilespmem:s22], [sflag:$0x2] =	stream.indirect.gather [spmem:s4], $0x1, s25, s21, $0xb8;
	[tilespmem:$0x1FE50] =	vst v63  }
0x2f2: {  	_ =	swait.ge [sflag:s24], $0x100  }
0x2f3: {  	[sflag:s24] =	ssyncset.done $0x0  }
0x2f4: {  	[sflag:s24] =	ssyncadd.s32 $0xFFFFFF00  }
0x2f5: {  	v1 =	vld [tilespmem:$0x880];
	_ =	sdelay $0x6  }
0x2f6: {  	v2 =	vld [tilespmem:$0x1100]  }
0x2f7: {  	v1 =	vld.idx.msk [tilespmem:v1+s20+$0x0], $0xffff;
	_ =	sdelay $0x1  }
0x2f8: {  	v3 =	vld [tilespmem:$0x1180];
	_ =	sdelay $0x1  }
0x2f9: {  	v8 =	vld [tilespmem:$0x1280]  }
0x2fa: {  	v1 =	vadd.f32 v1, v2;
	v2 =	vld [tilespmem:$0x890];
	_ =	sdelay $0x1  }
0x2fb: {  	v1 =	vsub.f32 v1, v3;
	_ =	sdelay $0x1  }
0x2fc: {  	v1 =	vand.u32 $0x7FFFFFFF, v1  }
0x2fd: {  	v1 =	vadd.f32 v1, v8;
	_ =	sdelay $0x1  }
0x2fe: {  	[tilespmem:$0x1280] =	vst v1;
	v1 =	vld [tilespmem:$0x1110]  }
0x2ff: {  	v2 =	vld.idx.msk [tilespmem:v2+s20+$0x0], $0xffff;
	_ =	sdelay $0x1  }
0x300: {  	v3 =	vld [tilespmem:$0x1190];
	_ =	sdelay $0x1  }
0x301: {  	v9 =	vld [tilespmem:$0x1290]  }
0x302: {  	v1 =	vadd.f32 v2, v1;
	v2 =	vld [tilespmem:$0x8A0];
	_ =	sdelay $0x1  }
0x303: {  	v1 =	vsub.f32 v1, v3;
	_ =	sdelay $0x1  }
0x304: {  	v1 =	vand.u32 $0x7FFFFFFF, v1  }
0x305: {  	v1 =	vadd.f32 v1, v9;
	_ =	sdelay $0x1  }
0x306: {  	[tilespmem:$0x1290] =	vst v1;
	v1 =	vld [tilespmem:$0x1120]  }
0x307: {  	v2 =	vld.idx.msk [tilespmem:v2+s20+$0x0], $0xffff;
	_ =	sdelay $0x1  }
0x308: {  	v3 =	vld [tilespmem:$0x11A0];
	_ =	sdelay $0x1  }
0x309: {  	v10 =	vld [tilespmem:$0x12A0]  }
0x30a: {  	v1 =	vadd.f32 v2, v1;
	v2 =	vld [tilespmem:$0x8B0];
	_ =	sdelay $0x1  }
0x30b: {  	v1 =	vsub.f32 v1, v3;
	_ =	sdelay $0x1  }
0x30c: {  	v1 =	vand.u32 $0x7FFFFFFF, v1  }
0x30d: {  	v1 =	vadd.f32 v1, v10;
	_ =	sdelay $0x1  }
0x30e: {  	[tilespmem:$0x12A0] =	vst v1;
	v1 =	vld [tilespmem:$0x1130]  }
0x30f: {  	v2 =	vld.idx.msk [tilespmem:v2+s20+$0x0], $0xffff;
	_ =	sdelay $0x1  }
0x310: {  	v3 =	vld [tilespmem:$0x11B0];
	_ =	sdelay $0x1  }
0x311: {  	v11 =	vld [tilespmem:$0x12B0]  }
0x312: {  	v1 =	vadd.f32 v2, v1;
	v2 =	vld [tilespmem:$0x8C0];
	_ =	sdelay $0x1  }
0x313: {  	v1 =	vsub.f32 v1, v3;
	_ =	sdelay $0x1  }
0x314: {  	v1 =	vand.u32 $0x7FFFFFFF, v1  }
0x315: {  	v1 =	vadd.f32 v1, v11;
	_ =	sdelay $0x1  }
0x316: {  	[tilespmem:$0x12B0] =	vst v1;
	v1 =	vld [tilespmem:$0x1140]  }
0x317: {  	v2 =	vld.idx.msk [tilespmem:v2+s20+$0x0], $0xffff;
	_ =	sdelay $0x1  }
0x318: {  	v3 =	vld [tilespmem:$0x11C0];
	_ =	sdelay $0x1  }
0x319: {  	v12 =	vld [tilespmem:$0x12C0]  }
0x31a: {  	v1 =	vadd.f32 v2, v1;
	v2 =	vld [tilespmem:$0x8D0];
	_ =	sdelay $0x1  }
0x31b: {  	v1 =	vsub.f32 v1, v3;
	_ =	sdelay $0x1  }
0x31c: {  	v1 =	vand.u32 $0x7FFFFFFF, v1  }
0x31d: {  	v1 =	vadd.f32 v1, v12;
	_ =	sdelay $0x1  }
0x31e: {  	[tilespmem:$0x12C0] =	vst v1;
	v1 =	vld [tilespmem:$0x1150]  }
0x31f: {  	v2 =	vld.idx.msk [tilespmem:v2+s20+$0x0], $0xffff;
	_ =	sdelay $0x1  }
0x320: {  	v3 =	vld [tilespmem:$0x11D0];
	_ =	sdelay $0x1  }
0x321: {  	v13 =	vld [tilespmem:$0x12D0]  }
0x322: {  	v1 =	vadd.f32 v2, v1;
	v2 =	vld [tilespmem:$0x8E0];
	_ =	sdelay $0x1  }
0x323: {  	v1 =	vsub.f32 v1, v3;
	_ =	sdelay $0x1  }
0x324: {  	v1 =	vand.u32 $0x7FFFFFFF, v1  }
0x325: {  	v1 =	vadd.f32 v1, v13;
	_ =	sdelay $0x1  }
0x326: {  	[tilespmem:$0x12D0] =	vst v1;
	v1 =	vld [tilespmem:$0x1160]  }
0x327: {  	v2 =	vld.idx.msk [tilespmem:v2+s20+$0x0], $0xffff;
	_ =	sdelay $0x1  }
0x328: {  	v3 =	vld [tilespmem:$0x11E0];
	_ =	sdelay $0x1  }
0x329: {  	v14 =	vld [tilespmem:$0x12E0]  }
0x32a: {  	v1 =	vadd.f32 v2, v1;
	v2 =	vld [tilespmem:$0x8F0];
	_ =	sdelay $0x1  }
0x32b: {  	v1 =	vsub.f32 v1, v3;
	_ =	sdelay $0x1  }
0x32c: {  	v1 =	vand.u32 $0x7FFFFFFF, v1  }
0x32d: {  	v1 =	vadd.f32 v1, v14;
	_ =	sdelay $0x1  }
0x32e: {  	[tilespmem:$0x12E0] =	vst v1;
	v1 =	vld [tilespmem:$0x1170]  }
0x32f: {  	v2 =	vld.idx.msk [tilespmem:v2+s20+$0x0], $0xffff;
	_ =	sdelay $0x1  }
0x330: {  	v3 =	vld [tilespmem:$0x11F0];
	_ =	sdelay $0x2  }
0x331: {  	v15 =	vld [tilespmem:$0x12F0];
	v1 =	vadd.f32 v2, v1;
	_ =	sdelay $0x1  }
0x332: {  	v1 =	vsub.f32 v1, v3;
	_ =	sdelay $0x1  }
0x333: {  	v1 =	vand.u32 $0x7FFFFFFF, v1  }
0x334: {  	v1 =	vadd.f32 v1, v15;
	_ =	sdelay $0x1  }
0x335: {  	[tilespmem:$0x12F0] =	vst v1  }
0x336: {  	[tilespmem:s23], [sflag:$0x2] =	stream.indirect.gather [spmem:s4], $0x1, s26, s21, $0xb8;
	[tilespmem:$0x1FE50] =	vst v63  }
0x337: {  	_ =	swait.ge [sflag:s24], $0x100  }
0x338: {  	[sflag:s24] =	ssyncset.done $0x0  }
0x339: {  	[sflag:s24] =	ssyncadd.s32 $0xFFFFFF00  }
0x33a: {  	v1 =	vld [tilespmem:$0x900];
	_ =	sdelay $0x6  }
0x33b: {  	v2 =	vld [tilespmem:$0x1000]  }
0x33c: {  	v1 =	vld.idx.msk [tilespmem:v1+s20+$0x0], $0xffff;
	_ =	sdelay $0x1  }
0x33d: {  	v3 =	vld [tilespmem:$0x1080];
	_ =	sdelay $0x1  }
0x33e: {  	v16 =	vld [tilespmem:$0x1300]  }
0x33f: {  	v1 =	vadd.f32 v1, v2;
	v2 =	vld [tilespmem:$0x910];
	_ =	sdelay $0x1  }
0x340: {  	v1 =	vsub.f32 v1, v3;
	_ =	sdelay $0x1  }
0x341: {  	v1 =	vand.u32 $0x7FFFFFFF, v1  }
0x342: {  	v1 =	vadd.f32 v1, v16;
	_ =	sdelay $0x1  }
0x343: {  	[tilespmem:$0x1300] =	vst v1;
	v1 =	vld [tilespmem:$0x1010]  }
0x344: {  	v2 =	vld.idx.msk [tilespmem:v2+s20+$0x0], $0xffff;
	_ =	sdelay $0x1  }
0x345: {  	v3 =	vld [tilespmem:$0x1090];
	_ =	sdelay $0x1  }
0x346: {  	v17 =	vld [tilespmem:$0x1310]  }
0x347: {  	v1 =	vadd.f32 v2, v1;
	v2 =	vld [tilespmem:$0x920];
	_ =	sdelay $0x1  }
0x348: {  	v1 =	vsub.f32 v1, v3;
	_ =	sdelay $0x1  }
0x349: {  	v1 =	vand.u32 $0x7FFFFFFF, v1  }
0x34a: {  	v1 =	vadd.f32 v1, v17;
	_ =	sdelay $0x1  }
0x34b: {  	[tilespmem:$0x1310] =	vst v1;
	v1 =	vld [tilespmem:$0x1020]  }
0x34c: {  	v2 =	vld.idx.msk [tilespmem:v2+s20+$0x0], $0xffff;
	_ =	sdelay $0x1  }
0x34d: {  	v3 =	vld [tilespmem:$0x10A0];
	_ =	sdelay $0x1  }
0x34e: {  	v18 =	vld [tilespmem:$0x1320]  }
0x34f: {  	v1 =	vadd.f32 v2, v1;
	v2 =	vld [tilespmem:$0x930];
	_ =	sdelay $0x1  }
0x350: {  	v1 =	vsub.f32 v1, v3;
	_ =	sdelay $0x1  }
0x351: {  	v1 =	vand.u32 $0x7FFFFFFF, v1  }
0x352: {  	v1 =	vadd.f32 v1, v18;
	_ =	sdelay $0x1  }
0x353: {  	[tilespmem:$0x1320] =	vst v1;
	v1 =	vld [tilespmem:$0x1030]  }
0x354: {  	v2 =	vld.idx.msk [tilespmem:v2+s20+$0x0], $0xffff;
	_ =	sdelay $0x1  }
0x355: {  	v3 =	vld [tilespmem:$0x10B0];
	_ =	sdelay $0x1  }
0x356: {  	v19 =	vld [tilespmem:$0x1330]  }
0x357: {  	v1 =	vadd.f32 v2, v1;
	v2 =	vld [tilespmem:$0x940];
	_ =	sdelay $0x1  }
0x358: {  	v1 =	vsub.f32 v1, v3;
	_ =	sdelay $0x1  }
0x359: {  	v1 =	vand.u32 $0x7FFFFFFF, v1  }
0x35a: {  	v1 =	vadd.f32 v1, v19;
	_ =	sdelay $0x1  }
0x35b: {  	[tilespmem:$0x1330] =	vst v1;
	v1 =	vld [tilespmem:$0x1040]  }
0x35c: {  	v2 =	vld.idx.msk [tilespmem:v2+s20+$0x0], $0xffff;
	_ =	sdelay $0x1  }
0x35d: {  	v3 =	vld [tilespmem:$0x10C0];
	_ =	sdelay $0x1  }
0x35e: {  	v20 =	vld [tilespmem:$0x1340]  }
0x35f: {  	v1 =	vadd.f32 v2, v1;
	v2 =	vld [tilespmem:$0x950];
	_ =	sdelay $0x1  }
0x360: {  	v1 =	vsub.f32 v1, v3;
	_ =	sdelay $0x1  }
0x361: {  	v1 =	vand.u32 $0x7FFFFFFF, v1  }
0x362: {  	v1 =	vadd.f32 v1, v20;
	_ =	sdelay $0x1  }
0x363: {  	[tilespmem:$0x1340] =	vst v1;
	v1 =	vld [tilespmem:$0x1050]  }
0x364: {  	v2 =	vld.idx.msk [tilespmem:v2+s20+$0x0], $0xffff;
	_ =	sdelay $0x1  }
0x365: {  	v3 =	vld [tilespmem:$0x10D0];
	_ =	sdelay $0x1  }
0x366: {  	v21 =	vld [tilespmem:$0x1350]  }
0x367: {  	v1 =	vadd.f32 v2, v1;
	v2 =	vld [tilespmem:$0x960];
	_ =	sdelay $0x1  }
0x368: {  	v1 =	vsub.f32 v1, v3;
	_ =	sdelay $0x1  }
0x369: {  	v1 =	vand.u32 $0x7FFFFFFF, v1  }
0x36a: {  	v1 =	vadd.f32 v1, v21;
	_ =	sdelay $0x1  }
0x36b: {  	[tilespmem:$0x1350] =	vst v1;
	v1 =	vld [tilespmem:$0x1060]  }
0x36c: {  	v2 =	vld.idx.msk [tilespmem:v2+s20+$0x0], $0xffff;
	_ =	sdelay $0x1  }
0x36d: {  	v3 =	vld [tilespmem:$0x10E0];
	_ =	sdelay $0x1  }
0x36e: {  	v22 =	vld [tilespmem:$0x1360]  }
0x36f: {  	v1 =	vadd.f32 v2, v1;
	v2 =	vld [tilespmem:$0x970];
	_ =	sdelay $0x1  }
0x370: {  	v1 =	vsub.f32 v1, v3;
	_ =	sdelay $0x1  }
0x371: {  	v1 =	vand.u32 $0x7FFFFFFF, v1  }
0x372: {  	v1 =	vadd.f32 v1, v22;
	_ =	sdelay $0x1  }
0x373: {  	[tilespmem:$0x1360] =	vst v1;
	v1 =	vld [tilespmem:$0x1070]  }
0x374: {  	v2 =	vld.idx.msk [tilespmem:v2+s20+$0x0], $0xffff;
	_ =	sdelay $0x1  }
0x375: {  	v3 =	vld [tilespmem:$0x10F0];
	_ =	sdelay $0x2  }
0x376: {  	v23 =	vld [tilespmem:$0x1370];
	v1 =	vadd.f32 v2, v1;
	_ =	sdelay $0x1  }
0x377: {  	v1 =	vsub.f32 v1, v3;
	_ =	sdelay $0x1  }
0x378: {  	v1 =	vand.u32 $0x7FFFFFFF, v1  }
0x379: {  	v1 =	vadd.f32 v1, v23;
	_ =	sdelay $0x1  }
0x37a: {  	[tilespmem:$0x1370] =	vst v1  }
0x37b: {  	[tilespmem:s22], [sflag:$0x2] =	stream.indirect.gather [spmem:s4], $0x1, s19, s21, $0xb8;
	[tilespmem:$0x1FE50] =	vst v63  }
0x37c: {  	_ =	swait.ge [sflag:s24], $0x100  }
0x37d: {  	[sflag:s24] =	ssyncset.done $0x0  }
0x37e: {  	[sflag:s24] =	ssyncadd.s32 $0xFFFFFF00  }
0x37f: {  	v1 =	vld [tilespmem:$0x980];
	_ =	sdelay $0x6  }
0x380: {  	v2 =	vld [tilespmem:$0x1100]  }
0x381: {  	v1 =	vld.idx.msk [tilespmem:v1+s20+$0x0], $0xffff;
	_ =	sdelay $0x1  }
0x382: {  	v3 =	vld [tilespmem:$0x1180];
	_ =	sdelay $0x1  }
0x383: {  	v24 =	vld [tilespmem:$0x1380]  }
0x384: {  	v1 =	vadd.f32 v1, v2;
	v2 =	vld [tilespmem:$0x990];
	_ =	sdelay $0x1  }
0x385: {  	v1 =	vsub.f32 v1, v3;
	_ =	sdelay $0x1  }
0x386: {  	v1 =	vand.u32 $0x7FFFFFFF, v1  }
0x387: {  	v1 =	vadd.f32 v1, v24;
	_ =	sdelay $0x1  }
0x388: {  	[tilespmem:$0x1380] =	vst v1;
	v1 =	vld [tilespmem:$0x1110]  }
0x389: {  	v2 =	vld.idx.msk [tilespmem:v2+s20+$0x0], $0xffff;
	_ =	sdelay $0x1  }
0x38a: {  	v3 =	vld [tilespmem:$0x1190];
	_ =	sdelay $0x1  }
0x38b: {  	v25 =	vld [tilespmem:$0x1390]  }
0x38c: {  	v1 =	vadd.f32 v2, v1;
	v2 =	vld [tilespmem:$0x9A0];
	_ =	sdelay $0x1  }
0x38d: {  	v1 =	vsub.f32 v1, v3;
	_ =	sdelay $0x1  }
0x38e: {  	v1 =	vand.u32 $0x7FFFFFFF, v1  }
0x38f: {  	v1 =	vadd.f32 v1, v25;
	_ =	sdelay $0x1  }
0x390: {  	[tilespmem:$0x1390] =	vst v1;
	v1 =	vld [tilespmem:$0x1120]  }
0x391: {  	v2 =	vld.idx.msk [tilespmem:v2+s20+$0x0], $0xffff;
	_ =	sdelay $0x1  }
0x392: {  	v3 =	vld [tilespmem:$0x11A0];
	_ =	sdelay $0x1  }
0x393: {  	v26 =	vld [tilespmem:$0x13A0]  }
0x394: {  	v1 =	vadd.f32 v2, v1;
	v2 =	vld [tilespmem:$0x9B0];
	_ =	sdelay $0x1  }
0x395: {  	v1 =	vsub.f32 v1, v3;
	_ =	sdelay $0x1  }
0x396: {  	v1 =	vand.u32 $0x7FFFFFFF, v1  }
0x397: {  	v1 =	vadd.f32 v1, v26;
	_ =	sdelay $0x1  }
0x398: {  	[tilespmem:$0x13A0] =	vst v1;
	v1 =	vld [tilespmem:$0x1130]  }
0x399: {  	v2 =	vld.idx.msk [tilespmem:v2+s20+$0x0], $0xffff;
	_ =	sdelay $0x1  }
0x39a: {  	v3 =	vld [tilespmem:$0x11B0];
	_ =	sdelay $0x1  }
0x39b: {  	v27 =	vld [tilespmem:$0x13B0]  }
0x39c: {  	v1 =	vadd.f32 v2, v1;
	v2 =	vld [tilespmem:$0x9C0];
	_ =	sdelay $0x1  }
0x39d: {  	v1 =	vsub.f32 v1, v3;
	_ =	sdelay $0x1  }
0x39e: {  	v1 =	vand.u32 $0x7FFFFFFF, v1  }
0x39f: {  	v1 =	vadd.f32 v1, v27;
	_ =	sdelay $0x1  }
0x3a0: {  	[tilespmem:$0x13B0] =	vst v1;
	v1 =	vld [tilespmem:$0x1140]  }
0x3a1: {  	v2 =	vld.idx.msk [tilespmem:v2+s20+$0x0], $0xffff;
	_ =	sdelay $0x1  }
0x3a2: {  	v3 =	vld [tilespmem:$0x11C0];
	_ =	sdelay $0x1  }
0x3a3: {  	v28 =	vld [tilespmem:$0x13C0]  }
0x3a4: {  	v1 =	vadd.f32 v2, v1;
	v2 =	vld [tilespmem:$0x9D0];
	_ =	sdelay $0x1  }
0x3a5: {  	v1 =	vsub.f32 v1, v3;
	_ =	sdelay $0x1  }
0x3a6: {  	v1 =	vand.u32 $0x7FFFFFFF, v1  }
0x3a7: {  	v1 =	vadd.f32 v1, v28;
	_ =	sdelay $0x1  }
0x3a8: {  	[tilespmem:$0x13C0] =	vst v1;
	v1 =	vld [tilespmem:$0x1150]  }
0x3a9: {  	v2 =	vld.idx.msk [tilespmem:v2+s20+$0x0], $0xffff;
	_ =	sdelay $0x1  }
0x3aa: {  	v3 =	vld [tilespmem:$0x11D0];
	_ =	sdelay $0x1  }
0x3ab: {  	v29 =	vld [tilespmem:$0x13D0]  }
0x3ac: {  	v1 =	vadd.f32 v2, v1;
	v2 =	vld [tilespmem:$0x9E0];
	_ =	sdelay $0x1  }
0x3ad: {  	v1 =	vsub.f32 v1, v3;
	_ =	sdelay $0x1  }
0x3ae: {  	v1 =	vand.u32 $0x7FFFFFFF, v1  }
0x3af: {  	v1 =	vadd.f32 v1, v29;
	_ =	sdelay $0x1  }
0x3b0: {  	[tilespmem:$0x13D0] =	vst v1;
	v1 =	vld [tilespmem:$0x1160]  }
0x3b1: {  	v2 =	vld.idx.msk [tilespmem:v2+s20+$0x0], $0xffff;
	_ =	sdelay $0x1  }
0x3b2: {  	v3 =	vld [tilespmem:$0x11E0];
	_ =	sdelay $0x1  }
0x3b3: {  	v30 =	vld [tilespmem:$0x13E0]  }
0x3b4: {  	v1 =	vadd.f32 v2, v1;
	v2 =	vld [tilespmem:$0x9F0];
	_ =	sdelay $0x1  }
0x3b5: {  	v1 =	vsub.f32 v1, v3;
	_ =	sdelay $0x1  }
0x3b6: {  	v1 =	vand.u32 $0x7FFFFFFF, v1  }
0x3b7: {  	v1 =	vadd.f32 v1, v30;
	_ =	sdelay $0x1  }
0x3b8: {  	[tilespmem:$0x13E0] =	vst v1;
	v1 =	vld [tilespmem:$0x1170]  }
0x3b9: {  	v2 =	vld.idx.msk [tilespmem:v2+s20+$0x0], $0xffff;
	_ =	sdelay $0x1  }
0x3ba: {  	v3 =	vld [tilespmem:$0x11F0];
	_ =	sdelay $0x2  }
0x3bb: {  	v31 =	vld [tilespmem:$0x13F0];
	v1 =	vadd.f32 v2, v1;
	_ =	sdelay $0x1  }
0x3bc: {  	v1 =	vsub.f32 v1, v3;
	_ =	sdelay $0x1  }
0x3bd: {  	v1 =	vand.u32 $0x7FFFFFFF, v1  }
0x3be: {  	v1 =	vadd.f32 v1, v31;
	_ =	sdelay $0x1  }
0x3bf: {  	[tilespmem:$0x13F0] =	vst v1  }
0x3c0: {  	[tilespmem:s23], [sflag:$0x2] =	stream.indirect.gather [spmem:s4], $0x1, s28, s21, $0xb8;
	[tilespmem:$0x1FE50] =	vst v63  }
0x3c1: {  	_ =	swait.ge [sflag:s24], $0x100  }
0x3c2: {  	[sflag:s24] =	ssyncset.done $0x0  }
0x3c3: {  	[sflag:s24] =	ssyncadd.s32 $0xFFFFFF00  }
0x3c4: {  	v1 =	vld [tilespmem:$0xA00];
	_ =	sdelay $0x6  }
0x3c5: {  	v2 =	vld [tilespmem:$0x1000]  }
0x3c6: {  	v1 =	vld.idx.msk [tilespmem:v1+s20+$0x0], $0xffff;
	_ =	sdelay $0x1  }
0x3c7: {  	v3 =	vld [tilespmem:$0x1080];
	_ =	sdelay $0x1  }
0x3c8: {  	v32 =	vld [tilespmem:$0x1400]  }
0x3c9: {  	v1 =	vadd.f32 v1, v2;
	v2 =	vld [tilespmem:$0xA10];
	_ =	sdelay $0x1  }
0x3ca: {  	v1 =	vsub.f32 v1, v3;
	_ =	sdelay $0x1  }
0x3cb: {  	v1 =	vand.u32 $0x7FFFFFFF, v1  }
0x3cc: {  	v1 =	vadd.f32 v1, v32;
	_ =	sdelay $0x1  }
0x3cd: {  	[tilespmem:$0x1400] =	vst v1;
	v1 =	vld [tilespmem:$0x1010]  }
0x3ce: {  	v2 =	vld.idx.msk [tilespmem:v2+s20+$0x0], $0xffff;
	_ =	sdelay $0x1  }
0x3cf: {  	v3 =	vld [tilespmem:$0x1090];
	_ =	sdelay $0x1  }
0x3d0: {  	v33 =	vld [tilespmem:$0x1410]  }
0x3d1: {  	v1 =	vadd.f32 v2, v1;
	v2 =	vld [tilespmem:$0xA20];
	_ =	sdelay $0x1  }
0x3d2: {  	v1 =	vsub.f32 v1, v3;
	_ =	sdelay $0x1  }
0x3d3: {  	v1 =	vand.u32 $0x7FFFFFFF, v1  }
0x3d4: {  	v1 =	vadd.f32 v1, v33;
	_ =	sdelay $0x1  }
0x3d5: {  	[tilespmem:$0x1410] =	vst v1;
	v1 =	vld [tilespmem:$0x1020]  }
0x3d6: {  	v2 =	vld.idx.msk [tilespmem:v2+s20+$0x0], $0xffff;
	_ =	sdelay $0x1  }
0x3d7: {  	v3 =	vld [tilespmem:$0x10A0];
	_ =	sdelay $0x1  }
0x3d8: {  	v34 =	vld [tilespmem:$0x1420]  }
0x3d9: {  	v1 =	vadd.f32 v2, v1;
	v2 =	vld [tilespmem:$0xA30];
	_ =	sdelay $0x1  }
0x3da: {  	v1 =	vsub.f32 v1, v3;
	_ =	sdelay $0x1  }
0x3db: {  	v1 =	vand.u32 $0x7FFFFFFF, v1  }
0x3dc: {  	v1 =	vadd.f32 v1, v34;
	_ =	sdelay $0x1  }
0x3dd: {  	[tilespmem:$0x1420] =	vst v1;
	v1 =	vld [tilespmem:$0x1030]  }
0x3de: {  	v2 =	vld.idx.msk [tilespmem:v2+s20+$0x0], $0xffff;
	_ =	sdelay $0x1  }
0x3df: {  	v3 =	vld [tilespmem:$0x10B0];
	_ =	sdelay $0x1  }
0x3e0: {  	v35 =	vld [tilespmem:$0x1430]  }
0x3e1: {  	v1 =	vadd.f32 v2, v1;
	v2 =	vld [tilespmem:$0xA40];
	_ =	sdelay $0x1  }
0x3e2: {  	v1 =	vsub.f32 v1, v3;
	_ =	sdelay $0x1  }
0x3e3: {  	v1 =	vand.u32 $0x7FFFFFFF, v1  }
0x3e4: {  	v1 =	vadd.f32 v1, v35;
	_ =	sdelay $0x1  }
0x3e5: {  	[tilespmem:$0x1430] =	vst v1;
	v1 =	vld [tilespmem:$0x1040]  }
0x3e6: {  	v2 =	vld.idx.msk [tilespmem:v2+s20+$0x0], $0xffff;
	_ =	sdelay $0x1  }
0x3e7: {  	v3 =	vld [tilespmem:$0x10C0];
	_ =	sdelay $0x1  }
0x3e8: {  	v36 =	vld [tilespmem:$0x1440]  }
0x3e9: {  	v1 =	vadd.f32 v2, v1;
	v2 =	vld [tilespmem:$0xA50];
	_ =	sdelay $0x1  }
0x3ea: {  	v1 =	vsub.f32 v1, v3;
	_ =	sdelay $0x1  }
0x3eb: {  	v1 =	vand.u32 $0x7FFFFFFF, v1  }
0x3ec: {  	v1 =	vadd.f32 v1, v36;
	_ =	sdelay $0x1  }
0x3ed: {  	[tilespmem:$0x1440] =	vst v1;
	v1 =	vld [tilespmem:$0x1050]  }
0x3ee: {  	v2 =	vld.idx.msk [tilespmem:v2+s20+$0x0], $0xffff;
	_ =	sdelay $0x1  }
0x3ef: {  	v3 =	vld [tilespmem:$0x10D0];
	_ =	sdelay $0x1  }
0x3f0: {  	v37 =	vld [tilespmem:$0x1450]  }
0x3f1: {  	v1 =	vadd.f32 v2, v1;
	v2 =	vld [tilespmem:$0xA60];
	_ =	sdelay $0x1  }
0x3f2: {  	v1 =	vsub.f32 v1, v3;
	_ =	sdelay $0x1  }
0x3f3: {  	v1 =	vand.u32 $0x7FFFFFFF, v1  }
0x3f4: {  	v1 =	vadd.f32 v1, v37;
	_ =	sdelay $0x1  }
0x3f5: {  	[tilespmem:$0x1450] =	vst v1;
	v1 =	vld [tilespmem:$0x1060]  }
0x3f6: {  	v2 =	vld.idx.msk [tilespmem:v2+s20+$0x0], $0xffff;
	_ =	sdelay $0x1  }
0x3f7: {  	v3 =	vld [tilespmem:$0x10E0];
	_ =	sdelay $0x1  }
0x3f8: {  	v38 =	vld [tilespmem:$0x1460]  }
0x3f9: {  	v1 =	vadd.f32 v2, v1;
	v2 =	vld [tilespmem:$0xA70];
	_ =	sdelay $0x1  }
0x3fa: {  	v1 =	vsub.f32 v1, v3;
	_ =	sdelay $0x1  }
0x3fb: {  	v1 =	vand.u32 $0x7FFFFFFF, v1  }
0x3fc: {  	v1 =	vadd.f32 v1, v38;
	_ =	sdelay $0x1  }
0x3fd: {  	[tilespmem:$0x1460] =	vst v1;
	v1 =	vld [tilespmem:$0x1070]  }
0x3fe: {  	v2 =	vld.idx.msk [tilespmem:v2+s20+$0x0], $0xffff;
	_ =	sdelay $0x1  }
0x3ff: {  	v3 =	vld [tilespmem:$0x10F0];
	_ =	sdelay $0x2  }
0x400: {  	v39 =	vld [tilespmem:$0x1470];
	v1 =	vadd.f32 v2, v1;
	_ =	sdelay $0x1  }
0x401: {  	v1 =	vsub.f32 v1, v3;
	_ =	sdelay $0x1  }
0x402: {  	v1 =	vand.u32 $0x7FFFFFFF, v1  }
0x403: {  	v1 =	vadd.f32 v1, v39;
	_ =	sdelay $0x1  }
0x404: {  	[tilespmem:$0x1470] =	vst v1  }
0x405: {  	[tilespmem:s22], [sflag:$0x2] =	stream.indirect.gather [spmem:s4], $0x1, s29, s21, $0xb8;
	[tilespmem:$0x1FE50] =	vst v63  }
0x406: {  	_ =	swait.ge [sflag:s24], $0x100  }
0x407: {  	[sflag:s24] =	ssyncset.done $0x0  }
0x408: {  	[sflag:s24] =	ssyncadd.s32 $0xFFFFFF00  }
0x409: {  	v1 =	vld [tilespmem:$0xA80];
	_ =	sdelay $0x6  }
0x40a: {  	v2 =	vld [tilespmem:$0x1100]  }
0x40b: {  	v1 =	vld.idx.msk [tilespmem:v1+s20+$0x0], $0xffff;
	_ =	sdelay $0x1  }
0x40c: {  	v3 =	vld [tilespmem:$0x1180];
	_ =	sdelay $0x1  }
0x40d: {  	v40 =	vld [tilespmem:$0x1480]  }
0x40e: {  	v1 =	vadd.f32 v1, v2;
	v2 =	vld [tilespmem:$0xA90];
	_ =	sdelay $0x1  }
0x40f: {  	v1 =	vsub.f32 v1, v3;
	_ =	sdelay $0x1  }
0x410: {  	v1 =	vand.u32 $0x7FFFFFFF, v1  }
0x411: {  	v1 =	vadd.f32 v1, v40;
	_ =	sdelay $0x1  }
0x412: {  	[tilespmem:$0x1480] =	vst v1;
	v1 =	vld [tilespmem:$0x1110]  }
0x413: {  	v2 =	vld.idx.msk [tilespmem:v2+s20+$0x0], $0xffff;
	_ =	sdelay $0x1  }
0x414: {  	v3 =	vld [tilespmem:$0x1190];
	_ =	sdelay $0x1  }
0x415: {  	v41 =	vld [tilespmem:$0x1490]  }
0x416: {  	v1 =	vadd.f32 v2, v1;
	v2 =	vld [tilespmem:$0xAA0];
	_ =	sdelay $0x1  }
0x417: {  	v1 =	vsub.f32 v1, v3;
	_ =	sdelay $0x1  }
0x418: {  	v1 =	vand.u32 $0x7FFFFFFF, v1  }
0x419: {  	v1 =	vadd.f32 v1, v41;
	_ =	sdelay $0x1  }
0x41a: {  	[tilespmem:$0x1490] =	vst v1;
	v1 =	vld [tilespmem:$0x1120]  }
0x41b: {  	v2 =	vld.idx.msk [tilespmem:v2+s20+$0x0], $0xffff;
	_ =	sdelay $0x1  }
0x41c: {  	v3 =	vld [tilespmem:$0x11A0];
	_ =	sdelay $0x1  }
0x41d: {  	v42 =	vld [tilespmem:$0x14A0]  }
0x41e: {  	v1 =	vadd.f32 v2, v1;
	v2 =	vld [tilespmem:$0xAB0];
	_ =	sdelay $0x1  }
0x41f: {  	v1 =	vsub.f32 v1, v3;
	_ =	sdelay $0x1  }
0x420: {  	v1 =	vand.u32 $0x7FFFFFFF, v1  }
0x421: {  	v1 =	vadd.f32 v1, v42;
	_ =	sdelay $0x1  }
0x422: {  	[tilespmem:$0x14A0] =	vst v1;
	v1 =	vld [tilespmem:$0x1130]  }
0x423: {  	v2 =	vld.idx.msk [tilespmem:v2+s20+$0x0], $0xffff;
	_ =	sdelay $0x1  }
0x424: {  	v3 =	vld [tilespmem:$0x11B0];
	_ =	sdelay $0x1  }
0x425: {  	v43 =	vld [tilespmem:$0x14B0]  }
0x426: {  	v1 =	vadd.f32 v2, v1;
	v2 =	vld [tilespmem:$0xAC0];
	_ =	sdelay $0x1  }
0x427: {  	v1 =	vsub.f32 v1, v3;
	_ =	sdelay $0x1  }
0x428: {  	v1 =	vand.u32 $0x7FFFFFFF, v1  }
0x429: {  	v1 =	vadd.f32 v1, v43;
	_ =	sdelay $0x1  }
0x42a: {  	[tilespmem:$0x14B0] =	vst v1;
	v1 =	vld [tilespmem:$0x1140]  }
0x42b: {  	v2 =	vld.idx.msk [tilespmem:v2+s20+$0x0], $0xffff;
	_ =	sdelay $0x1  }
0x42c: {  	v3 =	vld [tilespmem:$0x11C0];
	_ =	sdelay $0x1  }
0x42d: {  	v44 =	vld [tilespmem:$0x14C0]  }
0x42e: {  	v1 =	vadd.f32 v2, v1;
	v2 =	vld [tilespmem:$0xAD0];
	_ =	sdelay $0x1  }
0x42f: {  	v1 =	vsub.f32 v1, v3;
	_ =	sdelay $0x1  }
0x430: {  	v1 =	vand.u32 $0x7FFFFFFF, v1  }
0x431: {  	v1 =	vadd.f32 v1, v44;
	_ =	sdelay $0x1  }
0x432: {  	[tilespmem:$0x14C0] =	vst v1;
	v1 =	vld [tilespmem:$0x1150]  }
0x433: {  	v2 =	vld.idx.msk [tilespmem:v2+s20+$0x0], $0xffff;
	_ =	sdelay $0x1  }
0x434: {  	v3 =	vld [tilespmem:$0x11D0];
	_ =	sdelay $0x1  }
0x435: {  	v45 =	vld [tilespmem:$0x14D0]  }
0x436: {  	v1 =	vadd.f32 v2, v1;
	v2 =	vld [tilespmem:$0xAE0];
	_ =	sdelay $0x1  }
0x437: {  	v1 =	vsub.f32 v1, v3;
	_ =	sdelay $0x1  }
0x438: {  	v1 =	vand.u32 $0x7FFFFFFF, v1  }
0x439: {  	v1 =	vadd.f32 v1, v45;
	_ =	sdelay $0x1  }
0x43a: {  	[tilespmem:$0x14D0] =	vst v1;
	v1 =	vld [tilespmem:$0x1160]  }
0x43b: {  	v2 =	vld.idx.msk [tilespmem:v2+s20+$0x0], $0xffff;
	_ =	sdelay $0x1  }
0x43c: {  	v3 =	vld [tilespmem:$0x11E0];
	_ =	sdelay $0x1  }
0x43d: {  	v46 =	vld [tilespmem:$0x14E0]  }
0x43e: {  	v1 =	vadd.f32 v2, v1;
	v2 =	vld [tilespmem:$0xAF0];
	_ =	sdelay $0x1  }
0x43f: {  	v1 =	vsub.f32 v1, v3;
	_ =	sdelay $0x1  }
0x440: {  	v1 =	vand.u32 $0x7FFFFFFF, v1  }
0x441: {  	v1 =	vadd.f32 v1, v46;
	_ =	sdelay $0x1  }
0x442: {  	[tilespmem:$0x14E0] =	vst v1;
	v1 =	vld [tilespmem:$0x1170]  }
0x443: {  	v2 =	vld.idx.msk [tilespmem:v2+s20+$0x0], $0xffff;
	_ =	sdelay $0x1  }
0x444: {  	v3 =	vld [tilespmem:$0x11F0];
	_ =	sdelay $0x2  }
0x445: {  	v47 =	vld [tilespmem:$0x14F0];
	v1 =	vadd.f32 v2, v1;
	_ =	sdelay $0x1  }
0x446: {  	v1 =	vsub.f32 v1, v3;
	_ =	sdelay $0x1  }
0x447: {  	v1 =	vand.u32 $0x7FFFFFFF, v1  }
0x448: {  	v1 =	vadd.f32 v1, v47;
	_ =	sdelay $0x1  }
0x449: {  	[tilespmem:$0x14F0] =	vst v1  }
0x44a: {  	[tilespmem:s23], [sflag:$0x2] =	stream.indirect.gather [spmem:s4], $0x1, s30, s21, $0xb8;
	[tilespmem:$0x1FE50] =	vst v63  }
0x44b: {  	_ =	swait.ge [sflag:s24], $0x100  }
0x44c: {  	[sflag:s24] =	ssyncset.done $0x0  }
0x44d: {  	[sflag:s24] =	ssyncadd.s32 $0xFFFFFF00  }
0x44e: {  	v1 =	vld [tilespmem:$0xB00];
	_ =	sdelay $0x6  }
0x44f: {  	v2 =	vld [tilespmem:$0x1000]  }
0x450: {  	v1 =	vld.idx.msk [tilespmem:v1+s20+$0x0], $0xffff;
	_ =	sdelay $0x1  }
0x451: {  	v3 =	vld [tilespmem:$0x1080];
	_ =	sdelay $0x1  }
0x452: {  	v48 =	vld [tilespmem:$0x1500]  }
0x453: {  	v1 =	vadd.f32 v1, v2;
	v2 =	vld [tilespmem:$0xB10];
	_ =	sdelay $0x1  }
0x454: {  	v1 =	vsub.f32 v1, v3;
	_ =	sdelay $0x1  }
0x455: {  	v1 =	vand.u32 $0x7FFFFFFF, v1  }
0x456: {  	v1 =	vadd.f32 v1, v48;
	_ =	sdelay $0x1  }
0x457: {  	[tilespmem:$0x1500] =	vst v1;
	v1 =	vld [tilespmem:$0x1010]  }
0x458: {  	v2 =	vld.idx.msk [tilespmem:v2+s20+$0x0], $0xffff;
	_ =	sdelay $0x1  }
0x459: {  	v3 =	vld [tilespmem:$0x1090];
	_ =	sdelay $0x1  }
0x45a: {  	v49 =	vld [tilespmem:$0x1510]  }
0x45b: {  	v1 =	vadd.f32 v2, v1;
	v2 =	vld [tilespmem:$0xB20];
	_ =	sdelay $0x1  }
0x45c: {  	v1 =	vsub.f32 v1, v3;
	_ =	sdelay $0x1  }
0x45d: {  	v1 =	vand.u32 $0x7FFFFFFF, v1  }
0x45e: {  	v1 =	vadd.f32 v1, v49;
	_ =	sdelay $0x1  }
0x45f: {  	[tilespmem:$0x1510] =	vst v1;
	v1 =	vld [tilespmem:$0x1020]  }
0x460: {  	v2 =	vld.idx.msk [tilespmem:v2+s20+$0x0], $0xffff;
	_ =	sdelay $0x1  }
0x461: {  	v3 =	vld [tilespmem:$0x10A0];
	_ =	sdelay $0x1  }
0x462: {  	v50 =	vld [tilespmem:$0x1520]  }
0x463: {  	v1 =	vadd.f32 v2, v1;
	v2 =	vld [tilespmem:$0xB30];
	_ =	sdelay $0x1  }
0x464: {  	v1 =	vsub.f32 v1, v3;
	_ =	sdelay $0x1  }
0x465: {  	v1 =	vand.u32 $0x7FFFFFFF, v1  }
0x466: {  	v1 =	vadd.f32 v1, v50;
	_ =	sdelay $0x1  }
0x467: {  	[tilespmem:$0x1520] =	vst v1;
	v1 =	vld [tilespmem:$0x1030]  }
0x468: {  	v2 =	vld.idx.msk [tilespmem:v2+s20+$0x0], $0xffff;
	_ =	sdelay $0x1  }
0x469: {  	v3 =	vld [tilespmem:$0x10B0];
	_ =	sdelay $0x1  }
0x46a: {  	v51 =	vld [tilespmem:$0x1530]  }
0x46b: {  	v1 =	vadd.f32 v2, v1;
	v2 =	vld [tilespmem:$0xB40];
	_ =	sdelay $0x1  }
0x46c: {  	v1 =	vsub.f32 v1, v3;
	_ =	sdelay $0x1  }
0x46d: {  	v1 =	vand.u32 $0x7FFFFFFF, v1  }
0x46e: {  	v1 =	vadd.f32 v1, v51;
	_ =	sdelay $0x1  }
0x46f: {  	[tilespmem:$0x1530] =	vst v1;
	v1 =	vld [tilespmem:$0x1040]  }
0x470: {  	v2 =	vld.idx.msk [tilespmem:v2+s20+$0x0], $0xffff;
	_ =	sdelay $0x1  }
0x471: {  	v3 =	vld [tilespmem:$0x10C0];
	_ =	sdelay $0x1  }
0x472: {  	v52 =	vld [tilespmem:$0x1540]  }
0x473: {  	v1 =	vadd.f32 v2, v1;
	v2 =	vld [tilespmem:$0xB50];
	_ =	sdelay $0x1  }
0x474: {  	v1 =	vsub.f32 v1, v3;
	_ =	sdelay $0x1  }
0x475: {  	v1 =	vand.u32 $0x7FFFFFFF, v1  }
0x476: {  	v1 =	vadd.f32 v1, v52;
	_ =	sdelay $0x1  }
0x477: {  	[tilespmem:$0x1540] =	vst v1;
	v1 =	vld [tilespmem:$0x1050]  }
0x478: {  	v2 =	vld.idx.msk [tilespmem:v2+s20+$0x0], $0xffff;
	_ =	sdelay $0x1  }
0x479: {  	v3 =	vld [tilespmem:$0x10D0];
	_ =	sdelay $0x1  }
0x47a: {  	v53 =	vld [tilespmem:$0x1550]  }
0x47b: {  	v1 =	vadd.f32 v2, v1;
	v2 =	vld [tilespmem:$0xB60];
	_ =	sdelay $0x1  }
0x47c: {  	v1 =	vsub.f32 v1, v3;
	_ =	sdelay $0x1  }
0x47d: {  	v1 =	vand.u32 $0x7FFFFFFF, v1  }
0x47e: {  	v1 =	vadd.f32 v1, v53;
	_ =	sdelay $0x1  }
0x47f: {  	[tilespmem:$0x1550] =	vst v1;
	v1 =	vld [tilespmem:$0x1060]  }
0x480: {  	v2 =	vld.idx.msk [tilespmem:v2+s20+$0x0], $0xffff;
	_ =	sdelay $0x1  }
0x481: {  	v3 =	vld [tilespmem:$0x10E0];
	_ =	sdelay $0x1  }
0x482: {  	v54 =	vld [tilespmem:$0x1560]  }
0x483: {  	v1 =	vadd.f32 v2, v1;
	v2 =	vld [tilespmem:$0xB70];
	_ =	sdelay $0x1  }
0x484: {  	v1 =	vsub.f32 v1, v3;
	_ =	sdelay $0x1  }
0x485: {  	v1 =	vand.u32 $0x7FFFFFFF, v1  }
0x486: {  	v1 =	vadd.f32 v1, v54;
	_ =	sdelay $0x1  }
0x487: {  	[tilespmem:$0x1560] =	vst v1;
	v1 =	vld [tilespmem:$0x1070]  }
0x488: {  	v2 =	vld.idx.msk [tilespmem:v2+s20+$0x0], $0xffff;
	_ =	sdelay $0x1  }
0x489: {  	v3 =	vld [tilespmem:$0x10F0];
	_ =	sdelay $0x2  }
0x48a: {  	v55 =	vld [tilespmem:$0x1570];
	v1 =	vadd.f32 v2, v1;
	_ =	sdelay $0x1  }
0x48b: {  	v1 =	vsub.f32 v1, v3;
	_ =	sdelay $0x1  }
0x48c: {  	v1 =	vand.u32 $0x7FFFFFFF, v1  }
0x48d: {  	v1 =	vadd.f32 v1, v55  }
0x48e: {  	s0 =	sshrl.u32 @p2 s13, $0x3  }
0x48f: {  	s1 =	sadd.s32 @p2 $0x180, s11;
	s0 =	smul.u32 @p2 $0x7A1400, s0;
	[tilespmem:$0x1570] =	vst v1  }
0x490: {  	s1 =	sand.u32 @p2 $0x380, s1;
	_ =	swait.ge [sflag:s24], $0x100  }
0x491: {  	s0 =	sor.u32 @p2 s1, s0;
	[sflag:s24] =	ssyncset.done $0x0  }
0x492: {  	s0 =	sshrl.u32 @p2 s0, $0x3;
	[sflag:s24] =	ssyncadd.s32 $0xFFFFFF00  }
0x493: {  	s1 =	sshrl.u32 @p2 s4, $0x3;
	s0 =	sadd.s32 @p2 s2, s0;
	[bflag:$0x0] =	sbarrier.arrive $0xFFFF  }
0x494: {  	[spmem:s1@s17], [sflag:s7] =	dma.strided @p2 [hbm:s0@s31], $0x1E850, s16, $0x10   }
0x495: {  	v1 =	vld [tilespmem:$0xB80];
	_ =	sdelay $0x6  }
0x496: {  	v2 =	vld [tilespmem:$0x1100]  }
0x497: {  	v1 =	vld.idx.msk [tilespmem:v1+s20+$0x0], $0xffff;
	_ =	sdelay $0x1  }
0x498: {  	v3 =	vld [tilespmem:$0x1180];
	_ =	sdelay $0x1  }
0x499: {  	v56 =	vld [tilespmem:$0x1580]  }
0x49a: {  	v1 =	vadd.f32 v1, v2;
	v2 =	vld [tilespmem:$0xB90];
	_ =	sdelay $0x1  }
0x49b: {  	v1 =	vsub.f32 v1, v3;
	_ =	sdelay $0x1  }
0x49c: {  	v1 =	vand.u32 $0x7FFFFFFF, v1  }
0x49d: {  	v1 =	vadd.f32 v1, v56;
	_ =	sdelay $0x1  }
0x49e: {  	[tilespmem:$0x1580] =	vst v1;
	v1 =	vld [tilespmem:$0x1110]  }
0x49f: {  	v2 =	vld.idx.msk [tilespmem:v2+s20+$0x0], $0xffff;
	_ =	sdelay $0x1  }
0x4a0: {  	v3 =	vld [tilespmem:$0x1190];
	_ =	sdelay $0x1  }
0x4a1: {  	v57 =	vld [tilespmem:$0x1590]  }
0x4a2: {  	v1 =	vadd.f32 v2, v1;
	v2 =	vld [tilespmem:$0xBA0];
	_ =	sdelay $0x1  }
0x4a3: {  	v1 =	vsub.f32 v1, v3;
	_ =	sdelay $0x1  }
0x4a4: {  	v1 =	vand.u32 $0x7FFFFFFF, v1  }
0x4a5: {  	v1 =	vadd.f32 v1, v57;
	_ =	sdelay $0x1  }
0x4a6: {  	[tilespmem:$0x1590] =	vst v1;
	v1 =	vld [tilespmem:$0x1120]  }
0x4a7: {  	v2 =	vld.idx.msk [tilespmem:v2+s20+$0x0], $0xffff;
	_ =	sdelay $0x1  }
0x4a8: {  	v3 =	vld [tilespmem:$0x11A0];
	_ =	sdelay $0x1  }
0x4a9: {  	v58 =	vld [tilespmem:$0x15A0]  }
0x4aa: {  	v1 =	vadd.f32 v2, v1;
	v2 =	vld [tilespmem:$0xBB0];
	_ =	sdelay $0x1  }
0x4ab: {  	v1 =	vsub.f32 v1, v3;
	_ =	sdelay $0x1  }
0x4ac: {  	v1 =	vand.u32 $0x7FFFFFFF, v1  }
0x4ad: {  	v1 =	vadd.f32 v1, v58;
	_ =	sdelay $0x1  }
0x4ae: {  	[tilespmem:$0x15A0] =	vst v1;
	v1 =	vld [tilespmem:$0x1130]  }
0x4af: {  	v2 =	vld.idx.msk [tilespmem:v2+s20+$0x0], $0xffff;
	_ =	sdelay $0x1  }
0x4b0: {  	v3 =	vld [tilespmem:$0x11B0];
	_ =	sdelay $0x1  }
0x4b1: {  	v59 =	vld [tilespmem:$0x15B0]  }
0x4b2: {  	v1 =	vadd.f32 v2, v1;
	v2 =	vld [tilespmem:$0xBC0];
	_ =	sdelay $0x1  }
0x4b3: {  	v1 =	vsub.f32 v1, v3;
	_ =	sdelay $0x1  }
0x4b4: {  	v1 =	vand.u32 $0x7FFFFFFF, v1  }
0x4b5: {  	v1 =	vadd.f32 v1, v59;
	_ =	sdelay $0x1  }
0x4b6: {  	[tilespmem:$0x15B0] =	vst v1;
	v1 =	vld [tilespmem:$0x1140]  }
0x4b7: {  	v2 =	vld.idx.msk [tilespmem:v2+s20+$0x0], $0xffff;
	_ =	sdelay $0x1  }
0x4b8: {  	v3 =	vld [tilespmem:$0x11C0];
	_ =	sdelay $0x1  }
0x4b9: {  	v60 =	vld [tilespmem:$0x15C0]  }
0x4ba: {  	v1 =	vadd.f32 v2, v1;
	v2 =	vld [tilespmem:$0xBD0];
	_ =	sdelay $0x1  }
0x4bb: {  	v1 =	vsub.f32 v1, v3;
	_ =	sdelay $0x1  }
0x4bc: {  	v1 =	vand.u32 $0x7FFFFFFF, v1  }
0x4bd: {  	v1 =	vadd.f32 v1, v60;
	_ =	sdelay $0x1  }
0x4be: {  	[tilespmem:$0x15C0] =	vst v1;
	v1 =	vld [tilespmem:$0x1150]  }
0x4bf: {  	v2 =	vld.idx.msk [tilespmem:v2+s20+$0x0], $0xffff;
	_ =	sdelay $0x1  }
0x4c0: {  	v3 =	vld [tilespmem:$0x11D0];
	_ =	sdelay $0x1  }
0x4c1: {  	v61 =	vld [tilespmem:$0x15D0]  }
0x4c2: {  	v1 =	vadd.f32 v2, v1;
	v2 =	vld [tilespmem:$0xBE0];
	_ =	sdelay $0x1  }
0x4c3: {  	v1 =	vsub.f32 v1, v3;
	_ =	sdelay $0x1  }
0x4c4: {  	v1 =	vand.u32 $0x7FFFFFFF, v1  }
0x4c5: {  	v1 =	vadd.f32 v1, v61;
	_ =	sdelay $0x1  }
0x4c6: {  	[tilespmem:$0x15D0] =	vst v1;
	v1 =	vld [tilespmem:$0x1160]  }
0x4c7: {  	v2 =	vld.idx.msk [tilespmem:v2+s20+$0x0], $0xffff;
	_ =	sdelay $0x1  }
0x4c8: {  	v3 =	vld [tilespmem:$0x11E0];
	_ =	sdelay $0x1  }
0x4c9: {  	v62 =	vld [tilespmem:$0x15E0]  }
0x4ca: {  	v1 =	vadd.f32 v2, v1;
	v2 =	vld [tilespmem:$0xBF0];
	_ =	sdelay $0x1  }
0x4cb: {  	v1 =	vsub.f32 v1, v3;
	_ =	sdelay $0x1  }
0x4cc: {  	v1 =	vand.u32 $0x7FFFFFFF, v1  }
0x4cd: {  	v1 =	vadd.f32 v1, v62;
	_ =	sdelay $0x1  }
0x4ce: {  	[tilespmem:$0x15E0] =	vst v1;
	v1 =	vld [tilespmem:$0x1170]  }
0x4cf: {  	v2 =	vld.idx.msk [tilespmem:v2+s20+$0x0], $0xffff;
	_ =	sdelay $0x1  }
0x4d0: {  	v3 =	vld [tilespmem:$0x11F0];
	_ =	sdelay $0x2  }
0x4d1: {  	v63 =	vld [tilespmem:$0x15F0];
	v1 =	vadd.f32 v2, v1  }
0x4d2: {  	s8 =	sadd.s32 $0x100, s8  }
0x4d3: {  	p2 =	sne.s32 s8, $0x1000;
	v1 =	vsub.f32 v1, v3  }
.Ltmp0:
0x4d4: {  	_ = 	snop;
	(pc) =	sbr.rel @p2 .LBB2_2-.Ltmp0, $3  }
0x4d5: {  	v1 =	vand.u32 $0x7FFFFFFF, v1  }
0x4d6: {  	v1 =	vadd.f32 v1, v63;
	_ =	sdelay $0x1  }
0x4d7: {  	s6 =	sadd.s32 $0x20, s6;
	s13 =	sadd.s32 $0x2, s13;
	s1 =	smov.u32 s2;
	[tilespmem:$0x15F0] =	vst v1  }
0x4d8: {  	s0 =	rddreg [dreg:$0xc];
	s6 =	simm.s32 $0x1200  }
0x4d9: {  	[hbm4b:s0+s5] =	stream.linear.scatter [tilespmem:s6], [sflag:$0x3], $0x400, $0x38;
	[tilespmem:$0x1FE50] =	vst v63  }
0x4da: {  	_ =	swait.ge [sflag:s14], $0x400  }
0x4db: {  	s17 =	rddreg [dreg:$0x11]  }
0x4dc: {  	s31 =	rddreg [dreg:$0xd];
	s6 =	sadd.s32 $0x1, s17  }
0x4dd: {  	p2 =	sne.s32 s6, s31  }
.Ltmp1:
0x4de: {  	_ = 	snop;
	(pc) =	sbr.rel @p2 .LBB2_1-.Ltmp1, $3  }
0x4df: {  	_ =	sdelay $0x1  }
0x4e0: {  	[sflag:s14] =	ssyncset.done $0x0  }
0x4e1: {  	[sflag:s14] =	ssyncadd.s32 $0xFFFFFC00  }
0x4e2: {  	_ =	sfence.sel $0x180000  }
0x4e3: {  	[bflag:$0x0] =	sbarrier.arrive $0xFFFF  }
0x4e4: {  	_ =	strace $0x90000047  }
0x4e5: {  	[bflag:$0x2] =	sbarrier.arrive $0xFFFF  }
0x4e6: {  	s0 =	rddreg [dreg:$0x7]  }
0x4e7: {  	s0 =	sadd.s32 @!p0 $0x100000, s0  }
0x4e8: {  	[sflag:s0] =	ssyncadd.tile.s32 @!p0 $0x1;
	_ =	shalt  }
.Lfunc_end2:
_tile_overlayer_lowered:
.L_overlay_start_2:
0x4e9: {  	(tag) =	ssettag $0x2  }
0x4ea: {  	s0 =	rddreg [dreg:$0x0];
	s2 =	stileid.u32  }
0x4eb: {  	s1 =	rddreg [dreg:$0x1];
	p0 =	sne.s32 s2, $0x0  }
0x4ec: {  	s3 =	rddreg [dreg:$0x2];
	[bflag:$0x3] =	sbarrier.arrive $0xFFFF;
	s2 =	simm.s32 @!p0 $0x1C03  }
0x4ed: {  	[timem:s3], [sflag:s2] =	dma.local @!p0 [hbm:s0], s1  }
0x4ee: {  	s0 =	simm.s32 @!p0 $0x3  }
0x4ef: {  	_ =	swait.ge @!p0 [sflag:s0], s1  }
0x4f0: {  	s1 =	ssub.s32 @!p0 $0x0, s1;
	[sflag:s0] =	ssyncset.done @!p0 $0x0  }
0x4f1: {  	[sflag:s0] =	ssyncadd.s32 @!p0 s1  }
0x4f2: {  	[bflag:$0x3] =	sbarrier.arrive $0xFFFF  }
0x4f3: {  	_ =	shalt  }

// kernel: _transe_call.7.cloned.1.call-start
scs
__scs_entry_jumppad:
0x0: {  	(pc) =	sbr.rel $0x88, $3  }
0x1: {  	(tag) =	ssettag $0x0;
	lr =	simm.s32 $0x1  }
0x2: {  	[smem:$0x3F9C] =	sst lr;
	_ =	strace $0xD0000000  }
0x3: {  	_ = 	snop  }
0x4: {  	_ = 	snop  }
0x5: {  	_ = 	snop  }
0x6: {  	_ = 	snop  }
0x7: {  	_ = 	snop  }
__scs_overlays_trampoline_lowered:
0x8: {  	[smem:$0x3FAB] =	sst s0  }
0x9: {  	[smem:$0x3FAC] =	sst s1  }
0xa: {  	[smem:$0x3FAD] =	sst s2  }
0xb: {  	[smem:$0x3FAE] =	sst s3  }
0xc: {  	[smem:$0x3FAF] =	sst s4  }
0xd: {  	[smem:$0x3FB0] =	sst s5  }
0xe: {  	[smem:$0x3FB1] =	sst s6  }
0xf: {  	[smem:$0x3FB2] =	sst s7  }
0x10: {  	[smem:$0x3FB3] =	sst s8  }
0x11: {  	[smem:$0x3FB4] =	sst s9;
	s0 =	simm.s32 @!p0 $0x0  }
0x12: {  	s1 =	sld [smem:$0x3F9A];
	s0 =	simm.s32 @p0 $0x1  }
0x13: {  	[smem:$0x3FB5] =	sst s0;
	s0 =	simm.s32 @!p1 $0x0  }
0x14: {  	s2 =	sld [smem:$0x3F99];
	s0 =	simm.s32 @p1 $0x1  }
0x15: {  	[smem:$0x3FB6] =	sst s0;
	s0 =	simm.s32 @!p2 $0x0  }
0x16: {  	s3 =	sld [smem:$0x3FDB];
	s0 =	simm.s32 @p2 $0x1  }
0x17: {  	s4 =	simm.s32 $0x1BF5;
	[smem:$0x3FB8] =	sst s0  }
0x18: {  	s0 =	sld [smem:$0x3F9B];
	_ =	swait.ge [sflag:s4], $0x0  }
0x19: {  	s7 =	sld [smem:$0x3F9C]  }
0x1a: {  	s8 =	sadd.s32 $0xFFFFE003, lr  }
0x1b: {  	s9 =	sadd.s32 $0xFFFFFEF7, lr;
	s5 =	simm.s32 $0xFFFFFFFF;
	p2 =	slt.u32 s8, $0xFFFFF086  }
0x1c: {  	p1 =	slt.u32 s9, $0xF7A;
	s5 =	simm.s32 @!p2 $0x0  }
0x1d: {  	s5 =	simm.s32 @p1 $0x1;
	p0 =	seq.s32 s7, s2  }
0x1e: {  	s7 =	smul.u32 @!p0 $0xF7A, s2;
	p2 =	seq.s32 @!p0 s5, $0x0  }
0x1f: {  	s9 =	smul.u32 $0xF7A, s1;
	s8 =	simm.s32 @!p0 $0x1BF5;
	p2 =	por !p2, p0  }
0x20: {  	[sflag:s8] =	ssyncset.s32 @!p0 $0xFFFFF086;
	s6 =	sadd.s32 @!p0 s3, s7;
	s7 =	simm.s32 @!p0 $0x108  }
0x21: {  	s3 =	sadd.s32 s3, s9;
	s6 =	sadd.s32 @!p0 $0x88, s6;
	s7 =	simm.s32 @p2 $0x1082  }
0x22: {  	[simem:s7], [sflag:s8] =	dma.local @!p0 [hbm:s6], $0xF7A  }
0x23: {  	s9 =	sor.u32 $0xD0000000, s2;
	s6 =	simm.s32 $0x108;
	_ =	swait.ge @!p0 [sflag:s8], $0x0  }
0x24: {  	s3 =	sadd.s32 $0x88, s3;
	s6 =	simm.s32 @!p1 $0x1082;
	[sflag:s4] =	ssyncset.s32 $0xFFFFF086  }
0x25: {  	[simem:s6], [sflag:s4] =	dma.local [hbm:s3], $0xF7A  }
0x26: {  	[smem:$0x3F9C] =	sst s1;
	(tag) =	ssettag s2;
	_ =	strace s9  }
0x27: {  	s1 =	sld [smem:$0x3FAC]  }
0x28: {  	s2 =	sld [smem:$0x3FAD]  }
0x29: {  	s4 =	sld [smem:$0x3FAF]  }
0x2a: {  	p0 =	seq.s32 s5, $0x0;
	s5 =	sld [smem:$0x3FB0]  }
0x2b: {  	s6 =	sld [smem:$0x3FB1]  }
0x2c: {  	s7 =	sld [smem:$0x3FB2]  }
0x2d: {  	s3 =	simm.s32 $0x108;
	s8 =	sld [smem:$0x3FB3]  }
0x2e: {  	s3 =	simm.s32 @!p0 $0x1082;
	s9 =	sld [smem:$0x3FB4]  }
0x2f: {  	lr =	sadd.s32 s0, s3;
	s0 =	sld [smem:$0x3FAB]  }
0x30: {  	s3 =	sld [smem:$0x3FAE]  }
0x31: {  	[smem:$0x3FB7] =	sst s10  }
0x32: {  	s10 =	sld [smem:$0x3FB5];
	_ =	sdelay $0x3  }
0x33: {  	p0 =	seq.s32 s10, $0x1;
	s10 =	sld [smem:$0x3FB7];
	_ =	sdelay $0x3  }
0x34: {  	[smem:$0x3FB7] =	sst s10  }
0x35: {  	s10 =	sld [smem:$0x3FB6];
	_ =	sdelay $0x3  }
0x36: {  	p1 =	seq.s32 s10, $0x1;
	s10 =	sld [smem:$0x3FB7];
	_ =	sdelay $0x3  }
0x37: {  	[smem:$0x3FB7] =	sst s10  }
0x38: {  	s10 =	sld [smem:$0x3FB8]  }
0x39: {  	_ = 	snop;
	(pc) =	sbr.ind lr, $3  }
0x3a: {  	_ = 	snop  }
0x3b: {  	_ = 	snop  }
0x3c: {  	p2 =	seq.s32 s10, $0x1;
	s10 =	sld [smem:$0x3FB7]  }
0x3d: {  	_ =	shalt  }
0x3e: {  	_ =	shalt  }
0x3f: {  	_ =	shalt  }
0x40: {  	_ =	shalt  }
0x41: {  	_ =	shalt  }
0x42: {  	_ =	shalt  }
0x43: {  	_ =	shalt  }
0x44: {  	_ =	shalt  }
0x45: {  	_ =	shalt  }
0x46: {  	_ =	shalt  }
0x47: {  	_ =	shalt  }
0x48: {  	_ =	shalt  }
0x49: {  	_ =	shalt  }
0x4a: {  	_ =	shalt  }
0x4b: {  	_ =	shalt  }
0x4c: {  	_ =	shalt  }
0x4d: {  	_ =	shalt  }
0x4e: {  	_ =	shalt  }
0x4f: {  	_ =	shalt  }
0x50: {  	_ =	shalt  }
0x51: {  	_ =	shalt  }
0x52: {  	_ =	shalt  }
0x53: {  	_ =	shalt  }
0x54: {  	_ =	shalt  }
0x55: {  	_ =	shalt  }
0x56: {  	_ =	shalt  }
0x57: {  	_ =	shalt  }
0x58: {  	_ =	shalt  }
0x59: {  	_ =	shalt  }
0x5a: {  	_ =	shalt  }
0x5b: {  	_ =	shalt  }
0x5c: {  	_ =	shalt  }
0x5d: {  	_ =	shalt  }
0x5e: {  	_ =	shalt  }
0x5f: {  	_ =	shalt  }
0x60: {  	_ =	shalt  }
0x61: {  	_ =	shalt  }
0x62: {  	_ =	shalt  }
0x63: {  	_ =	shalt  }
0x64: {  	_ =	shalt  }
0x65: {  	_ =	shalt  }
0x66: {  	_ =	shalt  }
0x67: {  	_ =	shalt  }
0x68: {  	_ =	shalt  }
0x69: {  	_ =	shalt  }
0x6a: {  	_ =	shalt  }
0x6b: {  	_ =	shalt  }
0x6c: {  	_ =	shalt  }
0x6d: {  	_ =	shalt  }
0x6e: {  	_ =	shalt  }
0x6f: {  	_ =	shalt  }
0x70: {  	_ =	shalt  }
0x71: {  	_ =	shalt  }
0x72: {  	_ =	shalt  }
0x73: {  	_ =	shalt  }
0x74: {  	_ =	shalt  }
0x75: {  	_ =	shalt  }
0x76: {  	_ =	shalt  }
0x77: {  	_ =	shalt  }
0x78: {  	_ =	shalt  }
0x79: {  	_ =	shalt  }
0x7a: {  	_ =	shalt  }
0x7b: {  	_ =	shalt  }
0x7c: {  	_ =	shalt  }
0x7d: {  	_ =	shalt  }
0x7e: {  	_ =	shalt  }
0x7f: {  	_ =	shalt  }
0x80: {  	_ =	shalt  }
0x81: {  	_ =	shalt  }
0x82: {  	_ =	shalt  }
0x83: {  	_ =	shalt  }
0x84: {  	_ =	shalt  }
0x85: {  	_ =	shalt  }
0x86: {  	_ =	shalt  }
0x87: {  	_ =	shalt  }
.Lfunc_end0:
.L_simem_size_0:
called_computation.1_lowered:
.L_overlay_start_0:
0x88: {  	s2 =	sld [smem:$0x3FD9]  }
0x89: {  	s3 =	sld [smem:$0x3FFE];
	_ =	sdelay $0x1  }
0x8a: {  	s1 =	srdreg.scid  }
0x8b: {  	s0 =	sand.u32 $0x1, s1  }
0x8c: {  	s17 =	sshll.u32 s0, $0xA;
	s2 =	sadd.s32 s3, s2  }
0x8d: {  	s2 =	sadd.s32 s2, s17  }
0x8e: {  	[smem:$0x3FC3] =	sst s2  }
0x8f: {  	_ = 	snop  }
0x90: {  	s2 =	sld [smem:$0x3FC5]  }
0x91: {  	s18 =	sld [smem:$0x3FD0];
	(tm) =	ssettm $0x1  }
0x92: {  	s4 =	sld [smem:$0x3FFB];
	_ =	sdelay $0x3  }
0x93: {  	_ =	strace s4  }
0x94: {  	s4 =	sld [smem:$0x3FFC];
	_ =	sdelay $0x3  }
0x95: {  	_ =	strace s4  }
0x96: {  	s4 =	sld [smem:$0x3FFD];
	_ =	sdelay $0x3  }
0x97: {  	_ =	strace s4  }
0x98: {  	_ =	strace $0x8FFFFFFF  }
0x99: {  	s19 =	sld [smem:$0x3FDB];
	_ =	sdelay $0x1  }
0x9a: {  	s5 =	simm.s32 $_scs_section_size  }
0x9b: {  	s6 =	simm.s32 $_size__tile_overlayer_lowered;
	s7 =	simm.s32 $_tile_overlayer_lowered  }
0x9c: {  	s22 =	simm.s32 $0x1BFF;
	s21 =	sshll.u32 s7, $0x1;
	s4 =	sadd.s32 s5, s19  }
0x9d: {  	s8 =	simm.s32 $0x0;
	s20 =	sshll.u32 s6, $0x1;
	s6 =	sadd.s32 s21, s4  }
0x9e: {  	[timem:s8], [sflag:s22] =	dma.local [hbm:s6], s20  }
0x9f: {  	_ =	swait.ge [sflag:s22], s20  }
0xa0: {  	s5 =	ssub.s32 $0x0, s20;
	[sflag:s22] =	ssyncset.done $0x0  }
0xa1: {  	[sflag:s22] =	ssyncadd.s32 s5;
	_ =	sdelay $0x1  }
0xa2: {  	s23 =	simm.s32 $0x1B8B  }
0xa3: {  	_ =	swait.ge [sflag:s23], $0x1  }
0xa4: {  	[sflag:s23] =	ssyncset.done $0x0  }
0xa5: {  	s25 =	simm.s32 $0x1B8E;
	s24 =	sld [smem:$0x3FFE];
	[sflag:s23] =	ssyncadd.s32 $0xFFFFFFFF  }
0xa6: {  	s26 =	simm.s32 $execute0_lowered;
	[smem:$0x3FD2] =	sst s25  }
0xa7: {  	s6 =	sshll.u32 s26, $0x1;
	_ =	strace $0x80000049;
	[dreg:$0x1] =	wrdreg $0xFFFFFFFF  }
0xa8: {  	s28 =	simm.s32 $_size_execute0_lowered;
	s4 =	sadd.s32 s4, s6;
	[dreg:$0x0] =	wrdreg $0x0  }
0xa9: {  	s6 =	sshll.u32 s28, $0x1;
	[dreg:$0x2] =	wrdreg s4  }
0xaa: {  	[dreg:$0x3] =	wrdreg s6  }
0xab: {  	[dreg:$0x4] =	wrdreg $0xC0  }
0xac: {  	_ =	task [dreg:s8], $0x5FFFF  }
0xad: {  	[dreg:$0x1] =	wrdreg $0xFFFFFFFF  }
0xae: {  	[dreg:$0x0] =	wrdreg $0x60  }
0xaf: {  	[dreg:$0x2] =	wrdreg s24  }
0xb0: {  	[dreg:$0x3] =	wrdreg s2  }
0xb1: {  	[dreg:$0x4] =	wrdreg s18  }
0xb2: {  	[dreg:$0x5] =	wrdreg $0x9  }
0xb3: {  	_ =	task.clear_ibuf [dreg:s8], $0x6FFFF;
	_ =	strace $0x90000049  }
0xb4: {  	s29 =	simm.s32 $0x9;
	_ =	strace $0x8000004B  }
0xb5: {  	_ =	swait.ge [sflag:s29], $0x1  }
0xb6: {  	[sflag:s29] =	ssyncadd.s32 $0xFFFFFFFF  }
0xb7: {  	_ =	strace $0x9000004B  }
0xb8: {  	_ =	sfence  }
0xb9: {  	s30 =	sld [smem:$0x0];
	_ =	sdelay $0x2  }
0xba: {  	s31 =	sshll.u32 s1, $0xD;
	s1 =	sshrl.u32 s1, $0x2  }
0xbb: {  	s3 =	sand.u32 $0x4000, s31;
	s1 =	sadd.s32 s1, s30  }
0xbc: {  	s0 =	sor.u32 s3, s0;
	s1 =	sshll.u32 s1, $0x11  }
0xbd: {  	s0 =	sor.u32 s1, s0  }
0xbe: {  	s0 =	sadd.s32 $0x8F2B, s0  }
0xbf: {  	[sflag:s0] =	ssyncadd.remote.s32 $0x1  }
0xc0: {  	_ =	sfence.sel $0xFFFF  }
0xc1: {  	[dreg:$0x0] =	wrdreg $0xFFFFFFFF;
	(pc) =	sbr.abs _section_cstart, $3  }
0xc2: {  	[dreg:$0x1] =	wrdreg $0xFFFFFFFF  }
0xc3: {  	_ =	task.clear_ibuf [dreg:s8], $0x2FFFF;
	_ =	strace $0x9FFFFFFF  }
0xc4: {  	(tm) =	ssettm $0x7FFFFFFF  }
0xc5: {  	_ =	shalt  }
tec
execute0_lowered:
.L_overlay_start_1:
0x0: {  	(tag) =	ssettag $0x1  }
0x1: {  	s4 =	rddreg [dreg:$0x0]  }
0x2: {  	s2 =	rddreg [dreg:$0x1]  }
0x3: {  	s6 =	rddreg [dreg:$0x2];
	s3 =	srdreg.scid  }
0x4: {  	s0 =	rddreg [dreg:$0x3];
	s1 =	stileid.u32;
	s10 =	simm.s32 $0x600  }
0x5: {  	s11 =	simm.s32 $0x400;
	s5 =	sand.u32 $0x1, s3;
	s3 =	simm.s32 $0x0  }
0x6: {  	s7 =	sshll.u32 s1, $0x7;
	s8 =	sshll.u32 s5, $0x6;
	s5 =	ssub.s32 $0x2, s5  }
0x7: {  	[smem:$0x7FF] =	sst s3;
	s7 =	sor.u32 s8, s7;
	s31 =	sshrl.u32 s5, $0x1  }
0x8: {  	_ =	strace $0x8000004A;
	s8 =	sadd.s32 s7, s4;
	s9 =	ssub.s32 s5, s31  }
0x9: {  	s6 =	sadd.s32 s6, s7;
	s4 =	sadd.s32 $0x800, s8;
	s5 =	sadd.s32 $0x1000, s8  }
0xa: {  	s7 =	smax.u32 s9, $0x1;
	s8 =	simm.s32 $0x1;
	s9 =	simm.s32 $0x200  }
.LBB2_1:
0xb: {  	[tilespmem:s3], [sflag:$0x1] =	stream.linear.gather [hbm4b:s4+s3], $0x200, $0x38;
	[tilespmem:$0x680] =	vst v63  }
0xc: {  	_ =	swait.ge [sflag:s8], $0x200  }
0xd: {  	[sflag:s8] =	ssyncset.done $0x0  }
0xe: {  	[sflag:s8] =	ssyncadd.s32 $0xFFFFFE00  }
0xf: {  	[tilespmem:s9], [sflag:$0x1] =	stream.linear.gather [hbm4b:s5+s3], $0x200, $0x38;
	[tilespmem:$0x680] =	vst v63  }
0x10: {  	_ =	swait.ge [sflag:s8], $0x200  }
0x11: {  	[sflag:s8] =	ssyncset.done $0x0  }
0x12: {  	[sflag:s8] =	ssyncadd.s32 $0xFFFFFE00  }
0x13: {  	[tilespmem:s10], [sflag:$0x1] =	stream.linear.gather [hbm4b:s2+s3], $0x80, $0x38;
	[tilespmem:$0x680] =	vst v63  }
0x14: {  	_ =	swait.ge [sflag:s8], $0x80  }
0x15: {  	[sflag:s8] =	ssyncset.done $0x0  }
0x16: {  	[sflag:s8] =	ssyncadd.s32 $0xFFFFFF80  }
0x17: {  	v0 =	vld [tilespmem:$0x600]  }
0x18: {  	v1 =	vld [tilespmem:$0x0];
	_ =	sdelay $0x1  }
0x19: {  	v2 =	vld [tilespmem:$0x200];
	_ =	sdelay $0x2  }
0x1a: {  	v1 =	vsub.f32 v0, v1;
	_ =	sdelay $0x1  }
0x1b: {  	v1 =	vsub.f32 v2, v1;
	_ =	sdelay $0x1  }
0x1c: {  	v1 =	vadd.f32 $0.0e+00, v1;
	_ =	sdelay $0x1  }
0x1d: {  	v1 =	vmul.f32 $1.442695020e+00, v1;
	_ =	sdelay $0x1  }
0x1e: {  	v18 =	vld [tilespmem:$0x10];
	(erf) = vpow2.f32 v1;
	_ =	sdelay $0x1  }
0x1f: {  	v19 =	vld [tilespmem:$0x210];
	_ =	sdelay $0x2  }
0x20: {  	v1 =	vsub.f32 v0, v18;
	_ =	sdelay $0x1  }
0x21: {  	v1 =	vsub.f32 v19, v1;
	_ =	sdelay $0x1  }
0x22: {  	v1 =	vadd.f32 $0.0e+00, v1;
	v20 =	vpop (erf)  }
0x23: {  	v2 =	vadd.f32 $1.000000000e+00, v20  }
0x24: {  	v1 =	vmul.f32 $1.442695020e+00, v1  }
0x25: {  	v21 =	vld [tilespmem:$0x20];
	(erf) = vrcp.f32 v2  }
0x26: {  	(erf) = vpow2.f32 v1;
	_ =	sdelay $0x1  }
0x27: {  	v22 =	vld [tilespmem:$0x220];
	_ =	sdelay $0x1  }
0x28: {  	v1 =	vsub.f32 v0, v21;
	_ =	sdelay $0x2  }
0x29: {  	v2 =	vsub.f32 v22, v1  }
0x2a: {  	v1 =	vpop (erf)  }
0x2b: {  	v2 =	vadd.f32 $0.0e+00, v2;
	v3 =	vpop (erf)  }
0x2c: {  	v3 =	vadd.f32 $1.000000000e+00, v3  }
0x2d: {  	v2 =	vmul.f32 $1.442695020e+00, v2  }
0x2e: {  	v23 =	vld [tilespmem:$0x30];
	(erf) = vrcp.f32 v3  }
0x2f: {  	(erf) = vpow2.f32 v2;
	_ =	sdelay $0x1  }
0x30: {  	v24 =	vld [tilespmem:$0x230];
	_ =	sdelay $0x1  }
0x31: {  	v2 =	vsub.f32 v0, v23;
	_ =	sdelay $0x2  }
0x32: {  	v3 =	vsub.f32 v24, v2  }
0x33: {  	v2 =	vpop (erf)  }
0x34: {  	v3 =	vadd.f32 $0.0e+00, v3;
	v4 =	vpop (erf)  }
0x35: {  	v4 =	vadd.f32 $1.000000000e+00, v4  }
0x36: {  	v3 =	vmul.f32 $1.442695020e+00, v3  }
0x37: {  	v25 =	vld [tilespmem:$0x40];
	(erf) = vrcp.f32 v4  }
0x38: {  	(erf) = vpow2.f32 v3;
	_ =	sdelay $0x1  }
0x39: {  	v26 =	vld [tilespmem:$0x240];
	_ =	sdelay $0x1  }
0x3a: {  	v3 =	vsub.f32 v0, v25;
	_ =	sdelay $0x2  }
0x3b: {  	v4 =	vsub.f32 v26, v3  }
0x3c: {  	v3 =	vpop (erf)  }
0x3d: {  	v4 =	vadd.f32 $0.0e+00, v4;
	v5 =	vpop (erf)  }
0x3e: {  	v5 =	vadd.f32 $1.000000000e+00, v5  }
0x3f: {  	v4 =	vmul.f32 $1.442695020e+00, v4  }
0x40: {  	v27 =	vld [tilespmem:$0x50];
	(erf) = vrcp.f32 v5  }
0x41: {  	(erf) = vpow2.f32 v4;
	_ =	sdelay $0x1  }
0x42: {  	v28 =	vld [tilespmem:$0x250];
	_ =	sdelay $0x1  }
0x43: {  	v4 =	vsub.f32 v0, v27;
	_ =	sdelay $0x2  }
0x44: {  	v5 =	vsub.f32 v28, v4  }
0x45: {  	v4 =	vpop (erf)  }
0x46: {  	v5 =	vadd.f32 $0.0e+00, v5;
	v6 =	vpop (erf)  }
0x47: {  	v6 =	vadd.f32 $1.000000000e+00, v6  }
0x48: {  	v5 =	vmul.f32 $1.442695020e+00, v5  }
0x49: {  	v29 =	vld [tilespmem:$0x60];
	(erf) = vrcp.f32 v6  }
0x4a: {  	(erf) = vpow2.f32 v5;
	_ =	sdelay $0x1  }
0x4b: {  	v30 =	vld [tilespmem:$0x260];
	_ =	sdelay $0x1  }
0x4c: {  	v5 =	vsub.f32 v0, v29;
	_ =	sdelay $0x2  }
0x4d: {  	v6 =	vsub.f32 v30, v5  }
0x4e: {  	v5 =	vpop (erf)  }
0x4f: {  	v6 =	vadd.f32 $0.0e+00, v6;
	v7 =	vpop (erf)  }
0x50: {  	v7 =	vadd.f32 $1.000000000e+00, v7  }
0x51: {  	v6 =	vmul.f32 $1.442695020e+00, v6  }
0x52: {  	v31 =	vld [tilespmem:$0x70];
	(erf) = vrcp.f32 v7  }
0x53: {  	(erf) = vpow2.f32 v6;
	_ =	sdelay $0x1  }
0x54: {  	v32 =	vld [tilespmem:$0x270];
	_ =	sdelay $0x1  }
0x55: {  	v6 =	vsub.f32 v0, v31;
	_ =	sdelay $0x2  }
0x56: {  	v7 =	vsub.f32 v32, v6  }
0x57: {  	v6 =	vpop (erf)  }
0x58: {  	v7 =	vadd.f32 $0.0e+00, v7;
	v8 =	vpop (erf)  }
0x59: {  	v8 =	vadd.f32 $1.000000000e+00, v8  }
0x5a: {  	v7 =	vmul.f32 $1.442695020e+00, v7  }
0x5b: {  	v33 =	vld [tilespmem:$0x80];
	(erf) = vrcp.f32 v8  }
0x5c: {  	(erf) = vpow2.f32 v7;
	_ =	sdelay $0x1  }
0x5d: {  	v34 =	vld [tilespmem:$0x280];
	_ =	sdelay $0x1  }
0x5e: {  	v7 =	vsub.f32 v0, v33;
	_ =	sdelay $0x2  }
0x5f: {  	v8 =	vsub.f32 v34, v7  }
0x60: {  	v7 =	vpop (erf)  }
0x61: {  	v8 =	vadd.f32 $0.0e+00, v8;
	v9 =	vpop (erf)  }
0x62: {  	v9 =	vadd.f32 $1.000000000e+00, v9  }
0x63: {  	v8 =	vmul.f32 $1.442695020e+00, v8  }
0x64: {  	v35 =	vld [tilespmem:$0x90];
	(erf) = vrcp.f32 v9  }
0x65: {  	(erf) = vpow2.f32 v8;
	_ =	sdelay $0x1  }
0x66: {  	v36 =	vld [tilespmem:$0x290];
	_ =	sdelay $0x1  }
0x67: {  	v8 =	vsub.f32 v0, v35;
	_ =	sdelay $0x2  }
0x68: {  	v9 =	vsub.f32 v36, v8  }
0x69: {  	v8 =	vpop (erf)  }
0x6a: {  	v9 =	vadd.f32 $0.0e+00, v9;
	v10 =	vpop (erf)  }
0x6b: {  	v10 =	vadd.f32 $1.000000000e+00, v10  }
0x6c: {  	v9 =	vmul.f32 $1.442695020e+00, v9  }
0x6d: {  	v37 =	vld [tilespmem:$0xA0];
	(erf) = vrcp.f32 v10  }
0x6e: {  	(erf) = vpow2.f32 v9;
	_ =	sdelay $0x1  }
0x6f: {  	v38 =	vld [tilespmem:$0x2A0];
	_ =	sdelay $0x1  }
0x70: {  	v9 =	vsub.f32 v0, v37;
	_ =	sdelay $0x2  }
0x71: {  	v10 =	vsub.f32 v38, v9  }
0x72: {  	v9 =	vpop (erf)  }
0x73: {  	v10 =	vadd.f32 $0.0e+00, v10;
	v11 =	vpop (erf)  }
0x74: {  	v11 =	vadd.f32 $1.000000000e+00, v11  }
0x75: {  	v10 =	vmul.f32 $1.442695020e+00, v10  }
0x76: {  	v39 =	vld [tilespmem:$0xB0];
	(erf) = vrcp.f32 v11  }
0x77: {  	(erf) = vpow2.f32 v10;
	_ =	sdelay $0x1  }
0x78: {  	v40 =	vld [tilespmem:$0x2B0];
	_ =	sdelay $0x1  }
0x79: {  	v10 =	vsub.f32 v0, v39;
	_ =	sdelay $0x2  }
0x7a: {  	v11 =	vsub.f32 v40, v10  }
0x7b: {  	v10 =	vpop (erf)  }
0x7c: {  	v11 =	vadd.f32 $0.0e+00, v11;
	v12 =	vpop (erf)  }
0x7d: {  	v12 =	vadd.f32 $1.000000000e+00, v12  }
0x7e: {  	v11 =	vmul.f32 $1.442695020e+00, v11  }
0x7f: {  	v41 =	vld [tilespmem:$0xC0];
	(erf) = vrcp.f32 v12  }
0x80: {  	(erf) = vpow2.f32 v11;
	_ =	sdelay $0x1  }
0x81: {  	v42 =	vld [tilespmem:$0x2C0];
	_ =	sdelay $0x1  }
0x82: {  	v11 =	vsub.f32 v0, v41;
	_ =	sdelay $0x2  }
0x83: {  	v12 =	vsub.f32 v42, v11  }
0x84: {  	v11 =	vpop (erf)  }
0x85: {  	v12 =	vadd.f32 $0.0e+00, v12;
	v13 =	vpop (erf)  }
0x86: {  	v13 =	vadd.f32 $1.000000000e+00, v13  }
0x87: {  	v12 =	vmul.f32 $1.442695020e+00, v12  }
0x88: {  	v43 =	vld [tilespmem:$0xD0];
	(erf) = vrcp.f32 v13  }
0x89: {  	(erf) = vpow2.f32 v12;
	_ =	sdelay $0x1  }
0x8a: {  	v44 =	vld [tilespmem:$0x2D0];
	_ =	sdelay $0x1  }
0x8b: {  	v12 =	vsub.f32 v0, v43;
	_ =	sdelay $0x2  }
0x8c: {  	v13 =	vsub.f32 v44, v12  }
0x8d: {  	v12 =	vpop (erf)  }
0x8e: {  	v13 =	vadd.f32 $0.0e+00, v13;
	v14 =	vpop (erf)  }
0x8f: {  	v14 =	vadd.f32 $1.000000000e+00, v14  }
0x90: {  	v13 =	vmul.f32 $1.442695020e+00, v13  }
0x91: {  	v45 =	vld [tilespmem:$0xE0];
	(erf) = vrcp.f32 v14  }
0x92: {  	(erf) = vpow2.f32 v13;
	_ =	sdelay $0x1  }
0x93: {  	v46 =	vld [tilespmem:$0x2E0];
	_ =	sdelay $0x1  }
0x94: {  	v13 =	vsub.f32 v0, v45;
	_ =	sdelay $0x2  }
0x95: {  	v14 =	vsub.f32 v46, v13  }
0x96: {  	v13 =	vpop (erf)  }
0x97: {  	v14 =	vadd.f32 $0.0e+00, v14;
	v15 =	vpop (erf)  }
0x98: {  	v15 =	vadd.f32 $1.000000000e+00, v15  }
0x99: {  	v14 =	vmul.f32 $1.442695020e+00, v14  }
0x9a: {  	v47 =	vld [tilespmem:$0xF0];
	(erf) = vrcp.f32 v15  }
0x9b: {  	(erf) = vpow2.f32 v14;
	_ =	sdelay $0x1  }
0x9c: {  	v48 =	vld [tilespmem:$0x2F0];
	_ =	sdelay $0x1  }
0x9d: {  	v14 =	vsub.f32 v0, v47;
	_ =	sdelay $0x2  }
0x9e: {  	v15 =	vsub.f32 v48, v14  }
0x9f: {  	v14 =	vpop (erf)  }
0xa0: {  	v15 =	vadd.f32 $0.0e+00, v15;
	v16 =	vpop (erf)  }
0xa1: {  	v16 =	vadd.f32 $1.000000000e+00, v16  }
0xa2: {  	v15 =	vmul.f32 $1.442695020e+00, v15  }
0xa3: {  	v49 =	vld [tilespmem:$0x100];
	(erf) = vrcp.f32 v16  }
0xa4: {  	(erf) = vpow2.f32 v15;
	_ =	sdelay $0x1  }
0xa5: {  	v50 =	vld [tilespmem:$0x300];
	_ =	sdelay $0x1  }
0xa6: {  	v15 =	vsub.f32 v0, v49;
	_ =	sdelay $0x2  }
0xa7: {  	v16 =	vsub.f32 v50, v15  }
0xa8: {  	v15 =	vpop (erf)  }
0xa9: {  	v16 =	vadd.f32 $0.0e+00, v16;
	v17 =	vpop (erf)  }
0xaa: {  	v17 =	vadd.f32 $1.000000000e+00, v17  }
0xab: {  	v16 =	vmul.f32 $1.442695020e+00, v16  }
0xac: {  	v51 =	vld [tilespmem:$0x110];
	(erf) = vrcp.f32 v17  }
0xad: {  	(erf) = vpow2.f32 v16;
	_ =	sdelay $0x1  }
0xae: {  	v52 =	vld [tilespmem:$0x310];
	_ =	sdelay $0x1  }
0xaf: {  	v16 =	vsub.f32 v0, v51;
	_ =	sdelay $0x2  }
0xb0: {  	v17 =	vsub.f32 v52, v16  }
0xb1: {  	v16 =	vpop (erf)  }
0xb2: {  	v17 =	vadd.f32 $0.0e+00, v17;
	v18 =	vpop (erf)  }
0xb3: {  	v18 =	vadd.f32 $1.000000000e+00, v18  }
0xb4: {  	v17 =	vmul.f32 $1.442695020e+00, v17  }
0xb5: {  	v53 =	vld [tilespmem:$0x120];
	(erf) = vrcp.f32 v18  }
0xb6: {  	(erf) = vpow2.f32 v17;
	_ =	sdelay $0x1  }
0xb7: {  	v54 =	vld [tilespmem:$0x320];
	_ =	sdelay $0x1  }
0xb8: {  	v17 =	vsub.f32 v0, v53;
	_ =	sdelay $0x2  }
0xb9: {  	v18 =	vsub.f32 v54, v17  }
0xba: {  	v17 =	vpop (erf)  }
0xbb: {  	v18 =	vadd.f32 $0.0e+00, v18;
	v19 =	vpop (erf)  }
0xbc: {  	v19 =	vadd.f32 $1.000000000e+00, v19  }
0xbd: {  	v18 =	vmul.f32 $1.442695020e+00, v18  }
0xbe: {  	v55 =	vld [tilespmem:$0x130];
	(erf) = vrcp.f32 v19  }
0xbf: {  	(erf) = vpow2.f32 v18;
	_ =	sdelay $0x1  }
0xc0: {  	v56 =	vld [tilespmem:$0x330];
	_ =	sdelay $0x1  }
0xc1: {  	v18 =	vsub.f32 v0, v55;
	_ =	sdelay $0x2  }
0xc2: {  	v19 =	vsub.f32 v56, v18  }
0xc3: {  	v18 =	vpop (erf)  }
0xc4: {  	v19 =	vadd.f32 $0.0e+00, v19;
	v20 =	vpop (erf)  }
0xc5: {  	v20 =	vadd.f32 $1.000000000e+00, v20  }
0xc6: {  	v19 =	vmul.f32 $1.442695020e+00, v19  }
0xc7: {  	v57 =	vld [tilespmem:$0x140];
	(erf) = vrcp.f32 v20  }
0xc8: {  	(erf) = vpow2.f32 v19;
	_ =	sdelay $0x1  }
0xc9: {  	v58 =	vld [tilespmem:$0x340];
	_ =	sdelay $0x1  }
0xca: {  	v19 =	vsub.f32 v0, v57;
	_ =	sdelay $0x2  }
0xcb: {  	v20 =	vsub.f32 v58, v19  }
0xcc: {  	v19 =	vpop (erf)  }
0xcd: {  	v20 =	vadd.f32 $0.0e+00, v20;
	v21 =	vpop (erf)  }
0xce: {  	v21 =	vadd.f32 $1.000000000e+00, v21  }
0xcf: {  	v20 =	vmul.f32 $1.442695020e+00, v20  }
0xd0: {  	v59 =	vld [tilespmem:$0x150];
	(erf) = vrcp.f32 v21  }
0xd1: {  	(erf) = vpow2.f32 v20;
	_ =	sdelay $0x1  }
0xd2: {  	v60 =	vld [tilespmem:$0x350];
	_ =	sdelay $0x1  }
0xd3: {  	v20 =	vsub.f32 v0, v59;
	_ =	sdelay $0x2  }
0xd4: {  	v21 =	vsub.f32 v60, v20  }
0xd5: {  	v20 =	vpop (erf)  }
0xd6: {  	v21 =	vadd.f32 $0.0e+00, v21;
	v22 =	vpop (erf)  }
0xd7: {  	v22 =	vadd.f32 $1.000000000e+00, v22  }
0xd8: {  	v21 =	vmul.f32 $1.442695020e+00, v21  }
0xd9: {  	(erf) = vrcp.f32 v22  }
0xda: {  	v61 =	vld [tilespmem:$0x160];
	(erf) = vpow2.f32 v21;
	_ =	sdelay $0x1  }
0xdb: {  	v62 =	vld [tilespmem:$0x360];
	_ =	sdelay $0x2  }
0xdc: {  	v21 =	vsub.f32 v0, v61;
	_ =	sdelay $0x1  }
0xdd: {  	v22 =	vsub.f32 v62, v21  }
0xde: {  	v63 =	vpop (erf)  }
0xdf: {  	v22 =	vadd.f32 $0.0e+00, v22;
	v23 =	vpop (erf)  }
0xe0: {  	v23 =	vadd.f32 $1.000000000e+00, v23  }
0xe1: {  	v22 =	vmul.f32 $1.442695020e+00, v22  }
0xe2: {  	(erf) = vrcp.f32 v23  }
0xe3: {  	v33 =	vld [tilespmem:$0x170];
	(erf) = vpow2.f32 v22;
	_ =	sdelay $0x1  }
0xe4: {  	v34 =	vld [tilespmem:$0x370];
	_ =	sdelay $0x2  }
0xe5: {  	v22 =	vsub.f32 v0, v33;
	_ =	sdelay $0x1  }
0xe6: {  	v22 =	vsub.f32 v34, v22  }
0xe7: {  	v35 =	vpop (erf)  }
0xe8: {  	v22 =	vadd.f32 $0.0e+00, v22;
	v24 =	vpop (erf)  }
0xe9: {  	v24 =	vadd.f32 $1.000000000e+00, v24  }
0xea: {  	v22 =	vmul.f32 $1.442695020e+00, v22  }
0xeb: {  	(erf) = vrcp.f32 v24  }
0xec: {  	v36 =	vld [tilespmem:$0x180];
	(erf) = vpow2.f32 v22;
	_ =	sdelay $0x1  }
0xed: {  	v37 =	vld [tilespmem:$0x380];
	_ =	sdelay $0x2  }
0xee: {  	v22 =	vsub.f32 v0, v36;
	_ =	sdelay $0x1  }
0xef: {  	v22 =	vsub.f32 v37, v22  }
0xf0: {  	v38 =	vpop (erf)  }
0xf1: {  	v22 =	vadd.f32 $0.0e+00, v22;
	v25 =	vpop (erf)  }
0xf2: {  	v25 =	vadd.f32 $1.000000000e+00, v25  }
0xf3: {  	v22 =	vmul.f32 $1.442695020e+00, v22  }
0xf4: {  	(erf) = vrcp.f32 v25  }
0xf5: {  	v39 =	vld [tilespmem:$0x190];
	(erf) = vpow2.f32 v22;
	_ =	sdelay $0x1  }
0xf6: {  	v40 =	vld [tilespmem:$0x390];
	_ =	sdelay $0x2  }
0xf7: {  	v22 =	vsub.f32 v0, v39;
	_ =	sdelay $0x1  }
0xf8: {  	v22 =	vsub.f32 v40, v22  }
0xf9: {  	v41 =	vpop (erf)  }
0xfa: {  	v22 =	vadd.f32 $0.0e+00, v22;
	v26 =	vpop (erf)  }
0xfb: {  	v26 =	vadd.f32 $1.000000000e+00, v26  }
0xfc: {  	v22 =	vmul.f32 $1.442695020e+00, v22  }
0xfd: {  	(erf) = vrcp.f32 v26  }
0xfe: {  	v42 =	vld [tilespmem:$0x1A0];
	(erf) = vpow2.f32 v22;
	_ =	sdelay $0x1  }
0xff: {  	v43 =	vld [tilespmem:$0x3A0];
	_ =	sdelay $0x2  }
0x100: {  	v22 =	vsub.f32 v0, v42;
	_ =	sdelay $0x1  }
0x101: {  	v22 =	vsub.f32 v43, v22  }
0x102: {  	v44 =	vpop (erf)  }
0x103: {  	v22 =	vadd.f32 $0.0e+00, v22;
	v27 =	vpop (erf)  }
0x104: {  	v27 =	vadd.f32 $1.000000000e+00, v27  }
0x105: {  	v22 =	vmul.f32 $1.442695020e+00, v22  }
0x106: {  	(erf) = vrcp.f32 v27  }
0x107: {  	v45 =	vld [tilespmem:$0x1B0];
	(erf) = vpow2.f32 v22;
	_ =	sdelay $0x1  }
0x108: {  	v46 =	vld [tilespmem:$0x3B0];
	_ =	sdelay $0x2  }
0x109: {  	v22 =	vsub.f32 v0, v45;
	_ =	sdelay $0x1  }
0x10a: {  	v22 =	vsub.f32 v46, v22  }
0x10b: {  	v47 =	vpop (erf)  }
0x10c: {  	v22 =	vadd.f32 $0.0e+00, v22;
	v28 =	vpop (erf)  }
0x10d: {  	v28 =	vadd.f32 $1.000000000e+00, v28  }
0x10e: {  	v22 =	vmul.f32 $1.442695020e+00, v22  }
0x10f: {  	(erf) = vrcp.f32 v28  }
0x110: {  	v48 =	vld [tilespmem:$0x1C0];
	(erf) = vpow2.f32 v22;
	_ =	sdelay $0x1  }
0x111: {  	v49 =	vld [tilespmem:$0x3C0];
	_ =	sdelay $0x2  }
0x112: {  	v22 =	vsub.f32 v0, v48;
	_ =	sdelay $0x1  }
0x113: {  	v22 =	vsub.f32 v49, v22  }
0x114: {  	v50 =	vpop (erf)  }
0x115: {  	v22 =	vadd.f32 $0.0e+00, v22;
	v29 =	vpop (erf)  }
0x116: {  	v29 =	vadd.f32 $1.000000000e+00, v29  }
0x117: {  	v22 =	vmul.f32 $1.442695020e+00, v22  }
0x118: {  	(erf) = vrcp.f32 v29  }
0x119: {  	v51 =	vld [tilespmem:$0x1D0];
	(erf) = vpow2.f32 v22;
	_ =	sdelay $0x1  }
0x11a: {  	v52 =	vld [tilespmem:$0x3D0];
	_ =	sdelay $0x2  }
0x11b: {  	v22 =	vsub.f32 v0, v51;
	_ =	sdelay $0x1  }
0x11c: {  	v22 =	vsub.f32 v52, v22  }
0x11d: {  	v53 =	vpop (erf)  }
0x11e: {  	v22 =	vadd.f32 $0.0e+00, v22;
	v30 =	vpop (erf)  }
0x11f: {  	v30 =	vadd.f32 $1.000000000e+00, v30  }
0x120: {  	v22 =	vmul.f32 $1.442695020e+00, v22  }
0x121: {  	(erf) = vrcp.f32 v30  }
0x122: {  	v54 =	vld [tilespmem:$0x1E0];
	(erf) = vpow2.f32 v22;
	_ =	sdelay $0x1  }
0x123: {  	v55 =	vld [tilespmem:$0x3E0];
	_ =	sdelay $0x2  }
0x124: {  	v22 =	vsub.f32 v0, v54;
	_ =	sdelay $0x1  }
0x125: {  	v22 =	vsub.f32 v55, v22  }
0x126: {  	v56 =	vpop (erf)  }
0x127: {  	v22 =	vadd.f32 $0.0e+00, v22;
	v31 =	vpop (erf)  }
0x128: {  	v31 =	vadd.f32 $1.000000000e+00, v31  }
0x129: {  	v22 =	vmul.f32 $1.442695020e+00, v22  }
0x12a: {  	(erf) = vrcp.f32 v31  }
0x12b: {  	v57 =	vld [tilespmem:$0x1F0];
	(erf) = vpow2.f32 v22;
	_ =	sdelay $0x1  }
0x12c: {  	v58 =	vld [tilespmem:$0x3F0];
	_ =	sdelay $0x1  }
0x12d: {  	[tilespmem:$0x400] =	vst v1  }
0x12e: {  	[tilespmem:$0x410] =	vst v2;
	v0 =	vsub.f32 v0, v57  }
0x12f: {  	[tilespmem:$0x420] =	vst v3  }
0x130: {  	[tilespmem:$0x430] =	vst v4;
	v0 =	vsub.f32 v58, v0  }
0x131: {  	[tilespmem:$0x440] =	vst v5;
	v59 =	vpop (erf)  }
0x132: {  	[tilespmem:$0x450] =	vst v6;
	v0 =	vadd.f32 $0.0e+00, v0;
	v60 =	vpop (erf)  }
0x133: {  	[tilespmem:$0x460] =	vst v7;
	v2 =	vadd.f32 $1.000000000e+00, v60  }
0x134: {  	[tilespmem:$0x470] =	vst v8;
	v0 =	vmul.f32 $1.442695020e+00, v0  }
0x135: {  	[tilespmem:$0x480] =	vst v9;
	(erf) = vrcp.f32 v2  }
0x136: {  	[tilespmem:$0x490] =	vst v10;
	(erf) = vpow2.f32 v0  }
0x137: {  	[tilespmem:$0x4A0] =	vst v11  }
0x138: {  	[tilespmem:$0x4B0] =	vst v12  }
0x139: {  	[tilespmem:$0x4C0] =	vst v13  }
0x13a: {  	[tilespmem:$0x4D0] =	vst v14  }
0x13b: {  	[tilespmem:$0x4E0] =	vst v15  }
0x13c: {  	[tilespmem:$0x4F0] =	vst v16  }
0x13d: {  	[tilespmem:$0x500] =	vst v17  }
0x13e: {  	[tilespmem:$0x510] =	vst v18;
	v61 =	vpop (erf)  }
0x13f: {  	[tilespmem:$0x520] =	vst v19;
	v62 =	vpop (erf)  }
0x140: {  	[tilespmem:$0x530] =	vst v20;
	v2 =	vadd.f32 $1.000000000e+00, v62  }
0x141: {  	[tilespmem:$0x540] =	vst v63  }
0x142: {  	[tilespmem:$0x550] =	vst v35;
	(erf) = vrcp.f32 v2  }
0x143: {  	[tilespmem:$0x560] =	vst v38  }
0x144: {  	[tilespmem:$0x570] =	vst v41  }
0x145: {  	[tilespmem:$0x580] =	vst v44  }
0x146: {  	[tilespmem:$0x590] =	vst v47  }
0x147: {  	[tilespmem:$0x5A0] =	vst v50  }
0x148: {  	[tilespmem:$0x5B0] =	vst v53  }
0x149: {  	[tilespmem:$0x5C0] =	vst v56  }
0x14a: {  	[tilespmem:$0x5D0] =	vst v59  }
0x14b: {  	p0 =	sne.s32 s7, $0x1;
	[tilespmem:$0x5E0] =	vst v61;
	v63 =	vpop (erf)  }
.Ltmp0:
0x14c: {  	[tilespmem:$0x5F0] =	vst v63;
	(pc) =	sbr.rel @p0 .LBB2_1-.Ltmp0, $4  }
0x14d: {  	[hbm4b:s6+s3] =	stream.linear.scatter [tilespmem:s11], [sflag:$0x1], $0x200, $0x38;
	[tilespmem:$0x680] =	vst v63  }
0x14e: {  	_ =	swait.ge [sflag:s8], $0x200  }
0x14f: {  	[sflag:s8] =	ssyncset.done $0x0  }
0x150: {  	s7 =	sadd.s32 $0xFFFFFFFF, s7;
	[sflag:s8] =	ssyncadd.s32 $0xFFFFFE00  }
0x151: {  	_ =	sfence.sel $0x180000  }
0x152: {  	[bflag:$0x0] =	sbarrier.arrive $0xFFFF  }
0x153: {  	p0 =	sne.s32 s1, $0x0;
	_ =	strace $0x9000004A  }
0x154: {  	s0 =	sadd.s32 @!p0 $0x100000, s0;
	[bflag:$0x2] =	sbarrier.arrive $0xFFFF  }
0x155: {  	[sflag:s0] =	ssyncadd.tile.s32 @!p0 $0x1;
	_ =	shalt  }
.Lfunc_end2:
_tile_overlayer_lowered:
.L_overlay_start_2:
0x156: {  	(tag) =	ssettag $0x2  }
0x157: {  	s0 =	rddreg [dreg:$0x0];
	s2 =	stileid.u32  }
0x158: {  	s1 =	rddreg [dreg:$0x1];
	p0 =	sne.s32 s2, $0x0  }
0x159: {  	s3 =	rddreg [dreg:$0x2];
	[bflag:$0x3] =	sbarrier.arrive $0xFFFF;
	s2 =	simm.s32 @!p0 $0x1C01  }
0x15a: {  	[timem:s3], [sflag:s2] =	dma.local @!p0 [hbm:s0], s1  }
0x15b: {  	s0 =	simm.s32 @!p0 $0x1  }
0x15c: {  	_ =	swait.ge @!p0 [sflag:s0], s1  }
0x15d: {  	s1 =	ssub.s32 @!p0 $0x0, s1;
	[sflag:s0] =	ssyncset.done @!p0 $0x0  }
0x15e: {  	[sflag:s0] =	ssyncadd.s32 @!p0 s1  }
0x15f: {  	[bflag:$0x3] =	sbarrier.arrive $0xFFFF  }
0x160: {  	_ =	shalt  }

</sc_bundles>
